<compile_context>
chip_gen: v7x
topology: tpu7x:2x2x1
jax: 0.10.2.dev20260603
libtpu: 0.0.44.dev20260713+nightly
codegen_flags: <defaults>
</compile_context>

<pallas_src>
import functools

import jax
import jax.numpy as jnp
from jax import lax
from jax.experimental import pallas as pl
from jax.experimental.pallas import tpu as pltpu
from jax.experimental.pallas import tpu_sc as plsc

B = 16384
D = 32
L = 16
NW = 32
BPW = B // NW
NFG = D // 8
GQ = 4
NG = BPW // GQ


def _gmf_body(uid_hbm, iid_hbm, ut_hbm, it_hbm, wb_hbm, res_hbm,
              uidx, iidx, ublk, iblk, wv, tbuf, outv, sem_u, sem_i):
    nc = 2
    wid = lax.axis_index("s") * nc + lax.axis_index("c")
    base = wid * BPW

    pltpu.sync_copy(uid_hbm.at[pl.ds(base, BPW)], uidx.at[pl.ds(0, BPW)])
    pltpu.sync_copy(iid_hbm.at[pl.ds(base, BPW)], iidx.at[pl.ds(0, BPW)])
    pltpu.sync_copy(wb_hbm, wv)

    lane = lax.broadcasted_iota(jnp.int32, (L,), 0)
    w_lo = wv[pl.ds(0, L)]
    w_hi = wv[pl.ds(L, L)]
    bias = wv[pl.ds(2 * L, L)][0]

    def issue_id(j, slot, q, tab, blk, sem):
        co = pl.multiple_of((j >> 7) * 128, 128)
        pltpu.async_copy(tab.at[:, pl.ds(co, 128)], blk.at[slot, q], sem)

    def idvecs(g):
        bb = pl.multiple_of((g >> 1) * 8, 8)
        return uidx[pl.ds(bb, L)], iidx[pl.ds(bb, L)]

    def issue_group(g, slot, par):
        idvu, idvi = idvecs(g)
        for q in range(GQ):
            l = par * GQ + q
            issue_id(idvu[l], slot, q, ut_hbm, ublk, sem_u)
            issue_id(idvi[l], slot, q, it_hbm, iblk, sem_i)

    def drain_group():
        for _ in range(GQ):
            pltpu.make_async_copy(ut_hbm.at[:, pl.ds(0, 128)],
                                  ublk.at[0, 0], sem_u).wait()
            pltpu.make_async_copy(it_hbm.at[:, pl.ds(0, 128)],
                                  iblk.at[0, 0], sem_i).wait()

    def compute_group(g, slot, par):
        idvu, idvi = idvecs(g)
        sl = jnp.full((L,), slot, jnp.int32)
        for q in range(GQ):
            l = par * GQ + q
            jru = jnp.full((L,), idvu[l] & 127, jnp.int32)
            jri = jnp.full((L,), idvi[l] & 127, jnp.int32)
            qv = jnp.full((L,), q, jnp.int32)
            u_lo = plsc.load_gather(ublk, [sl, qv, lane, jru])
            u_hi = plsc.load_gather(ublk, [sl, qv, lane + L, jru])
            i_lo = plsc.load_gather(iblk, [sl, qv, lane, jri])
            i_hi = plsc.load_gather(iblk, [sl, qv, lane + L, jri])
            t = (u_lo * i_lo) * w_lo + (u_hi * i_hi) * w_hi
            tbuf[g, pl.ds(q * L, L)] = t

    issue_group(0, 0, 0)
    issue_group(1, 1, 1)

    def step(tp, carry):
        g0 = tp * 6
        for k in range(6):
            tgt = g0 + k + 2

            @pl.when(tgt < NG)
            def _(tgt=tgt, k=k):
                issue_group(tgt, (k + 2) % 3, k & 1)

            drain_group()
            compute_group(g0 + k, k % 3, k & 1)
        return carry

    lax.fori_loop(0, NG // 6, step, 0, unroll=False)
    for g, k in ((126, 0), (127, 1)):
        drain_group()
        compute_group(g, k % 3, k & 1)

    def finish(k, carry):
        rows = k * L + lane
        trow = rows >> 2
        tcol = (rows & 3) * L
        acc = jnp.full((L,), bias, jnp.float32)
        for l in range(L):
            acc = acc + plsc.load_gather(tbuf, [trow, tcol + l])
        o = 1.0 / (1.0 + jnp.exp(-acc))
        outv[pl.ds(pl.multiple_of(k * L, 8), L)] = o
        return carry

    lax.fori_loop(0, BPW // L, finish, 0, unroll=False)

    pltpu.sync_copy(outv, res_hbm.at[wid])


@jax.jit
def _gmf(user_ids, item_ids, ut_t, it_t, wb):
    mesh = plsc.VectorSubcoreMesh(core_axis_name="c", subcore_axis_name="s")
    f = functools.partial(
        pl.kernel,
        mesh=mesh,
        out_type=jax.ShapeDtypeStruct((NW, BPW), jnp.float32),
        scratch_types=[
            pltpu.VMEM((BPW + L,), jnp.int32),
            pltpu.VMEM((BPW + L,), jnp.int32),
            pltpu.VMEM((3, GQ, D, 128), jnp.float32),
            pltpu.VMEM((3, GQ, D, 128), jnp.float32),
            pltpu.VMEM((48,), jnp.float32),
            pltpu.VMEM((NG, GQ * L), jnp.float32),
            pltpu.VMEM((BPW,), jnp.float32),
            pltpu.SemaphoreType.DMA,
            pltpu.SemaphoreType.DMA,
        ],
        compiler_params=pltpu.CompilerParams(
            use_tc_tiling_on_sc=True, needs_layout_passes=False),
    )(_gmf_body)
    return f(user_ids, item_ids, ut_t, it_t, wb)


def kernel(user_ids, item_ids, user_table, item_table, fc_w, fc_b):
    wb = jnp.concatenate(
        [fc_w.reshape(-1), fc_b.reshape(-1),
         jnp.zeros((48 - D - 1,), jnp.float32)])
    res = _gmf(user_ids.astype(jnp.int32), item_ids.astype(jnp.int32),
               user_table.T, item_table.T, wb)
    return res.reshape(B, 1)

# --- scband reference (transcript-rebuilt; emitter-appended) ---
"""Pipeline reference for scband-gmf-33500744908898 (READ-ONLY COPY).

The authoritative reference and input builder live on the scoring server;
editing this copy changes nothing except your own understanding.
"""

import jax, jax.numpy as jnp
import numpy as np

NUM_USERS = 1000000
NUM_ITEMS = 1000000
EMBED_DIM = 32
BATCH = 16384


def setup_inputs(seed: int = 0) -> dict:
    key = jax.random.key(seed)
    k1, k2, k3, k4, k5, k6 = jax.random.split(key, 6)
    user_ids = jax.random.randint(k1, (BATCH,), 0, NUM_USERS, dtype=jnp.int64 if jax.config.read('jax_enable_x64') else jnp.int32)
    item_ids = jax.random.randint(k2, (BATCH,), 0, NUM_ITEMS, dtype=jnp.int64 if jax.config.read('jax_enable_x64') else jnp.int32)
    user_table = jax.random.normal(k3, (NUM_USERS, EMBED_DIM), dtype=jnp.float32) * 0.05
    item_table = jax.random.normal(k4, (NUM_ITEMS, EMBED_DIM), dtype=jnp.float32) * 0.05
    fc_w = jax.random.normal(k5, (EMBED_DIM, 1), dtype=jnp.float32) * (1.0 / np.sqrt(EMBED_DIM))
    fc_b = jax.random.normal(k6, (1,), dtype=jnp.float32) * 0.01
    return {
        'user_ids': user_ids,
        'item_ids': item_ids,
        'user_table': user_table,
        'item_table': item_table,
        'fc_w': fc_w,
        'fc_b': fc_b,
    }


def reference(user_ids, item_ids, user_table, item_table, fc_w, fc_b):
    # embedding lookups (gather)
    user_embedded = jnp.take(user_table, user_ids, axis=0)  # [B, D]
    item_embedded = jnp.take(item_table, item_ids, axis=0)  # [B, D]
    elementwise_product = user_embedded * item_embedded     # [B, D]
    logits = elementwise_product @ fc_w + fc_b              # [B, 1]
    output = jax.nn.sigmoid(logits)
    return output

if __name__ == "__main__":
    import jax
    _d = setup_inputs()
    print(jax.jit(kernel)(*tuple(_d.values())))

</pallas_src>

<mosaic_0001>
#map = affine_map<(d0, d1) -> (0)>
#map1 = affine_map<(d0, d1) -> (0, 0)>
module attributes {stable_mosaic.version = 14 : i64} {
  func.func @_gmf_body(%arg0: i32, %arg1: i32, %arg2: memref<16384xi32, #tpu.memory_space<hbm>>, %arg3: memref<16384xi32, #tpu.memory_space<hbm>>, %arg4: memref<32x1000000xf32, #tpu.memory_space<hbm>>, %arg5: memref<32x1000000xf32, #tpu.memory_space<hbm>>, %arg6: memref<48xf32, #tpu.memory_space<hbm>>, %arg7: memref<32x512xf32, #tpu.memory_space<hbm>>, %arg8: memref<528xi32, #tpu.memory_space<vmem>>, %arg9: memref<528xi32, #tpu.memory_space<vmem>>, %arg10: memref<3x4x32x128xf32, #tpu.memory_space<vmem>>, %arg11: memref<3x4x32x128xf32, #tpu.memory_space<vmem>>, %arg12: memref<48xf32, #tpu.memory_space<vmem>>, %arg13: memref<128x64xf32, #tpu.memory_space<vmem>>, %arg14: memref<512xf32, #tpu.memory_space<vmem>>, %arg15: memref<!tpu.dma_semaphore, #tpu.memory_space<semaphore_mem>>, %arg16: memref<!tpu.dma_semaphore, #tpu.memory_space<semaphore_mem>>) attributes {dimension_semantics = [#tpu.dimension_semantics<core_parallel>, #tpu.dimension_semantics<subcore_parallel>], iteration_bounds = array<i64: 2, 16>, scalar_prefetch = 0 : i64, scratch_operands = 9 : i64, tpu.core_type = #tpu.core_type<sc_vector_subcore>, window_params = [{transform_indices = #map}, {transform_indices = #map}, {transform_indices = #map1}, {transform_indices = #map1}, {transform_indices = #map}, {transform_indices = #map1}]} {
    %mul3A = arith.constant 2 : i32
    %mul3A_0 = arith.muli %arg1, %mul3A : i32
    %add3A = arith.addi %mul3A_0, %arg0 : i32
    %mul3A_1 = arith.constant 512 : i32
    %mul3A_2 = arith.muli %add3A, %mul3A_1 : i32
    "tpu.region"() ({
      %run_scoped3A = tpu.sem_alloc : memref<!tpu.dma_semaphore, #tpu.memory_space<semaphore_mem>>
      %dma_start3A_879 = arith.constant 0 : i32
      %dma_start3A_880 = tpu.memref_slice %arg8[%dma_start3A_879] : memref<528xi32, #tpu.memory_space<vmem>> -> memref<512xi32, #tpu.memory_space<vmem>>
      %dma_start3A_881 = tpu.memref_slice %arg2[%mul3A_2] : memref<16384xi32, #tpu.memory_space<hbm>> -> memref<512xi32, #tpu.memory_space<hbm>>
      %dma_start3A_882 = arith.constant 0 : i32
      %dma_start3A_883 = tpu.memref_slice %arg8[%dma_start3A_882] : memref<528xi32, #tpu.memory_space<vmem>> -> memref<512xi32, #tpu.memory_space<vmem>>
      %dma_start3A_884 = tpu.memref_slice %arg2[%mul3A_2] : memref<16384xi32, #tpu.memory_space<hbm>> -> memref<512xi32, #tpu.memory_space<hbm>>
      tpu.enqueue_dma source(%dma_start3A_884 : memref<512xi32, #tpu.memory_space<hbm>>) target(%dma_start3A_883 : memref<512xi32, #tpu.memory_space<vmem>>) target_semaphore(%run_scoped3A : memref<!tpu.dma_semaphore, #tpu.memory_space<semaphore_mem>>)
      %dma_wait3A_885 = arith.constant 0 : i32
      %dma_wait3A_886 = tpu.memref_slice %arg8[%dma_wait3A_885] : memref<528xi32, #tpu.memory_space<vmem>> -> memref<512xi32, #tpu.memory_space<vmem>>
      %dma_wait3A_887 = tpu.memref_slice %arg2[%mul3A_2] : memref<16384xi32, #tpu.memory_space<hbm>> -> memref<512xi32, #tpu.memory_space<hbm>>
      %dma_wait3A_888 = arith.constant 0 : i32
      %dma_wait3A_889 = tpu.memref_slice %arg8[%dma_wait3A_888] : memref<528xi32, #tpu.memory_space<vmem>> -> memref<512xi32, #tpu.memory_space<vmem>>
      %dma_wait3A_890 = tpu.memref_slice %arg2[%mul3A_2] : memref<16384xi32, #tpu.memory_space<hbm>> -> memref<512xi32, #tpu.memory_space<hbm>>
      tpu.wait_dma2 semaphore(%run_scoped3A : memref<!tpu.dma_semaphore, #tpu.memory_space<semaphore_mem>>) src(%dma_wait3A_890 : memref<512xi32, #tpu.memory_space<hbm>>) dst(%dma_wait3A_889 : memref<512xi32, #tpu.memory_space<vmem>>)
      tpu.yield
    }) : () -> ()
    "tpu.region"() ({
      %run_scoped3A = tpu.sem_alloc : memref<!tpu.dma_semaphore, #tpu.memory_space<semaphore_mem>>
      %dma_start3A_879 = arith.constant 0 : i32
      %dma_start3A_880 = tpu.memref_slice %arg9[%dma_start3A_879] : memref<528xi32, #tpu.memory_space<vmem>> -> memref<512xi32, #tpu.memory_space<vmem>>
      %dma_start3A_881 = tpu.memref_slice %arg3[%mul3A_2] : memref<16384xi32, #tpu.memory_space<hbm>> -> memref<512xi32, #tpu.memory_space<hbm>>
      %dma_start3A_882 = arith.constant 0 : i32
      %dma_start3A_883 = tpu.memref_slice %arg9[%dma_start3A_882] : memref<528xi32, #tpu.memory_space<vmem>> -> memref<512xi32, #tpu.memory_space<vmem>>
      %dma_start3A_884 = tpu.memref_slice %arg3[%mul3A_2] : memref<16384xi32, #tpu.memory_space<hbm>> -> memref<512xi32, #tpu.memory_space<hbm>>
      tpu.enqueue_dma source(%dma_start3A_884 : memref<512xi32, #tpu.memory_space<hbm>>) target(%dma_start3A_883 : memref<512xi32, #tpu.memory_space<vmem>>) target_semaphore(%run_scoped3A : memref<!tpu.dma_semaphore, #tpu.memory_space<semaphore_mem>>)
      %dma_wait3A_885 = arith.constant 0 : i32
      %dma_wait3A_886 = tpu.memref_slice %arg9[%dma_wait3A_885] : memref<528xi32, #tpu.memory_space<vmem>> -> memref<512xi32, #tpu.memory_space<vmem>>
      %dma_wait3A_887 = tpu.memref_slice %arg3[%mul3A_2] : memref<16384xi32, #tpu.memory_space<hbm>> -> memref<512xi32, #tpu.memory_space<hbm>>
      %dma_wait3A_888 = arith.constant 0 : i32
      %dma_wait3A_889 = tpu.memref_slice %arg9[%dma_wait3A_888] : memref<528xi32, #tpu.memory_space<vmem>> -> memref<512xi32, #tpu.memory_space<vmem>>
      %dma_wait3A_890 = tpu.memref_slice %arg3[%mul3A_2] : memref<16384xi32, #tpu.memory_space<hbm>> -> memref<512xi32, #tpu.memory_space<hbm>>
      tpu.wait_dma2 semaphore(%run_scoped3A : memref<!tpu.dma_semaphore, #tpu.memory_space<semaphore_mem>>) src(%dma_wait3A_890 : memref<512xi32, #tpu.memory_space<hbm>>) dst(%dma_wait3A_889 : memref<512xi32, #tpu.memory_space<vmem>>)
      tpu.yield
    }) : () -> ()
    "tpu.region"() ({
      %run_scoped3A = tpu.sem_alloc : memref<!tpu.dma_semaphore, #tpu.memory_space<semaphore_mem>>
      tpu.enqueue_dma source(%arg6 : memref<48xf32, #tpu.memory_space<hbm>>) target(%arg12 : memref<48xf32, #tpu.memory_space<vmem>>) target_semaphore(%run_scoped3A : memref<!tpu.dma_semaphore, #tpu.memory_space<semaphore_mem>>)
      tpu.wait_dma2 semaphore(%run_scoped3A : memref<!tpu.dma_semaphore, #tpu.memory_space<semaphore_mem>>) src(%arg6 : memref<48xf32, #tpu.memory_space<hbm>>) dst(%arg12 : memref<48xf32, #tpu.memory_space<vmem>>)
      tpu.yield
    }) : () -> ()
    %iota3A = tpu.iota {dimensions = array<i32: 0>} : vector<16xi32>
    %get3A = arith.constant 0 : index
    %get3A_3 = tpu.vector_load %arg12[%get3A] {strides = array<i32>} : memref<48xf32, #tpu.memory_space<vmem>>, vector<16xf32>,
    %get3A_4 = arith.constant 16 : index
    %get3A_5 = tpu.vector_load %arg12[%get3A_4] {strides = array<i32>} : memref<48xf32, #tpu.memory_space<vmem>>, vector<16xf32>,
    %get3A_6 = arith.constant 32 : index
    %get3A_7 = tpu.vector_load %arg12[%get3A_6] {strides = array<i32>} : memref<48xf32, #tpu.memory_space<vmem>>, vector<16xf32>,
    %slice3A = vector.extract_strided_slice %get3A_7 {offsets = [0], sizes = [1], strides = [1]} : vector<16xf32> to vector<1xf32>
    %squeeze3A = vector.extract %slice3A[0] : f32 from vector<1xf32>
    %multiple_of3A = arith.constant 0 : i32
    %multiple_of3A_8 = tpu.assume_multiple %multiple_of3A, 8 : i32
    %get3A_9 = arith.index_cast %multiple_of3A_8 : i32 to index
    %get3A_10 = tpu.vector_load %arg8[%get3A_9] {strides = array<i32>} : memref<528xi32, #tpu.memory_space<vmem>>, vector<16xi32>,
    %get3A_11 = arith.index_cast %multiple_of3A_8 : i32 to index
    %get3A_12 = tpu.vector_load %arg9[%get3A_11] {strides = array<i32>} : memref<528xi32, #tpu.memory_space<vmem>>, vector<16xi32>,
    %slice3A_13 = vector.extract_strided_slice %get3A_10 {offsets = [0], sizes = [1], strides = [1]} : vector<16xi32> to vector<1xi32>
    %squeeze3A_14 = vector.extract %slice3A_13[0] : i32 from vector<1xi32>
    %shift_right_arithmetic3A = arith.constant 7 : i32
    %shift_right_arithmetic3A_15 = arith.shrsi %squeeze3A_14, %shift_right_arithmetic3A : i32
    %mul3A_16 = arith.constant 128 : i32
    %mul3A_17 = arith.muli %shift_right_arithmetic3A_15, %mul3A_16 : i32
    %multiple_of3A_18 = tpu.assume_multiple %mul3A_17, 128 : i32
    %dma_start3A = arith.constant 0 : i32
    %dma_start3A_19 = arith.constant 0 : i32
    %dma_start3A_20 = arith.constant 0 : i32
    %dma_start3A_21 = arith.constant 0 : i32
    %dma_start3A_22 = tpu.memref_slice %arg10[%dma_start3A, %dma_start3A_19, %dma_start3A_20, %dma_start3A_21] : memref<3x4x32x128xf32, #tpu.memory_space<vmem>> -> memref<1x1x32x128xf32, #tpu.memory_space<vmem>>
    %dma_start3A_23 = tpu.memref_squeeze %dma_start3A_22 : memref<1x1x32x128xf32, #tpu.memory_space<vmem>> -> memref<32x128xf32, #tpu.memory_space<vmem>>
    %dma_start3A_24 = arith.constant 0 : i32
    %dma_start3A_25 = tpu.memref_slice %arg4[%dma_start3A_24, %multiple_of3A_18] : memref<32x1000000xf32, #tpu.memory_space<hbm>> -> memref<32x128xf32, #tpu.memory_space<hbm>>
    %dma_start3A_26 = arith.constant 0 : i32
    %dma_start3A_27 = arith.constant 0 : i32
    %dma_start3A_28 = tpu.memref_slice %arg10[%dma_start3A, %dma_start3A_19, %dma_start3A_26, %dma_start3A_27] : memref<3x4x32x128xf32, #tpu.memory_space<vmem>> -> memref<1x1x32x128xf32, #tpu.memory_space<vmem>>
    %dma_start3A_29 = tpu.memref_squeeze %dma_start3A_28 : memref<1x1x32x128xf32, #tpu.memory_space<vmem>> -> memref<32x128xf32, #tpu.memory_space<vmem>>
    %dma_start3A_30 = arith.constant 0 : i32
    %dma_start3A_31 = tpu.memref_slice %arg4[%dma_start3A_30, %multiple_of3A_18] : memref<32x1000000xf32, #tpu.memory_space<hbm>> -> memref<32x128xf32, #tpu.memory_space<hbm>>
    tpu.enqueue_dma source(%dma_start3A_31 : memref<32x128xf32, #tpu.memory_space<hbm>>) target(%dma_start3A_29 : memref<32x128xf32, #tpu.memory_space<vmem>>) target_semaphore(%arg15 : memref<!tpu.dma_semaphore, #tpu.memory_space<semaphore_mem>>)
    %slice3A_32 = vector.extract_strided_slice %get3A_12 {offsets = [0], sizes = [1], strides = [1]} : vector<16xi32> to vector<1xi32>
    %squeeze3A_33 = vector.extract %slice3A_32[0] : i32 from vector<1xi32>
    %shift_right_arithmetic3A_34 = arith.constant 7 : i32
    %shift_right_arithmetic3A_35 = arith.shrsi %squeeze3A_33, %shift_right_arithmetic3A_34 : i32
    %mul3A_36 = arith.constant 128 : i32
    %mul3A_37 = arith.muli %shift_right_arithmetic3A_35, %mul3A_36 : i32
    %multiple_of3A_38 = tpu.assume_multiple %mul3A_37, 128 : i32
    %dma_start3A_39 = arith.constant 0 : i32
    %dma_start3A_40 = arith.constant 0 : i32
    %dma_start3A_41 = arith.constant 0 : i32
    %dma_start3A_42 = arith.constant 0 : i32
    %dma_start3A_43 = tpu.memref_slice %arg11[%dma_start3A_39, %dma_start3A_40, %dma_start3A_41, %dma_start3A_42] : memref<3x4x32x128xf32, #tpu.memory_space<vmem>> -> memref<1x1x32x128xf32, #tpu.memory_space<vmem>>
    %dma_start3A_44 = tpu.memref_squeeze %dma_start3A_43 : memref<1x1x32x128xf32, #tpu.memory_space<vmem>> -> memref<32x128xf32, #tpu.memory_space<vmem>>
    %dma_start3A_45 = arith.constant 0 : i32
    %dma_start3A_46 = tpu.memref_slice %arg5[%dma_start3A_45, %multiple_of3A_38] : memref<32x1000000xf32, #tpu.memory_space<hbm>> -> memref<32x128xf32, #tpu.memory_space<hbm>>
    %dma_start3A_47 = arith.constant 0 : i32
    %dma_start3A_48 = arith.constant 0 : i32
    %dma_start3A_49 = tpu.memref_slice %arg11[%dma_start3A_39, %dma_start3A_40, %dma_start3A_47, %dma_start3A_48] : memref<3x4x32x128xf32, #tpu.memory_space<vmem>> -> memref<1x1x32x128xf32, #tpu.memory_space<vmem>>
    %dma_start3A_50 = tpu.memref_squeeze %dma_start3A_49 : memref<1x1x32x128xf32, #tpu.memory_space<vmem>> -> memref<32x128xf32, #tpu.memory_space<vmem>>
    %dma_start3A_51 = arith.constant 0 : i32
    %dma_start3A_52 = tpu.memref_slice %arg5[%dma_start3A_51, %multiple_of3A_38] : memref<32x1000000xf32, #tpu.memory_space<hbm>> -> memref<32x128xf32, #tpu.memory_space<hbm>>
    tpu.enqueue_dma source(%dma_start3A_52 : memref<32x128xf32, #tpu.memory_space<hbm>>) target(%dma_start3A_50 : memref<32x128xf32, #tpu.memory_space<vmem>>) target_semaphore(%arg16 : memref<!tpu.dma_semaphore, #tpu.memory_space<semaphore_mem>>)
    %slice3A_53 = vector.extract_strided_slice %get3A_10 {offsets = [1], sizes = [1], strides = [1]} : vector<16xi32> to vector<1xi32>
    %squeeze3A_54 = vector.extract %slice3A_53[0] : i32 from vector<1xi32>
    %shift_right_arithmetic3A_55 = arith.constant 7 : i32
    %shift_right_arithmetic3A_56 = arith.shrsi %squeeze3A_54, %shift_right_arithmetic3A_55 : i32
    %mul3A_57 = arith.constant 128 : i32
    %mul3A_58 = arith.muli %shift_right_arithmetic3A_56, %mul3A_57 : i32
    %multiple_of3A_59 = tpu.assume_multiple %mul3A_58, 128 : i32
    %dma_start3A_60 = arith.constant 0 : i32
    %dma_start3A_61 = arith.constant 1 : i32
    %dma_start3A_62 = arith.constant 0 : i32
    %dma_start3A_63 = arith.constant 0 : i32
    %dma_start3A_64 = tpu.memref_slice %arg10[%dma_start3A_60, %dma_start3A_61, %dma_start3A_62, %dma_start3A_63] : memref<3x4x32x128xf32, #tpu.memory_space<vmem>> -> memref<1x1x32x128xf32, #tpu.memory_space<vmem>>
    %dma_start3A_65 = tpu.memref_squeeze %dma_start3A_64 : memref<1x1x32x128xf32, #tpu.memory_space<vmem>> -> memref<32x128xf32, #tpu.memory_space<vmem>>
    %dma_start3A_66 = arith.constant 0 : i32
    %dma_start3A_67 = tpu.memref_slice %arg4[%dma_start3A_66, %multiple_of3A_59] : memref<32x1000000xf32, #tpu.memory_space<hbm>> -> memref<32x128xf32, #tpu.memory_space<hbm>>
    %dma_start3A_68 = arith.constant 0 : i32
    %dma_start3A_69 = arith.constant 0 : i32
    %dma_start3A_70 = tpu.memref_slice %arg10[%dma_start3A_60, %dma_start3A_61, %dma_start3A_68, %dma_start3A_69] : memref<3x4x32x128xf32, #tpu.memory_space<vmem>> -> memref<1x1x32x128xf32, #tpu.memory_space<vmem>>
    %dma_start3A_71 = tpu.memref_squeeze %dma_start3A_70 : memref<1x1x32x128xf32, #tpu.memory_space<vmem>> -> memref<32x128xf32, #tpu.memory_space<vmem>>
    %dma_start3A_72 = arith.constant 0 : i32
    %dma_start3A_73 = tpu.memref_slice %arg4[%dma_start3A_72, %multiple_of3A_59] : memref<32x1000000xf32, #tpu.memory_space<hbm>> -> memref<32x128xf32, #tpu.memory_space<hbm>>
    tpu.enqueue_dma source(%dma_start3A_73 : memref<32x128xf32, #tpu.memory_space<hbm>>) target(%dma_start3A_71 : memref<32x128xf32, #tpu.memory_space<vmem>>) target_semaphore(%arg15 : memref<!tpu.dma_semaphore, #tpu.memory_space<semaphore_mem>>)
    %slice3A_74 = vector.extract_strided_slice %get3A_12 {offsets = [1], sizes = [1], strides = [1]} : vector<16xi32> to vector<1xi32>
    %squeeze3A_75 = vector.extract %slice3A_74[0] : i32 from vector<1xi32>
    %shift_right_arithmetic3A_76 = arith.constant 7 : i32
    %shift_right_arithmetic3A_77 = arith.shrsi %squeeze3A_75, %shift_right_arithmetic3A_76 : i32
    %mul3A_78 = arith.constant 128 : i32
    %mul3A_79 = arith.muli %shift_right_arithmetic3A_77, %mul3A_78 : i32
    %multiple_of3A_80 = tpu.assume_multiple %mul3A_79, 128 : i32
    %dma_start3A_81 = arith.constant 0 : i32
    %dma_start3A_82 = arith.constant 1 : i32
    %dma_start3A_83 = arith.constant 0 : i32
    %dma_start3A_84 = arith.constant 0 : i32
    %dma_start3A_85 = tpu.memref_slice %arg11[%dma_start3A_81, %dma_start3A_82, %dma_start3A_83, %dma_start3A_84] : memref<3x4x32x128xf32, #tpu.memory_space<vmem>> -> memref<1x1x32x128xf32, #tpu.memory_space<vmem>>
    %dma_start3A_86 = tpu.memref_squeeze %dma_start3A_85 : memref<1x1x32x128xf32, #tpu.memory_space<vmem>> -> memref<32x128xf32, #tpu.memory_space<vmem>>
    %dma_start3A_87 = arith.constant 0 : i32
    %dma_start3A_88 = tpu.memref_slice %arg5[%dma_start3A_87, %multiple_of3A_80] : memref<32x1000000xf32, #tpu.memory_space<hbm>> -> memref<32x128xf32, #tpu.memory_space<hbm>>
    %dma_start3A_89 = arith.constant 0 : i32
    %dma_start3A_90 = arith.constant 0 : i32
    %dma_start3A_91 = tpu.memref_slice %arg11[%dma_start3A_81, %dma_start3A_82, %dma_start3A_89, %dma_start3A_90] : memref<3x4x32x128xf32, #tpu.memory_space<vmem>> -> memref<1x1x32x128xf32, #tpu.memory_space<vmem>>
    %dma_start3A_92 = tpu.memref_squeeze %dma_start3A_91 : memref<1x1x32x128xf32, #tpu.memory_space<vmem>> -> memref<32x128xf32, #tpu.memory_space<vmem>>
    %dma_start3A_93 = arith.constant 0 : i32
    %dma_start3A_94 = tpu.memref_slice %arg5[%dma_start3A_93, %multiple_of3A_80] : memref<32x1000000xf32, #tpu.memory_space<hbm>> -> memref<32x128xf32, #tpu.memory_space<hbm>>
    tpu.enqueue_dma source(%dma_start3A_94 : memref<32x128xf32, #tpu.memory_space<hbm>>) target(%dma_start3A_92 : memref<32x128xf32, #tpu.memory_space<vmem>>) target_semaphore(%arg16 : memref<!tpu.dma_semaphore, #tpu.memory_space<semaphore_mem>>)
    %slice3A_95 = vector.extract_strided_slice %get3A_10 {offsets = [2], sizes = [1], strides = [1]} : vector<16xi32> to vector<1xi32>
    %squeeze3A_96 = vector.extract %slice3A_95[0] : i32 from vector<1xi32>
    %shift_right_arithmetic3A_97 = arith.constant 7 : i32
    %shift_right_arithmetic3A_98 = arith.shrsi %squeeze3A_96, %shift_right_arithmetic3A_97 : i32
    %mul3A_99 = arith.constant 128 : i32
    %mul3A_100 = arith.muli %shift_right_arithmetic3A_98, %mul3A_99 : i32
    %multiple_of3A_101 = tpu.assume_multiple %mul3A_100, 128 : i32
    %dma_start3A_102 = arith.constant 0 : i32
    %dma_start3A_103 = arith.constant 2 : i32
    %dma_start3A_104 = arith.constant 0 : i32
    %dma_start3A_105 = arith.constant 0 : i32
    %dma_start3A_106 = tpu.memref_slice %arg10[%dma_start3A_102, %dma_start3A_103, %dma_start3A_104, %dma_start3A_105] : memref<3x4x32x128xf32, #tpu.memory_space<vmem>> -> memref<1x1x32x128xf32, #tpu.memory_space<vmem>>
    %dma_start3A_107 = tpu.memref_squeeze %dma_start3A_106 : memref<1x1x32x128xf32, #tpu.memory_space<vmem>> -> memref<32x128xf32, #tpu.memory_space<vmem>>
    %dma_start3A_108 = arith.constant 0 : i32
    %dma_start3A_109 = tpu.memref_slice %arg4[%dma_start3A_108, %multiple_of3A_101] : memref<32x1000000xf32, #tpu.memory_space<hbm>> -> memref<32x128xf32, #tpu.memory_space<hbm>>
    %dma_start3A_110 = arith.constant 0 : i32
    %dma_start3A_111 = arith.constant 0 : i32
    %dma_start3A_112 = tpu.memref_slice %arg10[%dma_start3A_102, %dma_start3A_103, %dma_start3A_110, %dma_start3A_111] : memref<3x4x32x128xf32, #tpu.memory_space<vmem>> -> memref<1x1x32x128xf32, #tpu.memory_space<vmem>>
    %dma_start3A_113 = tpu.memref_squeeze %dma_start3A_112 : memref<1x1x32x128xf32, #tpu.memory_space<vmem>> -> memref<32x128xf32, #tpu.memory_space<vmem>>
    %dma_start3A_114 = arith.constant 0 : i32
    %dma_start3A_115 = tpu.memref_slice %arg4[%dma_start3A_114, %multiple_of3A_101] : memref<32x1000000xf32, #tpu.memory_space<hbm>> -> memref<32x128xf32, #tpu.memory_space<hbm>>
    tpu.enqueue_dma source(%dma_start3A_115 : memref<32x128xf32, #tpu.memory_space<hbm>>) target(%dma_start3A_113 : memref<32x128xf32, #tpu.memory_space<vmem>>) target_semaphore(%arg15 : memref<!tpu.dma_semaphore, #tpu.memory_space<semaphore_mem>>)
    %slice3A_116 = vector.extract_strided_slice %get3A_12 {offsets = [2], sizes = [1], strides = [1]} : vector<16xi32> to vector<1xi32>
    %squeeze3A_117 = vector.extract %slice3A_116[0] : i32 from vector<1xi32>
    %shift_right_arithmetic3A_118 = arith.constant 7 : i32
    %shift_right_arithmetic3A_119 = arith.shrsi %squeeze3A_117, %shift_right_arithmetic3A_118 : i32
    %mul3A_120 = arith.constant 128 : i32
    %mul3A_121 = arith.muli %shift_right_arithmetic3A_119, %mul3A_120 : i32
    %multiple_of3A_122 = tpu.assume_multiple %mul3A_121, 128 : i32
    %dma_start3A_123 = arith.constant 0 : i32
    %dma_start3A_124 = arith.constant 2 : i32
    %dma_start3A_125 = arith.constant 0 : i32
    %dma_start3A_126 = arith.constant 0 : i32
    %dma_start3A_127 = tpu.memref_slice %arg11[%dma_start3A_123, %dma_start3A_124, %dma_start3A_125, %dma_start3A_126] : memref<3x4x32x128xf32, #tpu.memory_space<vmem>> -> memref<1x1x32x128xf32, #tpu.memory_space<vmem>>
    %dma_start3A_128 = tpu.memref_squeeze %dma_start3A_127 : memref<1x1x32x128xf32, #tpu.memory_space<vmem>> -> memref<32x128xf32, #tpu.memory_space<vmem>>
    %dma_start3A_129 = arith.constant 0 : i32
    %dma_start3A_130 = tpu.memref_slice %arg5[%dma_start3A_129, %multiple_of3A_122] : memref<32x1000000xf32, #tpu.memory_space<hbm>> -> memref<32x128xf32, #tpu.memory_space<hbm>>
    %dma_start3A_131 = arith.constant 0 : i32
    %dma_start3A_132 = arith.constant 0 : i32
    %dma_start3A_133 = tpu.memref_slice %arg11[%dma_start3A_123, %dma_start3A_124, %dma_start3A_131, %dma_start3A_132] : memref<3x4x32x128xf32, #tpu.memory_space<vmem>> -> memref<1x1x32x128xf32, #tpu.memory_space<vmem>>
    %dma_start3A_134 = tpu.memref_squeeze %dma_start3A_133 : memref<1x1x32x128xf32, #tpu.memory_space<vmem>> -> memref<32x128xf32, #tpu.memory_space<vmem>>
    %dma_start3A_135 = arith.constant 0 : i32
    %dma_start3A_136 = tpu.memref_slice %arg5[%dma_start3A_135, %multiple_of3A_122] : memref<32x1000000xf32, #tpu.memory_space<hbm>> -> memref<32x128xf32, #tpu.memory_space<hbm>>
    tpu.enqueue_dma source(%dma_start3A_136 : memref<32x128xf32, #tpu.memory_space<hbm>>) target(%dma_start3A_134 : memref<32x128xf32, #tpu.memory_space<vmem>>) target_semaphore(%arg16 : memref<!tpu.dma_semaphore, #tpu.memory_space<semaphore_mem>>)
    %slice3A_137 = vector.extract_strided_slice %get3A_10 {offsets = [3], sizes = [1], strides = [1]} : vector<16xi32> to vector<1xi32>
    %squeeze3A_138 = vector.extract %slice3A_137[0] : i32 from vector<1xi32>
    %shift_right_arithmetic3A_139 = arith.constant 7 : i32
    %shift_right_arithmetic3A_140 = arith.shrsi %squeeze3A_138, %shift_right_arithmetic3A_139 : i32
    %mul3A_141 = arith.constant 128 : i32
    %mul3A_142 = arith.muli %shift_right_arithmetic3A_140, %mul3A_141 : i32
    %multiple_of3A_143 = tpu.assume_multiple %mul3A_142, 128 : i32
    %dma_start3A_144 = arith.constant 0 : i32
    %dma_start3A_145 = arith.constant 3 : i32
    %dma_start3A_146 = arith.constant 0 : i32
    %dma_start3A_147 = arith.constant 0 : i32
    %dma_start3A_148 = tpu.memref_slice %arg10[%dma_start3A_144, %dma_start3A_145, %dma_start3A_146, %dma_start3A_147] : memref<3x4x32x128xf32, #tpu.memory_space<vmem>> -> memref<1x1x32x128xf32, #tpu.memory_space<vmem>>
    %dma_start3A_149 = tpu.memref_squeeze %dma_start3A_148 : memref<1x1x32x128xf32, #tpu.memory_space<vmem>> -> memref<32x128xf32, #tpu.memory_space<vmem>>
    %dma_start3A_150 = arith.constant 0 : i32
    %dma_start3A_151 = tpu.memref_slice %arg4[%dma_start3A_150, %multiple_of3A_143] : memref<32x1000000xf32, #tpu.memory_space<hbm>> -> memref<32x128xf32, #tpu.memory_space<hbm>>
    %dma_start3A_152 = arith.constant 0 : i32
    %dma_start3A_153 = arith.constant 0 : i32
    %dma_start3A_154 = tpu.memref_slice %arg10[%dma_start3A_144, %dma_start3A_145, %dma_start3A_152, %dma_start3A_153] : memref<3x4x32x128xf32, #tpu.memory_space<vmem>> -> memref<1x1x32x128xf32, #tpu.memory_space<vmem>>
    %dma_start3A_155 = tpu.memref_squeeze %dma_start3A_154 : memref<1x1x32x128xf32, #tpu.memory_space<vmem>> -> memref<32x128xf32, #tpu.memory_space<vmem>>
    %dma_start3A_156 = arith.constant 0 : i32
    %dma_start3A_157 = tpu.memref_slice %arg4[%dma_start3A_156, %multiple_of3A_143] : memref<32x1000000xf32, #tpu.memory_space<hbm>> -> memref<32x128xf32, #tpu.memory_space<hbm>>
    tpu.enqueue_dma source(%dma_start3A_157 : memref<32x128xf32, #tpu.memory_space<hbm>>) target(%dma_start3A_155 : memref<32x128xf32, #tpu.memory_space<vmem>>) target_semaphore(%arg15 : memref<!tpu.dma_semaphore, #tpu.memory_space<semaphore_mem>>)
    %slice3A_158 = vector.extract_strided_slice %get3A_12 {offsets = [3], sizes = [1], strides = [1]} : vector<16xi32> to vector<1xi32>
    %squeeze3A_159 = vector.extract %slice3A_158[0] : i32 from vector<1xi32>
    %shift_right_arithmetic3A_160 = arith.constant 7 : i32
    %shift_right_arithmetic3A_161 = arith.shrsi %squeeze3A_159, %shift_right_arithmetic3A_160 : i32
    %mul3A_162 = arith.constant 128 : i32
    %mul3A_163 = arith.muli %shift_right_arithmetic3A_161, %mul3A_162 : i32
    %multiple_of3A_164 = tpu.assume_multiple %mul3A_163, 128 : i32
    %dma_start3A_165 = arith.constant 0 : i32
    %dma_start3A_166 = arith.constant 3 : i32
    %dma_start3A_167 = arith.constant 0 : i32
    %dma_start3A_168 = arith.constant 0 : i32
    %dma_start3A_169 = tpu.memref_slice %arg11[%dma_start3A_165, %dma_start3A_166, %dma_start3A_167, %dma_start3A_168] : memref<3x4x32x128xf32, #tpu.memory_space<vmem>> -> memref<1x1x32x128xf32, #tpu.memory_space<vmem>>
    %dma_start3A_170 = tpu.memref_squeeze %dma_start3A_169 : memref<1x1x32x128xf32, #tpu.memory_space<vmem>> -> memref<32x128xf32, #tpu.memory_space<vmem>>
    %dma_start3A_171 = arith.constant 0 : i32
    %dma_start3A_172 = tpu.memref_slice %arg5[%dma_start3A_171, %multiple_of3A_164] : memref<32x1000000xf32, #tpu.memory_space<hbm>> -> memref<32x128xf32, #tpu.memory_space<hbm>>
    %dma_start3A_173 = arith.constant 0 : i32
    %dma_start3A_174 = arith.constant 0 : i32
    %dma_start3A_175 = tpu.memref_slice %arg11[%dma_start3A_165, %dma_start3A_166, %dma_start3A_173, %dma_start3A_174] : memref<3x4x32x128xf32, #tpu.memory_space<vmem>> -> memref<1x1x32x128xf32, #tpu.memory_space<vmem>>
    %dma_start3A_176 = tpu.memref_squeeze %dma_start3A_175 : memref<1x1x32x128xf32, #tpu.memory_space<vmem>> -> memref<32x128xf32, #tpu.memory_space<vmem>>
    %dma_start3A_177 = arith.constant 0 : i32
    %dma_start3A_178 = tpu.memref_slice %arg5[%dma_start3A_177, %multiple_of3A_164] : memref<32x1000000xf32, #tpu.memory_space<hbm>> -> memref<32x128xf32, #tpu.memory_space<hbm>>
    tpu.enqueue_dma source(%dma_start3A_178 : memref<32x128xf32, #tpu.memory_space<hbm>>) target(%dma_start3A_176 : memref<32x128xf32, #tpu.memory_space<vmem>>) target_semaphore(%arg16 : memref<!tpu.dma_semaphore, #tpu.memory_space<semaphore_mem>>)
    %multiple_of3A_179 = arith.constant 0 : i32
    %multiple_of3A_180 = tpu.assume_multiple %multiple_of3A_179, 8 : i32
    %get3A_181 = arith.index_cast %multiple_of3A_180 : i32 to index
    %get3A_182 = tpu.vector_load %arg8[%get3A_181] {strides = array<i32>} : memref<528xi32, #tpu.memory_space<vmem>>, vector<16xi32>,
    %get3A_183 = arith.index_cast %multiple_of3A_180 : i32 to index
    %get3A_184 = tpu.vector_load %arg9[%get3A_183] {strides = array<i32>} : memref<528xi32, #tpu.memory_space<vmem>>, vector<16xi32>,
    %slice3A_185 = vector.extract_strided_slice %get3A_182 {offsets = [4], sizes = [1], strides = [1]} : vector<16xi32> to vector<1xi32>
    %squeeze3A_186 = vector.extract %slice3A_185[0] : i32 from vector<1xi32>
    %shift_right_arithmetic3A_187 = arith.constant 7 : i32
    %shift_right_arithmetic3A_188 = arith.shrsi %squeeze3A_186, %shift_right_arithmetic3A_187 : i32
    %mul3A_189 = arith.constant 128 : i32
    %mul3A_190 = arith.muli %shift_right_arithmetic3A_188, %mul3A_189 : i32
    %multiple_of3A_191 = tpu.assume_multiple %mul3A_190, 128 : i32
    %dma_start3A_192 = arith.constant 1 : i32
    %dma_start3A_193 = arith.constant 0 : i32
    %dma_start3A_194 = arith.constant 0 : i32
    %dma_start3A_195 = arith.constant 0 : i32
    %dma_start3A_196 = tpu.memref_slice %arg10[%dma_start3A_192, %dma_start3A_193, %dma_start3A_194, %dma_start3A_195] : memref<3x4x32x128xf32, #tpu.memory_space<vmem>> -> memref<1x1x32x128xf32, #tpu.memory_space<vmem>>
    %dma_start3A_197 = tpu.memref_squeeze %dma_start3A_196 : memref<1x1x32x128xf32, #tpu.memory_space<vmem>> -> memref<32x128xf32, #tpu.memory_space<vmem>>
    %dma_start3A_198 = arith.constant 0 : i32
    %dma_start3A_199 = tpu.memref_slice %arg4[%dma_start3A_198, %multiple_of3A_191] : memref<32x1000000xf32, #tpu.memory_space<hbm>> -> memref<32x128xf32, #tpu.memory_space<hbm>>
    %dma_start3A_200 = arith.constant 0 : i32
    %dma_start3A_201 = arith.constant 0 : i32
    %dma_start3A_202 = tpu.memref_slice %arg10[%dma_start3A_192, %dma_start3A_193, %dma_start3A_200, %dma_start3A_201] : memref<3x4x32x128xf32, #tpu.memory_space<vmem>> -> memref<1x1x32x128xf32, #tpu.memory_space<vmem>>
    %dma_start3A_203 = tpu.memref_squeeze %dma_start3A_202 : memref<1x1x32x128xf32, #tpu.memory_space<vmem>> -> memref<32x128xf32, #tpu.memory_space<vmem>>
    %dma_start3A_204 = arith.constant 0 : i32
    %dma_start3A_205 = tpu.memref_slice %arg4[%dma_start3A_204, %multiple_of3A_191] : memref<32x1000000xf32, #tpu.memory_space<hbm>> -> memref<32x128xf32, #tpu.memory_space<hbm>>
    tpu.enqueue_dma source(%dma_start3A_205 : memref<32x128xf32, #tpu.memory_space<hbm>>) target(%dma_start3A_203 : memref<32x128xf32, #tpu.memory_space<vmem>>) target_semaphore(%arg15 : memref<!tpu.dma_semaphore, #tpu.memory_space<semaphore_mem>>)
    %slice3A_206 = vector.extract_strided_slice %get3A_184 {offsets = [4], sizes = [1], strides = [1]} : vector<16xi32> to vector<1xi32>
    %squeeze3A_207 = vector.extract %slice3A_206[0] : i32 from vector<1xi32>
    %shift_right_arithmetic3A_208 = arith.constant 7 : i32
    %shift_right_arithmetic3A_209 = arith.shrsi %squeeze3A_207, %shift_right_arithmetic3A_208 : i32
    %mul3A_210 = arith.constant 128 : i32
    %mul3A_211 = arith.muli %shift_right_arithmetic3A_209, %mul3A_210 : i32
    %multiple_of3A_212 = tpu.assume_multiple %mul3A_211, 128 : i32
    %dma_start3A_213 = arith.constant 1 : i32
    %dma_start3A_214 = arith.constant 0 : i32
    %dma_start3A_215 = arith.constant 0 : i32
    %dma_start3A_216 = arith.constant 0 : i32
    %dma_start3A_217 = tpu.memref_slice %arg11[%dma_start3A_213, %dma_start3A_214, %dma_start3A_215, %dma_start3A_216] : memref<3x4x32x128xf32, #tpu.memory_space<vmem>> -> memref<1x1x32x128xf32, #tpu.memory_space<vmem>>
    %dma_start3A_218 = tpu.memref_squeeze %dma_start3A_217 : memref<1x1x32x128xf32, #tpu.memory_space<vmem>> -> memref<32x128xf32, #tpu.memory_space<vmem>>
    %dma_start3A_219 = arith.constant 0 : i32
    %dma_start3A_220 = tpu.memref_slice %arg5[%dma_start3A_219, %multiple_of3A_212] : memref<32x1000000xf32, #tpu.memory_space<hbm>> -> memref<32x128xf32, #tpu.memory_space<hbm>>
    %dma_start3A_221 = arith.constant 0 : i32
    %dma_start3A_222 = arith.constant 0 : i32
    %dma_start3A_223 = tpu.memref_slice %arg11[%dma_start3A_213, %dma_start3A_214, %dma_start3A_221, %dma_start3A_222] : memref<3x4x32x128xf32, #tpu.memory_space<vmem>> -> memref<1x1x32x128xf32, #tpu.memory_space<vmem>>
    %dma_start3A_224 = tpu.memref_squeeze %dma_start3A_223 : memref<1x1x32x128xf32, #tpu.memory_space<vmem>> -> memref<32x128xf32, #tpu.memory_space<vmem>>
    %dma_start3A_225 = arith.constant 0 : i32
    %dma_start3A_226 = tpu.memref_slice %arg5[%dma_start3A_225, %multiple_of3A_212] : memref<32x1000000xf32, #tpu.memory_space<hbm>> -> memref<32x128xf32, #tpu.memory_space<hbm>>
    tpu.enqueue_dma source(%dma_start3A_226 : memref<32x128xf32, #tpu.memory_space<hbm>>) target(%dma_start3A_224 : memref<32x128xf32, #tpu.memory_space<vmem>>) target_semaphore(%arg16 : memref<!tpu.dma_semaphore, #tpu.memory_space<semaphore_mem>>)
    %slice3A_227 = vector.extract_strided_slice %get3A_182 {offsets = [5], sizes = [1], strides = [1]} : vector<16xi32> to vector<1xi32>
    %squeeze3A_228 = vector.extract %slice3A_227[0] : i32 from vector<1xi32>
    %shift_right_arithmetic3A_229 = arith.constant 7 : i32
    %shift_right_arithmetic3A_230 = arith.shrsi %squeeze3A_228, %shift_right_arithmetic3A_229 : i32
    %mul3A_231 = arith.constant 128 : i32
    %mul3A_232 = arith.muli %shift_right_arithmetic3A_230, %mul3A_231 : i32
    %multiple_of3A_233 = tpu.assume_multiple %mul3A_232, 128 : i32
    %dma_start3A_234 = arith.constant 1 : i32
    %dma_start3A_235 = arith.constant 1 : i32
    %dma_start3A_236 = arith.constant 0 : i32
    %dma_start3A_237 = arith.constant 0 : i32
    %dma_start3A_238 = tpu.memref_slice %arg10[%dma_start3A_234, %dma_start3A_235, %dma_start3A_236, %dma_start3A_237] : memref<3x4x32x128xf32, #tpu.memory_space<vmem>> -> memref<1x1x32x128xf32, #tpu.memory_space<vmem>>
    %dma_start3A_239 = tpu.memref_squeeze %dma_start3A_238 : memref<1x1x32x128xf32, #tpu.memory_space<vmem>> -> memref<32x128xf32, #tpu.memory_space<vmem>>
    %dma_start3A_240 = arith.constant 0 : i32
    %dma_start3A_241 = tpu.memref_slice %arg4[%dma_start3A_240, %multiple_of3A_233] : memref<32x1000000xf32, #tpu.memory_space<hbm>> -> memref<32x128xf32, #tpu.memory_space<hbm>>
    %dma_start3A_242 = arith.constant 0 : i32
    %dma_start3A_243 = arith.constant 0 : i32
    %dma_start3A_244 = tpu.memref_slice %arg10[%dma_start3A_234, %dma_start3A_235, %dma_start3A_242, %dma_start3A_243] : memref<3x4x32x128xf32, #tpu.memory_space<vmem>> -> memref<1x1x32x128xf32, #tpu.memory_space<vmem>>
    %dma_start3A_245 = tpu.memref_squeeze %dma_start3A_244 : memref<1x1x32x128xf32, #tpu.memory_space<vmem>> -> memref<32x128xf32, #tpu.memory_space<vmem>>
    %dma_start3A_246 = arith.constant 0 : i32
    %dma_start3A_247 = tpu.memref_slice %arg4[%dma_start3A_246, %multiple_of3A_233] : memref<32x1000000xf32, #tpu.memory_space<hbm>> -> memref<32x128xf32, #tpu.memory_space<hbm>>
    tpu.enqueue_dma source(%dma_start3A_247 : memref<32x128xf32, #tpu.memory_space<hbm>>) target(%dma_start3A_245 : memref<32x128xf32, #tpu.memory_space<vmem>>) target_semaphore(%arg15 : memref<!tpu.dma_semaphore, #tpu.memory_space<semaphore_mem>>)
    %slice3A_248 = vector.extract_strided_slice %get3A_184 {offsets = [5], sizes = [1], strides = [1]} : vector<16xi32> to vector<1xi32>
    %squeeze3A_249 = vector.extract %slice3A_248[0] : i32 from vector<1xi32>
    %shift_right_arithmetic3A_250 = arith.constant 7 : i32
    %shift_right_arithmetic3A_251 = arith.shrsi %squeeze3A_249, %shift_right_arithmetic3A_250 : i32
    %mul3A_252 = arith.constant 128 : i32
    %mul3A_253 = arith.muli %shift_right_arithmetic3A_251, %mul3A_252 : i32
    %multiple_of3A_254 = tpu.assume_multiple %mul3A_253, 128 : i32
    %dma_start3A_255 = arith.constant 1 : i32
    %dma_start3A_256 = arith.constant 1 : i32
    %dma_start3A_257 = arith.constant 0 : i32
    %dma_start3A_258 = arith.constant 0 : i32
    %dma_start3A_259 = tpu.memref_slice %arg11[%dma_start3A_255, %dma_start3A_256, %dma_start3A_257, %dma_start3A_258] : memref<3x4x32x128xf32, #tpu.memory_space<vmem>> -> memref<1x1x32x128xf32, #tpu.memory_space<vmem>>
    %dma_start3A_260 = tpu.memref_squeeze %dma_start3A_259 : memref<1x1x32x128xf32, #tpu.memory_space<vmem>> -> memref<32x128xf32, #tpu.memory_space<vmem>>
    %dma_start3A_261 = arith.constant 0 : i32
    %dma_start3A_262 = tpu.memref_slice %arg5[%dma_start3A_261, %multiple_of3A_254] : memref<32x1000000xf32, #tpu.memory_space<hbm>> -> memref<32x128xf32, #tpu.memory_space<hbm>>
    %dma_start3A_263 = arith.constant 0 : i32
    %dma_start3A_264 = arith.constant 0 : i32
    %dma_start3A_265 = tpu.memref_slice %arg11[%dma_start3A_255, %dma_start3A_256, %dma_start3A_263, %dma_start3A_264] : memref<3x4x32x128xf32, #tpu.memory_space<vmem>> -> memref<1x1x32x128xf32, #tpu.memory_space<vmem>>
    %dma_start3A_266 = tpu.memref_squeeze %dma_start3A_265 : memref<1x1x32x128xf32, #tpu.memory_space<vmem>> -> memref<32x128xf32, #tpu.memory_space<vmem>>
    %dma_start3A_267 = arith.constant 0 : i32
    %dma_start3A_268 = tpu.memref_slice %arg5[%dma_start3A_267, %multiple_of3A_254] : memref<32x1000000xf32, #tpu.memory_space<hbm>> -> memref<32x128xf32, #tpu.memory_space<hbm>>
    tpu.enqueue_dma source(%dma_start3A_268 : memref<32x128xf32, #tpu.memory_space<hbm>>) target(%dma_start3A_266 : memref<32x128xf32, #tpu.memory_space<vmem>>) target_semaphore(%arg16 : memref<!tpu.dma_semaphore, #tpu.memory_space<semaphore_mem>>)
    %slice3A_269 = vector.extract_strided_slice %get3A_182 {offsets = [6], sizes = [1], strides = [1]} : vector<16xi32> to vector<1xi32>
    %squeeze3A_270 = vector.extract %slice3A_269[0] : i32 from vector<1xi32>
    %shift_right_arithmetic3A_271 = arith.constant 7 : i32
    %shift_right_arithmetic3A_272 = arith.shrsi %squeeze3A_270, %shift_right_arithmetic3A_271 : i32
    %mul3A_273 = arith.constant 128 : i32
    %mul3A_274 = arith.muli %shift_right_arithmetic3A_272, %mul3A_273 : i32
    %multiple_of3A_275 = tpu.assume_multiple %mul3A_274, 128 : i32
    %dma_start3A_276 = arith.constant 1 : i32
    %dma_start3A_277 = arith.constant 2 : i32
    %dma_start3A_278 = arith.constant 0 : i32
    %dma_start3A_279 = arith.constant 0 : i32
    %dma_start3A_280 = tpu.memref_slice %arg10[%dma_start3A_276, %dma_start3A_277, %dma_start3A_278, %dma_start3A_279] : memref<3x4x32x128xf32, #tpu.memory_space<vmem>> -> memref<1x1x32x128xf32, #tpu.memory_space<vmem>>
    %dma_start3A_281 = tpu.memref_squeeze %dma_start3A_280 : memref<1x1x32x128xf32, #tpu.memory_space<vmem>> -> memref<32x128xf32, #tpu.memory_space<vmem>>
    %dma_start3A_282 = arith.constant 0 : i32
    %dma_start3A_283 = tpu.memref_slice %arg4[%dma_start3A_282, %multiple_of3A_275] : memref<32x1000000xf32, #tpu.memory_space<hbm>> -> memref<32x128xf32, #tpu.memory_space<hbm>>
    %dma_start3A_284 = arith.constant 0 : i32
    %dma_start3A_285 = arith.constant 0 : i32
    %dma_start3A_286 = tpu.memref_slice %arg10[%dma_start3A_276, %dma_start3A_277, %dma_start3A_284, %dma_start3A_285] : memref<3x4x32x128xf32, #tpu.memory_space<vmem>> -> memref<1x1x32x128xf32, #tpu.memory_space<vmem>>
    %dma_start3A_287 = tpu.memref_squeeze %dma_start3A_286 : memref<1x1x32x128xf32, #tpu.memory_space<vmem>> -> memref<32x128xf32, #tpu.memory_space<vmem>>
    %dma_start3A_288 = arith.constant 0 : i32
    %dma_start3A_289 = tpu.memref_slice %arg4[%dma_start3A_288, %multiple_of3A_275] : memref<32x1000000xf32, #tpu.memory_space<hbm>> -> memref<32x128xf32, #tpu.memory_space<hbm>>
    tpu.enqueue_dma source(%dma_start3A_289 : memref<32x128xf32, #tpu.memory_space<hbm>>) target(%dma_start3A_287 : memref<32x128xf32, #tpu.memory_space<vmem>>) target_semaphore(%arg15 : memref<!tpu.dma_semaphore, #tpu.memory_space<semaphore_mem>>)
    %slice3A_290 = vector.extract_strided_slice %get3A_184 {offsets = [6], sizes = [1], strides = [1]} : vector<16xi32> to vector<1xi32>
    %squeeze3A_291 = vector.extract %slice3A_290[0] : i32 from vector<1xi32>
    %shift_right_arithmetic3A_292 = arith.constant 7 : i32
    %shift_right_arithmetic3A_293 = arith.shrsi %squeeze3A_291, %shift_right_arithmetic3A_292 : i32
    %mul3A_294 = arith.constant 128 : i32
    %mul3A_295 = arith.muli %shift_right_arithmetic3A_293, %mul3A_294 : i32
    %multiple_of3A_296 = tpu.assume_multiple %mul3A_295, 128 : i32
    %dma_start3A_297 = arith.constant 1 : i32
    %dma_start3A_298 = arith.constant 2 : i32
    %dma_start3A_299 = arith.constant 0 : i32
    %dma_start3A_300 = arith.constant 0 : i32
    %dma_start3A_301 = tpu.memref_slice %arg11[%dma_start3A_297, %dma_start3A_298, %dma_start3A_299, %dma_start3A_300] : memref<3x4x32x128xf32, #tpu.memory_space<vmem>> -> memref<1x1x32x128xf32, #tpu.memory_space<vmem>>
    %dma_start3A_302 = tpu.memref_squeeze %dma_start3A_301 : memref<1x1x32x128xf32, #tpu.memory_space<vmem>> -> memref<32x128xf32, #tpu.memory_space<vmem>>
    %dma_start3A_303 = arith.constant 0 : i32
    %dma_start3A_304 = tpu.memref_slice %arg5[%dma_start3A_303, %multiple_of3A_296] : memref<32x1000000xf32, #tpu.memory_space<hbm>> -> memref<32x128xf32, #tpu.memory_space<hbm>>
    %dma_start3A_305 = arith.constant 0 : i32
    %dma_start3A_306 = arith.constant 0 : i32
    %dma_start3A_307 = tpu.memref_slice %arg11[%dma_start3A_297, %dma_start3A_298, %dma_start3A_305, %dma_start3A_306] : memref<3x4x32x128xf32, #tpu.memory_space<vmem>> -> memref<1x1x32x128xf32, #tpu.memory_space<vmem>>
    %dma_start3A_308 = tpu.memref_squeeze %dma_start3A_307 : memref<1x1x32x128xf32, #tpu.memory_space<vmem>> -> memref<32x128xf32, #tpu.memory_space<vmem>>
    %dma_start3A_309 = arith.constant 0 : i32
    %dma_start3A_310 = tpu.memref_slice %arg5[%dma_start3A_309, %multiple_of3A_296] : memref<32x1000000xf32, #tpu.memory_space<hbm>> -> memref<32x128xf32, #tpu.memory_space<hbm>>
    tpu.enqueue_dma source(%dma_start3A_310 : memref<32x128xf32, #tpu.memory_space<hbm>>) target(%dma_start3A_308 : memref<32x128xf32, #tpu.memory_space<vmem>>) target_semaphore(%arg16 : memref<!tpu.dma_semaphore, #tpu.memory_space<semaphore_mem>>)
    %slice3A_311 = vector.extract_strided_slice %get3A_182 {offsets = [7], sizes = [1], strides = [1]} : vector<16xi32> to vector<1xi32>
    %squeeze3A_312 = vector.extract %slice3A_311[0] : i32 from vector<1xi32>
    %shift_right_arithmetic3A_313 = arith.constant 7 : i32
    %shift_right_arithmetic3A_314 = arith.shrsi %squeeze3A_312, %shift_right_arithmetic3A_313 : i32
    %mul3A_315 = arith.constant 128 : i32
    %mul3A_316 = arith.muli %shift_right_arithmetic3A_314, %mul3A_315 : i32
    %multiple_of3A_317 = tpu.assume_multiple %mul3A_316, 128 : i32
    %dma_start3A_318 = arith.constant 1 : i32
    %dma_start3A_319 = arith.constant 3 : i32
    %dma_start3A_320 = arith.constant 0 : i32
    %dma_start3A_321 = arith.constant 0 : i32
    %dma_start3A_322 = tpu.memref_slice %arg10[%dma_start3A_318, %dma_start3A_319, %dma_start3A_320, %dma_start3A_321] : memref<3x4x32x128xf32, #tpu.memory_space<vmem>> -> memref<1x1x32x128xf32, #tpu.memory_space<vmem>>
    %dma_start3A_323 = tpu.memref_squeeze %dma_start3A_322 : memref<1x1x32x128xf32, #tpu.memory_space<vmem>> -> memref<32x128xf32, #tpu.memory_space<vmem>>
    %dma_start3A_324 = arith.constant 0 : i32
    %dma_start3A_325 = tpu.memref_slice %arg4[%dma_start3A_324, %multiple_of3A_317] : memref<32x1000000xf32, #tpu.memory_space<hbm>> -> memref<32x128xf32, #tpu.memory_space<hbm>>
    %dma_start3A_326 = arith.constant 0 : i32
    %dma_start3A_327 = arith.constant 0 : i32
    %dma_start3A_328 = tpu.memref_slice %arg10[%dma_start3A_318, %dma_start3A_319, %dma_start3A_326, %dma_start3A_327] : memref<3x4x32x128xf32, #tpu.memory_space<vmem>> -> memref<1x1x32x128xf32, #tpu.memory_space<vmem>>
    %dma_start3A_329 = tpu.memref_squeeze %dma_start3A_328 : memref<1x1x32x128xf32, #tpu.memory_space<vmem>> -> memref<32x128xf32, #tpu.memory_space<vmem>>
    %dma_start3A_330 = arith.constant 0 : i32
    %dma_start3A_331 = tpu.memref_slice %arg4[%dma_start3A_330, %multiple_of3A_317] : memref<32x1000000xf32, #tpu.memory_space<hbm>> -> memref<32x128xf32, #tpu.memory_space<hbm>>
    tpu.enqueue_dma source(%dma_start3A_331 : memref<32x128xf32, #tpu.memory_space<hbm>>) target(%dma_start3A_329 : memref<32x128xf32, #tpu.memory_space<vmem>>) target_semaphore(%arg15 : memref<!tpu.dma_semaphore, #tpu.memory_space<semaphore_mem>>)
    %slice3A_332 = vector.extract_strided_slice %get3A_184 {offsets = [7], sizes = [1], strides = [1]} : vector<16xi32> to vector<1xi32>
    %squeeze3A_333 = vector.extract %slice3A_332[0] : i32 from vector<1xi32>
    %shift_right_arithmetic3A_334 = arith.constant 7 : i32
    %shift_right_arithmetic3A_335 = arith.shrsi %squeeze3A_333, %shift_right_arithmetic3A_334 : i32
    %mul3A_336 = arith.constant 128 : i32
    %mul3A_337 = arith.muli %shift_right_arithmetic3A_335, %mul3A_336 : i32
    %multiple_of3A_338 = tpu.assume_multiple %mul3A_337, 128 : i32
    %dma_start3A_339 = arith.constant 1 : i32
    %dma_start3A_340 = arith.constant 3 : i32
    %dma_start3A_341 = arith.constant 0 : i32
    %dma_start3A_342 = arith.constant 0 : i32
    %dma_start3A_343 = tpu.memref_slice %arg11[%dma_start3A_339, %dma_start3A_340, %dma_start3A_341, %dma_start3A_342] : memref<3x4x32x128xf32, #tpu.memory_space<vmem>> -> memref<1x1x32x128xf32, #tpu.memory_space<vmem>>
    %dma_start3A_344 = tpu.memref_squeeze %dma_start3A_343 : memref<1x1x32x128xf32, #tpu.memory_space<vmem>> -> memref<32x128xf32, #tpu.memory_space<vmem>>
    %dma_start3A_345 = arith.constant 0 : i32
    %dma_start3A_346 = tpu.memref_slice %arg5[%dma_start3A_345, %multiple_of3A_338] : memref<32x1000000xf32, #tpu.memory_space<hbm>> -> memref<32x128xf32, #tpu.memory_space<hbm>>
    %dma_start3A_347 = arith.constant 0 : i32
    %dma_start3A_348 = arith.constant 0 : i32
    %dma_start3A_349 = tpu.memref_slice %arg11[%dma_start3A_339, %dma_start3A_340, %dma_start3A_347, %dma_start3A_348] : memref<3x4x32x128xf32, #tpu.memory_space<vmem>> -> memref<1x1x32x128xf32, #tpu.memory_space<vmem>>
    %dma_start3A_350 = tpu.memref_squeeze %dma_start3A_349 : memref<1x1x32x128xf32, #tpu.memory_space<vmem>> -> memref<32x128xf32, #tpu.memory_space<vmem>>
    %dma_start3A_351 = arith.constant 0 : i32
    %dma_start3A_352 = tpu.memref_slice %arg5[%dma_start3A_351, %multiple_of3A_338] : memref<32x1000000xf32, #tpu.memory_space<hbm>> -> memref<32x128xf32, #tpu.memory_space<hbm>>
    tpu.enqueue_dma source(%dma_start3A_352 : memref<32x128xf32, #tpu.memory_space<hbm>>) target(%dma_start3A_350 : memref<32x128xf32, #tpu.memory_space<vmem>>) target_semaphore(%arg16 : memref<!tpu.dma_semaphore, #tpu.memory_space<semaphore_mem>>)
    %scan3A = arith.constant 0 : i32
    %scan3A_353 = arith.constant 0 : i32
    %scan3A_354 = arith.constant 21 : i32
    %scan3A_355 = arith.addi %scan3A_353, %scan3A_354 : i32
    %scan3A_356 = arith.constant 1 : i32
    scf.for %scan3A_879 = %scan3A_353 to %scan3A_355 step %scan3A_356  : i32 {
      %mul3A_880 = arith.constant 6 : i32
      %mul3A_881 = arith.muli %scan3A_879, %mul3A_880 : i32
      %add3A_882 = arith.constant 0 : i32
      %add3A_883 = arith.addi %mul3A_881, %add3A_882 : i32
      %add3A_884 = arith.constant 2 : i32
      %add3A_885 = arith.addi %add3A_883, %add3A_884 : i32
      %lt3A = arith.constant 128 : i32
      %lt3A_886 = arith.cmpi slt, %add3A_885, %lt3A : i32
      %convert_element_type3A = arith.extui %lt3A_886 : i1 to i32
      %cond3A = arith.constant 0 : i32
      %cond3A_887 = arith.cmpi ne, %convert_element_type3A, %cond3A : i32
      scf.if %cond3A_887 {
        %shift_right_arithmetic3A_2499 = arith.constant 1 : i32
        %shift_right_arithmetic3A_2500 = arith.shrsi %add3A_885, %shift_right_arithmetic3A_2499 : i32
        %mul3A_2501 = arith.constant 8 : i32
        %mul3A_2502 = arith.muli %shift_right_arithmetic3A_2500, %mul3A_2501 : i32
        %multiple_of3A_2503 = tpu.assume_multiple %mul3A_2502, 8 : i32
        %get3A_2504 = arith.index_cast %multiple_of3A_2503 : i32 to index
        %get3A_2505 = tpu.vector_load %arg8[%get3A_2504] {strides = array<i32>} : memref<528xi32, #tpu.memory_space<vmem>>, vector<16xi32>,
        %get3A_2506 = arith.index_cast %multiple_of3A_2503 : i32 to index
        %get3A_2507 = tpu.vector_load %arg9[%get3A_2506] {strides = array<i32>} : memref<528xi32, #tpu.memory_space<vmem>>, vector<16xi32>,
        %slice3A_2508 = vector.extract_strided_slice %get3A_2505 {offsets = [0], sizes = [1], strides = [1]} : vector<16xi32> to vector<1xi32>
        %squeeze3A_2509 = vector.extract %slice3A_2508[0] : i32 from vector<1xi32>
        %shift_right_arithmetic3A_2510 = arith.constant 7 : i32
        %shift_right_arithmetic3A_2511 = arith.shrsi %squeeze3A_2509, %shift_right_arithmetic3A_2510 : i32
        %mul3A_2512 = arith.constant 128 : i32
        %mul3A_2513 = arith.muli %shift_right_arithmetic3A_2511, %mul3A_2512 : i32
        %multiple_of3A_2514 = tpu.assume_multiple %mul3A_2513, 128 : i32
        %dma_start3A_2515 = arith.constant 2 : i32
        %dma_start3A_2516 = arith.constant 0 : i32
        %dma_start3A_2517 = arith.constant 0 : i32
        %dma_start3A_2518 = arith.constant 0 : i32
        %dma_start3A_2519 = tpu.memref_slice %arg10[%dma_start3A_2515, %dma_start3A_2516, %dma_start3A_2517, %dma_start3A_2518] : memref<3x4x32x128xf32, #tpu.memory_space<vmem>> -> memref<1x1x32x128xf32, #tpu.memory_space<vmem>>
        %dma_start3A_2520 = tpu.memref_squeeze %dma_start3A_2519 : memref<1x1x32x128xf32, #tpu.memory_space<vmem>> -> memref<32x128xf32, #tpu.memory_space<vmem>>
        %dma_start3A_2521 = arith.constant 0 : i32
        %dma_start3A_2522 = tpu.memref_slice %arg4[%dma_start3A_2521, %multiple_of3A_2514] : memref<32x1000000xf32, #tpu.memory_space<hbm>> -> memref<32x128xf32, #tpu.memory_space<hbm>>
        %dma_start3A_2523 = arith.constant 0 : i32
        %dma_start3A_2524 = arith.constant 0 : i32
        %dma_start3A_2525 = tpu.memref_slice %arg10[%dma_start3A_2515, %dma_start3A_2516, %dma_start3A_2523, %dma_start3A_2524] : memref<3x4x32x128xf32, #tpu.memory_space<vmem>> -> memref<1x1x32x128xf32, #tpu.memory_space<vmem>>
        %dma_start3A_2526 = tpu.memref_squeeze %dma_start3A_2525 : memref<1x1x32x128xf32, #tpu.memory_space<vmem>> -> memref<32x128xf32, #tpu.memory_space<vmem>>
        %dma_start3A_2527 = arith.constant 0 : i32
        %dma_start3A_2528 = tpu.memref_slice %arg4[%dma_start3A_2527, %multiple_of3A_2514] : memref<32x1000000xf32, #tpu.memory_space<hbm>> -> memref<32x128xf32, #tpu.memory_space<hbm>>
        tpu.enqueue_dma source(%dma_start3A_2528 : memref<32x128xf32, #tpu.memory_space<hbm>>) target(%dma_start3A_2526 : memref<32x128xf32, #tpu.memory_space<vmem>>) target_semaphore(%arg15 : memref<!tpu.dma_semaphore, #tpu.memory_space<semaphore_mem>>)
        %slice3A_2529 = vector.extract_strided_slice %get3A_2507 {offsets = [0], sizes = [1], strides = [1]} : vector<16xi32> to vector<1xi32>
        %squeeze3A_2530 = vector.extract %slice3A_2529[0] : i32 from vector<1xi32>
        %shift_right_arithmetic3A_2531 = arith.constant 7 : i32
        %shift_right_arithmetic3A_2532 = arith.shrsi %squeeze3A_2530, %shift_right_arithmetic3A_2531 : i32
        %mul3A_2533 = arith.constant 128 : i32
        %mul3A_2534 = arith.muli %shift_right_arithmetic3A_2532, %mul3A_2533 : i32
        %multiple_of3A_2535 = tpu.assume_multiple %mul3A_2534, 128 : i32
        %dma_start3A_2536 = arith.constant 2 : i32
        %dma_start3A_2537 = arith.constant 0 : i32
        %dma_start3A_2538 = arith.constant 0 : i32
        %dma_start3A_2539 = arith.constant 0 : i32
        %dma_start3A_2540 = tpu.memref_slice %arg11[%dma_start3A_2536, %dma_start3A_2537, %dma_start3A_2538, %dma_start3A_2539] : memref<3x4x32x128xf32, #tpu.memory_space<vmem>> -> memref<1x1x32x128xf32, #tpu.memory_space<vmem>>
        %dma_start3A_2541 = tpu.memref_squeeze %dma_start3A_2540 : memref<1x1x32x128xf32, #tpu.memory_space<vmem>> -> memref<32x128xf32, #tpu.memory_space<vmem>>
        %dma_start3A_2542 = arith.constant 0 : i32
        %dma_start3A_2543 = tpu.memref_slice %arg5[%dma_start3A_2542, %multiple_of3A_2535] : memref<32x1000000xf32, #tpu.memory_space<hbm>> -> memref<32x128xf32, #tpu.memory_space<hbm>>
        %dma_start3A_2544 = arith.constant 0 : i32
        %dma_start3A_2545 = arith.constant 0 : i32
        %dma_start3A_2546 = tpu.memref_slice %arg11[%dma_start3A_2536, %dma_start3A_2537, %dma_start3A_2544, %dma_start3A_2545] : memref<3x4x32x128xf32, #tpu.memory_space<vmem>> -> memref<1x1x32x128xf32, #tpu.memory_space<vmem>>
        %dma_start3A_2547 = tpu.memref_squeeze %dma_start3A_2546 : memref<1x1x32x128xf32, #tpu.memory_space<vmem>> -> memref<32x128xf32, #tpu.memory_space<vmem>>
        %dma_start3A_2548 = arith.constant 0 : i32
        %dma_start3A_2549 = tpu.memref_slice %arg5[%dma_start3A_2548, %multiple_of3A_2535] : memref<32x1000000xf32, #tpu.memory_space<hbm>> -> memref<32x128xf32, #tpu.memory_space<hbm>>
        tpu.enqueue_dma source(%dma_start3A_2549 : memref<32x128xf32, #tpu.memory_space<hbm>>) target(%dma_start3A_2547 : memref<32x128xf32, #tpu.memory_space<vmem>>) target_semaphore(%arg16 : memref<!tpu.dma_semaphore, #tpu.memory_space<semaphore_mem>>)
        %slice3A_2550 = vector.extract_strided_slice %get3A_2505 {offsets = [1], sizes = [1], strides = [1]} : vector<16xi32> to vector<1xi32>
        %squeeze3A_2551 = vector.extract %slice3A_2550[0] : i32 from vector<1xi32>
        %shift_right_arithmetic3A_2552 = arith.constant 7 : i32
        %shift_right_arithmetic3A_2553 = arith.shrsi %squeeze3A_2551, %shift_right_arithmetic3A_2552 : i32
        %mul3A_2554 = arith.constant 128 : i32
        %mul3A_2555 = arith.muli %shift_right_arithmetic3A_2553, %mul3A_2554 : i32
        %multiple_of3A_2556 = tpu.assume_multiple %mul3A_2555, 128 : i32
        %dma_start3A_2557 = arith.constant 2 : i32
        %dma_start3A_2558 = arith.constant 1 : i32
        %dma_start3A_2559 = arith.constant 0 : i32
        %dma_start3A_2560 = arith.constant 0 : i32
        %dma_start3A_2561 = tpu.memref_slice %arg10[%dma_start3A_2557, %dma_start3A_2558, %dma_start3A_2559, %dma_start3A_2560] : memref<3x4x32x128xf32, #tpu.memory_space<vmem>> -> memref<1x1x32x128xf32, #tpu.memory_space<vmem>>
        %dma_start3A_2562 = tpu.memref_squeeze %dma_start3A_2561 : memref<1x1x32x128xf32, #tpu.memory_space<vmem>> -> memref<32x128xf32, #tpu.memory_space<vmem>>
        %dma_start3A_2563 = arith.constant 0 : i32
        %dma_start3A_2564 = tpu.memref_slice %arg4[%dma_start3A_2563, %multiple_of3A_2556] : memref<32x1000000xf32, #tpu.memory_space<hbm>> -> memref<32x128xf32, #tpu.memory_space<hbm>>
        %dma_start3A_2565 = arith.constant 0 : i32
        %dma_start3A_2566 = arith.constant 0 : i32
        %dma_start3A_2567 = tpu.memref_slice %arg10[%dma_start3A_2557, %dma_start3A_2558, %dma_start3A_2565, %dma_start3A_2566] : memref<3x4x32x128xf32, #tpu.memory_space<vmem>> -> memref<1x1x32x128xf32, #tpu.memory_space<vmem>>
        %dma_start3A_2568 = tpu.memref_squeeze %dma_start3A_2567 : memref<1x1x32x128xf32, #tpu.memory_space<vmem>> -> memref<32x128xf32, #tpu.memory_space<vmem>>
        %dma_start3A_2569 = arith.constant 0 : i32
        %dma_start3A_2570 = tpu.memref_slice %arg4[%dma_start3A_2569, %multiple_of3A_2556] : memref<32x1000000xf32, #tpu.memory_space<hbm>> -> memref<32x128xf32, #tpu.memory_space<hbm>>
        tpu.enqueue_dma source(%dma_start3A_2570 : memref<32x128xf32, #tpu.memory_space<hbm>>) target(%dma_start3A_2568 : memref<32x128xf32, #tpu.memory_space<vmem>>) target_semaphore(%arg15 : memref<!tpu.dma_semaphore, #tpu.memory_space<semaphore_mem>>)
        %slice3A_2571 = vector.extract_strided_slice %get3A_2507 {offsets = [1], sizes = [1], strides = [1]} : vector<16xi32> to vector<1xi32>
        %squeeze3A_2572 = vector.extract %slice3A_2571[0] : i32 from vector<1xi32>
        %shift_right_arithmetic3A_2573 = arith.constant 7 : i32
        %shift_right_arithmetic3A_2574 = arith.shrsi %squeeze3A_2572, %shift_right_arithmetic3A_2573 : i32
        %mul3A_2575 = arith.constant 128 : i32
        %mul3A_2576 = arith.muli %shift_right_arithmetic3A_2574, %mul3A_2575 : i32
        %multiple_of3A_2577 = tpu.assume_multiple %mul3A_2576, 128 : i32
        %dma_start3A_2578 = arith.constant 2 : i32
        %dma_start3A_2579 = arith.constant 1 : i32
        %dma_start3A_2580 = arith.constant 0 : i32
        %dma_start3A_2581 = arith.constant 0 : i32
        %dma_start3A_2582 = tpu.memref_slice %arg11[%dma_start3A_2578, %dma_start3A_2579, %dma_start3A_2580, %dma_start3A_2581] : memref<3x4x32x128xf32, #tpu.memory_space<vmem>> -> memref<1x1x32x128xf32, #tpu.memory_space<vmem>>
        %dma_start3A_2583 = tpu.memref_squeeze %dma_start3A_2582 : memref<1x1x32x128xf32, #tpu.memory_space<vmem>> -> memref<32x128xf32, #tpu.memory_space<vmem>>
        %dma_start3A_2584 = arith.constant 0 : i32
        %dma_start3A_2585 = tpu.memref_slice %arg5[%dma_start3A_2584, %multiple_of3A_2577] : memref<32x1000000xf32, #tpu.memory_space<hbm>> -> memref<32x128xf32, #tpu.memory_space<hbm>>
        %dma_start3A_2586 = arith.constant 0 : i32
        %dma_start3A_2587 = arith.constant 0 : i32
        %dma_start3A_2588 = tpu.memref_slice %arg11[%dma_start3A_2578, %dma_start3A_2579, %dma_start3A_2586, %dma_start3A_2587] : memref<3x4x32x128xf32, #tpu.memory_space<vmem>> -> memref<1x1x32x128xf32, #tpu.memory_space<vmem>>
        %dma_start3A_2589 = tpu.memref_squeeze %dma_start3A_2588 : memref<1x1x32x128xf32, #tpu.memory_space<vmem>> -> memref<32x128xf32, #tpu.memory_space<vmem>>
        %dma_start3A_2590 = arith.constant 0 : i32
        %dma_start3A_2591 = tpu.memref_slice %arg5[%dma_start3A_2590, %multiple_of3A_2577] : memref<32x1000000xf32, #tpu.memory_space<hbm>> -> memref<32x128xf32, #tpu.memory_space<hbm>>
        tpu.enqueue_dma source(%dma_start3A_2591 : memref<32x128xf32, #tpu.memory_space<hbm>>) target(%dma_start3A_2589 : memref<32x128xf32, #tpu.memory_space<vmem>>) target_semaphore(%arg16 : memref<!tpu.dma_semaphore, #tpu.memory_space<semaphore_mem>>)
        %slice3A_2592 = vector.extract_strided_slice %get3A_2505 {offsets = [2], sizes = [1], strides = [1]} : vector<16xi32> to vector<1xi32>
        %squeeze3A_2593 = vector.extract %slice3A_2592[0] : i32 from vector<1xi32>
        %shift_right_arithmetic3A_2594 = arith.constant 7 : i32
        %shift_right_arithmetic3A_2595 = arith.shrsi %squeeze3A_2593, %shift_right_arithmetic3A_2594 : i32
        %mul3A_2596 = arith.constant 128 : i32
        %mul3A_2597 = arith.muli %shift_right_arithmetic3A_2595, %mul3A_2596 : i32
        %multiple_of3A_2598 = tpu.assume_multiple %mul3A_2597, 128 : i32
        %dma_start3A_2599 = arith.constant 2 : i32
        %dma_start3A_2600 = arith.constant 2 : i32
        %dma_start3A_2601 = arith.constant 0 : i32
        %dma_start3A_2602 = arith.constant 0 : i32
        %dma_start3A_2603 = tpu.memref_slice %arg10[%dma_start3A_2599, %dma_start3A_2600, %dma_start3A_2601, %dma_start3A_2602] : memref<3x4x32x128xf32, #tpu.memory_space<vmem>> -> memref<1x1x32x128xf32, #tpu.memory_space<vmem>>
        %dma_start3A_2604 = tpu.memref_squeeze %dma_start3A_2603 : memref<1x1x32x128xf32, #tpu.memory_space<vmem>> -> memref<32x128xf32, #tpu.memory_space<vmem>>
        %dma_start3A_2605 = arith.constant 0 : i32
        %dma_start3A_2606 = tpu.memref_slice %arg4[%dma_start3A_2605, %multiple_of3A_2598] : memref<32x1000000xf32, #tpu.memory_space<hbm>> -> memref<32x128xf32, #tpu.memory_space<hbm>>
        %dma_start3A_2607 = arith.constant 0 : i32
        %dma_start3A_2608 = arith.constant 0 : i32
        %dma_start3A_2609 = tpu.memref_slice %arg10[%dma_start3A_2599, %dma_start3A_2600, %dma_start3A_2607, %dma_start3A_2608] : memref<3x4x32x128xf32, #tpu.memory_space<vmem>> -> memref<1x1x32x128xf32, #tpu.memory_space<vmem>>
        %dma_start3A_2610 = tpu.memref_squeeze %dma_start3A_2609 : memref<1x1x32x128xf32, #tpu.memory_space<vmem>> -> memref<32x128xf32, #tpu.memory_space<vmem>>
        %dma_start3A_2611 = arith.constant 0 : i32
        %dma_start3A_2612 = tpu.memref_slice %arg4[%dma_start3A_2611, %multiple_of3A_2598] : memref<32x1000000xf32, #tpu.memory_space<hbm>> -> memref<32x128xf32, #tpu.memory_space<hbm>>
        tpu.enqueue_dma source(%dma_start3A_2612 : memref<32x128xf32, #tpu.memory_space<hbm>>) target(%dma_start3A_2610 : memref<32x128xf32, #tpu.memory_space<vmem>>) target_semaphore(%arg15 : memref<!tpu.dma_semaphore, #tpu.memory_space<semaphore_mem>>)
        %slice3A_2613 = vector.extract_strided_slice %get3A_2507 {offsets = [2], sizes = [1], strides = [1]} : vector<16xi32> to vector<1xi32>
        %squeeze3A_2614 = vector.extract %slice3A_2613[0] : i32 from vector<1xi32>
        %shift_right_arithmetic3A_2615 = arith.constant 7 : i32
        %shift_right_arithmetic3A_2616 = arith.shrsi %squeeze3A_2614, %shift_right_arithmetic3A_2615 : i32
        %mul3A_2617 = arith.constant 128 : i32
        %mul3A_2618 = arith.muli %shift_right_arithmetic3A_2616, %mul3A_2617 : i32
        %multiple_of3A_2619 = tpu.assume_multiple %mul3A_2618, 128 : i32
        %dma_start3A_2620 = arith.constant 2 : i32
        %dma_start3A_2621 = arith.constant 2 : i32
        %dma_start3A_2622 = arith.constant 0 : i32
        %dma_start3A_2623 = arith.constant 0 : i32
        %dma_start3A_2624 = tpu.memref_slice %arg11[%dma_start3A_2620, %dma_start3A_2621, %dma_start3A_2622, %dma_start3A_2623] : memref<3x4x32x128xf32, #tpu.memory_space<vmem>> -> memref<1x1x32x128xf32, #tpu.memory_space<vmem>>
        %dma_start3A_2625 = tpu.memref_squeeze %dma_start3A_2624 : memref<1x1x32x128xf32, #tpu.memory_space<vmem>> -> memref<32x128xf32, #tpu.memory_space<vmem>>
        %dma_start3A_2626 = arith.constant 0 : i32
        %dma_start3A_2627 = tpu.memref_slice %arg5[%dma_start3A_2626, %multiple_of3A_2619] : memref<32x1000000xf32, #tpu.memory_space<hbm>> -> memref<32x128xf32, #tpu.memory_space<hbm>>
        %dma_start3A_2628 = arith.constant 0 : i32
        %dma_start3A_2629 = arith.constant 0 : i32
        %dma_start3A_2630 = tpu.memref_slice %arg11[%dma_start3A_2620, %dma_start3A_2621, %dma_start3A_2628, %dma_start3A_2629] : memref<3x4x32x128xf32, #tpu.memory_space<vmem>> -> memref<1x1x32x128xf32, #tpu.memory_space<vmem>>
        %dma_start3A_2631 = tpu.memref_squeeze %dma_start3A_2630 : memref<1x1x32x128xf32, #tpu.memory_space<vmem>> -> memref<32x128xf32, #tpu.memory_space<vmem>>
        %dma_start3A_2632 = arith.constant 0 : i32
        %dma_start3A_2633 = tpu.memref_slice %arg5[%dma_start3A_2632, %multiple_of3A_2619] : memref<32x1000000xf32, #tpu.memory_space<hbm>> -> memref<32x128xf32, #tpu.memory_space<hbm>>
        tpu.enqueue_dma source(%dma_start3A_2633 : memref<32x128xf32, #tpu.memory_space<hbm>>) target(%dma_start3A_2631 : memref<32x128xf32, #tpu.memory_space<vmem>>) target_semaphore(%arg16 : memref<!tpu.dma_semaphore, #tpu.memory_space<semaphore_mem>>)
        %slice3A_2634 = vector.extract_strided_slice %get3A_2505 {offsets = [3], sizes = [1], strides = [1]} : vector<16xi32> to vector<1xi32>
        %squeeze3A_2635 = vector.extract %slice3A_2634[0] : i32 from vector<1xi32>
        %shift_right_arithmetic3A_2636 = arith.constant 7 : i32
        %shift_right_arithmetic3A_2637 = arith.shrsi %squeeze3A_2635, %shift_right_arithmetic3A_2636 : i32
        %mul3A_2638 = arith.constant 128 : i32
        %mul3A_2639 = arith.muli %shift_right_arithmetic3A_2637, %mul3A_2638 : i32
        %multiple_of3A_2640 = tpu.assume_multiple %mul3A_2639, 128 : i32
        %dma_start3A_2641 = arith.constant 2 : i32
        %dma_start3A_2642 = arith.constant 3 : i32
        %dma_start3A_2643 = arith.constant 0 : i32
        %dma_start3A_2644 = arith.constant 0 : i32
        %dma_start3A_2645 = tpu.memref_slice %arg10[%dma_start3A_2641, %dma_start3A_2642, %dma_start3A_2643, %dma_start3A_2644] : memref<3x4x32x128xf32, #tpu.memory_space<vmem>> -> memref<1x1x32x128xf32, #tpu.memory_space<vmem>>
        %dma_start3A_2646 = tpu.memref_squeeze %dma_start3A_2645 : memref<1x1x32x128xf32, #tpu.memory_space<vmem>> -> memref<32x128xf32, #tpu.memory_space<vmem>>
        %dma_start3A_2647 = arith.constant 0 : i32
        %dma_start3A_2648 = tpu.memref_slice %arg4[%dma_start3A_2647, %multiple_of3A_2640] : memref<32x1000000xf32, #tpu.memory_space<hbm>> -> memref<32x128xf32, #tpu.memory_space<hbm>>
        %dma_start3A_2649 = arith.constant 0 : i32
        %dma_start3A_2650 = arith.constant 0 : i32
        %dma_start3A_2651 = tpu.memref_slice %arg10[%dma_start3A_2641, %dma_start3A_2642, %dma_start3A_2649, %dma_start3A_2650] : memref<3x4x32x128xf32, #tpu.memory_space<vmem>> -> memref<1x1x32x128xf32, #tpu.memory_space<vmem>>
        %dma_start3A_2652 = tpu.memref_squeeze %dma_start3A_2651 : memref<1x1x32x128xf32, #tpu.memory_space<vmem>> -> memref<32x128xf32, #tpu.memory_space<vmem>>
        %dma_start3A_2653 = arith.constant 0 : i32
        %dma_start3A_2654 = tpu.memref_slice %arg4[%dma_start3A_2653, %multiple_of3A_2640] : memref<32x1000000xf32, #tpu.memory_space<hbm>> -> memref<32x128xf32, #tpu.memory_space<hbm>>
        tpu.enqueue_dma source(%dma_start3A_2654 : memref<32x128xf32, #tpu.memory_space<hbm>>) target(%dma_start3A_2652 : memref<32x128xf32, #tpu.memory_space<vmem>>) target_semaphore(%arg15 : memref<!tpu.dma_semaphore, #tpu.memory_space<semaphore_mem>>)
        %slice3A_2655 = vector.extract_strided_slice %get3A_2507 {offsets = [3], sizes = [1], strides = [1]} : vector<16xi32> to vector<1xi32>
        %squeeze3A_2656 = vector.extract %slice3A_2655[0] : i32 from vector<1xi32>
        %shift_right_arithmetic3A_2657 = arith.constant 7 : i32
        %shift_right_arithmetic3A_2658 = arith.shrsi %squeeze3A_2656, %shift_right_arithmetic3A_2657 : i32
        %mul3A_2659 = arith.constant 128 : i32
        %mul3A_2660 = arith.muli %shift_right_arithmetic3A_2658, %mul3A_2659 : i32
        %multiple_of3A_2661 = tpu.assume_multiple %mul3A_2660, 128 : i32
        %dma_start3A_2662 = arith.constant 2 : i32
        %dma_start3A_2663 = arith.constant 3 : i32
        %dma_start3A_2664 = arith.constant 0 : i32
        %dma_start3A_2665 = arith.constant 0 : i32
        %dma_start3A_2666 = tpu.memref_slice %arg11[%dma_start3A_2662, %dma_start3A_2663, %dma_start3A_2664, %dma_start3A_2665] : memref<3x4x32x128xf32, #tpu.memory_space<vmem>> -> memref<1x1x32x128xf32, #tpu.memory_space<vmem>>
        %dma_start3A_2667 = tpu.memref_squeeze %dma_start3A_2666 : memref<1x1x32x128xf32, #tpu.memory_space<vmem>> -> memref<32x128xf32, #tpu.memory_space<vmem>>
        %dma_start3A_2668 = arith.constant 0 : i32
        %dma_start3A_2669 = tpu.memref_slice %arg5[%dma_start3A_2668, %multiple_of3A_2661] : memref<32x1000000xf32, #tpu.memory_space<hbm>> -> memref<32x128xf32, #tpu.memory_space<hbm>>
        %dma_start3A_2670 = arith.constant 0 : i32
        %dma_start3A_2671 = arith.constant 0 : i32
        %dma_start3A_2672 = tpu.memref_slice %arg11[%dma_start3A_2662, %dma_start3A_2663, %dma_start3A_2670, %dma_start3A_2671] : memref<3x4x32x128xf32, #tpu.memory_space<vmem>> -> memref<1x1x32x128xf32, #tpu.memory_space<vmem>>
        %dma_start3A_2673 = tpu.memref_squeeze %dma_start3A_2672 : memref<1x1x32x128xf32, #tpu.memory_space<vmem>> -> memref<32x128xf32, #tpu.memory_space<vmem>>
        %dma_start3A_2674 = arith.constant 0 : i32
        %dma_start3A_2675 = tpu.memref_slice %arg5[%dma_start3A_2674, %multiple_of3A_2661] : memref<32x1000000xf32, #tpu.memory_space<hbm>> -> memref<32x128xf32, #tpu.memory_space<hbm>>
        tpu.enqueue_dma source(%dma_start3A_2675 : memref<32x128xf32, #tpu.memory_space<hbm>>) target(%dma_start3A_2673 : memref<32x128xf32, #tpu.memory_space<vmem>>) target_semaphore(%arg16 : memref<!tpu.dma_semaphore, #tpu.memory_space<semaphore_mem>>)
      } else {
      }
      %dma_wait3A_888 = arith.constant 0 : i32
      %dma_wait3A_889 = arith.constant 0 : i32
      %dma_wait3A_890 = arith.constant 0 : i32
      %dma_wait3A_891 = arith.constant 0 : i32
      %dma_wait3A_892 = tpu.memref_slice %arg10[%dma_wait3A_888, %dma_wait3A_889, %dma_wait3A_890, %dma_wait3A_891] : memref<3x4x32x128xf32, #tpu.memory_space<vmem>> -> memref<1x1x32x128xf32, #tpu.memory_space<vmem>>
      %dma_wait3A_893 = tpu.memref_squeeze %dma_wait3A_892 : memref<1x1x32x128xf32, #tpu.memory_space<vmem>> -> memref<32x128xf32, #tpu.memory_space<vmem>>
      %dma_wait3A_894 = arith.constant 0 : i32
      %dma_wait3A_895 = arith.constant 0 : i32
      %dma_wait3A_896 = tpu.memref_slice %arg4[%dma_wait3A_894, %dma_wait3A_895] : memref<32x1000000xf32, #tpu.memory_space<hbm>> -> memref<32x128xf32, #tpu.memory_space<hbm>>
      %dma_wait3A_897 = arith.constant 0 : i32
      %dma_wait3A_898 = arith.constant 0 : i32
      %dma_wait3A_899 = tpu.memref_slice %arg10[%dma_wait3A_888, %dma_wait3A_889, %dma_wait3A_897, %dma_wait3A_898] : memref<3x4x32x128xf32, #tpu.memory_space<vmem>> -> memref<1x1x32x128xf32, #tpu.memory_space<vmem>>
      %dma_wait3A_900 = tpu.memref_squeeze %dma_wait3A_899 : memref<1x1x32x128xf32, #tpu.memory_space<vmem>> -> memref<32x128xf32, #tpu.memory_space<vmem>>
      %dma_wait3A_901 = arith.constant 0 : i32
      %dma_wait3A_902 = arith.constant 0 : i32
      %dma_wait3A_903 = tpu.memref_slice %arg4[%dma_wait3A_901, %dma_wait3A_902] : memref<32x1000000xf32, #tpu.memory_space<hbm>> -> memref<32x128xf32, #tpu.memory_space<hbm>>
      tpu.wait_dma2 semaphore(%arg15 : memref<!tpu.dma_semaphore, #tpu.memory_space<semaphore_mem>>) src(%dma_wait3A_903 : memref<32x128xf32, #tpu.memory_space<hbm>>) dst(%dma_wait3A_900 : memref<32x128xf32, #tpu.memory_space<vmem>>)
      %dma_wait3A_904 = arith.constant 0 : i32
      %dma_wait3A_905 = arith.constant 0 : i32
      %dma_wait3A_906 = arith.constant 0 : i32
      %dma_wait3A_907 = arith.constant 0 : i32
      %dma_wait3A_908 = tpu.memref_slice %arg11[%dma_wait3A_904, %dma_wait3A_905, %dma_wait3A_906, %dma_wait3A_907] : memref<3x4x32x128xf32, #tpu.memory_space<vmem>> -> memref<1x1x32x128xf32, #tpu.memory_space<vmem>>
      %dma_wait3A_909 = tpu.memref_squeeze %dma_wait3A_908 : memref<1x1x32x128xf32, #tpu.memory_space<vmem>> -> memref<32x128xf32, #tpu.memory_space<vmem>>
      %dma_wait3A_910 = arith.constant 0 : i32
      %dma_wait3A_911 = arith.constant 0 : i32
      %dma_wait3A_912 = tpu.memref_slice %arg5[%dma_wait3A_910, %dma_wait3A_911] : memref<32x1000000xf32, #tpu.memory_space<hbm>> -> memref<32x128xf32, #tpu.memory_space<hbm>>
      %dma_wait3A_913 = arith.constant 0 : i32
      %dma_wait3A_914 = arith.constant 0 : i32
      %dma_wait3A_915 = tpu.memref_slice %arg11[%dma_wait3A_904, %dma_wait3A_905, %dma_wait3A_913, %dma_wait3A_914] : memref<3x4x32x128xf32, #tpu.memory_space<vmem>> -> memref<1x1x32x128xf32, #tpu.memory_space<vmem>>
      %dma_wait3A_916 = tpu.memref_squeeze %dma_wait3A_915 : memref<1x1x32x128xf32, #tpu.memory_space<vmem>> -> memref<32x128xf32, #tpu.memory_space<vmem>>
      %dma_wait3A_917 = arith.constant 0 : i32
      %dma_wait3A_918 = arith.constant 0 : i32
      %dma_wait3A_919 = tpu.memref_slice %arg5[%dma_wait3A_917, %dma_wait3A_918] : memref<32x1000000xf32, #tpu.memory_space<hbm>> -> memref<32x128xf32, #tpu.memory_space<hbm>>
      tpu.wait_dma2 semaphore(%arg16 : memref<!tpu.dma_semaphore, #tpu.memory_space<semaphore_mem>>) src(%dma_wait3A_919 : memref<32x128xf32, #tpu.memory_space<hbm>>) dst(%dma_wait3A_916 : memref<32x128xf32, #tpu.memory_space<vmem>>)
      %dma_wait3A_920 = arith.constant 0 : i32
      %dma_wait3A_921 = arith.constant 0 : i32
      %dma_wait3A_922 = arith.constant 0 : i32
      %dma_wait3A_923 = arith.constant 0 : i32
      %dma_wait3A_924 = tpu.memref_slice %arg10[%dma_wait3A_920, %dma_wait3A_921, %dma_wait3A_922, %dma_wait3A_923] : memref<3x4x32x128xf32, #tpu.memory_space<vmem>> -> memref<1x1x32x128xf32, #tpu.memory_space<vmem>>
      %dma_wait3A_925 = tpu.memref_squeeze %dma_wait3A_924 : memref<1x1x32x128xf32, #tpu.memory_space<vmem>> -> memref<32x128xf32, #tpu.memory_space<vmem>>
      %dma_wait3A_926 = arith.constant 0 : i32
      %dma_wait3A_927 = arith.constant 0 : i32
      %dma_wait3A_928 = tpu.memref_slice %arg4[%dma_wait3A_926, %dma_wait3A_927] : memref<32x1000000xf32, #tpu.memory_space<hbm>> -> memref<32x128xf32, #tpu.memory_space<hbm>>
      %dma_wait3A_929 = arith.constant 0 : i32
      %dma_wait3A_930 = arith.constant 0 : i32
      %dma_wait3A_931 = tpu.memref_slice %arg10[%dma_wait3A_920, %dma_wait3A_921, %dma_wait3A_929, %dma_wait3A_930] : memref<3x4x32x128xf32, #tpu.memory_space<vmem>> -> memref<1x1x32x128xf32, #tpu.memory_space<vmem>>
      %dma_wait3A_932 = tpu.memref_squeeze %dma_wait3A_931 : memref<1x1x32x128xf32, #tpu.memory_space<vmem>> -> memref<32x128xf32, #tpu.memory_space<vmem>>
      %dma_wait3A_933 = arith.constant 0 : i32
      %dma_wait3A_934 = arith.constant 0 : i32
      %dma_wait3A_935 = tpu.memref_slice %arg4[%dma_wait3A_933, %dma_wait3A_934] : memref<32x1000000xf32, #tpu.memory_space<hbm>> -> memref<32x128xf32, #tpu.memory_space<hbm>>
      tpu.wait_dma2 semaphore(%arg15 : memref<!tpu.dma_semaphore, #tpu.memory_space<semaphore_mem>>) src(%dma_wait3A_935 : memref<32x128xf32, #tpu.memory_space<hbm>>) dst(%dma_wait3A_932 : memref<32x128xf32, #tpu.memory_space<vmem>>)
      %dma_wait3A_936 = arith.constant 0 : i32
      %dma_wait3A_937 = arith.constant 0 : i32
      %dma_wait3A_938 = arith.constant 0 : i32
      %dma_wait3A_939 = arith.constant 0 : i32
      %dma_wait3A_940 = tpu.memref_slice %arg11[%dma_wait3A_936, %dma_wait3A_937, %dma_wait3A_938, %dma_wait3A_939] : memref<3x4x32x128xf32, #tpu.memory_space<vmem>> -> memref<1x1x32x128xf32, #tpu.memory_space<vmem>>
      %dma_wait3A_941 = tpu.memref_squeeze %dma_wait3A_940 : memref<1x1x32x128xf32, #tpu.memory_space<vmem>> -> memref<32x128xf32, #tpu.memory_space<vmem>>
      %dma_wait3A_942 = arith.constant 0 : i32
      %dma_wait3A_943 = arith.constant 0 : i32
      %dma_wait3A_944 = tpu.memref_slice %arg5[%dma_wait3A_942, %dma_wait3A_943] : memref<32x1000000xf32, #tpu.memory_space<hbm>> -> memref<32x128xf32, #tpu.memory_space<hbm>>
      %dma_wait3A_945 = arith.constant 0 : i32
      %dma_wait3A_946 = arith.constant 0 : i32
      %dma_wait3A_947 = tpu.memref_slice %arg11[%dma_wait3A_936, %dma_wait3A_937, %dma_wait3A_945, %dma_wait3A_946] : memref<3x4x32x128xf32, #tpu.memory_space<vmem>> -> memref<1x1x32x128xf32, #tpu.memory_space<vmem>>
      %dma_wait3A_948 = tpu.memref_squeeze %dma_wait3A_947 : memref<1x1x32x128xf32, #tpu.memory_space<vmem>> -> memref<32x128xf32, #tpu.memory_space<vmem>>
      %dma_wait3A_949 = arith.constant 0 : i32
      %dma_wait3A_950 = arith.constant 0 : i32
      %dma_wait3A_951 = tpu.memref_slice %arg5[%dma_wait3A_949, %dma_wait3A_950] : memref<32x1000000xf32, #tpu.memory_space<hbm>> -> memref<32x128xf32, #tpu.memory_space<hbm>>
      tpu.wait_dma2 semaphore(%arg16 : memref<!tpu.dma_semaphore, #tpu.memory_space<semaphore_mem>>) src(%dma_wait3A_951 : memref<32x128xf32, #tpu.memory_space<hbm>>) dst(%dma_wait3A_948 : memref<32x128xf32, #tpu.memory_space<vmem>>)
      %dma_wait3A_952 = arith.constant 0 : i32
      %dma_wait3A_953 = arith.constant 0 : i32
      %dma_wait3A_954 = arith.constant 0 : i32
      %dma_wait3A_955 = arith.constant 0 : i32
      %dma_wait3A_956 = tpu.memref_slice %arg10[%dma_wait3A_952, %dma_wait3A_953, %dma_wait3A_954, %dma_wait3A_955] : memref<3x4x32x128xf32, #tpu.memory_space<vmem>> -> memref<1x1x32x128xf32, #tpu.memory_space<vmem>>
      %dma_wait3A_957 = tpu.memref_squeeze %dma_wait3A_956 : memref<1x1x32x128xf32, #tpu.memory_space<vmem>> -> memref<32x128xf32, #tpu.memory_space<vmem>>
      %dma_wait3A_958 = arith.constant 0 : i32
      %dma_wait3A_959 = arith.constant 0 : i32
      %dma_wait3A_960 = tpu.memref_slice %arg4[%dma_wait3A_958, %dma_wait3A_959] : memref<32x1000000xf32, #tpu.memory_space<hbm>> -> memref<32x128xf32, #tpu.memory_space<hbm>>
      %dma_wait3A_961 = arith.constant 0 : i32
      %dma_wait3A_962 = arith.constant 0 : i32
      %dma_wait3A_963 = tpu.memref_slice %arg10[%dma_wait3A_952, %dma_wait3A_953, %dma_wait3A_961, %dma_wait3A_962] : memref<3x4x32x128xf32, #tpu.memory_space<vmem>> -> memref<1x1x32x128xf32, #tpu.memory_space<vmem>>
      %dma_wait3A_964 = tpu.memref_squeeze %dma_wait3A_963 : memref<1x1x32x128xf32, #tpu.memory_space<vmem>> -> memref<32x128xf32, #tpu.memory_space<vmem>>
      %dma_wait3A_965 = arith.constant 0 : i32
      %dma_wait3A_966 = arith.constant 0 : i32
      %dma_wait3A_967 = tpu.memref_slice %arg4[%dma_wait3A_965, %dma_wait3A_966] : memref<32x1000000xf32, #tpu.memory_space<hbm>> -> memref<32x128xf32, #tpu.memory_space<hbm>>
      tpu.wait_dma2 semaphore(%arg15 : memref<!tpu.dma_semaphore, #tpu.memory_space<semaphore_mem>>) src(%dma_wait3A_967 : memref<32x128xf32, #tpu.memory_space<hbm>>) dst(%dma_wait3A_964 : memref<32x128xf32, #tpu.memory_space<vmem>>)
      %dma_wait3A_968 = arith.constant 0 : i32
      %dma_wait3A_969 = arith.constant 0 : i32
      %dma_wait3A_970 = arith.constant 0 : i32
      %dma_wait3A_971 = arith.constant 0 : i32
      %dma_wait3A_972 = tpu.memref_slice %arg11[%dma_wait3A_968, %dma_wait3A_969, %dma_wait3A_970, %dma_wait3A_971] : memref<3x4x32x128xf32, #tpu.memory_space<vmem>> -> memref<1x1x32x128xf32, #tpu.memory_space<vmem>>
      %dma_wait3A_973 = tpu.memref_squeeze %dma_wait3A_972 : memref<1x1x32x128xf32, #tpu.memory_space<vmem>> -> memref<32x128xf32, #tpu.memory_space<vmem>>
      %dma_wait3A_974 = arith.constant 0 : i32
      %dma_wait3A_975 = arith.constant 0 : i32
      %dma_wait3A_976 = tpu.memref_slice %arg5[%dma_wait3A_974, %dma_wait3A_975] : memref<32x1000000xf32, #tpu.memory_space<hbm>> -> memref<32x128xf32, #tpu.memory_space<hbm>>
      %dma_wait3A_977 = arith.constant 0 : i32
      %dma_wait3A_978 = arith.constant 0 : i32
      %dma_wait3A_979 = tpu.memref_slice %arg11[%dma_wait3A_968, %dma_wait3A_969, %dma_wait3A_977, %dma_wait3A_978] : memref<3x4x32x128xf32, #tpu.memory_space<vmem>> -> memref<1x1x32x128xf32, #tpu.memory_space<vmem>>
      %dma_wait3A_980 = tpu.memref_squeeze %dma_wait3A_979 : memref<1x1x32x128xf32, #tpu.memory_space<vmem>> -> memref<32x128xf32, #tpu.memory_space<vmem>>
      %dma_wait3A_981 = arith.constant 0 : i32
      %dma_wait3A_982 = arith.constant 0 : i32
      %dma_wait3A_983 = tpu.memref_slice %arg5[%dma_wait3A_981, %dma_wait3A_982] : memref<32x1000000xf32, #tpu.memory_space<hbm>> -> memref<32x128xf32, #tpu.memory_space<hbm>>
      tpu.wait_dma2 semaphore(%arg16 : memref<!tpu.dma_semaphore, #tpu.memory_space<semaphore_mem>>) src(%dma_wait3A_983 : memref<32x128xf32, #tpu.memory_space<hbm>>) dst(%dma_wait3A_980 : memref<32x128xf32, #tpu.memory_space<vmem>>)
      %dma_wait3A_984 = arith.constant 0 : i32
      %dma_wait3A_985 = arith.constant 0 : i32
      %dma_wait3A_986 = arith.constant 0 : i32
      %dma_wait3A_987 = arith.constant 0 : i32
      %dma_wait3A_988 = tpu.memref_slice %arg10[%dma_wait3A_984, %dma_wait3A_985, %dma_wait3A_986, %dma_wait3A_987] : memref<3x4x32x128xf32, #tpu.memory_space<vmem>> -> memref<1x1x32x128xf32, #tpu.memory_space<vmem>>
      %dma_wait3A_989 = tpu.memref_squeeze %dma_wait3A_988 : memref<1x1x32x128xf32, #tpu.memory_space<vmem>> -> memref<32x128xf32, #tpu.memory_space<vmem>>
      %dma_wait3A_990 = arith.constant 0 : i32
      %dma_wait3A_991 = arith.constant 0 : i32
      %dma_wait3A_992 = tpu.memref_slice %arg4[%dma_wait3A_990, %dma_wait3A_991] : memref<32x1000000xf32, #tpu.memory_space<hbm>> -> memref<32x128xf32, #tpu.memory_space<hbm>>
      %dma_wait3A_993 = arith.constant 0 : i32
      %dma_wait3A_994 = arith.constant 0 : i32
      %dma_wait3A_995 = tpu.memref_slice %arg10[%dma_wait3A_984, %dma_wait3A_985, %dma_wait3A_993, %dma_wait3A_994] : memref<3x4x32x128xf32, #tpu.memory_space<vmem>> -> memref<1x1x32x128xf32, #tpu.memory_space<vmem>>
      %dma_wait3A_996 = tpu.memref_squeeze %dma_wait3A_995 : memref<1x1x32x128xf32, #tpu.memory_space<vmem>> -> memref<32x128xf32, #tpu.memory_space<vmem>>
      %dma_wait3A_997 = arith.constant 0 : i32
      %dma_wait3A_998 = arith.constant 0 : i32
      %dma_wait3A_999 = tpu.memref_slice %arg4[%dma_wait3A_997, %dma_wait3A_998] : memref<32x1000000xf32, #tpu.memory_space<hbm>> -> memref<32x128xf32, #tpu.memory_space<hbm>>
      tpu.wait_dma2 semaphore(%arg15 : memref<!tpu.dma_semaphore, #tpu.memory_space<semaphore_mem>>) src(%dma_wait3A_999 : memref<32x128xf32, #tpu.memory_space<hbm>>) dst(%dma_wait3A_996 : memref<32x128xf32, #tpu.memory_space<vmem>>)
      %dma_wait3A_1000 = arith.constant 0 : i32
      %dma_wait3A_1001 = arith.constant 0 : i32
      %dma_wait3A_1002 = arith.constant 0 : i32
      %dma_wait3A_1003 = arith.constant 0 : i32
      %dma_wait3A_1004 = tpu.memref_slice %arg11[%dma_wait3A_1000, %dma_wait3A_1001, %dma_wait3A_1002, %dma_wait3A_1003] : memref<3x4x32x128xf32, #tpu.memory_space<vmem>> -> memref<1x1x32x128xf32, #tpu.memory_space<vmem>>
      %dma_wait3A_1005 = tpu.memref_squeeze %dma_wait3A_1004 : memref<1x1x32x128xf32, #tpu.memory_space<vmem>> -> memref<32x128xf32, #tpu.memory_space<vmem>>
      %dma_wait3A_1006 = arith.constant 0 : i32
      %dma_wait3A_1007 = arith.constant 0 : i32
      %dma_wait3A_1008 = tpu.memref_slice %arg5[%dma_wait3A_1006, %dma_wait3A_1007] : memref<32x1000000xf32, #tpu.memory_space<hbm>> -> memref<32x128xf32, #tpu.memory_space<hbm>>
      %dma_wait3A_1009 = arith.constant 0 : i32
      %dma_wait3A_1010 = arith.constant 0 : i32
      %dma_wait3A_1011 = tpu.memref_slice %arg11[%dma_wait3A_1000, %dma_wait3A_1001, %dma_wait3A_1009, %dma_wait3A_1010] : memref<3x4x32x128xf32, #tpu.memory_space<vmem>> -> memref<1x1x32x128xf32, #tpu.memory_space<vmem>>
      %dma_wait3A_1012 = tpu.memref_squeeze %dma_wait3A_1011 : memref<1x1x32x128xf32, #tpu.memory_space<vmem>> -> memref<32x128xf32, #tpu.memory_space<vmem>>
      %dma_wait3A_1013 = arith.constant 0 : i32
      %dma_wait3A_1014 = arith.constant 0 : i32
      %dma_wait3A_1015 = tpu.memref_slice %arg5[%dma_wait3A_1013, %dma_wait3A_1014] : memref<32x1000000xf32, #tpu.memory_space<hbm>> -> memref<32x128xf32, #tpu.memory_space<hbm>>
      tpu.wait_dma2 semaphore(%arg16 : memref<!tpu.dma_semaphore, #tpu.memory_space<semaphore_mem>>) src(%dma_wait3A_1015 : memref<32x128xf32, #tpu.memory_space<hbm>>) dst(%dma_wait3A_1012 : memref<32x128xf32, #tpu.memory_space<vmem>>)
      %add3A_1016 = arith.constant 0 : i32
      %add3A_1017 = arith.addi %mul3A_881, %add3A_1016 : i32
      %shift_right_arithmetic3A_1018 = arith.constant 1 : i32
      %shift_right_arithmetic3A_1019 = arith.shrsi %add3A_1017, %shift_right_arithmetic3A_1018 : i32
      %mul3A_1020 = arith.constant 8 : i32
      %mul3A_1021 = arith.muli %shift_right_arithmetic3A_1019, %mul3A_1020 : i32
      %multiple_of3A_1022 = tpu.assume_multiple %mul3A_1021, 8 : i32
      %get3A_1023 = arith.index_cast %multiple_of3A_1022 : i32 to index
      %get3A_1024 = tpu.vector_load %arg8[%get3A_1023] {strides = array<i32>} : memref<528xi32, #tpu.memory_space<vmem>>, vector<16xi32>,
      %get3A_1025 = arith.index_cast %multiple_of3A_1022 : i32 to index
      %get3A_1026 = tpu.vector_load %arg9[%get3A_1025] {strides = array<i32>} : memref<528xi32, #tpu.memory_space<vmem>>, vector<16xi32>,
      %broadcast_in_dim3A_1027 = arith.constant 0 : i32
      %broadcast_in_dim3A_1028 = vector.broadcast %broadcast_in_dim3A_1027 : i32 to vector<16xi32>
      %slice3A_1029 = vector.extract_strided_slice %get3A_1024 {offsets = [0], sizes = [1], strides = [1]} : vector<16xi32> to vector<1xi32>
      %squeeze3A_1030 = vector.extract %slice3A_1029[0] : i32 from vector<1xi32>
      %and3A_1031 = arith.constant 127 : i32
      %and3A_1032 = arith.andi %squeeze3A_1030, %and3A_1031 : i32
      %broadcast_in_dim3A_1033 = vector.broadcast %and3A_1032 : i32 to vector<16xi32>
      %slice3A_1034 = vector.extract_strided_slice %get3A_1026 {offsets = [0], sizes = [1], strides = [1]} : vector<16xi32> to vector<1xi32>
      %squeeze3A_1035 = vector.extract %slice3A_1034[0] : i32 from vector<1xi32>
      %and3A_1036 = arith.constant 127 : i32
      %and3A_1037 = arith.andi %squeeze3A_1035, %and3A_1036 : i32
      %broadcast_in_dim3A_1038 = vector.broadcast %and3A_1037 : i32 to vector<16xi32>
      %broadcast_in_dim3A_1039 = arith.constant 0 : i32
      %broadcast_in_dim3A_1040 = vector.broadcast %broadcast_in_dim3A_1039 : i32 to vector<16xi32>
      %gather3A_1041 = tpu.vector_load_idx %arg10[%broadcast_in_dim3A_1028, %broadcast_in_dim3A_1040, %iota3A, %broadcast_in_dim3A_1033] : memref<3x4x32x128xf32, #tpu.memory_space<vmem>>[vector<16xi32>, vector<16xi32>, vector<16xi32>, vector<16xi32>], vector<16xf32>,
      %add3A_1042 = arith.constant 16 : i32
      %add3A_1043 = vector.broadcast %add3A_1042 : i32 to vector<16xi32>
      %add3A_1044 = arith.addi %iota3A, %add3A_1043 : vector<16xi32>
      %gather3A_1045 = tpu.vector_load_idx %arg10[%broadcast_in_dim3A_1028, %broadcast_in_dim3A_1040, %add3A_1044, %broadcast_in_dim3A_1033] : memref<3x4x32x128xf32, #tpu.memory_space<vmem>>[vector<16xi32>, vector<16xi32>, vector<16xi32>, vector<16xi32>], vector<16xf32>,
      %gather3A_1046 = tpu.vector_load_idx %arg11[%broadcast_in_dim3A_1028, %broadcast_in_dim3A_1040, %iota3A, %broadcast_in_dim3A_1038] : memref<3x4x32x128xf32, #tpu.memory_space<vmem>>[vector<16xi32>, vector<16xi32>, vector<16xi32>, vector<16xi32>], vector<16xf32>,
      %add3A_1047 = arith.constant 16 : i32
      %add3A_1048 = vector.broadcast %add3A_1047 : i32 to vector<16xi32>
      %add3A_1049 = arith.addi %iota3A, %add3A_1048 : vector<16xi32>
      %gather3A_1050 = tpu.vector_load_idx %arg11[%broadcast_in_dim3A_1028, %broadcast_in_dim3A_1040, %add3A_1049, %broadcast_in_dim3A_1038] : memref<3x4x32x128xf32, #tpu.memory_space<vmem>>[vector<16xi32>, vector<16xi32>, vector<16xi32>, vector<16xi32>], vector<16xf32>,
      %mul3A_1051 = arith.mulf %gather3A_1041, %gather3A_1046 : vector<16xf32>
      %mul3A_1052 = arith.mulf %mul3A_1051, %get3A_3 : vector<16xf32>
      %mul3A_1053 = arith.mulf %gather3A_1045, %gather3A_1050 : vector<16xf32>
      %mul3A_1054 = arith.mulf %mul3A_1053, %get3A_5 : vector<16xf32>
      %add3A_1055 = arith.addf %mul3A_1052, %mul3A_1054 : vector<16xf32>
      %swap3A_1056 = arith.index_cast %add3A_1017 : i32 to index
      %swap3A_1057 = arith.constant 0 : index
      %swap3A_1058 = tpu.vector_load %arg13[%swap3A_1056, %swap3A_1057] {strides = array<i32>} : memref<128x64xf32, #tpu.memory_space<vmem>>, vector<16xf32>,
      tpu.vector_store %arg13[%swap3A_1056, %swap3A_1057], %add3A_1055 {strides = array<i32>} : memref<128x64xf32, #tpu.memory_space<vmem>>, vector<16xf32>,
      %slice3A_1059 = vector.extract_strided_slice %get3A_1024 {offsets = [1], sizes = [1], strides = [1]} : vector<16xi32> to vector<1xi32>
      %squeeze3A_1060 = vector.extract %slice3A_1059[0] : i32 from vector<1xi32>
      %and3A_1061 = arith.constant 127 : i32
      %and3A_1062 = arith.andi %squeeze3A_1060, %and3A_1061 : i32
      %broadcast_in_dim3A_1063 = vector.broadcast %and3A_1062 : i32 to vector<16xi32>
      %slice3A_1064 = vector.extract_strided_slice %get3A_1026 {offsets = [1], sizes = [1], strides = [1]} : vector<16xi32> to vector<1xi32>
      %squeeze3A_1065 = vector.extract %slice3A_1064[0] : i32 from vector<1xi32>
      %and3A_1066 = arith.constant 127 : i32
      %and3A_1067 = arith.andi %squeeze3A_1065, %and3A_1066 : i32
      %broadcast_in_dim3A_1068 = vector.broadcast %and3A_1067 : i32 to vector<16xi32>
      %broadcast_in_dim3A_1069 = arith.constant 1 : i32
      %broadcast_in_dim3A_1070 = vector.broadcast %broadcast_in_dim3A_1069 : i32 to vector<16xi32>
      %gather3A_1071 = tpu.vector_load_idx %arg10[%broadcast_in_dim3A_1028, %broadcast_in_dim3A_1070, %iota3A, %broadcast_in_dim3A_1063] : memref<3x4x32x128xf32, #tpu.memory_space<vmem>>[vector<16xi32>, vector<16xi32>, vector<16xi32>, vector<16xi32>], vector<16xf32>,
      %add3A_1072 = arith.constant 16 : i32
      %add3A_1073 = vector.broadcast %add3A_1072 : i32 to vector<16xi32>
      %add3A_1074 = arith.addi %iota3A, %add3A_1073 : vector<16xi32>
      %gather3A_1075 = tpu.vector_load_idx %arg10[%broadcast_in_dim3A_1028, %broadcast_in_dim3A_1070, %add3A_1074, %broadcast_in_dim3A_1063] : memref<3x4x32x128xf32, #tpu.memory_space<vmem>>[vector<16xi32>, vector<16xi32>, vector<16xi32>, vector<16xi32>], vector<16xf32>,
      %gather3A_1076 = tpu.vector_load_idx %arg11[%broadcast_in_dim3A_1028, %broadcast_in_dim3A_1070, %iota3A, %broadcast_in_dim3A_1068] : memref<3x4x32x128xf32, #tpu.memory_space<vmem>>[vector<16xi32>, vector<16xi32>, vector<16xi32>, vector<16xi32>], vector<16xf32>,
      %add3A_1077 = arith.constant 16 : i32
      %add3A_1078 = vector.broadcast %add3A_1077 : i32 to vector<16xi32>
      %add3A_1079 = arith.addi %iota3A, %add3A_1078 : vector<16xi32>
      %gather3A_1080 = tpu.vector_load_idx %arg11[%broadcast_in_dim3A_1028, %broadcast_in_dim3A_1070, %add3A_1079, %broadcast_in_dim3A_1068] : memref<3x4x32x128xf32, #tpu.memory_space<vmem>>[vector<16xi32>, vector<16xi32>, vector<16xi32>, vector<16xi32>], vector<16xf32>,
      %mul3A_1081 = arith.mulf %gather3A_1071, %gather3A_1076 : vector<16xf32>
      %mul3A_1082 = arith.mulf %mul3A_1081, %get3A_3 : vector<16xf32>
      %mul3A_1083 = arith.mulf %gather3A_1075, %gather3A_1080 : vector<16xf32>
      %mul3A_1084 = arith.mulf %mul3A_1083, %get3A_5 : vector<16xf32>
      %add3A_1085 = arith.addf %mul3A_1082, %mul3A_1084 : vector<16xf32>
      %swap3A_1086 = arith.index_cast %add3A_1017 : i32 to index
      %swap3A_1087 = arith.constant 16 : index
      %swap3A_1088 = tpu.vector_load %arg13[%swap3A_1086, %swap3A_1087] {strides = array<i32>} : memref<128x64xf32, #tpu.memory_space<vmem>>, vector<16xf32>,
      tpu.vector_store %arg13[%swap3A_1086, %swap3A_1087], %add3A_1085 {strides = array<i32>} : memref<128x64xf32, #tpu.memory_space<vmem>>, vector<16xf32>,
      %slice3A_1089 = vector.extract_strided_slice %get3A_1024 {offsets = [2], sizes = [1], strides = [1]} : vector<16xi32> to vector<1xi32>
      %squeeze3A_1090 = vector.extract %slice3A_1089[0] : i32 from vector<1xi32>
      %and3A_1091 = arith.constant 127 : i32
      %and3A_1092 = arith.andi %squeeze3A_1090, %and3A_1091 : i32
      %broadcast_in_dim3A_1093 = vector.broadcast %and3A_1092 : i32 to vector<16xi32>
      %slice3A_1094 = vector.extract_strided_slice %get3A_1026 {offsets = [2], sizes = [1], strides = [1]} : vector<16xi32> to vector<1xi32>
      %squeeze3A_1095 = vector.extract %slice3A_1094[0] : i32 from vector<1xi32>
      %and3A_1096 = arith.constant 127 : i32
      %and3A_1097 = arith.andi %squeeze3A_1095, %and3A_1096 : i32
      %broadcast_in_dim3A_1098 = vector.broadcast %and3A_1097 : i32 to vector<16xi32>
      %broadcast_in_dim3A_1099 = arith.constant 2 : i32
      %broadcast_in_dim3A_1100 = vector.broadcast %broadcast_in_dim3A_1099 : i32 to vector<16xi32>
      %gather3A_1101 = tpu.vector_load_idx %arg10[%broadcast_in_dim3A_1028, %broadcast_in_dim3A_1100, %iota3A, %broadcast_in_dim3A_1093] : memref<3x4x32x128xf32, #tpu.memory_space<vmem>>[vector<16xi32>, vector<16xi32>, vector<16xi32>, vector<16xi32>], vector<16xf32>,
      %add3A_1102 = arith.constant 16 : i32
      %add3A_1103 = vector.broadcast %add3A_1102 : i32 to vector<16xi32>
      %add3A_1104 = arith.addi %iota3A, %add3A_1103 : vector<16xi32>
      %gather3A_1105 = tpu.vector_load_idx %arg10[%broadcast_in_dim3A_1028, %broadcast_in_dim3A_1100, %add3A_1104, %broadcast_in_dim3A_1093] : memref<3x4x32x128xf32, #tpu.memory_space<vmem>>[vector<16xi32>, vector<16xi32>, vector<16xi32>, vector<16xi32>], vector<16xf32>,
      %gather3A_1106 = tpu.vector_load_idx %arg11[%broadcast_in_dim3A_1028, %broadcast_in_dim3A_1100, %iota3A, %broadcast_in_dim3A_1098] : memref<3x4x32x128xf32, #tpu.memory_space<vmem>>[vector<16xi32>, vector<16xi32>, vector<16xi32>, vector<16xi32>], vector<16xf32>,
      %add3A_1107 = arith.constant 16 : i32
      %add3A_1108 = vector.broadcast %add3A_1107 : i32 to vector<16xi32>
      %add3A_1109 = arith.addi %iota3A, %add3A_1108 : vector<16xi32>
      %gather3A_1110 = tpu.vector_load_idx %arg11[%broadcast_in_dim3A_1028, %broadcast_in_dim3A_1100, %add3A_1109, %broadcast_in_dim3A_1098] : memref<3x4x32x128xf32, #tpu.memory_space<vmem>>[vector<16xi32>, vector<16xi32>, vector<16xi32>, vector<16xi32>], vector<16xf32>,
      %mul3A_1111 = arith.mulf %gather3A_1101, %gather3A_1106 : vector<16xf32>
      %mul3A_1112 = arith.mulf %mul3A_1111, %get3A_3 : vector<16xf32>
      %mul3A_1113 = arith.mulf %gather3A_1105, %gather3A_1110 : vector<16xf32>
      %mul3A_1114 = arith.mulf %mul3A_1113, %get3A_5 : vector<16xf32>
      %add3A_1115 = arith.addf %mul3A_1112, %mul3A_1114 : vector<16xf32>
      %swap3A_1116 = arith.index_cast %add3A_1017 : i32 to index
      %swap3A_1117 = arith.constant 32 : index
      %swap3A_1118 = tpu.vector_load %arg13[%swap3A_1116, %swap3A_1117] {strides = array<i32>} : memref<128x64xf32, #tpu.memory_space<vmem>>, vector<16xf32>,
      tpu.vector_store %arg13[%swap3A_1116, %swap3A_1117], %add3A_1115 {strides = array<i32>} : memref<128x64xf32, #tpu.memory_space<vmem>>, vector<16xf32>,
      %slice3A_1119 = vector.extract_strided_slice %get3A_1024 {offsets = [3], sizes = [1], strides = [1]} : vector<16xi32> to vector<1xi32>
      %squeeze3A_1120 = vector.extract %slice3A_1119[0] : i32 from vector<1xi32>
      %and3A_1121 = arith.constant 127 : i32
      %and3A_1122 = arith.andi %squeeze3A_1120, %and3A_1121 : i32
      %broadcast_in_dim3A_1123 = vector.broadcast %and3A_1122 : i32 to vector<16xi32>
      %slice3A_1124 = vector.extract_strided_slice %get3A_1026 {offsets = [3], sizes = [1], strides = [1]} : vector<16xi32> to vector<1xi32>
      %squeeze3A_1125 = vector.extract %slice3A_1124[0] : i32 from vector<1xi32>
      %and3A_1126 = arith.constant 127 : i32
      %and3A_1127 = arith.andi %squeeze3A_1125, %and3A_1126 : i32
      %broadcast_in_dim3A_1128 = vector.broadcast %and3A_1127 : i32 to vector<16xi32>
      %broadcast_in_dim3A_1129 = arith.constant 3 : i32
      %broadcast_in_dim3A_1130 = vector.broadcast %broadcast_in_dim3A_1129 : i32 to vector<16xi32>
      %gather3A_1131 = tpu.vector_load_idx %arg10[%broadcast_in_dim3A_1028, %broadcast_in_dim3A_1130, %iota3A, %broadcast_in_dim3A_1123] : memref<3x4x32x128xf32, #tpu.memory_space<vmem>>[vector<16xi32>, vector<16xi32>, vector<16xi32>, vector<16xi32>], vector<16xf32>,
      %add3A_1132 = arith.constant 16 : i32
      %add3A_1133 = vector.broadcast %add3A_1132 : i32 to vector<16xi32>
      %add3A_1134 = arith.addi %iota3A, %add3A_1133 : vector<16xi32>
      %gather3A_1135 = tpu.vector_load_idx %arg10[%broadcast_in_dim3A_1028, %broadcast_in_dim3A_1130, %add3A_1134, %broadcast_in_dim3A_1123] : memref<3x4x32x128xf32, #tpu.memory_space<vmem>>[vector<16xi32>, vector<16xi32>, vector<16xi32>, vector<16xi32>], vector<16xf32>,
      %gather3A_1136 = tpu.vector_load_idx %arg11[%broadcast_in_dim3A_1028, %broadcast_in_dim3A_1130, %iota3A, %broadcast_in_dim3A_1128] : memref<3x4x32x128xf32, #tpu.memory_space<vmem>>[vector<16xi32>, vector<16xi32>, vector<16xi32>, vector<16xi32>], vector<16xf32>,
      %add3A_1137 = arith.constant 16 : i32
      %add3A_1138 = vector.broadcast %add3A_1137 : i32 to vector<16xi32>
      %add3A_1139 = arith.addi %iota3A, %add3A_1138 : vector<16xi32>
      %gather3A_1140 = tpu.vector_load_idx %arg11[%broadcast_in_dim3A_1028, %broadcast_in_dim3A_1130, %add3A_1139, %broadcast_in_dim3A_1128] : memref<3x4x32x128xf32, #tpu.memory_space<vmem>>[vector<16xi32>, vector<16xi32>, vector<16xi32>, vector<16xi32>], vector<16xf32>,
      %mul3A_1141 = arith.mulf %gather3A_1131, %gather3A_1136 : vector<16xf32>
      %mul3A_1142 = arith.mulf %mul3A_1141, %get3A_3 : vector<16xf32>
      %mul3A_1143 = arith.mulf %gather3A_1135, %gather3A_1140 : vector<16xf32>
      %mul3A_1144 = arith.mulf %mul3A_1143, %get3A_5 : vector<16xf32>
      %add3A_1145 = arith.addf %mul3A_1142, %mul3A_1144 : vector<16xf32>
      %swap3A_1146 = arith.index_cast %add3A_1017 : i32 to index
      %swap3A_1147 = arith.constant 48 : index
      %swap3A_1148 = tpu.vector_load %arg13[%swap3A_1146, %swap3A_1147] {strides = array<i32>} : memref<128x64xf32, #tpu.memory_space<vmem>>, vector<16xf32>,
      tpu.vector_store %arg13[%swap3A_1146, %swap3A_1147], %add3A_1145 {strides = array<i32>} : memref<128x64xf32, #tpu.memory_space<vmem>>, vector<16xf32>,
      %add3A_1149 = arith.constant 1 : i32
      %add3A_1150 = arith.addi %mul3A_881, %add3A_1149 : i32
      %add3A_1151 = arith.constant 2 : i32
      %add3A_1152 = arith.addi %add3A_1150, %add3A_1151 : i32
      %lt3A_1153 = arith.constant 128 : i32
      %lt3A_1154 = arith.cmpi slt, %add3A_1152, %lt3A_1153 : i32
      %convert_element_type3A_1155 = arith.extui %lt3A_1154 : i1 to i32
      %cond3A_1156 = arith.constant 0 : i32
      %cond3A_1157 = arith.cmpi ne, %convert_element_type3A_1155, %cond3A_1156 : i32
      scf.if %cond3A_1157 {
        %shift_right_arithmetic3A_2499 = arith.constant 1 : i32
        %shift_right_arithmetic3A_2500 = arith.shrsi %add3A_1152, %shift_right_arithmetic3A_2499 : i32
        %mul3A_2501 = arith.constant 8 : i32
        %mul3A_2502 = arith.muli %shift_right_arithmetic3A_2500, %mul3A_2501 : i32
        %multiple_of3A_2503 = tpu.assume_multiple %mul3A_2502, 8 : i32
        %get3A_2504 = arith.index_cast %multiple_of3A_2503 : i32 to index
        %get3A_2505 = tpu.vector_load %arg8[%get3A_2504] {strides = array<i32>} : memref<528xi32, #tpu.memory_space<vmem>>, vector<16xi32>,
        %get3A_2506 = arith.index_cast %multiple_of3A_2503 : i32 to index
        %get3A_2507 = tpu.vector_load %arg9[%get3A_2506] {strides = array<i32>} : memref<528xi32, #tpu.memory_space<vmem>>, vector<16xi32>,
        %slice3A_2508 = vector.extract_strided_slice %get3A_2505 {offsets = [4], sizes = [1], strides = [1]} : vector<16xi32> to vector<1xi32>
        %squeeze3A_2509 = vector.extract %slice3A_2508[0] : i32 from vector<1xi32>
        %shift_right_arithmetic3A_2510 = arith.constant 7 : i32
        %shift_right_arithmetic3A_2511 = arith.shrsi %squeeze3A_2509, %shift_right_arithmetic3A_2510 : i32
        %mul3A_2512 = arith.constant 128 : i32
        %mul3A_2513 = arith.muli %shift_right_arithmetic3A_2511, %mul3A_2512 : i32
        %multiple_of3A_2514 = tpu.assume_multiple %mul3A_2513, 128 : i32
        %dma_start3A_2515 = arith.constant 0 : i32
        %dma_start3A_2516 = arith.constant 0 : i32
        %dma_start3A_2517 = arith.constant 0 : i32
        %dma_start3A_2518 = arith.constant 0 : i32
        %dma_start3A_2519 = tpu.memref_slice %arg10[%dma_start3A_2515, %dma_start3A_2516, %dma_start3A_2517, %dma_start3A_2518] : memref<3x4x32x128xf32, #tpu.memory_space<vmem>> -> memref<1x1x32x128xf32, #tpu.memory_space<vmem>>
        %dma_start3A_2520 = tpu.memref_squeeze %dma_start3A_2519 : memref<1x1x32x128xf32, #tpu.memory_space<vmem>> -> memref<32x128xf32, #tpu.memory_space<vmem>>
        %dma_start3A_2521 = arith.constant 0 : i32
        %dma_start3A_2522 = tpu.memref_slice %arg4[%dma_start3A_2521, %multiple_of3A_2514] : memref<32x1000000xf32, #tpu.memory_space<hbm>> -> memref<32x128xf32, #tpu.memory_space<hbm>>
        %dma_start3A_2523 = arith.constant 0 : i32
        %dma_start3A_2524 = arith.constant 0 : i32
        %dma_start3A_2525 = tpu.memref_slice %arg10[%dma_start3A_2515, %dma_start3A_2516, %dma_start3A_2523, %dma_start3A_2524] : memref<3x4x32x128xf32, #tpu.memory_space<vmem>> -> memref<1x1x32x128xf32, #tpu.memory_space<vmem>>
        %dma_start3A_2526 = tpu.memref_squeeze %dma_start3A_2525 : memref<1x1x32x128xf32, #tpu.memory_space<vmem>> -> memref<32x128xf32, #tpu.memory_space<vmem>>
        %dma_start3A_2527 = arith.constant 0 : i32
        %dma_start3A_2528 = tpu.memref_slice %arg4[%dma_start3A_2527, %multiple_of3A_2514] : memref<32x1000000xf32, #tpu.memory_space<hbm>> -> memref<32x128xf32, #tpu.memory_space<hbm>>
        tpu.enqueue_dma source(%dma_start3A_2528 : memref<32x128xf32, #tpu.memory_space<hbm>>) target(%dma_start3A_2526 : memref<32x128xf32, #tpu.memory_space<vmem>>) target_semaphore(%arg15 : memref<!tpu.dma_semaphore, #tpu.memory_space<semaphore_mem>>)
        %slice3A_2529 = vector.extract_strided_slice %get3A_2507 {offsets = [4], sizes = [1], strides = [1]} : vector<16xi32> to vector<1xi32>
        %squeeze3A_2530 = vector.extract %slice3A_2529[0] : i32 from vector<1xi32>
        %shift_right_arithmetic3A_2531 = arith.constant 7 : i32
        %shift_right_arithmetic3A_2532 = arith.shrsi %squeeze3A_2530, %shift_right_arithmetic3A_2531 : i32
        %mul3A_2533 = arith.constant 128 : i32
        %mul3A_2534 = arith.muli %shift_right_arithmetic3A_2532, %mul3A_2533 : i32
        %multiple_of3A_2535 = tpu.assume_multiple %mul3A_2534, 128 : i32
        %dma_start3A_2536 = arith.constant 0 : i32
        %dma_start3A_2537 = arith.constant 0 : i32
        %dma_start3A_2538 = arith.constant 0 : i32
        %dma_start3A_2539 = arith.constant 0 : i32
        %dma_start3A_2540 = tpu.memref_slice %arg11[%dma_start3A_2536, %dma_start3A_2537, %dma_start3A_2538, %dma_start3A_2539] : memref<3x4x32x128xf32, #tpu.memory_space<vmem>> -> memref<1x1x32x128xf32, #tpu.memory_space<vmem>>
        %dma_start3A_2541 = tpu.memref_squeeze %dma_start3A_2540 : memref<1x1x32x128xf32, #tpu.memory_space<vmem>> -> memref<32x128xf32, #tpu.memory_space<vmem>>
        %dma_start3A_2542 = arith.constant 0 : i32
        %dma_start3A_2543 = tpu.memref_slice %arg5[%dma_start3A_2542, %multiple_of3A_2535] : memref<32x1000000xf32, #tpu.memory_space<hbm>> -> memref<32x128xf32, #tpu.memory_space<hbm>>
        %dma_start3A_2544 = arith.constant 0 : i32
        %dma_start3A_2545 = arith.constant 0 : i32
        %dma_start3A_2546 = tpu.memref_slice %arg11[%dma_start3A_2536, %dma_start3A_2537, %dma_start3A_2544, %dma_start3A_2545] : memref<3x4x32x128xf32, #tpu.memory_space<vmem>> -> memref<1x1x32x128xf32, #tpu.memory_space<vmem>>
        %dma_start3A_2547 = tpu.memref_squeeze %dma_start3A_2546 : memref<1x1x32x128xf32, #tpu.memory_space<vmem>> -> memref<32x128xf32, #tpu.memory_space<vmem>>
        %dma_start3A_2548 = arith.constant 0 : i32
        %dma_start3A_2549 = tpu.memref_slice %arg5[%dma_start3A_2548, %multiple_of3A_2535] : memref<32x1000000xf32, #tpu.memory_space<hbm>> -> memref<32x128xf32, #tpu.memory_space<hbm>>
        tpu.enqueue_dma source(%dma_start3A_2549 : memref<32x128xf32, #tpu.memory_space<hbm>>) target(%dma_start3A_2547 : memref<32x128xf32, #tpu.memory_space<vmem>>) target_semaphore(%arg16 : memref<!tpu.dma_semaphore, #tpu.memory_space<semaphore_mem>>)
        %slice3A_2550 = vector.extract_strided_slice %get3A_2505 {offsets = [5], sizes = [1], strides = [1]} : vector<16xi32> to vector<1xi32>
        %squeeze3A_2551 = vector.extract %slice3A_2550[0] : i32 from vector<1xi32>
        %shift_right_arithmetic3A_2552 = arith.constant 7 : i32
        %shift_right_arithmetic3A_2553 = arith.shrsi %squeeze3A_2551, %shift_right_arithmetic3A_2552 : i32
        %mul3A_2554 = arith.constant 128 : i32
        %mul3A_2555 = arith.muli %shift_right_arithmetic3A_2553, %mul3A_2554 : i32
        %multiple_of3A_2556 = tpu.assume_multiple %mul3A_2555, 128 : i32
        %dma_start3A_2557 = arith.constant 0 : i32
        %dma_start3A_2558 = arith.constant 1 : i32
        %dma_start3A_2559 = arith.constant 0 : i32
        %dma_start3A_2560 = arith.constant 0 : i32
        %dma_start3A_2561 = tpu.memref_slice %arg10[%dma_start3A_2557, %dma_start3A_2558, %dma_start3A_2559, %dma_start3A_2560] : memref<3x4x32x128xf32, #tpu.memory_space<vmem>> -> memref<1x1x32x128xf32, #tpu.memory_space<vmem>>
        %dma_start3A_2562 = tpu.memref_squeeze %dma_start3A_2561 : memref<1x1x32x128xf32, #tpu.memory_space<vmem>> -> memref<32x128xf32, #tpu.memory_space<vmem>>
        %dma_start3A_2563 = arith.constant 0 : i32
        %dma_start3A_2564 = tpu.memref_slice %arg4[%dma_start3A_2563, %multiple_of3A_2556] : memref<32x1000000xf32, #tpu.memory_space<hbm>> -> memref<32x128xf32, #tpu.memory_space<hbm>>
        %dma_start3A_2565 = arith.constant 0 : i32
        %dma_start3A_2566 = arith.constant 0 : i32
        %dma_start3A_2567 = tpu.memref_slice %arg10[%dma_start3A_2557, %dma_start3A_2558, %dma_start3A_2565, %dma_start3A_2566] : memref<3x4x32x128xf32, #tpu.memory_space<vmem>> -> memref<1x1x32x128xf32, #tpu.memory_space<vmem>>
        %dma_start3A_2568 = tpu.memref_squeeze %dma_start3A_2567 : memref<1x1x32x128xf32, #tpu.memory_space<vmem>> -> memref<32x128xf32, #tpu.memory_space<vmem>>
        %dma_start3A_2569 = arith.constant 0 : i32
        %dma_start3A_2570 = tpu.memref_slice %arg4[%dma_start3A_2569, %multiple_of3A_2556] : memref<32x1000000xf32, #tpu.memory_space<hbm>> -> memref<32x128xf32, #tpu.memory_space<hbm>>
        tpu.enqueue_dma source(%dma_start3A_2570 : memref<32x128xf32, #tpu.memory_space<hbm>>) target(%dma_start3A_2568 : memref<32x128xf32, #tpu.memory_space<vmem>>) target_semaphore(%arg15 : memref<!tpu.dma_semaphore, #tpu.memory_space<semaphore_mem>>)
        %slice3A_2571 = vector.extract_strided_slice %get3A_2507 {offsets = [5], sizes = [1], strides = [1]} : vector<16xi32> to vector<1xi32>
        %squeeze3A_2572 = vector.extract %slice3A_2571[0] : i32 from vector<1xi32>
        %shift_right_arithmetic3A_2573 = arith.constant 7 : i32
        %shift_right_arithmetic3A_2574 = arith.shrsi %squeeze3A_2572, %shift_right_arithmetic3A_2573 : i32
        %mul3A_2575 = arith.constant 128 : i32
        %mul3A_2576 = arith.muli %shift_right_arithmetic3A_2574, %mul3A_2575 : i32
        %multiple_of3A_2577 = tpu.assume_multiple %mul3A_2576, 128 : i32
        %dma_start3A_2578 = arith.constant 0 : i32
        %dma_start3A_2579 = arith.constant 1 : i32
        %dma_start3A_2580 = arith.constant 0 : i32
        %dma_start3A_2581 = arith.constant 0 : i32
        %dma_start3A_2582 = tpu.memref_slice %arg11[%dma_start3A_2578, %dma_start3A_2579, %dma_start3A_2580, %dma_start3A_2581] : memref<3x4x32x128xf32, #tpu.memory_space<vmem>> -> memref<1x1x32x128xf32, #tpu.memory_space<vmem>>
        %dma_start3A_2583 = tpu.memref_squeeze %dma_start3A_2582 : memref<1x1x32x128xf32, #tpu.memory_space<vmem>> -> memref<32x128xf32, #tpu.memory_space<vmem>>
        %dma_start3A_2584 = arith.constant 0 : i32
        %dma_start3A_2585 = tpu.memref_slice %arg5[%dma_start3A_2584, %multiple_of3A_2577] : memref<32x1000000xf32, #tpu.memory_space<hbm>> -> memref<32x128xf32, #tpu.memory_space<hbm>>
        %dma_start3A_2586 = arith.constant 0 : i32
        %dma_start3A_2587 = arith.constant 0 : i32
        %dma_start3A_2588 = tpu.memref_slice %arg11[%dma_start3A_2578, %dma_start3A_2579, %dma_start3A_2586, %dma_start3A_2587] : memref<3x4x32x128xf32, #tpu.memory_space<vmem>> -> memref<1x1x32x128xf32, #tpu.memory_space<vmem>>
        %dma_start3A_2589 = tpu.memref_squeeze %dma_start3A_2588 : memref<1x1x32x128xf32, #tpu.memory_space<vmem>> -> memref<32x128xf32, #tpu.memory_space<vmem>>
        %dma_start3A_2590 = arith.constant 0 : i32
        %dma_start3A_2591 = tpu.memref_slice %arg5[%dma_start3A_2590, %multiple_of3A_2577] : memref<32x1000000xf32, #tpu.memory_space<hbm>> -> memref<32x128xf32, #tpu.memory_space<hbm>>
        tpu.enqueue_dma source(%dma_start3A_2591 : memref<32x128xf32, #tpu.memory_space<hbm>>) target(%dma_start3A_2589 : memref<32x128xf32, #tpu.memory_space<vmem>>) target_semaphore(%arg16 : memref<!tpu.dma_semaphore, #tpu.memory_space<semaphore_mem>>)
        %slice3A_2592 = vector.extract_strided_slice %get3A_2505 {offsets = [6], sizes = [1], strides = [1]} : vector<16xi32> to vector<1xi32>
        %squeeze3A_2593 = vector.extract %slice3A_2592[0] : i32 from vector<1xi32>
        %shift_right_arithmetic3A_2594 = arith.constant 7 : i32
        %shift_right_arithmetic3A_2595 = arith.shrsi %squeeze3A_2593, %shift_right_arithmetic3A_2594 : i32
        %mul3A_2596 = arith.constant 128 : i32
        %mul3A_2597 = arith.muli %shift_right_arithmetic3A_2595, %mul3A_2596 : i32
        %multiple_of3A_2598 = tpu.assume_multiple %mul3A_2597, 128 : i32
        %dma_start3A_2599 = arith.constant 0 : i32
        %dma_start3A_2600 = arith.constant 2 : i32
        %dma_start3A_2601 = arith.constant 0 : i32
        %dma_start3A_2602 = arith.constant 0 : i32
        %dma_start3A_2603 = tpu.memref_slice %arg10[%dma_start3A_2599, %dma_start3A_2600, %dma_start3A_2601, %dma_start3A_2602] : memref<3x4x32x128xf32, #tpu.memory_space<vmem>> -> memref<1x1x32x128xf32, #tpu.memory_space<vmem>>
        %dma_start3A_2604 = tpu.memref_squeeze %dma_start3A_2603 : memref<1x1x32x128xf32, #tpu.memory_space<vmem>> -> memref<32x128xf32, #tpu.memory_space<vmem>>
        %dma_start3A_2605 = arith.constant 0 : i32
        %dma_start3A_2606 = tpu.memref_slice %arg4[%dma_start3A_2605, %multiple_of3A_2598] : memref<32x1000000xf32, #tpu.memory_space<hbm>> -> memref<32x128xf32, #tpu.memory_space<hbm>>
        %dma_start3A_2607 = arith.constant 0 : i32
        %dma_start3A_2608 = arith.constant 0 : i32
        %dma_start3A_2609 = tpu.memref_slice %arg10[%dma_start3A_2599, %dma_start3A_2600, %dma_start3A_2607, %dma_start3A_2608] : memref<3x4x32x128xf32, #tpu.memory_space<vmem>> -> memref<1x1x32x128xf32, #tpu.memory_space<vmem>>
        %dma_start3A_2610 = tpu.memref_squeeze %dma_start3A_2609 : memref<1x1x32x128xf32, #tpu.memory_space<vmem>> -> memref<32x128xf32, #tpu.memory_space<vmem>>
        %dma_start3A_2611 = arith.constant 0 : i32
        %dma_start3A_2612 = tpu.memref_slice %arg4[%dma_start3A_2611, %multiple_of3A_2598] : memref<32x1000000xf32, #tpu.memory_space<hbm>> -> memref<32x128xf32, #tpu.memory_space<hbm>>
        tpu.enqueue_dma source(%dma_start3A_2612 : memref<32x128xf32, #tpu.memory_space<hbm>>) target(%dma_start3A_2610 : memref<32x128xf32, #tpu.memory_space<vmem>>) target_semaphore(%arg15 : memref<!tpu.dma_semaphore, #tpu.memory_space<semaphore_mem>>)
        %slice3A_2613 = vector.extract_strided_slice %get3A_2507 {offsets = [6], sizes = [1], strides = [1]} : vector<16xi32> to vector<1xi32>
        %squeeze3A_2614 = vector.extract %slice3A_2613[0] : i32 from vector<1xi32>
        %shift_right_arithmetic3A_2615 = arith.constant 7 : i32
        %shift_right_arithmetic3A_2616 = arith.shrsi %squeeze3A_2614, %shift_right_arithmetic3A_2615 : i32
        %mul3A_2617 = arith.constant 128 : i32
        %mul3A_2618 = arith.muli %shift_right_arithmetic3A_2616, %mul3A_2617 : i32
        %multiple_of3A_2619 = tpu.assume_multiple %mul3A_2618, 128 : i32
        %dma_start3A_2620 = arith.constant 0 : i32
        %dma_start3A_2621 = arith.constant 2 : i32
        %dma_start3A_2622 = arith.constant 0 : i32
        %dma_start3A_2623 = arith.constant 0 : i32
        %dma_start3A_2624 = tpu.memref_slice %arg11[%dma_start3A_2620, %dma_start3A_2621, %dma_start3A_2622, %dma_start3A_2623] : memref<3x4x32x128xf32, #tpu.memory_space<vmem>> -> memref<1x1x32x128xf32, #tpu.memory_space<vmem>>
        %dma_start3A_2625 = tpu.memref_squeeze %dma_start3A_2624 : memref<1x1x32x128xf32, #tpu.memory_space<vmem>> -> memref<32x128xf32, #tpu.memory_space<vmem>>
        %dma_start3A_2626 = arith.constant 0 : i32
        %dma_start3A_2627 = tpu.memref_slice %arg5[%dma_start3A_2626, %multiple_of3A_2619] : memref<32x1000000xf32, #tpu.memory_space<hbm>> -> memref<32x128xf32, #tpu.memory_space<hbm>>
        %dma_start3A_2628 = arith.constant 0 : i32
        %dma_start3A_2629 = arith.constant 0 : i32
        %dma_start3A_2630 = tpu.memref_slice %arg11[%dma_start3A_2620, %dma_start3A_2621, %dma_start3A_2628, %dma_start3A_2629] : memref<3x4x32x128xf32, #tpu.memory_space<vmem>> -> memref<1x1x32x128xf32, #tpu.memory_space<vmem>>
        %dma_start3A_2631 = tpu.memref_squeeze %dma_start3A_2630 : memref<1x1x32x128xf32, #tpu.memory_space<vmem>> -> memref<32x128xf32, #tpu.memory_space<vmem>>
        %dma_start3A_2632 = arith.constant 0 : i32
        %dma_start3A_2633 = tpu.memref_slice %arg5[%dma_start3A_2632, %multiple_of3A_2619] : memref<32x1000000xf32, #tpu.memory_space<hbm>> -> memref<32x128xf32, #tpu.memory_space<hbm>>
        tpu.enqueue_dma source(%dma_start3A_2633 : memref<32x128xf32, #tpu.memory_space<hbm>>) target(%dma_start3A_2631 : memref<32x128xf32, #tpu.memory_space<vmem>>) target_semaphore(%arg16 : memref<!tpu.dma_semaphore, #tpu.memory_space<semaphore_mem>>)
        %slice3A_2634 = vector.extract_strided_slice %get3A_2505 {offsets = [7], sizes = [1], strides = [1]} : vector<16xi32> to vector<1xi32>
        %squeeze3A_2635 = vector.extract %slice3A_2634[0] : i32 from vector<1xi32>
        %shift_right_arithmetic3A_2636 = arith.constant 7 : i32
        %shift_right_arithmetic3A_2637 = arith.shrsi %squeeze3A_2635, %shift_right_arithmetic3A_2636 : i32
        %mul3A_2638 = arith.constant 128 : i32
        %mul3A_2639 = arith.muli %shift_right_arithmetic3A_2637, %mul3A_2638 : i32
        %multiple_of3A_2640 = tpu.assume_multiple %mul3A_2639, 128 : i32
        %dma_start3A_2641 = arith.constant 0 : i32
        %dma_start3A_2642 = arith.constant 3 : i32
        %dma_start3A_2643 = arith.constant 0 : i32
        %dma_start3A_2644 = arith.constant 0 : i32
        %dma_start3A_2645 = tpu.memref_slice %arg10[%dma_start3A_2641, %dma_start3A_2642, %dma_start3A_2643, %dma_start3A_2644] : memref<3x4x32x128xf32, #tpu.memory_space<vmem>> -> memref<1x1x32x128xf32, #tpu.memory_space<vmem>>
        %dma_start3A_2646 = tpu.memref_squeeze %dma_start3A_2645 : memref<1x1x32x128xf32, #tpu.memory_space<vmem>> -> memref<32x128xf32, #tpu.memory_space<vmem>>
        %dma_start3A_2647 = arith.constant 0 : i32
        %dma_start3A_2648 = tpu.memref_slice %arg4[%dma_start3A_2647, %multiple_of3A_2640] : memref<32x1000000xf32, #tpu.memory_space<hbm>> -> memref<32x128xf32, #tpu.memory_space<hbm>>
        %dma_start3A_2649 = arith.constant 0 : i32
        %dma_start3A_2650 = arith.constant 0 : i32
        %dma_start3A_2651 = tpu.memref_slice %arg10[%dma_start3A_2641, %dma_start3A_2642, %dma_start3A_2649, %dma_start3A_2650] : memref<3x4x32x128xf32, #tpu.memory_space<vmem>> -> memref<1x1x32x128xf32, #tpu.memory_space<vmem>>
        %dma_start3A_2652 = tpu.memref_squeeze %dma_start3A_2651 : memref<1x1x32x128xf32, #tpu.memory_space<vmem>> -> memref<32x128xf32, #tpu.memory_space<vmem>>
        %dma_start3A_2653 = arith.constant 0 : i32
        %dma_start3A_2654 = tpu.memref_slice %arg4[%dma_start3A_2653, %multiple_of3A_2640] : memref<32x1000000xf32, #tpu.memory_space<hbm>> -> memref<32x128xf32, #tpu.memory_space<hbm>>
        tpu.enqueue_dma source(%dma_start3A_2654 : memref<32x128xf32, #tpu.memory_space<hbm>>) target(%dma_start3A_2652 : memref<32x128xf32, #tpu.memory_space<vmem>>) target_semaphore(%arg15 : memref<!tpu.dma_semaphore, #tpu.memory_space<semaphore_mem>>)
        %slice3A_2655 = vector.extract_strided_slice %get3A_2507 {offsets = [7], sizes = [1], strides = [1]} : vector<16xi32> to vector<1xi32>
        %squeeze3A_2656 = vector.extract %slice3A_2655[0] : i32 from vector<1xi32>
        %shift_right_arithmetic3A_2657 = arith.constant 7 : i32
        %shift_right_arithmetic3A_2658 = arith.shrsi %squeeze3A_2656, %shift_right_arithmetic3A_2657 : i32
        %mul3A_2659 = arith.constant 128 : i32
        %mul3A_2660 = arith.muli %shift_right_arithmetic3A_2658, %mul3A_2659 : i32
        %multiple_of3A_2661 = tpu.assume_multiple %mul3A_2660, 128 : i32
        %dma_start3A_2662 = arith.constant 0 : i32
        %dma_start3A_2663 = arith.constant 3 : i32
        %dma_start3A_2664 = arith.constant 0 : i32
        %dma_start3A_2665 = arith.constant 0 : i32
        %dma_start3A_2666 = tpu.memref_slice %arg11[%dma_start3A_2662, %dma_start3A_2663, %dma_start3A_2664, %dma_start3A_2665] : memref<3x4x32x128xf32, #tpu.memory_space<vmem>> -> memref<1x1x32x128xf32, #tpu.memory_space<vmem>>
        %dma_start3A_2667 = tpu.memref_squeeze %dma_start3A_2666 : memref<1x1x32x128xf32, #tpu.memory_space<vmem>> -> memref<32x128xf32, #tpu.memory_space<vmem>>
        %dma_start3A_2668 = arith.constant 0 : i32
        %dma_start3A_2669 = tpu.memref_slice %arg5[%dma_start3A_2668, %multiple_of3A_2661] : memref<32x1000000xf32, #tpu.memory_space<hbm>> -> memref<32x128xf32, #tpu.memory_space<hbm>>
        %dma_start3A_2670 = arith.constant 0 : i32
        %dma_start3A_2671 = arith.constant 0 : i32
        %dma_start3A_2672 = tpu.memref_slice %arg11[%dma_start3A_2662, %dma_start3A_2663, %dma_start3A_2670, %dma_start3A_2671] : memref<3x4x32x128xf32, #tpu.memory_space<vmem>> -> memref<1x1x32x128xf32, #tpu.memory_space<vmem>>
        %dma_start3A_2673 = tpu.memref_squeeze %dma_start3A_2672 : memref<1x1x32x128xf32, #tpu.memory_space<vmem>> -> memref<32x128xf32, #tpu.memory_space<vmem>>
        %dma_start3A_2674 = arith.constant 0 : i32
        %dma_start3A_2675 = tpu.memref_slice %arg5[%dma_start3A_2674, %multiple_of3A_2661] : memref<32x1000000xf32, #tpu.memory_space<hbm>> -> memref<32x128xf32, #tpu.memory_space<hbm>>
        tpu.enqueue_dma source(%dma_start3A_2675 : memref<32x128xf32, #tpu.memory_space<hbm>>) target(%dma_start3A_2673 : memref<32x128xf32, #tpu.memory_space<vmem>>) target_semaphore(%arg16 : memref<!tpu.dma_semaphore, #tpu.memory_space<semaphore_mem>>)
      } else {
      }
      %dma_wait3A_1158 = arith.constant 0 : i32
      %dma_wait3A_1159 = arith.constant 0 : i32
      %dma_wait3A_1160 = arith.constant 0 : i32
      %dma_wait3A_1161 = arith.constant 0 : i32
      %dma_wait3A_1162 = tpu.memref_slice %arg10[%dma_wait3A_1158, %dma_wait3A_1159, %dma_wait3A_1160, %dma_wait3A_1161] : memref<3x4x32x128xf32, #tpu.memory_space<vmem>> -> memref<1x1x32x128xf32, #tpu.memory_space<vmem>>
      %dma_wait3A_1163 = tpu.memref_squeeze %dma_wait3A_1162 : memref<1x1x32x128xf32, #tpu.memory_space<vmem>> -> memref<32x128xf32, #tpu.memory_space<vmem>>
      %dma_wait3A_1164 = arith.constant 0 : i32
      %dma_wait3A_1165 = arith.constant 0 : i32
      %dma_wait3A_1166 = tpu.memref_slice %arg4[%dma_wait3A_1164, %dma_wait3A_1165] : memref<32x1000000xf32, #tpu.memory_space<hbm>> -> memref<32x128xf32, #tpu.memory_space<hbm>>
      %dma_wait3A_1167 = arith.constant 0 : i32
      %dma_wait3A_1168 = arith.constant 0 : i32
      %dma_wait3A_1169 = tpu.memref_slice %arg10[%dma_wait3A_1158, %dma_wait3A_1159, %dma_wait3A_1167, %dma_wait3A_1168] : memref<3x4x32x128xf32, #tpu.memory_space<vmem>> -> memref<1x1x32x128xf32, #tpu.memory_space<vmem>>
      %dma_wait3A_1170 = tpu.memref_squeeze %dma_wait3A_1169 : memref<1x1x32x128xf32, #tpu.memory_space<vmem>> -> memref<32x128xf32, #tpu.memory_space<vmem>>
      %dma_wait3A_1171 = arith.constant 0 : i32
      %dma_wait3A_1172 = arith.constant 0 : i32
      %dma_wait3A_1173 = tpu.memref_slice %arg4[%dma_wait3A_1171, %dma_wait3A_1172] : memref<32x1000000xf32, #tpu.memory_space<hbm>> -> memref<32x128xf32, #tpu.memory_space<hbm>>
      tpu.wait_dma2 semaphore(%arg15 : memref<!tpu.dma_semaphore, #tpu.memory_space<semaphore_mem>>) src(%dma_wait3A_1173 : memref<32x128xf32, #tpu.memory_space<hbm>>) dst(%dma_wait3A_1170 : memref<32x128xf32, #tpu.memory_space<vmem>>)
      %dma_wait3A_1174 = arith.constant 0 : i32
      %dma_wait3A_1175 = arith.constant 0 : i32
      %dma_wait3A_1176 = arith.constant 0 : i32
      %dma_wait3A_1177 = arith.constant 0 : i32
      %dma_wait3A_1178 = tpu.memref_slice %arg11[%dma_wait3A_1174, %dma_wait3A_1175, %dma_wait3A_1176, %dma_wait3A_1177] : memref<3x4x32x128xf32, #tpu.memory_space<vmem>> -> memref<1x1x32x128xf32, #tpu.memory_space<vmem>>
      %dma_wait3A_1179 = tpu.memref_squeeze %dma_wait3A_1178 : memref<1x1x32x128xf32, #tpu.memory_space<vmem>> -> memref<32x128xf32, #tpu.memory_space<vmem>>
      %dma_wait3A_1180 = arith.constant 0 : i32
      %dma_wait3A_1181 = arith.constant 0 : i32
      %dma_wait3A_1182 = tpu.memref_slice %arg5[%dma_wait3A_1180, %dma_wait3A_1181] : memref<32x1000000xf32, #tpu.memory_space<hbm>> -> memref<32x128xf32, #tpu.memory_space<hbm>>
      %dma_wait3A_1183 = arith.constant 0 : i32
      %dma_wait3A_1184 = arith.constant 0 : i32
      %dma_wait3A_1185 = tpu.memref_slice %arg11[%dma_wait3A_1174, %dma_wait3A_1175, %dma_wait3A_1183, %dma_wait3A_1184] : memref<3x4x32x128xf32, #tpu.memory_space<vmem>> -> memref<1x1x32x128xf32, #tpu.memory_space<vmem>>
      %dma_wait3A_1186 = tpu.memref_squeeze %dma_wait3A_1185 : memref<1x1x32x128xf32, #tpu.memory_space<vmem>> -> memref<32x128xf32, #tpu.memory_space<vmem>>
      %dma_wait3A_1187 = arith.constant 0 : i32
      %dma_wait3A_1188 = arith.constant 0 : i32
      %dma_wait3A_1189 = tpu.memref_slice %arg5[%dma_wait3A_1187, %dma_wait3A_1188] : memref<32x1000000xf32, #tpu.memory_space<hbm>> -> memref<32x128xf32, #tpu.memory_space<hbm>>
      tpu.wait_dma2 semaphore(%arg16 : memref<!tpu.dma_semaphore, #tpu.memory_space<semaphore_mem>>) src(%dma_wait3A_1189 : memref<32x128xf32, #tpu.memory_space<hbm>>) dst(%dma_wait3A_1186 : memref<32x128xf32, #tpu.memory_space<vmem>>)
      %dma_wait3A_1190 = arith.constant 0 : i32
      %dma_wait3A_1191 = arith.constant 0 : i32
      %dma_wait3A_1192 = arith.constant 0 : i32
      %dma_wait3A_1193 = arith.constant 0 : i32
      %dma_wait3A_1194 = tpu.memref_slice %arg10[%dma_wait3A_1190, %dma_wait3A_1191, %dma_wait3A_1192, %dma_wait3A_1193] : memref<3x4x32x128xf32, #tpu.memory_space<vmem>> -> memref<1x1x32x128xf32, #tpu.memory_space<vmem>>
      %dma_wait3A_1195 = tpu.memref_squeeze %dma_wait3A_1194 : memref<1x1x32x128xf32, #tpu.memory_space<vmem>> -> memref<32x128xf32, #tpu.memory_space<vmem>>
      %dma_wait3A_1196 = arith.constant 0 : i32
      %dma_wait3A_1197 = arith.constant 0 : i32
      %dma_wait3A_1198 = tpu.memref_slice %arg4[%dma_wait3A_1196, %dma_wait3A_1197] : memref<32x1000000xf32, #tpu.memory_space<hbm>> -> memref<32x128xf32, #tpu.memory_space<hbm>>
      %dma_wait3A_1199 = arith.constant 0 : i32
      %dma_wait3A_1200 = arith.constant 0 : i32
      %dma_wait3A_1201 = tpu.memref_slice %arg10[%dma_wait3A_1190, %dma_wait3A_1191, %dma_wait3A_1199, %dma_wait3A_1200] : memref<3x4x32x128xf32, #tpu.memory_space<vmem>> -> memref<1x1x32x128xf32, #tpu.memory_space<vmem>>
      %dma_wait3A_1202 = tpu.memref_squeeze %dma_wait3A_1201 : memref<1x1x32x128xf32, #tpu.memory_space<vmem>> -> memref<32x128xf32, #tpu.memory_space<vmem>>
      %dma_wait3A_1203 = arith.constant 0 : i32
      %dma_wait3A_1204 = arith.constant 0 : i32
      %dma_wait3A_1205 = tpu.memref_slice %arg4[%dma_wait3A_1203, %dma_wait3A_1204] : memref<32x1000000xf32, #tpu.memory_space<hbm>> -> memref<32x128xf32, #tpu.memory_space<hbm>>
      tpu.wait_dma2 semaphore(%arg15 : memref<!tpu.dma_semaphore, #tpu.memory_space<semaphore_mem>>) src(%dma_wait3A_1205 : memref<32x128xf32, #tpu.memory_space<hbm>>) dst(%dma_wait3A_1202 : memref<32x128xf32, #tpu.memory_space<vmem>>)
      %dma_wait3A_1206 = arith.constant 0 : i32
      %dma_wait3A_1207 = arith.constant 0 : i32
      %dma_wait3A_1208 = arith.constant 0 : i32
      %dma_wait3A_1209 = arith.constant 0 : i32
      %dma_wait3A_1210 = tpu.memref_slice %arg11[%dma_wait3A_1206, %dma_wait3A_1207, %dma_wait3A_1208, %dma_wait3A_1209] : memref<3x4x32x128xf32, #tpu.memory_space<vmem>> -> memref<1x1x32x128xf32, #tpu.memory_space<vmem>>
      %dma_wait3A_1211 = tpu.memref_squeeze %dma_wait3A_1210 : memref<1x1x32x128xf32, #tpu.memory_space<vmem>> -> memref<32x128xf32, #tpu.memory_space<vmem>>
      %dma_wait3A_1212 = arith.constant 0 : i32
      %dma_wait3A_1213 = arith.constant 0 : i32
      %dma_wait3A_1214 = tpu.memref_slice %arg5[%dma_wait3A_1212, %dma_wait3A_1213] : memref<32x1000000xf32, #tpu.memory_space<hbm>> -> memref<32x128xf32, #tpu.memory_space<hbm>>
      %dma_wait3A_1215 = arith.constant 0 : i32
      %dma_wait3A_1216 = arith.constant 0 : i32
      %dma_wait3A_1217 = tpu.memref_slice %arg11[%dma_wait3A_1206, %dma_wait3A_1207, %dma_wait3A_1215, %dma_wait3A_1216] : memref<3x4x32x128xf32, #tpu.memory_space<vmem>> -> memref<1x1x32x128xf32, #tpu.memory_space<vmem>>
      %dma_wait3A_1218 = tpu.memref_squeeze %dma_wait3A_1217 : memref<1x1x32x128xf32, #tpu.memory_space<vmem>> -> memref<32x128xf32, #tpu.memory_space<vmem>>
      %dma_wait3A_1219 = arith.constant 0 : i32
      %dma_wait3A_1220 = arith.constant 0 : i32
      %dma_wait3A_1221 = tpu.memref_slice %arg5[%dma_wait3A_1219, %dma_wait3A_1220] : memref<32x1000000xf32, #tpu.memory_space<hbm>> -> memref<32x128xf32, #tpu.memory_space<hbm>>
      tpu.wait_dma2 semaphore(%arg16 : memref<!tpu.dma_semaphore, #tpu.memory_space<semaphore_mem>>) src(%dma_wait3A_1221 : memref<32x128xf32, #tpu.memory_space<hbm>>) dst(%dma_wait3A_1218 : memref<32x128xf32, #tpu.memory_space<vmem>>)
      %dma_wait3A_1222 = arith.constant 0 : i32
      %dma_wait3A_1223 = arith.constant 0 : i32
      %dma_wait3A_1224 = arith.constant 0 : i32
      %dma_wait3A_1225 = arith.constant 0 : i32
      %dma_wait3A_1226 = tpu.memref_slice %arg10[%dma_wait3A_1222, %dma_wait3A_1223, %dma_wait3A_1224, %dma_wait3A_1225] : memref<3x4x32x128xf32, #tpu.memory_space<vmem>> -> memref<1x1x32x128xf32, #tpu.memory_space<vmem>>
      %dma_wait3A_1227 = tpu.memref_squeeze %dma_wait3A_1226 : memref<1x1x32x128xf32, #tpu.memory_space<vmem>> -> memref<32x128xf32, #tpu.memory_space<vmem>>
      %dma_wait3A_1228 = arith.constant 0 : i32
      %dma_wait3A_1229 = arith.constant 0 : i32
      %dma_wait3A_1230 = tpu.memref_slice %arg4[%dma_wait3A_1228, %dma_wait3A_1229] : memref<32x1000000xf32, #tpu.memory_space<hbm>> -> memref<32x128xf32, #tpu.memory_space<hbm>>
      %dma_wait3A_1231 = arith.constant 0 : i32
      %dma_wait3A_1232 = arith.constant 0 : i32
      %dma_wait3A_1233 = tpu.memref_slice %arg10[%dma_wait3A_1222, %dma_wait3A_1223, %dma_wait3A_1231, %dma_wait3A_1232] : memref<3x4x32x128xf32, #tpu.memory_space<vmem>> -> memref<1x1x32x128xf32, #tpu.memory_space<vmem>>
      %dma_wait3A_1234 = tpu.memref_squeeze %dma_wait3A_1233 : memref<1x1x32x128xf32, #tpu.memory_space<vmem>> -> memref<32x128xf32, #tpu.memory_space<vmem>>
      %dma_wait3A_1235 = arith.constant 0 : i32
      %dma_wait3A_1236 = arith.constant 0 : i32
      %dma_wait3A_1237 = tpu.memref_slice %arg4[%dma_wait3A_1235, %dma_wait3A_1236] : memref<32x1000000xf32, #tpu.memory_space<hbm>> -> memref<32x128xf32, #tpu.memory_space<hbm>>
      tpu.wait_dma2 semaphore(%arg15 : memref<!tpu.dma_semaphore, #tpu.memory_space<semaphore_mem>>) src(%dma_wait3A_1237 : memref<32x128xf32, #tpu.memory_space<hbm>>) dst(%dma_wait3A_1234 : memref<32x128xf32, #tpu.memory_space<vmem>>)
      %dma_wait3A_1238 = arith.constant 0 : i32
      %dma_wait3A_1239 = arith.constant 0 : i32
      %dma_wait3A_1240 = arith.constant 0 : i32
      %dma_wait3A_1241 = arith.constant 0 : i32
      %dma_wait3A_1242 = tpu.memref_slice %arg11[%dma_wait3A_1238, %dma_wait3A_1239, %dma_wait3A_1240, %dma_wait3A_1241] : memref<3x4x32x128xf32, #tpu.memory_space<vmem>> -> memref<1x1x32x128xf32, #tpu.memory_space<vmem>>
      %dma_wait3A_1243 = tpu.memref_squeeze %dma_wait3A_1242 : memref<1x1x32x128xf32, #tpu.memory_space<vmem>> -> memref<32x128xf32, #tpu.memory_space<vmem>>
      %dma_wait3A_1244 = arith.constant 0 : i32
      %dma_wait3A_1245 = arith.constant 0 : i32
      %dma_wait3A_1246 = tpu.memref_slice %arg5[%dma_wait3A_1244, %dma_wait3A_1245] : memref<32x1000000xf32, #tpu.memory_space<hbm>> -> memref<32x128xf32, #tpu.memory_space<hbm>>
      %dma_wait3A_1247 = arith.constant 0 : i32
      %dma_wait3A_1248 = arith.constant 0 : i32
      %dma_wait3A_1249 = tpu.memref_slice %arg11[%dma_wait3A_1238, %dma_wait3A_1239, %dma_wait3A_1247, %dma_wait3A_1248] : memref<3x4x32x128xf32, #tpu.memory_space<vmem>> -> memref<1x1x32x128xf32, #tpu.memory_space<vmem>>
      %dma_wait3A_1250 = tpu.memref_squeeze %dma_wait3A_1249 : memref<1x1x32x128xf32, #tpu.memory_space<vmem>> -> memref<32x128xf32, #tpu.memory_space<vmem>>
      %dma_wait3A_1251 = arith.constant 0 : i32
      %dma_wait3A_1252 = arith.constant 0 : i32
      %dma_wait3A_1253 = tpu.memref_slice %arg5[%dma_wait3A_1251, %dma_wait3A_1252] : memref<32x1000000xf32, #tpu.memory_space<hbm>> -> memref<32x128xf32, #tpu.memory_space<hbm>>
      tpu.wait_dma2 semaphore(%arg16 : memref<!tpu.dma_semaphore, #tpu.memory_space<semaphore_mem>>) src(%dma_wait3A_1253 : memref<32x128xf32, #tpu.memory_space<hbm>>) dst(%dma_wait3A_1250 : memref<32x128xf32, #tpu.memory_space<vmem>>)
      %dma_wait3A_1254 = arith.constant 0 : i32
      %dma_wait3A_1255 = arith.constant 0 : i32
      %dma_wait3A_1256 = arith.constant 0 : i32
      %dma_wait3A_1257 = arith.constant 0 : i32
      %dma_wait3A_1258 = tpu.memref_slice %arg10[%dma_wait3A_1254, %dma_wait3A_1255, %dma_wait3A_1256, %dma_wait3A_1257] : memref<3x4x32x128xf32, #tpu.memory_space<vmem>> -> memref<1x1x32x128xf32, #tpu.memory_space<vmem>>
      %dma_wait3A_1259 = tpu.memref_squeeze %dma_wait3A_1258 : memref<1x1x32x128xf32, #tpu.memory_space<vmem>> -> memref<32x128xf32, #tpu.memory_space<vmem>>
      %dma_wait3A_1260 = arith.constant 0 : i32
      %dma_wait3A_1261 = arith.constant 0 : i32
      %dma_wait3A_1262 = tpu.memref_slice %arg4[%dma_wait3A_1260, %dma_wait3A_1261] : memref<32x1000000xf32, #tpu.memory_space<hbm>> -> memref<32x128xf32, #tpu.memory_space<hbm>>
      %dma_wait3A_1263 = arith.constant 0 : i32
      %dma_wait3A_1264 = arith.constant 0 : i32
      %dma_wait3A_1265 = tpu.memref_slice %arg10[%dma_wait3A_1254, %dma_wait3A_1255, %dma_wait3A_1263, %dma_wait3A_1264] : memref<3x4x32x128xf32, #tpu.memory_space<vmem>> -> memref<1x1x32x128xf32, #tpu.memory_space<vmem>>
      %dma_wait3A_1266 = tpu.memref_squeeze %dma_wait3A_1265 : memref<1x1x32x128xf32, #tpu.memory_space<vmem>> -> memref<32x128xf32, #tpu.memory_space<vmem>>
      %dma_wait3A_1267 = arith.constant 0 : i32
      %dma_wait3A_1268 = arith.constant 0 : i32
      %dma_wait3A_1269 = tpu.memref_slice %arg4[%dma_wait3A_1267, %dma_wait3A_1268] : memref<32x1000000xf32, #tpu.memory_space<hbm>> -> memref<32x128xf32, #tpu.memory_space<hbm>>
      tpu.wait_dma2 semaphore(%arg15 : memref<!tpu.dma_semaphore, #tpu.memory_space<semaphore_mem>>) src(%dma_wait3A_1269 : memref<32x128xf32, #tpu.memory_space<hbm>>) dst(%dma_wait3A_1266 : memref<32x128xf32, #tpu.memory_space<vmem>>)
      %dma_wait3A_1270 = arith.constant 0 : i32
      %dma_wait3A_1271 = arith.constant 0 : i32
      %dma_wait3A_1272 = arith.constant 0 : i32
      %dma_wait3A_1273 = arith.constant 0 : i32
      %dma_wait3A_1274 = tpu.memref_slice %arg11[%dma_wait3A_1270, %dma_wait3A_1271, %dma_wait3A_1272, %dma_wait3A_1273] : memref<3x4x32x128xf32, #tpu.memory_space<vmem>> -> memref<1x1x32x128xf32, #tpu.memory_space<vmem>>
      %dma_wait3A_1275 = tpu.memref_squeeze %dma_wait3A_1274 : memref<1x1x32x128xf32, #tpu.memory_space<vmem>> -> memref<32x128xf32, #tpu.memory_space<vmem>>
      %dma_wait3A_1276 = arith.constant 0 : i32
      %dma_wait3A_1277 = arith.constant 0 : i32
      %dma_wait3A_1278 = tpu.memref_slice %arg5[%dma_wait3A_1276, %dma_wait3A_1277] : memref<32x1000000xf32, #tpu.memory_space<hbm>> -> memref<32x128xf32, #tpu.memory_space<hbm>>
      %dma_wait3A_1279 = arith.constant 0 : i32
      %dma_wait3A_1280 = arith.constant 0 : i32
      %dma_wait3A_1281 = tpu.memref_slice %arg11[%dma_wait3A_1270, %dma_wait3A_1271, %dma_wait3A_1279, %dma_wait3A_1280] : memref<3x4x32x128xf32, #tpu.memory_space<vmem>> -> memref<1x1x32x128xf32, #tpu.memory_space<vmem>>
      %dma_wait3A_1282 = tpu.memref_squeeze %dma_wait3A_1281 : memref<1x1x32x128xf32, #tpu.memory_space<vmem>> -> memref<32x128xf32, #tpu.memory_space<vmem>>
      %dma_wait3A_1283 = arith.constant 0 : i32
      %dma_wait3A_1284 = arith.constant 0 : i32
      %dma_wait3A_1285 = tpu.memref_slice %arg5[%dma_wait3A_1283, %dma_wait3A_1284] : memref<32x1000000xf32, #tpu.memory_space<hbm>> -> memref<32x128xf32, #tpu.memory_space<hbm>>
      tpu.wait_dma2 semaphore(%arg16 : memref<!tpu.dma_semaphore, #tpu.memory_space<semaphore_mem>>) src(%dma_wait3A_1285 : memref<32x128xf32, #tpu.memory_space<hbm>>) dst(%dma_wait3A_1282 : memref<32x128xf32, #tpu.memory_space<vmem>>)
      %add3A_1286 = arith.constant 1 : i32
      %add3A_1287 = arith.addi %mul3A_881, %add3A_1286 : i32
      %shift_right_arithmetic3A_1288 = arith.constant 1 : i32
      %shift_right_arithmetic3A_1289 = arith.shrsi %add3A_1287, %shift_right_arithmetic3A_1288 : i32
      %mul3A_1290 = arith.constant 8 : i32
      %mul3A_1291 = arith.muli %shift_right_arithmetic3A_1289, %mul3A_1290 : i32
      %multiple_of3A_1292 = tpu.assume_multiple %mul3A_1291, 8 : i32
      %get3A_1293 = arith.index_cast %multiple_of3A_1292 : i32 to index
      %get3A_1294 = tpu.vector_load %arg8[%get3A_1293] {strides = array<i32>} : memref<528xi32, #tpu.memory_space<vmem>>, vector<16xi32>,
      %get3A_1295 = arith.index_cast %multiple_of3A_1292 : i32 to index
      %get3A_1296 = tpu.vector_load %arg9[%get3A_1295] {strides = array<i32>} : memref<528xi32, #tpu.memory_space<vmem>>, vector<16xi32>,
      %broadcast_in_dim3A_1297 = arith.constant 1 : i32
      %broadcast_in_dim3A_1298 = vector.broadcast %broadcast_in_dim3A_1297 : i32 to vector<16xi32>
      %slice3A_1299 = vector.extract_strided_slice %get3A_1294 {offsets = [4], sizes = [1], strides = [1]} : vector<16xi32> to vector<1xi32>
      %squeeze3A_1300 = vector.extract %slice3A_1299[0] : i32 from vector<1xi32>
      %and3A_1301 = arith.constant 127 : i32
      %and3A_1302 = arith.andi %squeeze3A_1300, %and3A_1301 : i32
      %broadcast_in_dim3A_1303 = vector.broadcast %and3A_1302 : i32 to vector<16xi32>
      %slice3A_1304 = vector.extract_strided_slice %get3A_1296 {offsets = [4], sizes = [1], strides = [1]} : vector<16xi32> to vector<1xi32>
      %squeeze3A_1305 = vector.extract %slice3A_1304[0] : i32 from vector<1xi32>
      %and3A_1306 = arith.constant 127 : i32
      %and3A_1307 = arith.andi %squeeze3A_1305, %and3A_1306 : i32
      %broadcast_in_dim3A_1308 = vector.broadcast %and3A_1307 : i32 to vector<16xi32>
      %broadcast_in_dim3A_1309 = arith.constant 0 : i32
      %broadcast_in_dim3A_1310 = vector.broadcast %broadcast_in_dim3A_1309 : i32 to vector<16xi32>
      %gather3A_1311 = tpu.vector_load_idx %arg10[%broadcast_in_dim3A_1298, %broadcast_in_dim3A_1310, %iota3A, %broadcast_in_dim3A_1303] : memref<3x4x32x128xf32, #tpu.memory_space<vmem>>[vector<16xi32>, vector<16xi32>, vector<16xi32>, vector<16xi32>], vector<16xf32>,
      %add3A_1312 = arith.constant 16 : i32
      %add3A_1313 = vector.broadcast %add3A_1312 : i32 to vector<16xi32>
      %add3A_1314 = arith.addi %iota3A, %add3A_1313 : vector<16xi32>
      %gather3A_1315 = tpu.vector_load_idx %arg10[%broadcast_in_dim3A_1298, %broadcast_in_dim3A_1310, %add3A_1314, %broadcast_in_dim3A_1303] : memref<3x4x32x128xf32, #tpu.memory_space<vmem>>[vector<16xi32>, vector<16xi32>, vector<16xi32>, vector<16xi32>], vector<16xf32>,
      %gather3A_1316 = tpu.vector_load_idx %arg11[%broadcast_in_dim3A_1298, %broadcast_in_dim3A_1310, %iota3A, %broadcast_in_dim3A_1308] : memref<3x4x32x128xf32, #tpu.memory_space<vmem>>[vector<16xi32>, vector<16xi32>, vector<16xi32>, vector<16xi32>], vector<16xf32>,
      %add3A_1317 = arith.constant 16 : i32
      %add3A_1318 = vector.broadcast %add3A_1317 : i32 to vector<16xi32>
      %add3A_1319 = arith.addi %iota3A, %add3A_1318 : vector<16xi32>
      %gather3A_1320 = tpu.vector_load_idx %arg11[%broadcast_in_dim3A_1298, %broadcast_in_dim3A_1310, %add3A_1319, %broadcast_in_dim3A_1308] : memref<3x4x32x128xf32, #tpu.memory_space<vmem>>[vector<16xi32>, vector<16xi32>, vector<16xi32>, vector<16xi32>], vector<16xf32>,
      %mul3A_1321 = arith.mulf %gather3A_1311, %gather3A_1316 : vector<16xf32>
      %mul3A_1322 = arith.mulf %mul3A_1321, %get3A_3 : vector<16xf32>
      %mul3A_1323 = arith.mulf %gather3A_1315, %gather3A_1320 : vector<16xf32>
      %mul3A_1324 = arith.mulf %mul3A_1323, %get3A_5 : vector<16xf32>
      %add3A_1325 = arith.addf %mul3A_1322, %mul3A_1324 : vector<16xf32>
      %swap3A_1326 = arith.index_cast %add3A_1287 : i32 to index
      %swap3A_1327 = arith.constant 0 : index
      %swap3A_1328 = tpu.vector_load %arg13[%swap3A_1326, %swap3A_1327] {strides = array<i32>} : memref<128x64xf32, #tpu.memory_space<vmem>>, vector<16xf32>,
      tpu.vector_store %arg13[%swap3A_1326, %swap3A_1327], %add3A_1325 {strides = array<i32>} : memref<128x64xf32, #tpu.memory_space<vmem>>, vector<16xf32>,
      %slice3A_1329 = vector.extract_strided_slice %get3A_1294 {offsets = [5], sizes = [1], strides = [1]} : vector<16xi32> to vector<1xi32>
      %squeeze3A_1330 = vector.extract %slice3A_1329[0] : i32 from vector<1xi32>
      %and3A_1331 = arith.constant 127 : i32
      %and3A_1332 = arith.andi %squeeze3A_1330, %and3A_1331 : i32
      %broadcast_in_dim3A_1333 = vector.broadcast %and3A_1332 : i32 to vector<16xi32>
      %slice3A_1334 = vector.extract_strided_slice %get3A_1296 {offsets = [5], sizes = [1], strides = [1]} : vector<16xi32> to vector<1xi32>
      %squeeze3A_1335 = vector.extract %slice3A_1334[0] : i32 from vector<1xi32>
      %and3A_1336 = arith.constant 127 : i32
      %and3A_1337 = arith.andi %squeeze3A_1335, %and3A_1336 : i32
      %broadcast_in_dim3A_1338 = vector.broadcast %and3A_1337 : i32 to vector<16xi32>
      %broadcast_in_dim3A_1339 = arith.constant 1 : i32
      %broadcast_in_dim3A_1340 = vector.broadcast %broadcast_in_dim3A_1339 : i32 to vector<16xi32>
      %gather3A_1341 = tpu.vector_load_idx %arg10[%broadcast_in_dim3A_1298, %broadcast_in_dim3A_1340, %iota3A, %broadcast_in_dim3A_1333] : memref<3x4x32x128xf32, #tpu.memory_space<vmem>>[vector<16xi32>, vector<16xi32>, vector<16xi32>, vector<16xi32>], vector<16xf32>,
      %add3A_1342 = arith.constant 16 : i32
      %add3A_1343 = vector.broadcast %add3A_1342 : i32 to vector<16xi32>
      %add3A_1344 = arith.addi %iota3A, %add3A_1343 : vector<16xi32>
      %gather3A_1345 = tpu.vector_load_idx %arg10[%broadcast_in_dim3A_1298, %broadcast_in_dim3A_1340, %add3A_1344, %broadcast_in_dim3A_1333] : memref<3x4x32x128xf32, #tpu.memory_space<vmem>>[vector<16xi32>, vector<16xi32>, vector<16xi32>, vector<16xi32>], vector<16xf32>,
      %gather3A_1346 = tpu.vector_load_idx %arg11[%broadcast_in_dim3A_1298, %broadcast_in_dim3A_1340, %iota3A, %broadcast_in_dim3A_1338] : memref<3x4x32x128xf32, #tpu.memory_space<vmem>>[vector<16xi32>, vector<16xi32>, vector<16xi32>, vector<16xi32>], vector<16xf32>,
      %add3A_1347 = arith.constant 16 : i32
      %add3A_1348 = vector.broadcast %add3A_1347 : i32 to vector<16xi32>
      %add3A_1349 = arith.addi %iota3A, %add3A_1348 : vector<16xi32>
      %gather3A_1350 = tpu.vector_load_idx %arg11[%broadcast_in_dim3A_1298, %broadcast_in_dim3A_1340, %add3A_1349, %broadcast_in_dim3A_1338] : memref<3x4x32x128xf32, #tpu.memory_space<vmem>>[vector<16xi32>, vector<16xi32>, vector<16xi32>, vector<16xi32>], vector<16xf32>,
      %mul3A_1351 = arith.mulf %gather3A_1341, %gather3A_1346 : vector<16xf32>
      %mul3A_1352 = arith.mulf %mul3A_1351, %get3A_3 : vector<16xf32>
      %mul3A_1353 = arith.mulf %gather3A_1345, %gather3A_1350 : vector<16xf32>
      %mul3A_1354 = arith.mulf %mul3A_1353, %get3A_5 : vector<16xf32>
      %add3A_1355 = arith.addf %mul3A_1352, %mul3A_1354 : vector<16xf32>
      %swap3A_1356 = arith.index_cast %add3A_1287 : i32 to index
      %swap3A_1357 = arith.constant 16 : index
      %swap3A_1358 = tpu.vector_load %arg13[%swap3A_1356, %swap3A_1357] {strides = array<i32>} : memref<128x64xf32, #tpu.memory_space<vmem>>, vector<16xf32>,
      tpu.vector_store %arg13[%swap3A_1356, %swap3A_1357], %add3A_1355 {strides = array<i32>} : memref<128x64xf32, #tpu.memory_space<vmem>>, vector<16xf32>,
      %slice3A_1359 = vector.extract_strided_slice %get3A_1294 {offsets = [6], sizes = [1], strides = [1]} : vector<16xi32> to vector<1xi32>
      %squeeze3A_1360 = vector.extract %slice3A_1359[0] : i32 from vector<1xi32>
      %and3A_1361 = arith.constant 127 : i32
      %and3A_1362 = arith.andi %squeeze3A_1360, %and3A_1361 : i32
      %broadcast_in_dim3A_1363 = vector.broadcast %and3A_1362 : i32 to vector<16xi32>
      %slice3A_1364 = vector.extract_strided_slice %get3A_1296 {offsets = [6], sizes = [1], strides = [1]} : vector<16xi32> to vector<1xi32>
      %squeeze3A_1365 = vector.extract %slice3A_1364[0] : i32 from vector<1xi32>
      %and3A_1366 = arith.constant 127 : i32
      %and3A_1367 = arith.andi %squeeze3A_1365, %and3A_1366 : i32
      %broadcast_in_dim3A_1368 = vector.broadcast %and3A_1367 : i32 to vector<16xi32>
      %broadcast_in_dim3A_1369 = arith.constant 2 : i32
      %broadcast_in_dim3A_1370 = vector.broadcast %broadcast_in_dim3A_1369 : i32 to vector<16xi32>
      %gather3A_1371 = tpu.vector_load_idx %arg10[%broadcast_in_dim3A_1298, %broadcast_in_dim3A_1370, %iota3A, %broadcast_in_dim3A_1363] : memref<3x4x32x128xf32, #tpu.memory_space<vmem>>[vector<16xi32>, vector<16xi32>, vector<16xi32>, vector<16xi32>], vector<16xf32>,
      %add3A_1372 = arith.constant 16 : i32
      %add3A_1373 = vector.broadcast %add3A_1372 : i32 to vector<16xi32>
      %add3A_1374 = arith.addi %iota3A, %add3A_1373 : vector<16xi32>
      %gather3A_1375 = tpu.vector_load_idx %arg10[%broadcast_in_dim3A_1298, %broadcast_in_dim3A_1370, %add3A_1374, %broadcast_in_dim3A_1363] : memref<3x4x32x128xf32, #tpu.memory_space<vmem>>[vector<16xi32>, vector<16xi32>, vector<16xi32>, vector<16xi32>], vector<16xf32>,
      %gather3A_1376 = tpu.vector_load_idx %arg11[%broadcast_in_dim3A_1298, %broadcast_in_dim3A_1370, %iota3A, %broadcast_in_dim3A_1368] : memref<3x4x32x128xf32, #tpu.memory_space<vmem>>[vector<16xi32>, vector<16xi32>, vector<16xi32>, vector<16xi32>], vector<16xf32>,
      %add3A_1377 = arith.constant 16 : i32
      %add3A_1378 = vector.broadcast %add3A_1377 : i32 to vector<16xi32>
      %add3A_1379 = arith.addi %iota3A, %add3A_1378 : vector<16xi32>
      %gather3A_1380 = tpu.vector_load_idx %arg11[%broadcast_in_dim3A_1298, %broadcast_in_dim3A_1370, %add3A_1379, %broadcast_in_dim3A_1368] : memref<3x4x32x128xf32, #tpu.memory_space<vmem>>[vector<16xi32>, vector<16xi32>, vector<16xi32>, vector<16xi32>], vector<16xf32>,
      %mul3A_1381 = arith.mulf %gather3A_1371, %gather3A_1376 : vector<16xf32>
      %mul3A_1382 = arith.mulf %mul3A_1381, %get3A_3 : vector<16xf32>
      %mul3A_1383 = arith.mulf %gather3A_1375, %gather3A_1380 : vector<16xf32>
      %mul3A_1384 = arith.mulf %mul3A_1383, %get3A_5 : vector<16xf32>
      %add3A_1385 = arith.addf %mul3A_1382, %mul3A_1384 : vector<16xf32>
      %swap3A_1386 = arith.index_cast %add3A_1287 : i32 to index
      %swap3A_1387 = arith.constant 32 : index
      %swap3A_1388 = tpu.vector_load %arg13[%swap3A_1386, %swap3A_1387] {strides = array<i32>} : memref<128x64xf32, #tpu.memory_space<vmem>>, vector<16xf32>,
      tpu.vector_store %arg13[%swap3A_1386, %swap3A_1387], %add3A_1385 {strides = array<i32>} : memref<128x64xf32, #tpu.memory_space<vmem>>, vector<16xf32>,
      %slice3A_1389 = vector.extract_strided_slice %get3A_1294 {offsets = [7], sizes = [1], strides = [1]} : vector<16xi32> to vector<1xi32>
      %squeeze3A_1390 = vector.extract %slice3A_1389[0] : i32 from vector<1xi32>
      %and3A_1391 = arith.constant 127 : i32
      %and3A_1392 = arith.andi %squeeze3A_1390, %and3A_1391 : i32
      %broadcast_in_dim3A_1393 = vector.broadcast %and3A_1392 : i32 to vector<16xi32>
      %slice3A_1394 = vector.extract_strided_slice %get3A_1296 {offsets = [7], sizes = [1], strides = [1]} : vector<16xi32> to vector<1xi32>
      %squeeze3A_1395 = vector.extract %slice3A_1394[0] : i32 from vector<1xi32>
      %and3A_1396 = arith.constant 127 : i32
      %and3A_1397 = arith.andi %squeeze3A_1395, %and3A_1396 : i32
      %broadcast_in_dim3A_1398 = vector.broadcast %and3A_1397 : i32 to vector<16xi32>
      %broadcast_in_dim3A_1399 = arith.constant 3 : i32
      %broadcast_in_dim3A_1400 = vector.broadcast %broadcast_in_dim3A_1399 : i32 to vector<16xi32>
      %gather3A_1401 = tpu.vector_load_idx %arg10[%broadcast_in_dim3A_1298, %broadcast_in_dim3A_1400, %iota3A, %broadcast_in_dim3A_1393] : memref<3x4x32x128xf32, #tpu.memory_space<vmem>>[vector<16xi32>, vector<16xi32>, vector<16xi32>, vector<16xi32>], vector<16xf32>,
      %add3A_1402 = arith.constant 16 : i32
      %add3A_1403 = vector.broadcast %add3A_1402 : i32 to vector<16xi32>
      %add3A_1404 = arith.addi %iota3A, %add3A_1403 : vector<16xi32>
      %gather3A_1405 = tpu.vector_load_idx %arg10[%broadcast_in_dim3A_1298, %broadcast_in_dim3A_1400, %add3A_1404, %broadcast_in_dim3A_1393] : memref<3x4x32x128xf32, #tpu.memory_space<vmem>>[vector<16xi32>, vector<16xi32>, vector<16xi32>, vector<16xi32>], vector<16xf32>,
      %gather3A_1406 = tpu.vector_load_idx %arg11[%broadcast_in_dim3A_1298, %broadcast_in_dim3A_1400, %iota3A, %broadcast_in_dim3A_1398] : memref<3x4x32x128xf32, #tpu.memory_space<vmem>>[vector<16xi32>, vector<16xi32>, vector<16xi32>, vector<16xi32>], vector<16xf32>,
      %add3A_1407 = arith.constant 16 : i32
      %add3A_1408 = vector.broadcast %add3A_1407 : i32 to vector<16xi32>
      %add3A_1409 = arith.addi %iota3A, %add3A_1408 : vector<16xi32>
      %gather3A_1410 = tpu.vector_load_idx %arg11[%broadcast_in_dim3A_1298, %broadcast_in_dim3A_1400, %add3A_1409, %broadcast_in_dim3A_1398] : memref<3x4x32x128xf32, #tpu.memory_space<vmem>>[vector<16xi32>, vector<16xi32>, vector<16xi32>, vector<16xi32>], vector<16xf32>,
      %mul3A_1411 = arith.mulf %gather3A_1401, %gather3A_1406 : vector<16xf32>
      %mul3A_1412 = arith.mulf %mul3A_1411, %get3A_3 : vector<16xf32>
      %mul3A_1413 = arith.mulf %gather3A_1405, %gather3A_1410 : vector<16xf32>
      %mul3A_1414 = arith.mulf %mul3A_1413, %get3A_5 : vector<16xf32>
      %add3A_1415 = arith.addf %mul3A_1412, %mul3A_1414 : vector<16xf32>
      %swap3A_1416 = arith.index_cast %add3A_1287 : i32 to index
      %swap3A_1417 = arith.constant 48 : index
      %swap3A_1418 = tpu.vector_load %arg13[%swap3A_1416, %swap3A_1417] {strides = array<i32>} : memref<128x64xf32, #tpu.memory_space<vmem>>, vector<16xf32>,
      tpu.vector_store %arg13[%swap3A_1416, %swap3A_1417], %add3A_1415 {strides = array<i32>} : memref<128x64xf32, #tpu.memory_space<vmem>>, vector<16xf32>,
      %add3A_1419 = arith.constant 2 : i32
      %add3A_1420 = arith.addi %mul3A_881, %add3A_1419 : i32
      %add3A_1421 = arith.constant 2 : i32
      %add3A_1422 = arith.addi %add3A_1420, %add3A_1421 : i32
      %lt3A_1423 = arith.constant 128 : i32
      %lt3A_1424 = arith.cmpi slt, %add3A_1422, %lt3A_1423 : i32
      %convert_element_type3A_1425 = arith.extui %lt3A_1424 : i1 to i32
      %cond3A_1426 = arith.constant 0 : i32
      %cond3A_1427 = arith.cmpi ne, %convert_element_type3A_1425, %cond3A_1426 : i32
      scf.if %cond3A_1427 {
        %shift_right_arithmetic3A_2499 = arith.constant 1 : i32
        %shift_right_arithmetic3A_2500 = arith.shrsi %add3A_1422, %shift_right_arithmetic3A_2499 : i32
        %mul3A_2501 = arith.constant 8 : i32
        %mul3A_2502 = arith.muli %shift_right_arithmetic3A_2500, %mul3A_2501 : i32
        %multiple_of3A_2503 = tpu.assume_multiple %mul3A_2502, 8 : i32
        %get3A_2504 = arith.index_cast %multiple_of3A_2503 : i32 to index
        %get3A_2505 = tpu.vector_load %arg8[%get3A_2504] {strides = array<i32>} : memref<528xi32, #tpu.memory_space<vmem>>, vector<16xi32>,
        %get3A_2506 = arith.index_cast %multiple_of3A_2503 : i32 to index
        %get3A_2507 = tpu.vector_load %arg9[%get3A_2506] {strides = array<i32>} : memref<528xi32, #tpu.memory_space<vmem>>, vector<16xi32>,
        %slice3A_2508 = vector.extract_strided_slice %get3A_2505 {offsets = [0], sizes = [1], strides = [1]} : vector<16xi32> to vector<1xi32>
        %squeeze3A_2509 = vector.extract %slice3A_2508[0] : i32 from vector<1xi32>
        %shift_right_arithmetic3A_2510 = arith.constant 7 : i32
        %shift_right_arithmetic3A_2511 = arith.shrsi %squeeze3A_2509, %shift_right_arithmetic3A_2510 : i32
        %mul3A_2512 = arith.constant 128 : i32
        %mul3A_2513 = arith.muli %shift_right_arithmetic3A_2511, %mul3A_2512 : i32
        %multiple_of3A_2514 = tpu.assume_multiple %mul3A_2513, 128 : i32
        %dma_start3A_2515 = arith.constant 1 : i32
        %dma_start3A_2516 = arith.constant 0 : i32
        %dma_start3A_2517 = arith.constant 0 : i32
        %dma_start3A_2518 = arith.constant 0 : i32
        %dma_start3A_2519 = tpu.memref_slice %arg10[%dma_start3A_2515, %dma_start3A_2516, %dma_start3A_2517, %dma_start3A_2518] : memref<3x4x32x128xf32, #tpu.memory_space<vmem>> -> memref<1x1x32x128xf32, #tpu.memory_space<vmem>>
        %dma_start3A_2520 = tpu.memref_squeeze %dma_start3A_2519 : memref<1x1x32x128xf32, #tpu.memory_space<vmem>> -> memref<32x128xf32, #tpu.memory_space<vmem>>
        %dma_start3A_2521 = arith.constant 0 : i32
        %dma_start3A_2522 = tpu.memref_slice %arg4[%dma_start3A_2521, %multiple_of3A_2514] : memref<32x1000000xf32, #tpu.memory_space<hbm>> -> memref<32x128xf32, #tpu.memory_space<hbm>>
        %dma_start3A_2523 = arith.constant 0 : i32
        %dma_start3A_2524 = arith.constant 0 : i32
        %dma_start3A_2525 = tpu.memref_slice %arg10[%dma_start3A_2515, %dma_start3A_2516, %dma_start3A_2523, %dma_start3A_2524] : memref<3x4x32x128xf32, #tpu.memory_space<vmem>> -> memref<1x1x32x128xf32, #tpu.memory_space<vmem>>
        %dma_start3A_2526 = tpu.memref_squeeze %dma_start3A_2525 : memref<1x1x32x128xf32, #tpu.memory_space<vmem>> -> memref<32x128xf32, #tpu.memory_space<vmem>>
        %dma_start3A_2527 = arith.constant 0 : i32
        %dma_start3A_2528 = tpu.memref_slice %arg4[%dma_start3A_2527, %multiple_of3A_2514] : memref<32x1000000xf32, #tpu.memory_space<hbm>> -> memref<32x128xf32, #tpu.memory_space<hbm>>
        tpu.enqueue_dma source(%dma_start3A_2528 : memref<32x128xf32, #tpu.memory_space<hbm>>) target(%dma_start3A_2526 : memref<32x128xf32, #tpu.memory_space<vmem>>) target_semaphore(%arg15 : memref<!tpu.dma_semaphore, #tpu.memory_space<semaphore_mem>>)
        %slice3A_2529 = vector.extract_strided_slice %get3A_2507 {offsets = [0], sizes = [1], strides = [1]} : vector<16xi32> to vector<1xi32>
        %squeeze3A_2530 = vector.extract %slice3A_2529[0] : i32 from vector<1xi32>
        %shift_right_arithmetic3A_2531 = arith.constant 7 : i32
        %shift_right_arithmetic3A_2532 = arith.shrsi %squeeze3A_2530, %shift_right_arithmetic3A_2531 : i32
        %mul3A_2533 = arith.constant 128 : i32
        %mul3A_2534 = arith.muli %shift_right_arithmetic3A_2532, %mul3A_2533 : i32
        %multiple_of3A_2535 = tpu.assume_multiple %mul3A_2534, 128 : i32
        %dma_start3A_2536 = arith.constant 1 : i32
        %dma_start3A_2537 = arith.constant 0 : i32
        %dma_start3A_2538 = arith.constant 0 : i32
        %dma_start3A_2539 = arith.constant 0 : i32
        %dma_start3A_2540 = tpu.memref_slice %arg11[%dma_start3A_2536, %dma_start3A_2537, %dma_start3A_2538, %dma_start3A_2539] : memref<3x4x32x128xf32, #tpu.memory_space<vmem>> -> memref<1x1x32x128xf32, #tpu.memory_space<vmem>>
        %dma_start3A_2541 = tpu.memref_squeeze %dma_start3A_2540 : memref<1x1x32x128xf32, #tpu.memory_space<vmem>> -> memref<32x128xf32, #tpu.memory_space<vmem>>
        %dma_start3A_2542 = arith.constant 0 : i32
        %dma_start3A_2543 = tpu.memref_slice %arg5[%dma_start3A_2542, %multiple_of3A_2535] : memref<32x1000000xf32, #tpu.memory_space<hbm>> -> memref<32x128xf32, #tpu.memory_space<hbm>>
        %dma_start3A_2544 = arith.constant 0 : i32
        %dma_start3A_2545 = arith.constant 0 : i32
        %dma_start3A_2546 = tpu.memref_slice %arg11[%dma_start3A_2536, %dma_start3A_2537, %dma_start3A_2544, %dma_start3A_2545] : memref<3x4x32x128xf32, #tpu.memory_space<vmem>> -> memref<1x1x32x128xf32, #tpu.memory_space<vmem>>
        %dma_start3A_2547 = tpu.memref_squeeze %dma_start3A_2546 : memref<1x1x32x128xf32, #tpu.memory_space<vmem>> -> memref<32x128xf32, #tpu.memory_space<vmem>>
        %dma_start3A_2548 = arith.constant 0 : i32
        %dma_start3A_2549 = tpu.memref_slice %arg5[%dma_start3A_2548, %multiple_of3A_2535] : memref<32x1000000xf32, #tpu.memory_space<hbm>> -> memref<32x128xf32, #tpu.memory_space<hbm>>
        tpu.enqueue_dma source(%dma_start3A_2549 : memref<32x128xf32, #tpu.memory_space<hbm>>) target(%dma_start3A_2547 : memref<32x128xf32, #tpu.memory_space<vmem>>) target_semaphore(%arg16 : memref<!tpu.dma_semaphore, #tpu.memory_space<semaphore_mem>>)
        %slice3A_2550 = vector.extract_strided_slice %get3A_2505 {offsets = [1], sizes = [1], strides = [1]} : vector<16xi32> to vector<1xi32>
        %squeeze3A_2551 = vector.extract %slice3A_2550[0] : i32 from vector<1xi32>
        %shift_right_arithmetic3A_2552 = arith.constant 7 : i32
        %shift_right_arithmetic3A_2553 = arith.shrsi %squeeze3A_2551, %shift_right_arithmetic3A_2552 : i32
        %mul3A_2554 = arith.constant 128 : i32
        %mul3A_2555 = arith.muli %shift_right_arithmetic3A_2553, %mul3A_2554 : i32
        %multiple_of3A_2556 = tpu.assume_multiple %mul3A_2555, 128 : i32
        %dma_start3A_2557 = arith.constant 1 : i32
        %dma_start3A_2558 = arith.constant 1 : i32
        %dma_start3A_2559 = arith.constant 0 : i32
        %dma_start3A_2560 = arith.constant 0 : i32
        %dma_start3A_2561 = tpu.memref_slice %arg10[%dma_start3A_2557, %dma_start3A_2558, %dma_start3A_2559, %dma_start3A_2560] : memref<3x4x32x128xf32, #tpu.memory_space<vmem>> -> memref<1x1x32x128xf32, #tpu.memory_space<vmem>>
        %dma_start3A_2562 = tpu.memref_squeeze %dma_start3A_2561 : memref<1x1x32x128xf32, #tpu.memory_space<vmem>> -> memref<32x128xf32, #tpu.memory_space<vmem>>
        %dma_start3A_2563 = arith.constant 0 : i32
        %dma_start3A_2564 = tpu.memref_slice %arg4[%dma_start3A_2563, %multiple_of3A_2556] : memref<32x1000000xf32, #tpu.memory_space<hbm>> -> memref<32x128xf32, #tpu.memory_space<hbm>>
        %dma_start3A_2565 = arith.constant 0 : i32
        %dma_start3A_2566 = arith.constant 0 : i32
        %dma_start3A_2567 = tpu.memref_slice %arg10[%dma_start3A_2557, %dma_start3A_2558, %dma_start3A_2565, %dma_start3A_2566] : memref<3x4x32x128xf32, #tpu.memory_space<vmem>> -> memref<1x1x32x128xf32, #tpu.memory_space<vmem>>
        %dma_start3A_2568 = tpu.memref_squeeze %dma_start3A_2567 : memref<1x1x32x128xf32, #tpu.memory_space<vmem>> -> memref<32x128xf32, #tpu.memory_space<vmem>>
        %dma_start3A_2569 = arith.constant 0 : i32
        %dma_start3A_2570 = tpu.memref_slice %arg4[%dma_start3A_2569, %multiple_of3A_2556] : memref<32x1000000xf32, #tpu.memory_space<hbm>> -> memref<32x128xf32, #tpu.memory_space<hbm>>
        tpu.enqueue_dma source(%dma_start3A_2570 : memref<32x128xf32, #tpu.memory_space<hbm>>) target(%dma_start3A_2568 : memref<32x128xf32, #tpu.memory_space<vmem>>) target_semaphore(%arg15 : memref<!tpu.dma_semaphore, #tpu.memory_space<semaphore_mem>>)
        %slice3A_2571 = vector.extract_strided_slice %get3A_2507 {offsets = [1], sizes = [1], strides = [1]} : vector<16xi32> to vector<1xi32>
        %squeeze3A_2572 = vector.extract %slice3A_2571[0] : i32 from vector<1xi32>
        %shift_right_arithmetic3A_2573 = arith.constant 7 : i32
        %shift_right_arithmetic3A_2574 = arith.shrsi %squeeze3A_2572, %shift_right_arithmetic3A_2573 : i32
        %mul3A_2575 = arith.constant 128 : i32
        %mul3A_2576 = arith.muli %shift_right_arithmetic3A_2574, %mul3A_2575 : i32
        %multiple_of3A_2577 = tpu.assume_multiple %mul3A_2576, 128 : i32
        %dma_start3A_2578 = arith.constant 1 : i32
        %dma_start3A_2579 = arith.constant 1 : i32
        %dma_start3A_2580 = arith.constant 0 : i32
        %dma_start3A_2581 = arith.constant 0 : i32
        %dma_start3A_2582 = tpu.memref_slice %arg11[%dma_start3A_2578, %dma_start3A_2579, %dma_start3A_2580, %dma_start3A_2581] : memref<3x4x32x128xf32, #tpu.memory_space<vmem>> -> memref<1x1x32x128xf32, #tpu.memory_space<vmem>>
        %dma_start3A_2583 = tpu.memref_squeeze %dma_start3A_2582 : memref<1x1x32x128xf32, #tpu.memory_space<vmem>> -> memref<32x128xf32, #tpu.memory_space<vmem>>
        %dma_start3A_2584 = arith.constant 0 : i32
        %dma_start3A_2585 = tpu.memref_slice %arg5[%dma_start3A_2584, %multiple_of3A_2577] : memref<32x1000000xf32, #tpu.memory_space<hbm>> -> memref<32x128xf32, #tpu.memory_space<hbm>>
        %dma_start3A_2586 = arith.constant 0 : i32
        %dma_start3A_2587 = arith.constant 0 : i32
        %dma_start3A_2588 = tpu.memref_slice %arg11[%dma_start3A_2578, %dma_start3A_2579, %dma_start3A_2586, %dma_start3A_2587] : memref<3x4x32x128xf32, #tpu.memory_space<vmem>> -> memref<1x1x32x128xf32, #tpu.memory_space<vmem>>
        %dma_start3A_2589 = tpu.memref_squeeze %dma_start3A_2588 : memref<1x1x32x128xf32, #tpu.memory_space<vmem>> -> memref<32x128xf32, #tpu.memory_space<vmem>>
        %dma_start3A_2590 = arith.constant 0 : i32
        %dma_start3A_2591 = tpu.memref_slice %arg5[%dma_start3A_2590, %multiple_of3A_2577] : memref<32x1000000xf32, #tpu.memory_space<hbm>> -> memref<32x128xf32, #tpu.memory_space<hbm>>
        tpu.enqueue_dma source(%dma_start3A_2591 : memref<32x128xf32, #tpu.memory_space<hbm>>) target(%dma_start3A_2589 : memref<32x128xf32, #tpu.memory_space<vmem>>) target_semaphore(%arg16 : memref<!tpu.dma_semaphore, #tpu.memory_space<semaphore_mem>>)
        %slice3A_2592 = vector.extract_strided_slice %get3A_2505 {offsets = [2], sizes = [1], strides = [1]} : vector<16xi32> to vector<1xi32>
        %squeeze3A_2593 = vector.extract %slice3A_2592[0] : i32 from vector<1xi32>
        %shift_right_arithmetic3A_2594 = arith.constant 7 : i32
        %shift_right_arithmetic3A_2595 = arith.shrsi %squeeze3A_2593, %shift_right_arithmetic3A_2594 : i32
        %mul3A_2596 = arith.constant 128 : i32
        %mul3A_2597 = arith.muli %shift_right_arithmetic3A_2595, %mul3A_2596 : i32
        %multiple_of3A_2598 = tpu.assume_multiple %mul3A_2597, 128 : i32
        %dma_start3A_2599 = arith.constant 1 : i32
        %dma_start3A_2600 = arith.constant 2 : i32
        %dma_start3A_2601 = arith.constant 0 : i32
        %dma_start3A_2602 = arith.constant 0 : i32
        %dma_start3A_2603 = tpu.memref_slice %arg10[%dma_start3A_2599, %dma_start3A_2600, %dma_start3A_2601, %dma_start3A_2602] : memref<3x4x32x128xf32, #tpu.memory_space<vmem>> -> memref<1x1x32x128xf32, #tpu.memory_space<vmem>>
        %dma_start3A_2604 = tpu.memref_squeeze %dma_start3A_2603 : memref<1x1x32x128xf32, #tpu.memory_space<vmem>> -> memref<32x128xf32, #tpu.memory_space<vmem>>
        %dma_start3A_2605 = arith.constant 0 : i32
        %dma_start3A_2606 = tpu.memref_slice %arg4[%dma_start3A_2605, %multiple_of3A_2598] : memref<32x1000000xf32, #tpu.memory_space<hbm>> -> memref<32x128xf32, #tpu.memory_space<hbm>>
        %dma_start3A_2607 = arith.constant 0 : i32
        %dma_start3A_2608 = arith.constant 0 : i32
        %dma_start3A_2609 = tpu.memref_slice %arg10[%dma_start3A_2599, %dma_start3A_2600, %dma_start3A_2607, %dma_start3A_2608] : memref<3x4x32x128xf32, #tpu.memory_space<vmem>> -> memref<1x1x32x128xf32, #tpu.memory_space<vmem>>
        %dma_start3A_2610 = tpu.memref_squeeze %dma_start3A_2609 : memref<1x1x32x128xf32, #tpu.memory_space<vmem>> -> memref<32x128xf32, #tpu.memory_space<vmem>>
        %dma_start3A_2611 = arith.constant 0 : i32
        %dma_start3A_2612 = tpu.memref_slice %arg4[%dma_start3A_2611, %multiple_of3A_2598] : memref<32x1000000xf32, #tpu.memory_space<hbm>> -> memref<32x128xf32, #tpu.memory_space<hbm>>
        tpu.enqueue_dma source(%dma_start3A_2612 : memref<32x128xf32, #tpu.memory_space<hbm>>) target(%dma_start3A_2610 : memref<32x128xf32, #tpu.memory_space<vmem>>) target_semaphore(%arg15 : memref<!tpu.dma_semaphore, #tpu.memory_space<semaphore_mem>>)
        %slice3A_2613 = vector.extract_strided_slice %get3A_2507 {offsets = [2], sizes = [1], strides = [1]} : vector<16xi32> to vector<1xi32>
        %squeeze3A_2614 = vector.extract %slice3A_2613[0] : i32 from vector<1xi32>
        %shift_right_arithmetic3A_2615 = arith.constant 7 : i32
        %shift_right_arithmetic3A_2616 = arith.shrsi %squeeze3A_2614, %shift_right_arithmetic3A_2615 : i32
        %mul3A_2617 = arith.constant 128 : i32
        %mul3A_2618 = arith.muli %shift_right_arithmetic3A_2616, %mul3A_2617 : i32
        %multiple_of3A_2619 = tpu.assume_multiple %mul3A_2618, 128 : i32
        %dma_start3A_2620 = arith.constant 1 : i32
        %dma_start3A_2621 = arith.constant 2 : i32
        %dma_start3A_2622 = arith.constant 0 : i32
        %dma_start3A_2623 = arith.constant 0 : i32
        %dma_start3A_2624 = tpu.memref_slice %arg11[%dma_start3A_2620, %dma_start3A_2621, %dma_start3A_2622, %dma_start3A_2623] : memref<3x4x32x128xf32, #tpu.memory_space<vmem>> -> memref<1x1x32x128xf32, #tpu.memory_space<vmem>>
        %dma_start3A_2625 = tpu.memref_squeeze %dma_start3A_2624 : memref<1x1x32x128xf32, #tpu.memory_space<vmem>> -> memref<32x128xf32, #tpu.memory_space<vmem>>
        %dma_start3A_2626 = arith.constant 0 : i32
        %dma_start3A_2627 = tpu.memref_slice %arg5[%dma_start3A_2626, %multiple_of3A_2619] : memref<32x1000000xf32, #tpu.memory_space<hbm>> -> memref<32x128xf32, #tpu.memory_space<hbm>>
        %dma_start3A_2628 = arith.constant 0 : i32
        %dma_start3A_2629 = arith.constant 0 : i32
        %dma_start3A_2630 = tpu.memref_slice %arg11[%dma_start3A_2620, %dma_start3A_2621, %dma_start3A_2628, %dma_start3A_2629] : memref<3x4x32x128xf32, #tpu.memory_space<vmem>> -> memref<1x1x32x128xf32, #tpu.memory_space<vmem>>
        %dma_start3A_2631 = tpu.memref_squeeze %dma_start3A_2630 : memref<1x1x32x128xf32, #tpu.memory_space<vmem>> -> memref<32x128xf32, #tpu.memory_space<vmem>>
        %dma_start3A_2632 = arith.constant 0 : i32
        %dma_start3A_2633 = tpu.memref_slice %arg5[%dma_start3A_2632, %multiple_of3A_2619] : memref<32x1000000xf32, #tpu.memory_space<hbm>> -> memref<32x128xf32, #tpu.memory_space<hbm>>
        tpu.enqueue_dma source(%dma_start3A_2633 : memref<32x128xf32, #tpu.memory_space<hbm>>) target(%dma_start3A_2631 : memref<32x128xf32, #tpu.memory_space<vmem>>) target_semaphore(%arg16 : memref<!tpu.dma_semaphore, #tpu.memory_space<semaphore_mem>>)
        %slice3A_2634 = vector.extract_strided_slice %get3A_2505 {offsets = [3], sizes = [1], strides = [1]} : vector<16xi32> to vector<1xi32>
        %squeeze3A_2635 = vector.extract %slice3A_2634[0] : i32 from vector<1xi32>
        %shift_right_arithmetic3A_2636 = arith.constant 7 : i32
        %shift_right_arithmetic3A_2637 = arith.shrsi %squeeze3A_2635, %shift_right_arithmetic3A_2636 : i32
        %mul3A_2638 = arith.constant 128 : i32
        %mul3A_2639 = arith.muli %shift_right_arithmetic3A_2637, %mul3A_2638 : i32
        %multiple_of3A_2640 = tpu.assume_multiple %mul3A_2639, 128 : i32
        %dma_start3A_2641 = arith.constant 1 : i32
        %dma_start3A_2642 = arith.constant 3 : i32
        %dma_start3A_2643 = arith.constant 0 : i32
        %dma_start3A_2644 = arith.constant 0 : i32
        %dma_start3A_2645 = tpu.memref_slice %arg10[%dma_start3A_2641, %dma_start3A_2642, %dma_start3A_2643, %dma_start3A_2644] : memref<3x4x32x128xf32, #tpu.memory_space<vmem>> -> memref<1x1x32x128xf32, #tpu.memory_space<vmem>>
        %dma_start3A_2646 = tpu.memref_squeeze %dma_start3A_2645 : memref<1x1x32x128xf32, #tpu.memory_space<vmem>> -> memref<32x128xf32, #tpu.memory_space<vmem>>
        %dma_start3A_2647 = arith.constant 0 : i32
        %dma_start3A_2648 = tpu.memref_slice %arg4[%dma_start3A_2647, %multiple_of3A_2640] : memref<32x1000000xf32, #tpu.memory_space<hbm>> -> memref<32x128xf32, #tpu.memory_space<hbm>>
        %dma_start3A_2649 = arith.constant 0 : i32
        %dma_start3A_2650 = arith.constant 0 : i32
        %dma_start3A_2651 = tpu.memref_slice %arg10[%dma_start3A_2641, %dma_start3A_2642, %dma_start3A_2649, %dma_start3A_2650] : memref<3x4x32x128xf32, #tpu.memory_space<vmem>> -> memref<1x1x32x128xf32, #tpu.memory_space<vmem>>
        %dma_start3A_2652 = tpu.memref_squeeze %dma_start3A_2651 : memref<1x1x32x128xf32, #tpu.memory_space<vmem>> -> memref<32x128xf32, #tpu.memory_space<vmem>>
        %dma_start3A_2653 = arith.constant 0 : i32
        %dma_start3A_2654 = tpu.memref_slice %arg4[%dma_start3A_2653, %multiple_of3A_2640] : memref<32x1000000xf32, #tpu.memory_space<hbm>> -> memref<32x128xf32, #tpu.memory_space<hbm>>
        tpu.enqueue_dma source(%dma_start3A_2654 : memref<32x128xf32, #tpu.memory_space<hbm>>) target(%dma_start3A_2652 : memref<32x128xf32, #tpu.memory_space<vmem>>) target_semaphore(%arg15 : memref<!tpu.dma_semaphore, #tpu.memory_space<semaphore_mem>>)
        %slice3A_2655 = vector.extract_strided_slice %get3A_2507 {offsets = [3], sizes = [1], strides = [1]} : vector<16xi32> to vector<1xi32>
        %squeeze3A_2656 = vector.extract %slice3A_2655[0] : i32 from vector<1xi32>
        %shift_right_arithmetic3A_2657 = arith.constant 7 : i32
        %shift_right_arithmetic3A_2658 = arith.shrsi %squeeze3A_2656, %shift_right_arithmetic3A_2657 : i32
        %mul3A_2659 = arith.constant 128 : i32
        %mul3A_2660 = arith.muli %shift_right_arithmetic3A_2658, %mul3A_2659 : i32
        %multiple_of3A_2661 = tpu.assume_multiple %mul3A_2660, 128 : i32
        %dma_start3A_2662 = arith.constant 1 : i32
        %dma_start3A_2663 = arith.constant 3 : i32
        %dma_start3A_2664 = arith.constant 0 : i32
        %dma_start3A_2665 = arith.constant 0 : i32
        %dma_start3A_2666 = tpu.memref_slice %arg11[%dma_start3A_2662, %dma_start3A_2663, %dma_start3A_2664, %dma_start3A_2665] : memref<3x4x32x128xf32, #tpu.memory_space<vmem>> -> memref<1x1x32x128xf32, #tpu.memory_space<vmem>>
        %dma_start3A_2667 = tpu.memref_squeeze %dma_start3A_2666 : memref<1x1x32x128xf32, #tpu.memory_space<vmem>> -> memref<32x128xf32, #tpu.memory_space<vmem>>
        %dma_start3A_2668 = arith.constant 0 : i32
        %dma_start3A_2669 = tpu.memref_slice %arg5[%dma_start3A_2668, %multiple_of3A_2661] : memref<32x1000000xf32, #tpu.memory_space<hbm>> -> memref<32x128xf32, #tpu.memory_space<hbm>>
        %dma_start3A_2670 = arith.constant 0 : i32
        %dma_start3A_2671 = arith.constant 0 : i32
        %dma_start3A_2672 = tpu.memref_slice %arg11[%dma_start3A_2662, %dma_start3A_2663, %dma_start3A_2670, %dma_start3A_2671] : memref<3x4x32x128xf32, #tpu.memory_space<vmem>> -> memref<1x1x32x128xf32, #tpu.memory_space<vmem>>
        %dma_start3A_2673 = tpu.memref_squeeze %dma_start3A_2672 : memref<1x1x32x128xf32, #tpu.memory_space<vmem>> -> memref<32x128xf32, #tpu.memory_space<vmem>>
        %dma_start3A_2674 = arith.constant 0 : i32
        %dma_start3A_2675 = tpu.memref_slice %arg5[%dma_start3A_2674, %multiple_of3A_2661] : memref<32x1000000xf32, #tpu.memory_space<hbm>> -> memref<32x128xf32, #tpu.memory_space<hbm>>
        tpu.enqueue_dma source(%dma_start3A_2675 : memref<32x128xf32, #tpu.memory_space<hbm>>) target(%dma_start3A_2673 : memref<32x128xf32, #tpu.memory_space<vmem>>) target_semaphore(%arg16 : memref<!tpu.dma_semaphore, #tpu.memory_space<semaphore_mem>>)
      } else {
      }
      %dma_wait3A_1428 = arith.constant 0 : i32
      %dma_wait3A_1429 = arith.constant 0 : i32
      %dma_wait3A_1430 = arith.constant 0 : i32
      %dma_wait3A_1431 = arith.constant 0 : i32
      %dma_wait3A_1432 = tpu.memref_slice %arg10[%dma_wait3A_1428, %dma_wait3A_1429, %dma_wait3A_1430, %dma_wait3A_1431] : memref<3x4x32x128xf32, #tpu.memory_space<vmem>> -> memref<1x1x32x128xf32, #tpu.memory_space<vmem>>
      %dma_wait3A_1433 = tpu.memref_squeeze %dma_wait3A_1432 : memref<1x1x32x128xf32, #tpu.memory_space<vmem>> -> memref<32x128xf32, #tpu.memory_space<vmem>>
      %dma_wait3A_1434 = arith.constant 0 : i32
      %dma_wait3A_1435 = arith.constant 0 : i32
      %dma_wait3A_1436 = tpu.memref_slice %arg4[%dma_wait3A_1434, %dma_wait3A_1435] : memref<32x1000000xf32, #tpu.memory_space<hbm>> -> memref<32x128xf32, #tpu.memory_space<hbm>>
      %dma_wait3A_1437 = arith.constant 0 : i32
      %dma_wait3A_1438 = arith.constant 0 : i32
      %dma_wait3A_1439 = tpu.memref_slice %arg10[%dma_wait3A_1428, %dma_wait3A_1429, %dma_wait3A_1437, %dma_wait3A_1438] : memref<3x4x32x128xf32, #tpu.memory_space<vmem>> -> memref<1x1x32x128xf32, #tpu.memory_space<vmem>>
      %dma_wait3A_1440 = tpu.memref_squeeze %dma_wait3A_1439 : memref<1x1x32x128xf32, #tpu.memory_space<vmem>> -> memref<32x128xf32, #tpu.memory_space<vmem>>
      %dma_wait3A_1441 = arith.constant 0 : i32
      %dma_wait3A_1442 = arith.constant 0 : i32
      %dma_wait3A_1443 = tpu.memref_slice %arg4[%dma_wait3A_1441, %dma_wait3A_1442] : memref<32x1000000xf32, #tpu.memory_space<hbm>> -> memref<32x128xf32, #tpu.memory_space<hbm>>
      tpu.wait_dma2 semaphore(%arg15 : memref<!tpu.dma_semaphore, #tpu.memory_space<semaphore_mem>>) src(%dma_wait3A_1443 : memref<32x128xf32, #tpu.memory_space<hbm>>) dst(%dma_wait3A_1440 : memref<32x128xf32, #tpu.memory_space<vmem>>)
      %dma_wait3A_1444 = arith.constant 0 : i32
      %dma_wait3A_1445 = arith.constant 0 : i32
      %dma_wait3A_1446 = arith.constant 0 : i32
      %dma_wait3A_1447 = arith.constant 0 : i32
      %dma_wait3A_1448 = tpu.memref_slice %arg11[%dma_wait3A_1444, %dma_wait3A_1445, %dma_wait3A_1446, %dma_wait3A_1447] : memref<3x4x32x128xf32, #tpu.memory_space<vmem>> -> memref<1x1x32x128xf32, #tpu.memory_space<vmem>>
      %dma_wait3A_1449 = tpu.memref_squeeze %dma_wait3A_1448 : memref<1x1x32x128xf32, #tpu.memory_space<vmem>> -> memref<32x128xf32, #tpu.memory_space<vmem>>
      %dma_wait3A_1450 = arith.constant 0 : i32
      %dma_wait3A_1451 = arith.constant 0 : i32
      %dma_wait3A_1452 = tpu.memref_slice %arg5[%dma_wait3A_1450, %dma_wait3A_1451] : memref<32x1000000xf32, #tpu.memory_space<hbm>> -> memref<32x128xf32, #tpu.memory_space<hbm>>
      %dma_wait3A_1453 = arith.constant 0 : i32
      %dma_wait3A_1454 = arith.constant 0 : i32
      %dma_wait3A_1455 = tpu.memref_slice %arg11[%dma_wait3A_1444, %dma_wait3A_1445, %dma_wait3A_1453, %dma_wait3A_1454] : memref<3x4x32x128xf32, #tpu.memory_space<vmem>> -> memref<1x1x32x128xf32, #tpu.memory_space<vmem>>
      %dma_wait3A_1456 = tpu.memref_squeeze %dma_wait3A_1455 : memref<1x1x32x128xf32, #tpu.memory_space<vmem>> -> memref<32x128xf32, #tpu.memory_space<vmem>>
      %dma_wait3A_1457 = arith.constant 0 : i32
      %dma_wait3A_1458 = arith.constant 0 : i32
      %dma_wait3A_1459 = tpu.memref_slice %arg5[%dma_wait3A_1457, %dma_wait3A_1458] : memref<32x1000000xf32, #tpu.memory_space<hbm>> -> memref<32x128xf32, #tpu.memory_space<hbm>>
      tpu.wait_dma2 semaphore(%arg16 : memref<!tpu.dma_semaphore, #tpu.memory_space<semaphore_mem>>) src(%dma_wait3A_1459 : memref<32x128xf32, #tpu.memory_space<hbm>>) dst(%dma_wait3A_1456 : memref<32x128xf32, #tpu.memory_space<vmem>>)
      %dma_wait3A_1460 = arith.constant 0 : i32
      %dma_wait3A_1461 = arith.constant 0 : i32
      %dma_wait3A_1462 = arith.constant 0 : i32
      %dma_wait3A_1463 = arith.constant 0 : i32
      %dma_wait3A_1464 = tpu.memref_slice %arg10[%dma_wait3A_1460, %dma_wait3A_1461, %dma_wait3A_1462, %dma_wait3A_1463] : memref<3x4x32x128xf32, #tpu.memory_space<vmem>> -> memref<1x1x32x128xf32, #tpu.memory_space<vmem>>
      %dma_wait3A_1465 = tpu.memref_squeeze %dma_wait3A_1464 : memref<1x1x32x128xf32, #tpu.memory_space<vmem>> -> memref<32x128xf32, #tpu.memory_space<vmem>>
      %dma_wait3A_1466 = arith.constant 0 : i32
      %dma_wait3A_1467 = arith.constant 0 : i32
      %dma_wait3A_1468 = tpu.memref_slice %arg4[%dma_wait3A_1466, %dma_wait3A_1467] : memref<32x1000000xf32, #tpu.memory_space<hbm>> -> memref<32x128xf32, #tpu.memory_space<hbm>>
      %dma_wait3A_1469 = arith.constant 0 : i32
      %dma_wait3A_1470 = arith.constant 0 : i32
      %dma_wait3A_1471 = tpu.memref_slice %arg10[%dma_wait3A_1460, %dma_wait3A_1461, %dma_wait3A_1469, %dma_wait3A_1470] : memref<3x4x32x128xf32, #tpu.memory_space<vmem>> -> memref<1x1x32x128xf32, #tpu.memory_space<vmem>>
      %dma_wait3A_1472 = tpu.memref_squeeze %dma_wait3A_1471 : memref<1x1x32x128xf32, #tpu.memory_space<vmem>> -> memref<32x128xf32, #tpu.memory_space<vmem>>
      %dma_wait3A_1473 = arith.constant 0 : i32
      %dma_wait3A_1474 = arith.constant 0 : i32
      %dma_wait3A_1475 = tpu.memref_slice %arg4[%dma_wait3A_1473, %dma_wait3A_1474] : memref<32x1000000xf32, #tpu.memory_space<hbm>> -> memref<32x128xf32, #tpu.memory_space<hbm>>
      tpu.wait_dma2 semaphore(%arg15 : memref<!tpu.dma_semaphore, #tpu.memory_space<semaphore_mem>>) src(%dma_wait3A_1475 : memref<32x128xf32, #tpu.memory_space<hbm>>) dst(%dma_wait3A_1472 : memref<32x128xf32, #tpu.memory_space<vmem>>)
      %dma_wait3A_1476 = arith.constant 0 : i32
      %dma_wait3A_1477 = arith.constant 0 : i32
      %dma_wait3A_1478 = arith.constant 0 : i32
      %dma_wait3A_1479 = arith.constant 0 : i32
      %dma_wait3A_1480 = tpu.memref_slice %arg11[%dma_wait3A_1476, %dma_wait3A_1477, %dma_wait3A_1478, %dma_wait3A_1479] : memref<3x4x32x128xf32, #tpu.memory_space<vmem>> -> memref<1x1x32x128xf32, #tpu.memory_space<vmem>>
      %dma_wait3A_1481 = tpu.memref_squeeze %dma_wait3A_1480 : memref<1x1x32x128xf32, #tpu.memory_space<vmem>> -> memref<32x128xf32, #tpu.memory_space<vmem>>
      %dma_wait3A_1482 = arith.constant 0 : i32
      %dma_wait3A_1483 = arith.constant 0 : i32
      %dma_wait3A_1484 = tpu.memref_slice %arg5[%dma_wait3A_1482, %dma_wait3A_1483] : memref<32x1000000xf32, #tpu.memory_space<hbm>> -> memref<32x128xf32, #tpu.memory_space<hbm>>
      %dma_wait3A_1485 = arith.constant 0 : i32
      %dma_wait3A_1486 = arith.constant 0 : i32
      %dma_wait3A_1487 = tpu.memref_slice %arg11[%dma_wait3A_1476, %dma_wait3A_1477, %dma_wait3A_1485, %dma_wait3A_1486] : memref<3x4x32x128xf32, #tpu.memory_space<vmem>> -> memref<1x1x32x128xf32, #tpu.memory_space<vmem>>
      %dma_wait3A_1488 = tpu.memref_squeeze %dma_wait3A_1487 : memref<1x1x32x128xf32, #tpu.memory_space<vmem>> -> memref<32x128xf32, #tpu.memory_space<vmem>>
      %dma_wait3A_1489 = arith.constant 0 : i32
      %dma_wait3A_1490 = arith.constant 0 : i32
      %dma_wait3A_1491 = tpu.memref_slice %arg5[%dma_wait3A_1489, %dma_wait3A_1490] : memref<32x1000000xf32, #tpu.memory_space<hbm>> -> memref<32x128xf32, #tpu.memory_space<hbm>>
      tpu.wait_dma2 semaphore(%arg16 : memref<!tpu.dma_semaphore, #tpu.memory_space<semaphore_mem>>) src(%dma_wait3A_1491 : memref<32x128xf32, #tpu.memory_space<hbm>>) dst(%dma_wait3A_1488 : memref<32x128xf32, #tpu.memory_space<vmem>>)
      %dma_wait3A_1492 = arith.constant 0 : i32
      %dma_wait3A_1493 = arith.constant 0 : i32
      %dma_wait3A_1494 = arith.constant 0 : i32
      %dma_wait3A_1495 = arith.constant 0 : i32
      %dma_wait3A_1496 = tpu.memref_slice %arg10[%dma_wait3A_1492, %dma_wait3A_1493, %dma_wait3A_1494, %dma_wait3A_1495] : memref<3x4x32x128xf32, #tpu.memory_space<vmem>> -> memref<1x1x32x128xf32, #tpu.memory_space<vmem>>
      %dma_wait3A_1497 = tpu.memref_squeeze %dma_wait3A_1496 : memref<1x1x32x128xf32, #tpu.memory_space<vmem>> -> memref<32x128xf32, #tpu.memory_space<vmem>>
      %dma_wait3A_1498 = arith.constant 0 : i32
      %dma_wait3A_1499 = arith.constant 0 : i32
      %dma_wait3A_1500 = tpu.memref_slice %arg4[%dma_wait3A_1498, %dma_wait3A_1499] : memref<32x1000000xf32, #tpu.memory_space<hbm>> -> memref<32x128xf32, #tpu.memory_space<hbm>>
      %dma_wait3A_1501 = arith.constant 0 : i32
      %dma_wait3A_1502 = arith.constant 0 : i32
      %dma_wait3A_1503 = tpu.memref_slice %arg10[%dma_wait3A_1492, %dma_wait3A_1493, %dma_wait3A_1501, %dma_wait3A_1502] : memref<3x4x32x128xf32, #tpu.memory_space<vmem>> -> memref<1x1x32x128xf32, #tpu.memory_space<vmem>>
      %dma_wait3A_1504 = tpu.memref_squeeze %dma_wait3A_1503 : memref<1x1x32x128xf32, #tpu.memory_space<vmem>> -> memref<32x128xf32, #tpu.memory_space<vmem>>
      %dma_wait3A_1505 = arith.constant 0 : i32
      %dma_wait3A_1506 = arith.constant 0 : i32
      %dma_wait3A_1507 = tpu.memref_slice %arg4[%dma_wait3A_1505, %dma_wait3A_1506] : memref<32x1000000xf32, #tpu.memory_space<hbm>> -> memref<32x128xf32, #tpu.memory_space<hbm>>
      tpu.wait_dma2 semaphore(%arg15 : memref<!tpu.dma_semaphore, #tpu.memory_space<semaphore_mem>>) src(%dma_wait3A_1507 : memref<32x128xf32, #tpu.memory_space<hbm>>) dst(%dma_wait3A_1504 : memref<32x128xf32, #tpu.memory_space<vmem>>)
      %dma_wait3A_1508 = arith.constant 0 : i32
      %dma_wait3A_1509 = arith.constant 0 : i32
      %dma_wait3A_1510 = arith.constant 0 : i32
      %dma_wait3A_1511 = arith.constant 0 : i32
      %dma_wait3A_1512 = tpu.memref_slice %arg11[%dma_wait3A_1508, %dma_wait3A_1509, %dma_wait3A_1510, %dma_wait3A_1511] : memref<3x4x32x128xf32, #tpu.memory_space<vmem>> -> memref<1x1x32x128xf32, #tpu.memory_space<vmem>>
      %dma_wait3A_1513 = tpu.memref_squeeze %dma_wait3A_1512 : memref<1x1x32x128xf32, #tpu.memory_space<vmem>> -> memref<32x128xf32, #tpu.memory_space<vmem>>
      %dma_wait3A_1514 = arith.constant 0 : i32
      %dma_wait3A_1515 = arith.constant 0 : i32
      %dma_wait3A_1516 = tpu.memref_slice %arg5[%dma_wait3A_1514, %dma_wait3A_1515] : memref<32x1000000xf32, #tpu.memory_space<hbm>> -> memref<32x128xf32, #tpu.memory_space<hbm>>
      %dma_wait3A_1517 = arith.constant 0 : i32
      %dma_wait3A_1518 = arith.constant 0 : i32
      %dma_wait3A_1519 = tpu.memref_slice %arg11[%dma_wait3A_1508, %dma_wait3A_1509, %dma_wait3A_1517, %dma_wait3A_1518] : memref<3x4x32x128xf32, #tpu.memory_space<vmem>> -> memref<1x1x32x128xf32, #tpu.memory_space<vmem>>
      %dma_wait3A_1520 = tpu.memref_squeeze %dma_wait3A_1519 : memref<1x1x32x128xf32, #tpu.memory_space<vmem>> -> memref<32x128xf32, #tpu.memory_space<vmem>>
      %dma_wait3A_1521 = arith.constant 0 : i32
      %dma_wait3A_1522 = arith.constant 0 : i32
      %dma_wait3A_1523 = tpu.memref_slice %arg5[%dma_wait3A_1521, %dma_wait3A_1522] : memref<32x1000000xf32, #tpu.memory_space<hbm>> -> memref<32x128xf32, #tpu.memory_space<hbm>>
      tpu.wait_dma2 semaphore(%arg16 : memref<!tpu.dma_semaphore, #tpu.memory_space<semaphore_mem>>) src(%dma_wait3A_1523 : memref<32x128xf32, #tpu.memory_space<hbm>>) dst(%dma_wait3A_1520 : memref<32x128xf32, #tpu.memory_space<vmem>>)
      %dma_wait3A_1524 = arith.constant 0 : i32
      %dma_wait3A_1525 = arith.constant 0 : i32
      %dma_wait3A_1526 = arith.constant 0 : i32
      %dma_wait3A_1527 = arith.constant 0 : i32
      %dma_wait3A_1528 = tpu.memref_slice %arg10[%dma_wait3A_1524, %dma_wait3A_1525, %dma_wait3A_1526, %dma_wait3A_1527] : memref<3x4x32x128xf32, #tpu.memory_space<vmem>> -> memref<1x1x32x128xf32, #tpu.memory_space<vmem>>
      %dma_wait3A_1529 = tpu.memref_squeeze %dma_wait3A_1528 : memref<1x1x32x128xf32, #tpu.memory_space<vmem>> -> memref<32x128xf32, #tpu.memory_space<vmem>>
      %dma_wait3A_1530 = arith.constant 0 : i32
      %dma_wait3A_1531 = arith.constant 0 : i32
      %dma_wait3A_1532 = tpu.memref_slice %arg4[%dma_wait3A_1530, %dma_wait3A_1531] : memref<32x1000000xf32, #tpu.memory_space<hbm>> -> memref<32x128xf32, #tpu.memory_space<hbm>>
      %dma_wait3A_1533 = arith.constant 0 : i32
      %dma_wait3A_1534 = arith.constant 0 : i32
      %dma_wait3A_1535 = tpu.memref_slice %arg10[%dma_wait3A_1524, %dma_wait3A_1525, %dma_wait3A_1533, %dma_wait3A_1534] : memref<3x4x32x128xf32, #tpu.memory_space<vmem>> -> memref<1x1x32x128xf32, #tpu.memory_space<vmem>>
      %dma_wait3A_1536 = tpu.memref_squeeze %dma_wait3A_1535 : memref<1x1x32x128xf32, #tpu.memory_space<vmem>> -> memref<32x128xf32, #tpu.memory_space<vmem>>
      %dma_wait3A_1537 = arith.constant 0 : i32
      %dma_wait3A_1538 = arith.constant 0 : i32
      %dma_wait3A_1539 = tpu.memref_slice %arg4[%dma_wait3A_1537, %dma_wait3A_1538] : memref<32x1000000xf32, #tpu.memory_space<hbm>> -> memref<32x128xf32, #tpu.memory_space<hbm>>
      tpu.wait_dma2 semaphore(%arg15 : memref<!tpu.dma_semaphore, #tpu.memory_space<semaphore_mem>>) src(%dma_wait3A_1539 : memref<32x128xf32, #tpu.memory_space<hbm>>) dst(%dma_wait3A_1536 : memref<32x128xf32, #tpu.memory_space<vmem>>)
      %dma_wait3A_1540 = arith.constant 0 : i32
      %dma_wait3A_1541 = arith.constant 0 : i32
      %dma_wait3A_1542 = arith.constant 0 : i32
      %dma_wait3A_1543 = arith.constant 0 : i32
      %dma_wait3A_1544 = tpu.memref_slice %arg11[%dma_wait3A_1540, %dma_wait3A_1541, %dma_wait3A_1542, %dma_wait3A_1543] : memref<3x4x32x128xf32, #tpu.memory_space<vmem>> -> memref<1x1x32x128xf32, #tpu.memory_space<vmem>>
      %dma_wait3A_1545 = tpu.memref_squeeze %dma_wait3A_1544 : memref<1x1x32x128xf32, #tpu.memory_space<vmem>> -> memref<32x128xf32, #tpu.memory_space<vmem>>
      %dma_wait3A_1546 = arith.constant 0 : i32
      %dma_wait3A_1547 = arith.constant 0 : i32
      %dma_wait3A_1548 = tpu.memref_slice %arg5[%dma_wait3A_1546, %dma_wait3A_1547] : memref<32x1000000xf32, #tpu.memory_space<hbm>> -> memref<32x128xf32, #tpu.memory_space<hbm>>
      %dma_wait3A_1549 = arith.constant 0 : i32
      %dma_wait3A_1550 = arith.constant 0 : i32
      %dma_wait3A_1551 = tpu.memref_slice %arg11[%dma_wait3A_1540, %dma_wait3A_1541, %dma_wait3A_1549, %dma_wait3A_1550] : memref<3x4x32x128xf32, #tpu.memory_space<vmem>> -> memref<1x1x32x128xf32, #tpu.memory_space<vmem>>
      %dma_wait3A_1552 = tpu.memref_squeeze %dma_wait3A_1551 : memref<1x1x32x128xf32, #tpu.memory_space<vmem>> -> memref<32x128xf32, #tpu.memory_space<vmem>>
      %dma_wait3A_1553 = arith.constant 0 : i32
      %dma_wait3A_1554 = arith.constant 0 : i32
      %dma_wait3A_1555 = tpu.memref_slice %arg5[%dma_wait3A_1553, %dma_wait3A_1554] : memref<32x1000000xf32, #tpu.memory_space<hbm>> -> memref<32x128xf32, #tpu.memory_space<hbm>>
      tpu.wait_dma2 semaphore(%arg16 : memref<!tpu.dma_semaphore, #tpu.memory_space<semaphore_mem>>) src(%dma_wait3A_1555 : memref<32x128xf32, #tpu.memory_space<hbm>>) dst(%dma_wait3A_1552 : memref<32x128xf32, #tpu.memory_space<vmem>>)
      %add3A_1556 = arith.constant 2 : i32
      %add3A_1557 = arith.addi %mul3A_881, %add3A_1556 : i32
      %shift_right_arithmetic3A_1558 = arith.constant 1 : i32
      %shift_right_arithmetic3A_1559 = arith.shrsi %add3A_1557, %shift_right_arithmetic3A_1558 : i32
      %mul3A_1560 = arith.constant 8 : i32
      %mul3A_1561 = arith.muli %shift_right_arithmetic3A_1559, %mul3A_1560 : i32
      %multiple_of3A_1562 = tpu.assume_multiple %mul3A_1561, 8 : i32
      %get3A_1563 = arith.index_cast %multiple_of3A_1562 : i32 to index
      %get3A_1564 = tpu.vector_load %arg8[%get3A_1563] {strides = array<i32>} : memref<528xi32, #tpu.memory_space<vmem>>, vector<16xi32>,
      %get3A_1565 = arith.index_cast %multiple_of3A_1562 : i32 to index
      %get3A_1566 = tpu.vector_load %arg9[%get3A_1565] {strides = array<i32>} : memref<528xi32, #tpu.memory_space<vmem>>, vector<16xi32>,
      %broadcast_in_dim3A_1567 = arith.constant 2 : i32
      %broadcast_in_dim3A_1568 = vector.broadcast %broadcast_in_dim3A_1567 : i32 to vector<16xi32>
      %slice3A_1569 = vector.extract_strided_slice %get3A_1564 {offsets = [0], sizes = [1], strides = [1]} : vector<16xi32> to vector<1xi32>
      %squeeze3A_1570 = vector.extract %slice3A_1569[0] : i32 from vector<1xi32>
      %and3A_1571 = arith.constant 127 : i32
      %and3A_1572 = arith.andi %squeeze3A_1570, %and3A_1571 : i32
      %broadcast_in_dim3A_1573 = vector.broadcast %and3A_1572 : i32 to vector<16xi32>
      %slice3A_1574 = vector.extract_strided_slice %get3A_1566 {offsets = [0], sizes = [1], strides = [1]} : vector<16xi32> to vector<1xi32>
      %squeeze3A_1575 = vector.extract %slice3A_1574[0] : i32 from vector<1xi32>
      %and3A_1576 = arith.constant 127 : i32
      %and3A_1577 = arith.andi %squeeze3A_1575, %and3A_1576 : i32
      %broadcast_in_dim3A_1578 = vector.broadcast %and3A_1577 : i32 to vector<16xi32>
      %broadcast_in_dim3A_1579 = arith.constant 0 : i32
      %broadcast_in_dim3A_1580 = vector.broadcast %broadcast_in_dim3A_1579 : i32 to vector<16xi32>
      %gather3A_1581 = tpu.vector_load_idx %arg10[%broadcast_in_dim3A_1568, %broadcast_in_dim3A_1580, %iota3A, %broadcast_in_dim3A_1573] : memref<3x4x32x128xf32, #tpu.memory_space<vmem>>[vector<16xi32>, vector<16xi32>, vector<16xi32>, vector<16xi32>], vector<16xf32>,
      %add3A_1582 = arith.constant 16 : i32
      %add3A_1583 = vector.broadcast %add3A_1582 : i32 to vector<16xi32>
      %add3A_1584 = arith.addi %iota3A, %add3A_1583 : vector<16xi32>
      %gather3A_1585 = tpu.vector_load_idx %arg10[%broadcast_in_dim3A_1568, %broadcast_in_dim3A_1580, %add3A_1584, %broadcast_in_dim3A_1573] : memref<3x4x32x128xf32, #tpu.memory_space<vmem>>[vector<16xi32>, vector<16xi32>, vector<16xi32>, vector<16xi32>], vector<16xf32>,
      %gather3A_1586 = tpu.vector_load_idx %arg11[%broadcast_in_dim3A_1568, %broadcast_in_dim3A_1580, %iota3A, %broadcast_in_dim3A_1578] : memref<3x4x32x128xf32, #tpu.memory_space<vmem>>[vector<16xi32>, vector<16xi32>, vector<16xi32>, vector<16xi32>], vector<16xf32>,
      %add3A_1587 = arith.constant 16 : i32
      %add3A_1588 = vector.broadcast %add3A_1587 : i32 to vector<16xi32>
      %add3A_1589 = arith.addi %iota3A, %add3A_1588 : vector<16xi32>
      %gather3A_1590 = tpu.vector_load_idx %arg11[%broadcast_in_dim3A_1568, %broadcast_in_dim3A_1580, %add3A_1589, %broadcast_in_dim3A_1578] : memref<3x4x32x128xf32, #tpu.memory_space<vmem>>[vector<16xi32>, vector<16xi32>, vector<16xi32>, vector<16xi32>], vector<16xf32>,
      %mul3A_1591 = arith.mulf %gather3A_1581, %gather3A_1586 : vector<16xf32>
      %mul3A_1592 = arith.mulf %mul3A_1591, %get3A_3 : vector<16xf32>
      %mul3A_1593 = arith.mulf %gather3A_1585, %gather3A_1590 : vector<16xf32>
      %mul3A_1594 = arith.mulf %mul3A_1593, %get3A_5 : vector<16xf32>
      %add3A_1595 = arith.addf %mul3A_1592, %mul3A_1594 : vector<16xf32>
      %swap3A_1596 = arith.index_cast %add3A_1557 : i32 to index
      %swap3A_1597 = arith.constant 0 : index
      %swap3A_1598 = tpu.vector_load %arg13[%swap3A_1596, %swap3A_1597] {strides = array<i32>} : memref<128x64xf32, #tpu.memory_space<vmem>>, vector<16xf32>,
      tpu.vector_store %arg13[%swap3A_1596, %swap3A_1597], %add3A_1595 {strides = array<i32>} : memref<128x64xf32, #tpu.memory_space<vmem>>, vector<16xf32>,
      %slice3A_1599 = vector.extract_strided_slice %get3A_1564 {offsets = [1], sizes = [1], strides = [1]} : vector<16xi32> to vector<1xi32>
      %squeeze3A_1600 = vector.extract %slice3A_1599[0] : i32 from vector<1xi32>
      %and3A_1601 = arith.constant 127 : i32
      %and3A_1602 = arith.andi %squeeze3A_1600, %and3A_1601 : i32
      %broadcast_in_dim3A_1603 = vector.broadcast %and3A_1602 : i32 to vector<16xi32>
      %slice3A_1604 = vector.extract_strided_slice %get3A_1566 {offsets = [1], sizes = [1], strides = [1]} : vector<16xi32> to vector<1xi32>
      %squeeze3A_1605 = vector.extract %slice3A_1604[0] : i32 from vector<1xi32>
      %and3A_1606 = arith.constant 127 : i32
      %and3A_1607 = arith.andi %squeeze3A_1605, %and3A_1606 : i32
      %broadcast_in_dim3A_1608 = vector.broadcast %and3A_1607 : i32 to vector<16xi32>
      %broadcast_in_dim3A_1609 = arith.constant 1 : i32
      %broadcast_in_dim3A_1610 = vector.broadcast %broadcast_in_dim3A_1609 : i32 to vector<16xi32>
      %gather3A_1611 = tpu.vector_load_idx %arg10[%broadcast_in_dim3A_1568, %broadcast_in_dim3A_1610, %iota3A, %broadcast_in_dim3A_1603] : memref<3x4x32x128xf32, #tpu.memory_space<vmem>>[vector<16xi32>, vector<16xi32>, vector<16xi32>, vector<16xi32>], vector<16xf32>,
      %add3A_1612 = arith.constant 16 : i32
      %add3A_1613 = vector.broadcast %add3A_1612 : i32 to vector<16xi32>
      %add3A_1614 = arith.addi %iota3A, %add3A_1613 : vector<16xi32>
      %gather3A_1615 = tpu.vector_load_idx %arg10[%broadcast_in_dim3A_1568, %broadcast_in_dim3A_1610, %add3A_1614, %broadcast_in_dim3A_1603] : memref<3x4x32x128xf32, #tpu.memory_space<vmem>>[vector<16xi32>, vector<16xi32>, vector<16xi32>, vector<16xi32>], vector<16xf32>,
      %gather3A_1616 = tpu.vector_load_idx %arg11[%broadcast_in_dim3A_1568, %broadcast_in_dim3A_1610, %iota3A, %broadcast_in_dim3A_1608] : memref<3x4x32x128xf32, #tpu.memory_space<vmem>>[vector<16xi32>, vector<16xi32>, vector<16xi32>, vector<16xi32>], vector<16xf32>,
      %add3A_1617 = arith.constant 16 : i32
      %add3A_1618 = vector.broadcast %add3A_1617 : i32 to vector<16xi32>
      %add3A_1619 = arith.addi %iota3A, %add3A_1618 : vector<16xi32>
      %gather3A_1620 = tpu.vector_load_idx %arg11[%broadcast_in_dim3A_1568, %broadcast_in_dim3A_1610, %add3A_1619, %broadcast_in_dim3A_1608] : memref<3x4x32x128xf32, #tpu.memory_space<vmem>>[vector<16xi32>, vector<16xi32>, vector<16xi32>, vector<16xi32>], vector<16xf32>,
      %mul3A_1621 = arith.mulf %gather3A_1611, %gather3A_1616 : vector<16xf32>
      %mul3A_1622 = arith.mulf %mul3A_1621, %get3A_3 : vector<16xf32>
      %mul3A_1623 = arith.mulf %gather3A_1615, %gather3A_1620 : vector<16xf32>
      %mul3A_1624 = arith.mulf %mul3A_1623, %get3A_5 : vector<16xf32>
      %add3A_1625 = arith.addf %mul3A_1622, %mul3A_1624 : vector<16xf32>
      %swap3A_1626 = arith.index_cast %add3A_1557 : i32 to index
      %swap3A_1627 = arith.constant 16 : index
      %swap3A_1628 = tpu.vector_load %arg13[%swap3A_1626, %swap3A_1627] {strides = array<i32>} : memref<128x64xf32, #tpu.memory_space<vmem>>, vector<16xf32>,
      tpu.vector_store %arg13[%swap3A_1626, %swap3A_1627], %add3A_1625 {strides = array<i32>} : memref<128x64xf32, #tpu.memory_space<vmem>>, vector<16xf32>,
      %slice3A_1629 = vector.extract_strided_slice %get3A_1564 {offsets = [2], sizes = [1], strides = [1]} : vector<16xi32> to vector<1xi32>
      %squeeze3A_1630 = vector.extract %slice3A_1629[0] : i32 from vector<1xi32>
      %and3A_1631 = arith.constant 127 : i32
      %and3A_1632 = arith.andi %squeeze3A_1630, %and3A_1631 : i32
      %broadcast_in_dim3A_1633 = vector.broadcast %and3A_1632 : i32 to vector<16xi32>
      %slice3A_1634 = vector.extract_strided_slice %get3A_1566 {offsets = [2], sizes = [1], strides = [1]} : vector<16xi32> to vector<1xi32>
      %squeeze3A_1635 = vector.extract %slice3A_1634[0] : i32 from vector<1xi32>
      %and3A_1636 = arith.constant 127 : i32
      %and3A_1637 = arith.andi %squeeze3A_1635, %and3A_1636 : i32
      %broadcast_in_dim3A_1638 = vector.broadcast %and3A_1637 : i32 to vector<16xi32>
      %broadcast_in_dim3A_1639 = arith.constant 2 : i32
      %broadcast_in_dim3A_1640 = vector.broadcast %broadcast_in_dim3A_1639 : i32 to vector<16xi32>
      %gather3A_1641 = tpu.vector_load_idx %arg10[%broadcast_in_dim3A_1568, %broadcast_in_dim3A_1640, %iota3A, %broadcast_in_dim3A_1633] : memref<3x4x32x128xf32, #tpu.memory_space<vmem>>[vector<16xi32>, vector<16xi32>, vector<16xi32>, vector<16xi32>], vector<16xf32>,
      %add3A_1642 = arith.constant 16 : i32
      %add3A_1643 = vector.broadcast %add3A_1642 : i32 to vector<16xi32>
      %add3A_1644 = arith.addi %iota3A, %add3A_1643 : vector<16xi32>
      %gather3A_1645 = tpu.vector_load_idx %arg10[%broadcast_in_dim3A_1568, %broadcast_in_dim3A_1640, %add3A_1644, %broadcast_in_dim3A_1633] : memref<3x4x32x128xf32, #tpu.memory_space<vmem>>[vector<16xi32>, vector<16xi32>, vector<16xi32>, vector<16xi32>], vector<16xf32>,
      %gather3A_1646 = tpu.vector_load_idx %arg11[%broadcast_in_dim3A_1568, %broadcast_in_dim3A_1640, %iota3A, %broadcast_in_dim3A_1638] : memref<3x4x32x128xf32, #tpu.memory_space<vmem>>[vector<16xi32>, vector<16xi32>, vector<16xi32>, vector<16xi32>], vector<16xf32>,
      %add3A_1647 = arith.constant 16 : i32
      %add3A_1648 = vector.broadcast %add3A_1647 : i32 to vector<16xi32>
      %add3A_1649 = arith.addi %iota3A, %add3A_1648 : vector<16xi32>
      %gather3A_1650 = tpu.vector_load_idx %arg11[%broadcast_in_dim3A_1568, %broadcast_in_dim3A_1640, %add3A_1649, %broadcast_in_dim3A_1638] : memref<3x4x32x128xf32, #tpu.memory_space<vmem>>[vector<16xi32>, vector<16xi32>, vector<16xi32>, vector<16xi32>], vector<16xf32>,
      %mul3A_1651 = arith.mulf %gather3A_1641, %gather3A_1646 : vector<16xf32>
      %mul3A_1652 = arith.mulf %mul3A_1651, %get3A_3 : vector<16xf32>
      %mul3A_1653 = arith.mulf %gather3A_1645, %gather3A_1650 : vector<16xf32>
      %mul3A_1654 = arith.mulf %mul3A_1653, %get3A_5 : vector<16xf32>
      %add3A_1655 = arith.addf %mul3A_1652, %mul3A_1654 : vector<16xf32>
      %swap3A_1656 = arith.index_cast %add3A_1557 : i32 to index
      %swap3A_1657 = arith.constant 32 : index
      %swap3A_1658 = tpu.vector_load %arg13[%swap3A_1656, %swap3A_1657] {strides = array<i32>} : memref<128x64xf32, #tpu.memory_space<vmem>>, vector<16xf32>,
      tpu.vector_store %arg13[%swap3A_1656, %swap3A_1657], %add3A_1655 {strides = array<i32>} : memref<128x64xf32, #tpu.memory_space<vmem>>, vector<16xf32>,
      %slice3A_1659 = vector.extract_strided_slice %get3A_1564 {offsets = [3], sizes = [1], strides = [1]} : vector<16xi32> to vector<1xi32>
      %squeeze3A_1660 = vector.extract %slice3A_1659[0] : i32 from vector<1xi32>
      %and3A_1661 = arith.constant 127 : i32
      %and3A_1662 = arith.andi %squeeze3A_1660, %and3A_1661 : i32
      %broadcast_in_dim3A_1663 = vector.broadcast %and3A_1662 : i32 to vector<16xi32>
      %slice3A_1664 = vector.extract_strided_slice %get3A_1566 {offsets = [3], sizes = [1], strides = [1]} : vector<16xi32> to vector<1xi32>
      %squeeze3A_1665 = vector.extract %slice3A_1664[0] : i32 from vector<1xi32>
      %and3A_1666 = arith.constant 127 : i32
      %and3A_1667 = arith.andi %squeeze3A_1665, %and3A_1666 : i32
      %broadcast_in_dim3A_1668 = vector.broadcast %and3A_1667 : i32 to vector<16xi32>
      %broadcast_in_dim3A_1669 = arith.constant 3 : i32
      %broadcast_in_dim3A_1670 = vector.broadcast %broadcast_in_dim3A_1669 : i32 to vector<16xi32>
      %gather3A_1671 = tpu.vector_load_idx %arg10[%broadcast_in_dim3A_1568, %broadcast_in_dim3A_1670, %iota3A, %broadcast_in_dim3A_1663] : memref<3x4x32x128xf32, #tpu.memory_space<vmem>>[vector<16xi32>, vector<16xi32>, vector<16xi32>, vector<16xi32>], vector<16xf32>,
      %add3A_1672 = arith.constant 16 : i32
      %add3A_1673 = vector.broadcast %add3A_1672 : i32 to vector<16xi32>
      %add3A_1674 = arith.addi %iota3A, %add3A_1673 : vector<16xi32>
      %gather3A_1675 = tpu.vector_load_idx %arg10[%broadcast_in_dim3A_1568, %broadcast_in_dim3A_1670, %add3A_1674, %broadcast_in_dim3A_1663] : memref<3x4x32x128xf32, #tpu.memory_space<vmem>>[vector<16xi32>, vector<16xi32>, vector<16xi32>, vector<16xi32>], vector<16xf32>,
      %gather3A_1676 = tpu.vector_load_idx %arg11[%broadcast_in_dim3A_1568, %broadcast_in_dim3A_1670, %iota3A, %broadcast_in_dim3A_1668] : memref<3x4x32x128xf32, #tpu.memory_space<vmem>>[vector<16xi32>, vector<16xi32>, vector<16xi32>, vector<16xi32>], vector<16xf32>,
      %add3A_1677 = arith.constant 16 : i32
      %add3A_1678 = vector.broadcast %add3A_1677 : i32 to vector<16xi32>
      %add3A_1679 = arith.addi %iota3A, %add3A_1678 : vector<16xi32>
      %gather3A_1680 = tpu.vector_load_idx %arg11[%broadcast_in_dim3A_1568, %broadcast_in_dim3A_1670, %add3A_1679, %broadcast_in_dim3A_1668] : memref<3x4x32x128xf32, #tpu.memory_space<vmem>>[vector<16xi32>, vector<16xi32>, vector<16xi32>, vector<16xi32>], vector<16xf32>,
      %mul3A_1681 = arith.mulf %gather3A_1671, %gather3A_1676 : vector<16xf32>
      %mul3A_1682 = arith.mulf %mul3A_1681, %get3A_3 : vector<16xf32>
      %mul3A_1683 = arith.mulf %gather3A_1675, %gather3A_1680 : vector<16xf32>
      %mul3A_1684 = arith.mulf %mul3A_1683, %get3A_5 : vector<16xf32>
      %add3A_1685 = arith.addf %mul3A_1682, %mul3A_1684 : vector<16xf32>
      %swap3A_1686 = arith.index_cast %add3A_1557 : i32 to index
      %swap3A_1687 = arith.constant 48 : index
      %swap3A_1688 = tpu.vector_load %arg13[%swap3A_1686, %swap3A_1687] {strides = array<i32>} : memref<128x64xf32, #tpu.memory_space<vmem>>, vector<16xf32>,
      tpu.vector_store %arg13[%swap3A_1686, %swap3A_1687], %add3A_1685 {strides = array<i32>} : memref<128x64xf32, #tpu.memory_space<vmem>>, vector<16xf32>,
      %add3A_1689 = arith.constant 3 : i32
      %add3A_1690 = arith.addi %mul3A_881, %add3A_1689 : i32
      %add3A_1691 = arith.constant 2 : i32
      %add3A_1692 = arith.addi %add3A_1690, %add3A_1691 : i32
      %lt3A_1693 = arith.constant 128 : i32
      %lt3A_1694 = arith.cmpi slt, %add3A_1692, %lt3A_1693 : i32
      %convert_element_type3A_1695 = arith.extui %lt3A_1694 : i1 to i32
      %cond3A_1696 = arith.constant 0 : i32
      %cond3A_1697 = arith.cmpi ne, %convert_element_type3A_1695, %cond3A_1696 : i32
      scf.if %cond3A_1697 {
        %shift_right_arithmetic3A_2499 = arith.constant 1 : i32
        %shift_right_arithmetic3A_2500 = arith.shrsi %add3A_1692, %shift_right_arithmetic3A_2499 : i32
        %mul3A_2501 = arith.constant 8 : i32
        %mul3A_2502 = arith.muli %shift_right_arithmetic3A_2500, %mul3A_2501 : i32
        %multiple_of3A_2503 = tpu.assume_multiple %mul3A_2502, 8 : i32
        %get3A_2504 = arith.index_cast %multiple_of3A_2503 : i32 to index
        %get3A_2505 = tpu.vector_load %arg8[%get3A_2504] {strides = array<i32>} : memref<528xi32, #tpu.memory_space<vmem>>, vector<16xi32>,
        %get3A_2506 = arith.index_cast %multiple_of3A_2503 : i32 to index
        %get3A_2507 = tpu.vector_load %arg9[%get3A_2506] {strides = array<i32>} : memref<528xi32, #tpu.memory_space<vmem>>, vector<16xi32>,
        %slice3A_2508 = vector.extract_strided_slice %get3A_2505 {offsets = [4], sizes = [1], strides = [1]} : vector<16xi32> to vector<1xi32>
        %squeeze3A_2509 = vector.extract %slice3A_2508[0] : i32 from vector<1xi32>
        %shift_right_arithmetic3A_2510 = arith.constant 7 : i32
        %shift_right_arithmetic3A_2511 = arith.shrsi %squeeze3A_2509, %shift_right_arithmetic3A_2510 : i32
        %mul3A_2512 = arith.constant 128 : i32
        %mul3A_2513 = arith.muli %shift_right_arithmetic3A_2511, %mul3A_2512 : i32
        %multiple_of3A_2514 = tpu.assume_multiple %mul3A_2513, 128 : i32
        %dma_start3A_2515 = arith.constant 2 : i32
        %dma_start3A_2516 = arith.constant 0 : i32
        %dma_start3A_2517 = arith.constant 0 : i32
        %dma_start3A_2518 = arith.constant 0 : i32
        %dma_start3A_2519 = tpu.memref_slice %arg10[%dma_start3A_2515, %dma_start3A_2516, %dma_start3A_2517, %dma_start3A_2518] : memref<3x4x32x128xf32, #tpu.memory_space<vmem>> -> memref<1x1x32x128xf32, #tpu.memory_space<vmem>>
        %dma_start3A_2520 = tpu.memref_squeeze %dma_start3A_2519 : memref<1x1x32x128xf32, #tpu.memory_space<vmem>> -> memref<32x128xf32, #tpu.memory_space<vmem>>
        %dma_start3A_2521 = arith.constant 0 : i32
        %dma_start3A_2522 = tpu.memref_slice %arg4[%dma_start3A_2521, %multiple_of3A_2514] : memref<32x1000000xf32, #tpu.memory_space<hbm>> -> memref<32x128xf32, #tpu.memory_space<hbm>>
        %dma_start3A_2523 = arith.constant 0 : i32
        %dma_start3A_2524 = arith.constant 0 : i32
        %dma_start3A_2525 = tpu.memref_slice %arg10[%dma_start3A_2515, %dma_start3A_2516, %dma_start3A_2523, %dma_start3A_2524] : memref<3x4x32x128xf32, #tpu.memory_space<vmem>> -> memref<1x1x32x128xf32, #tpu.memory_space<vmem>>
        %dma_start3A_2526 = tpu.memref_squeeze %dma_start3A_2525 : memref<1x1x32x128xf32, #tpu.memory_space<vmem>> -> memref<32x128xf32, #tpu.memory_space<vmem>>
        %dma_start3A_2527 = arith.constant 0 : i32
        %dma_start3A_2528 = tpu.memref_slice %arg4[%dma_start3A_2527, %multiple_of3A_2514] : memref<32x1000000xf32, #tpu.memory_space<hbm>> -> memref<32x128xf32, #tpu.memory_space<hbm>>
        tpu.enqueue_dma source(%dma_start3A_2528 : memref<32x128xf32, #tpu.memory_space<hbm>>) target(%dma_start3A_2526 : memref<32x128xf32, #tpu.memory_space<vmem>>) target_semaphore(%arg15 : memref<!tpu.dma_semaphore, #tpu.memory_space<semaphore_mem>>)
        %slice3A_2529 = vector.extract_strided_slice %get3A_2507 {offsets = [4], sizes = [1], strides = [1]} : vector<16xi32> to vector<1xi32>
        %squeeze3A_2530 = vector.extract %slice3A_2529[0] : i32 from vector<1xi32>
        %shift_right_arithmetic3A_2531 = arith.constant 7 : i32
        %shift_right_arithmetic3A_2532 = arith.shrsi %squeeze3A_2530, %shift_right_arithmetic3A_2531 : i32
        %mul3A_2533 = arith.constant 128 : i32
        %mul3A_2534 = arith.muli %shift_right_arithmetic3A_2532, %mul3A_2533 : i32
        %multiple_of3A_2535 = tpu.assume_multiple %mul3A_2534, 128 : i32
        %dma_start3A_2536 = arith.constant 2 : i32
        %dma_start3A_2537 = arith.constant 0 : i32
        %dma_start3A_2538 = arith.constant 0 : i32
        %dma_start3A_2539 = arith.constant 0 : i32
        %dma_start3A_2540 = tpu.memref_slice %arg11[%dma_start3A_2536, %dma_start3A_2537, %dma_start3A_2538, %dma_start3A_2539] : memref<3x4x32x128xf32, #tpu.memory_space<vmem>> -> memref<1x1x32x128xf32, #tpu.memory_space<vmem>>
        %dma_start3A_2541 = tpu.memref_squeeze %dma_start3A_2540 : memref<1x1x32x128xf32, #tpu.memory_space<vmem>> -> memref<32x128xf32, #tpu.memory_space<vmem>>
        %dma_start3A_2542 = arith.constant 0 : i32
        %dma_start3A_2543 = tpu.memref_slice %arg5[%dma_start3A_2542, %multiple_of3A_2535] : memref<32x1000000xf32, #tpu.memory_space<hbm>> -> memref<32x128xf32, #tpu.memory_space<hbm>>
        %dma_start3A_2544 = arith.constant 0 : i32
        %dma_start3A_2545 = arith.constant 0 : i32
        %dma_start3A_2546 = tpu.memref_slice %arg11[%dma_start3A_2536, %dma_start3A_2537, %dma_start3A_2544, %dma_start3A_2545] : memref<3x4x32x128xf32, #tpu.memory_space<vmem>> -> memref<1x1x32x128xf32, #tpu.memory_space<vmem>>
        %dma_start3A_2547 = tpu.memref_squeeze %dma_start3A_2546 : memref<1x1x32x128xf32, #tpu.memory_space<vmem>> -> memref<32x128xf32, #tpu.memory_space<vmem>>
        %dma_start3A_2548 = arith.constant 0 : i32
        %dma_start3A_2549 = tpu.memref_slice %arg5[%dma_start3A_2548, %multiple_of3A_2535] : memref<32x1000000xf32, #tpu.memory_space<hbm>> -> memref<32x128xf32, #tpu.memory_space<hbm>>
        tpu.enqueue_dma source(%dma_start3A_2549 : memref<32x128xf32, #tpu.memory_space<hbm>>) target(%dma_start3A_2547 : memref<32x128xf32, #tpu.memory_space<vmem>>) target_semaphore(%arg16 : memref<!tpu.dma_semaphore, #tpu.memory_space<semaphore_mem>>)
        %slice3A_2550 = vector.extract_strided_slice %get3A_2505 {offsets = [5], sizes = [1], strides = [1]} : vector<16xi32> to vector<1xi32>
        %squeeze3A_2551 = vector.extract %slice3A_2550[0] : i32 from vector<1xi32>
        %shift_right_arithmetic3A_2552 = arith.constant 7 : i32
        %shift_right_arithmetic3A_2553 = arith.shrsi %squeeze3A_2551, %shift_right_arithmetic3A_2552 : i32
        %mul3A_2554 = arith.constant 128 : i32
        %mul3A_2555 = arith.muli %shift_right_arithmetic3A_2553, %mul3A_2554 : i32
        %multiple_of3A_2556 = tpu.assume_multiple %mul3A_2555, 128 : i32
        %dma_start3A_2557 = arith.constant 2 : i32
        %dma_start3A_2558 = arith.constant 1 : i32
        %dma_start3A_2559 = arith.constant 0 : i32
        %dma_start3A_2560 = arith.constant 0 : i32
        %dma_start3A_2561 = tpu.memref_slice %arg10[%dma_start3A_2557, %dma_start3A_2558, %dma_start3A_2559, %dma_start3A_2560] : memref<3x4x32x128xf32, #tpu.memory_space<vmem>> -> memref<1x1x32x128xf32, #tpu.memory_space<vmem>>
        %dma_start3A_2562 = tpu.memref_squeeze %dma_start3A_2561 : memref<1x1x32x128xf32, #tpu.memory_space<vmem>> -> memref<32x128xf32, #tpu.memory_space<vmem>>
        %dma_start3A_2563 = arith.constant 0 : i32
        %dma_start3A_2564 = tpu.memref_slice %arg4[%dma_start3A_2563, %multiple_of3A_2556] : memref<32x1000000xf32, #tpu.memory_space<hbm>> -> memref<32x128xf32, #tpu.memory_space<hbm>>
        %dma_start3A_2565 = arith.constant 0 : i32
        %dma_start3A_2566 = arith.constant 0 : i32
        %dma_start3A_2567 = tpu.memref_slice %arg10[%dma_start3A_2557, %dma_start3A_2558, %dma_start3A_2565, %dma_start3A_2566] : memref<3x4x32x128xf32, #tpu.memory_space<vmem>> -> memref<1x1x32x128xf32, #tpu.memory_space<vmem>>
        %dma_start3A_2568 = tpu.memref_squeeze %dma_start3A_2567 : memref<1x1x32x128xf32, #tpu.memory_space<vmem>> -> memref<32x128xf32, #tpu.memory_space<vmem>>
        %dma_start3A_2569 = arith.constant 0 : i32
        %dma_start3A_2570 = tpu.memref_slice %arg4[%dma_start3A_2569, %multiple_of3A_2556] : memref<32x1000000xf32, #tpu.memory_space<hbm>> -> memref<32x128xf32, #tpu.memory_space<hbm>>
        tpu.enqueue_dma source(%dma_start3A_2570 : memref<32x128xf32, #tpu.memory_space<hbm>>) target(%dma_start3A_2568 : memref<32x128xf32, #tpu.memory_space<vmem>>) target_semaphore(%arg15 : memref<!tpu.dma_semaphore, #tpu.memory_space<semaphore_mem>>)
        %slice3A_2571 = vector.extract_strided_slice %get3A_2507 {offsets = [5], sizes = [1], strides = [1]} : vector<16xi32> to vector<1xi32>
        %squeeze3A_2572 = vector.extract %slice3A_2571[0] : i32 from vector<1xi32>
        %shift_right_arithmetic3A_2573 = arith.constant 7 : i32
        %shift_right_arithmetic3A_2574 = arith.shrsi %squeeze3A_2572, %shift_right_arithmetic3A_2573 : i32
        %mul3A_2575 = arith.constant 128 : i32
        %mul3A_2576 = arith.muli %shift_right_arithmetic3A_2574, %mul3A_2575 : i32
        %multiple_of3A_2577 = tpu.assume_multiple %mul3A_2576, 128 : i32
        %dma_start3A_2578 = arith.constant 2 : i32
        %dma_start3A_2579 = arith.constant 1 : i32
        %dma_start3A_2580 = arith.constant 0 : i32
        %dma_start3A_2581 = arith.constant 0 : i32
        %dma_start3A_2582 = tpu.memref_slice %arg11[%dma_start3A_2578, %dma_start3A_2579, %dma_start3A_2580, %dma_start3A_2581] : memref<3x4x32x128xf32, #tpu.memory_space<vmem>> -> memref<1x1x32x128xf32, #tpu.memory_space<vmem>>
        %dma_start3A_2583 = tpu.memref_squeeze %dma_start3A_2582 : memref<1x1x32x128xf32, #tpu.memory_space<vmem>> -> memref<32x128xf32, #tpu.memory_space<vmem>>
        %dma_start3A_2584 = arith.constant 0 : i32
        %dma_start3A_2585 = tpu.memref_slice %arg5[%dma_start3A_2584, %multiple_of3A_2577] : memref<32x1000000xf32, #tpu.memory_space<hbm>> -> memref<32x128xf32, #tpu.memory_space<hbm>>
        %dma_start3A_2586 = arith.constant 0 : i32
        %dma_start3A_2587 = arith.constant 0 : i32
        %dma_start3A_2588 = tpu.memref_slice %arg11[%dma_start3A_2578, %dma_start3A_2579, %dma_start3A_2586, %dma_start3A_2587] : memref<3x4x32x128xf32, #tpu.memory_space<vmem>> -> memref<1x1x32x128xf32, #tpu.memory_space<vmem>>
        %dma_start3A_2589 = tpu.memref_squeeze %dma_start3A_2588 : memref<1x1x32x128xf32, #tpu.memory_space<vmem>> -> memref<32x128xf32, #tpu.memory_space<vmem>>
        %dma_start3A_2590 = arith.constant 0 : i32
        %dma_start3A_2591 = tpu.memref_slice %arg5[%dma_start3A_2590, %multiple_of3A_2577] : memref<32x1000000xf32, #tpu.memory_space<hbm>> -> memref<32x128xf32, #tpu.memory_space<hbm>>
        tpu.enqueue_dma source(%dma_start3A_2591 : memref<32x128xf32, #tpu.memory_space<hbm>>) target(%dma_start3A_2589 : memref<32x128xf32, #tpu.memory_space<vmem>>) target_semaphore(%arg16 : memref<!tpu.dma_semaphore, #tpu.memory_space<semaphore_mem>>)
        %slice3A_2592 = vector.extract_strided_slice %get3A_2505 {offsets = [6], sizes = [1], strides = [1]} : vector<16xi32> to vector<1xi32>
        %squeeze3A_2593 = vector.extract %slice3A_2592[0] : i32 from vector<1xi32>
        %shift_right_arithmetic3A_2594 = arith.constant 7 : i32
        %shift_right_arithmetic3A_2595 = arith.shrsi %squeeze3A_2593, %shift_right_arithmetic3A_2594 : i32
        %mul3A_2596 = arith.constant 128 : i32
        %mul3A_2597 = arith.muli %shift_right_arithmetic3A_2595, %mul3A_2596 : i32
        %multiple_of3A_2598 = tpu.assume_multiple %mul3A_2597, 128 : i32
        %dma_start3A_2599 = arith.constant 2 : i32
        %dma_start3A_2600 = arith.constant 2 : i32
        %dma_start3A_2601 = arith.constant 0 : i32
        %dma_start3A_2602 = arith.constant 0 : i32
        %dma_start3A_2603 = tpu.memref_slice %arg10[%dma_start3A_2599, %dma_start3A_2600, %dma_start3A_2601, %dma_start3A_2602] : memref<3x4x32x128xf32, #tpu.memory_space<vmem>> -> memref<1x1x32x128xf32, #tpu.memory_space<vmem>>
        %dma_start3A_2604 = tpu.memref_squeeze %dma_start3A_2603 : memref<1x1x32x128xf32, #tpu.memory_space<vmem>> -> memref<32x128xf32, #tpu.memory_space<vmem>>
        %dma_start3A_2605 = arith.constant 0 : i32
        %dma_start3A_2606 = tpu.memref_slice %arg4[%dma_start3A_2605, %multiple_of3A_2598] : memref<32x1000000xf32, #tpu.memory_space<hbm>> -> memref<32x128xf32, #tpu.memory_space<hbm>>
        %dma_start3A_2607 = arith.constant 0 : i32
        %dma_start3A_2608 = arith.constant 0 : i32
        %dma_start3A_2609 = tpu.memref_slice %arg10[%dma_start3A_2599, %dma_start3A_2600, %dma_start3A_2607, %dma_start3A_2608] : memref<3x4x32x128xf32, #tpu.memory_space<vmem>> -> memref<1x1x32x128xf32, #tpu.memory_space<vmem>>
        %dma_start3A_2610 = tpu.memref_squeeze %dma_start3A_2609 : memref<1x1x32x128xf32, #tpu.memory_space<vmem>> -> memref<32x128xf32, #tpu.memory_space<vmem>>
        %dma_start3A_2611 = arith.constant 0 : i32
        %dma_start3A_2612 = tpu.memref_slice %arg4[%dma_start3A_2611, %multiple_of3A_2598] : memref<32x1000000xf32, #tpu.memory_space<hbm>> -> memref<32x128xf32, #tpu.memory_space<hbm>>
        tpu.enqueue_dma source(%dma_start3A_2612 : memref<32x128xf32, #tpu.memory_space<hbm>>) target(%dma_start3A_2610 : memref<32x128xf32, #tpu.memory_space<vmem>>) target_semaphore(%arg15 : memref<!tpu.dma_semaphore, #tpu.memory_space<semaphore_mem>>)
        %slice3A_2613 = vector.extract_strided_slice %get3A_2507 {offsets = [6], sizes = [1], strides = [1]} : vector<16xi32> to vector<1xi32>
        %squeeze3A_2614 = vector.extract %slice3A_2613[0] : i32 from vector<1xi32>
        %shift_right_arithmetic3A_2615 = arith.constant 7 : i32
        %shift_right_arithmetic3A_2616 = arith.shrsi %squeeze3A_2614, %shift_right_arithmetic3A_2615 : i32
        %mul3A_2617 = arith.constant 128 : i32
        %mul3A_2618 = arith.muli %shift_right_arithmetic3A_2616, %mul3A_2617 : i32
        %multiple_of3A_2619 = tpu.assume_multiple %mul3A_2618, 128 : i32
        %dma_start3A_2620 = arith.constant 2 : i32
        %dma_start3A_2621 = arith.constant 2 : i32
        %dma_start3A_2622 = arith.constant 0 : i32
        %dma_start3A_2623 = arith.constant 0 : i32
        %dma_start3A_2624 = tpu.memref_slice %arg11[%dma_start3A_2620, %dma_start3A_2621, %dma_start3A_2622, %dma_start3A_2623] : memref<3x4x32x128xf32, #tpu.memory_space<vmem>> -> memref<1x1x32x128xf32, #tpu.memory_space<vmem>>
        %dma_start3A_2625 = tpu.memref_squeeze %dma_start3A_2624 : memref<1x1x32x128xf32, #tpu.memory_space<vmem>> -> memref<32x128xf32, #tpu.memory_space<vmem>>
        %dma_start3A_2626 = arith.constant 0 : i32
        %dma_start3A_2627 = tpu.memref_slice %arg5[%dma_start3A_2626, %multiple_of3A_2619] : memref<32x1000000xf32, #tpu.memory_space<hbm>> -> memref<32x128xf32, #tpu.memory_space<hbm>>
        %dma_start3A_2628 = arith.constant 0 : i32
        %dma_start3A_2629 = arith.constant 0 : i32
        %dma_start3A_2630 = tpu.memref_slice %arg11[%dma_start3A_2620, %dma_start3A_2621, %dma_start3A_2628, %dma_start3A_2629] : memref<3x4x32x128xf32, #tpu.memory_space<vmem>> -> memref<1x1x32x128xf32, #tpu.memory_space<vmem>>
        %dma_start3A_2631 = tpu.memref_squeeze %dma_start3A_2630 : memref<1x1x32x128xf32, #tpu.memory_space<vmem>> -> memref<32x128xf32, #tpu.memory_space<vmem>>
        %dma_start3A_2632 = arith.constant 0 : i32
        %dma_start3A_2633 = tpu.memref_slice %arg5[%dma_start3A_2632, %multiple_of3A_2619] : memref<32x1000000xf32, #tpu.memory_space<hbm>> -> memref<32x128xf32, #tpu.memory_space<hbm>>
        tpu.enqueue_dma source(%dma_start3A_2633 : memref<32x128xf32, #tpu.memory_space<hbm>>) target(%dma_start3A_2631 : memref<32x128xf32, #tpu.memory_space<vmem>>) target_semaphore(%arg16 : memref<!tpu.dma_semaphore, #tpu.memory_space<semaphore_mem>>)
        %slice3A_2634 = vector.extract_strided_slice %get3A_2505 {offsets = [7], sizes = [1], strides = [1]} : vector<16xi32> to vector<1xi32>
        %squeeze3A_2635 = vector.extract %slice3A_2634[0] : i32 from vector<1xi32>
        %shift_right_arithmetic3A_2636 = arith.constant 7 : i32
        %shift_right_arithmetic3A_2637 = arith.shrsi %squeeze3A_2635, %shift_right_arithmetic3A_2636 : i32
        %mul3A_2638 = arith.constant 128 : i32
        %mul3A_2639 = arith.muli %shift_right_arithmetic3A_2637, %mul3A_2638 : i32
        %multiple_of3A_2640 = tpu.assume_multiple %mul3A_2639, 128 : i32
        %dma_start3A_2641 = arith.constant 2 : i32
        %dma_start3A_2642 = arith.constant 3 : i32
        %dma_start3A_2643 = arith.constant 0 : i32
        %dma_start3A_2644 = arith.constant 0 : i32
        %dma_start3A_2645 = tpu.memref_slice %arg10[%dma_start3A_2641, %dma_start3A_2642, %dma_start3A_2643, %dma_start3A_2644] : memref<3x4x32x128xf32, #tpu.memory_space<vmem>> -> memref<1x1x32x128xf32, #tpu.memory_space<vmem>>
        %dma_start3A_2646 = tpu.memref_squeeze %dma_start3A_2645 : memref<1x1x32x128xf32, #tpu.memory_space<vmem>> -> memref<32x128xf32, #tpu.memory_space<vmem>>
        %dma_start3A_2647 = arith.constant 0 : i32
        %dma_start3A_2648 = tpu.memref_slice %arg4[%dma_start3A_2647, %multiple_of3A_2640] : memref<32x1000000xf32, #tpu.memory_space<hbm>> -> memref<32x128xf32, #tpu.memory_space<hbm>>
        %dma_start3A_2649 = arith.constant 0 : i32
        %dma_start3A_2650 = arith.constant 0 : i32
        %dma_start3A_2651 = tpu.memref_slice %arg10[%dma_start3A_2641, %dma_start3A_2642, %dma_start3A_2649, %dma_start3A_2650] : memref<3x4x32x128xf32, #tpu.memory_space<vmem>> -> memref<1x1x32x128xf32, #tpu.memory_space<vmem>>
        %dma_start3A_2652 = tpu.memref_squeeze %dma_start3A_2651 : memref<1x1x32x128xf32, #tpu.memory_space<vmem>> -> memref<32x128xf32, #tpu.memory_space<vmem>>
        %dma_start3A_2653 = arith.constant 0 : i32
        %dma_start3A_2654 = tpu.memref_slice %arg4[%dma_start3A_2653, %multiple_of3A_2640] : memref<32x1000000xf32, #tpu.memory_space<hbm>> -> memref<32x128xf32, #tpu.memory_space<hbm>>
        tpu.enqueue_dma source(%dma_start3A_2654 : memref<32x128xf32, #tpu.memory_space<hbm>>) target(%dma_start3A_2652 : memref<32x128xf32, #tpu.memory_space<vmem>>) target_semaphore(%arg15 : memref<!tpu.dma_semaphore, #tpu.memory_space<semaphore_mem>>)
        %slice3A_2655 = vector.extract_strided_slice %get3A_2507 {offsets = [7], sizes = [1], strides = [1]} : vector<16xi32> to vector<1xi32>
        %squeeze3A_2656 = vector.extract %slice3A_2655[0] : i32 from vector<1xi32>
        %shift_right_arithmetic3A_2657 = arith.constant 7 : i32
        %shift_right_arithmetic3A_2658 = arith.shrsi %squeeze3A_2656, %shift_right_arithmetic3A_2657 : i32
        %mul3A_2659 = arith.constant 128 : i32
        %mul3A_2660 = arith.muli %shift_right_arithmetic3A_2658, %mul3A_2659 : i32
        %multiple_of3A_2661 = tpu.assume_multiple %mul3A_2660, 128 : i32
        %dma_start3A_2662 = arith.constant 2 : i32
        %dma_start3A_2663 = arith.constant 3 : i32
        %dma_start3A_2664 = arith.constant 0 : i32
        %dma_start3A_2665 = arith.constant 0 : i32
        %dma_start3A_2666 = tpu.memref_slice %arg11[%dma_start3A_2662, %dma_start3A_2663, %dma_start3A_2664, %dma_start3A_2665] : memref<3x4x32x128xf32, #tpu.memory_space<vmem>> -> memref<1x1x32x128xf32, #tpu.memory_space<vmem>>
        %dma_start3A_2667 = tpu.memref_squeeze %dma_start3A_2666 : memref<1x1x32x128xf32, #tpu.memory_space<vmem>> -> memref<32x128xf32, #tpu.memory_space<vmem>>
        %dma_start3A_2668 = arith.constant 0 : i32
        %dma_start3A_2669 = tpu.memref_slice %arg5[%dma_start3A_2668, %multiple_of3A_2661] : memref<32x1000000xf32, #tpu.memory_space<hbm>> -> memref<32x128xf32, #tpu.memory_space<hbm>>
        %dma_start3A_2670 = arith.constant 0 : i32
        %dma_start3A_2671 = arith.constant 0 : i32
        %dma_start3A_2672 = tpu.memref_slice %arg11[%dma_start3A_2662, %dma_start3A_2663, %dma_start3A_2670, %dma_start3A_2671] : memref<3x4x32x128xf32, #tpu.memory_space<vmem>> -> memref<1x1x32x128xf32, #tpu.memory_space<vmem>>
        %dma_start3A_2673 = tpu.memref_squeeze %dma_start3A_2672 : memref<1x1x32x128xf32, #tpu.memory_space<vmem>> -> memref<32x128xf32, #tpu.memory_space<vmem>>
        %dma_start3A_2674 = arith.constant 0 : i32
        %dma_start3A_2675 = tpu.memref_slice %arg5[%dma_start3A_2674, %multiple_of3A_2661] : memref<32x1000000xf32, #tpu.memory_space<hbm>> -> memref<32x128xf32, #tpu.memory_space<hbm>>
        tpu.enqueue_dma source(%dma_start3A_2675 : memref<32x128xf32, #tpu.memory_space<hbm>>) target(%dma_start3A_2673 : memref<32x128xf32, #tpu.memory_space<vmem>>) target_semaphore(%arg16 : memref<!tpu.dma_semaphore, #tpu.memory_space<semaphore_mem>>)
      } else {
      }
      %dma_wait3A_1698 = arith.constant 0 : i32
      %dma_wait3A_1699 = arith.constant 0 : i32
      %dma_wait3A_1700 = arith.constant 0 : i32
      %dma_wait3A_1701 = arith.constant 0 : i32
      %dma_wait3A_1702 = tpu.memref_slice %arg10[%dma_wait3A_1698, %dma_wait3A_1699, %dma_wait3A_1700, %dma_wait3A_1701] : memref<3x4x32x128xf32, #tpu.memory_space<vmem>> -> memref<1x1x32x128xf32, #tpu.memory_space<vmem>>
      %dma_wait3A_1703 = tpu.memref_squeeze %dma_wait3A_1702 : memref<1x1x32x128xf32, #tpu.memory_space<vmem>> -> memref<32x128xf32, #tpu.memory_space<vmem>>
      %dma_wait3A_1704 = arith.constant 0 : i32
      %dma_wait3A_1705 = arith.constant 0 : i32
      %dma_wait3A_1706 = tpu.memref_slice %arg4[%dma_wait3A_1704, %dma_wait3A_1705] : memref<32x1000000xf32, #tpu.memory_space<hbm>> -> memref<32x128xf32, #tpu.memory_space<hbm>>
      %dma_wait3A_1707 = arith.constant 0 : i32
      %dma_wait3A_1708 = arith.constant 0 : i32
      %dma_wait3A_1709 = tpu.memref_slice %arg10[%dma_wait3A_1698, %dma_wait3A_1699, %dma_wait3A_1707, %dma_wait3A_1708] : memref<3x4x32x128xf32, #tpu.memory_space<vmem>> -> memref<1x1x32x128xf32, #tpu.memory_space<vmem>>
      %dma_wait3A_1710 = tpu.memref_squeeze %dma_wait3A_1709 : memref<1x1x32x128xf32, #tpu.memory_space<vmem>> -> memref<32x128xf32, #tpu.memory_space<vmem>>
      %dma_wait3A_1711 = arith.constant 0 : i32
      %dma_wait3A_1712 = arith.constant 0 : i32
      %dma_wait3A_1713 = tpu.memref_slice %arg4[%dma_wait3A_1711, %dma_wait3A_1712] : memref<32x1000000xf32, #tpu.memory_space<hbm>> -> memref<32x128xf32, #tpu.memory_space<hbm>>
      tpu.wait_dma2 semaphore(%arg15 : memref<!tpu.dma_semaphore, #tpu.memory_space<semaphore_mem>>) src(%dma_wait3A_1713 : memref<32x128xf32, #tpu.memory_space<hbm>>) dst(%dma_wait3A_1710 : memref<32x128xf32, #tpu.memory_space<vmem>>)
      %dma_wait3A_1714 = arith.constant 0 : i32
      %dma_wait3A_1715 = arith.constant 0 : i32
      %dma_wait3A_1716 = arith.constant 0 : i32
      %dma_wait3A_1717 = arith.constant 0 : i32
      %dma_wait3A_1718 = tpu.memref_slice %arg11[%dma_wait3A_1714, %dma_wait3A_1715, %dma_wait3A_1716, %dma_wait3A_1717] : memref<3x4x32x128xf32, #tpu.memory_space<vmem>> -> memref<1x1x32x128xf32, #tpu.memory_space<vmem>>
      %dma_wait3A_1719 = tpu.memref_squeeze %dma_wait3A_1718 : memref<1x1x32x128xf32, #tpu.memory_space<vmem>> -> memref<32x128xf32, #tpu.memory_space<vmem>>
      %dma_wait3A_1720 = arith.constant 0 : i32
      %dma_wait3A_1721 = arith.constant 0 : i32
      %dma_wait3A_1722 = tpu.memref_slice %arg5[%dma_wait3A_1720, %dma_wait3A_1721] : memref<32x1000000xf32, #tpu.memory_space<hbm>> -> memref<32x128xf32, #tpu.memory_space<hbm>>
      %dma_wait3A_1723 = arith.constant 0 : i32
      %dma_wait3A_1724 = arith.constant 0 : i32
      %dma_wait3A_1725 = tpu.memref_slice %arg11[%dma_wait3A_1714, %dma_wait3A_1715, %dma_wait3A_1723, %dma_wait3A_1724] : memref<3x4x32x128xf32, #tpu.memory_space<vmem>> -> memref<1x1x32x128xf32, #tpu.memory_space<vmem>>
      %dma_wait3A_1726 = tpu.memref_squeeze %dma_wait3A_1725 : memref<1x1x32x128xf32, #tpu.memory_space<vmem>> -> memref<32x128xf32, #tpu.memory_space<vmem>>
      %dma_wait3A_1727 = arith.constant 0 : i32
      %dma_wait3A_1728 = arith.constant 0 : i32
      %dma_wait3A_1729 = tpu.memref_slice %arg5[%dma_wait3A_1727, %dma_wait3A_1728] : memref<32x1000000xf32, #tpu.memory_space<hbm>> -> memref<32x128xf32, #tpu.memory_space<hbm>>
      tpu.wait_dma2 semaphore(%arg16 : memref<!tpu.dma_semaphore, #tpu.memory_space<semaphore_mem>>) src(%dma_wait3A_1729 : memref<32x128xf32, #tpu.memory_space<hbm>>) dst(%dma_wait3A_1726 : memref<32x128xf32, #tpu.memory_space<vmem>>)
      %dma_wait3A_1730 = arith.constant 0 : i32
      %dma_wait3A_1731 = arith.constant 0 : i32
      %dma_wait3A_1732 = arith.constant 0 : i32
      %dma_wait3A_1733 = arith.constant 0 : i32
      %dma_wait3A_1734 = tpu.memref_slice %arg10[%dma_wait3A_1730, %dma_wait3A_1731, %dma_wait3A_1732, %dma_wait3A_1733] : memref<3x4x32x128xf32, #tpu.memory_space<vmem>> -> memref<1x1x32x128xf32, #tpu.memory_space<vmem>>
      %dma_wait3A_1735 = tpu.memref_squeeze %dma_wait3A_1734 : memref<1x1x32x128xf32, #tpu.memory_space<vmem>> -> memref<32x128xf32, #tpu.memory_space<vmem>>
      %dma_wait3A_1736 = arith.constant 0 : i32
      %dma_wait3A_1737 = arith.constant 0 : i32
      %dma_wait3A_1738 = tpu.memref_slice %arg4[%dma_wait3A_1736, %dma_wait3A_1737] : memref<32x1000000xf32, #tpu.memory_space<hbm>> -> memref<32x128xf32, #tpu.memory_space<hbm>>
      %dma_wait3A_1739 = arith.constant 0 : i32
      %dma_wait3A_1740 = arith.constant 0 : i32
      %dma_wait3A_1741 = tpu.memref_slice %arg10[%dma_wait3A_1730, %dma_wait3A_1731, %dma_wait3A_1739, %dma_wait3A_1740] : memref<3x4x32x128xf32, #tpu.memory_space<vmem>> -> memref<1x1x32x128xf32, #tpu.memory_space<vmem>>
      %dma_wait3A_1742 = tpu.memref_squeeze %dma_wait3A_1741 : memref<1x1x32x128xf32, #tpu.memory_space<vmem>> -> memref<32x128xf32, #tpu.memory_space<vmem>>
      %dma_wait3A_1743 = arith.constant 0 : i32
      %dma_wait3A_1744 = arith.constant 0 : i32
      %dma_wait3A_1745 = tpu.memref_slice %arg4[%dma_wait3A_1743, %dma_wait3A_1744] : memref<32x1000000xf32, #tpu.memory_space<hbm>> -> memref<32x128xf32, #tpu.memory_space<hbm>>
      tpu.wait_dma2 semaphore(%arg15 : memref<!tpu.dma_semaphore, #tpu.memory_space<semaphore_mem>>) src(%dma_wait3A_1745 : memref<32x128xf32, #tpu.memory_space<hbm>>) dst(%dma_wait3A_1742 : memref<32x128xf32, #tpu.memory_space<vmem>>)
      %dma_wait3A_1746 = arith.constant 0 : i32
      %dma_wait3A_1747 = arith.constant 0 : i32
      %dma_wait3A_1748 = arith.constant 0 : i32
      %dma_wait3A_1749 = arith.constant 0 : i32
      %dma_wait3A_1750 = tpu.memref_slice %arg11[%dma_wait3A_1746, %dma_wait3A_1747, %dma_wait3A_1748, %dma_wait3A_1749] : memref<3x4x32x128xf32, #tpu.memory_space<vmem>> -> memref<1x1x32x128xf32, #tpu.memory_space<vmem>>
      %dma_wait3A_1751 = tpu.memref_squeeze %dma_wait3A_1750 : memref<1x1x32x128xf32, #tpu.memory_space<vmem>> -> memref<32x128xf32, #tpu.memory_space<vmem>>
      %dma_wait3A_1752 = arith.constant 0 : i32
      %dma_wait3A_1753 = arith.constant 0 : i32
      %dma_wait3A_1754 = tpu.memref_slice %arg5[%dma_wait3A_1752, %dma_wait3A_1753] : memref<32x1000000xf32, #tpu.memory_space<hbm>> -> memref<32x128xf32, #tpu.memory_space<hbm>>
      %dma_wait3A_1755 = arith.constant 0 : i32
      %dma_wait3A_1756 = arith.constant 0 : i32
      %dma_wait3A_1757 = tpu.memref_slice %arg11[%dma_wait3A_1746, %dma_wait3A_1747, %dma_wait3A_1755, %dma_wait3A_1756] : memref<3x4x32x128xf32, #tpu.memory_space<vmem>> -> memref<1x1x32x128xf32, #tpu.memory_space<vmem>>
      %dma_wait3A_1758 = tpu.memref_squeeze %dma_wait3A_1757 : memref<1x1x32x128xf32, #tpu.memory_space<vmem>> -> memref<32x128xf32, #tpu.memory_space<vmem>>
      %dma_wait3A_1759 = arith.constant 0 : i32
      %dma_wait3A_1760 = arith.constant 0 : i32
      %dma_wait3A_1761 = tpu.memref_slice %arg5[%dma_wait3A_1759, %dma_wait3A_1760] : memref<32x1000000xf32, #tpu.memory_space<hbm>> -> memref<32x128xf32, #tpu.memory_space<hbm>>
      tpu.wait_dma2 semaphore(%arg16 : memref<!tpu.dma_semaphore, #tpu.memory_space<semaphore_mem>>) src(%dma_wait3A_1761 : memref<32x128xf32, #tpu.memory_space<hbm>>) dst(%dma_wait3A_1758 : memref<32x128xf32, #tpu.memory_space<vmem>>)
      %dma_wait3A_1762 = arith.constant 0 : i32
      %dma_wait3A_1763 = arith.constant 0 : i32
      %dma_wait3A_1764 = arith.constant 0 : i32
      %dma_wait3A_1765 = arith.constant 0 : i32
      %dma_wait3A_1766 = tpu.memref_slice %arg10[%dma_wait3A_1762, %dma_wait3A_1763, %dma_wait3A_1764, %dma_wait3A_1765] : memref<3x4x32x128xf32, #tpu.memory_space<vmem>> -> memref<1x1x32x128xf32, #tpu.memory_space<vmem>>
      %dma_wait3A_1767 = tpu.memref_squeeze %dma_wait3A_1766 : memref<1x1x32x128xf32, #tpu.memory_space<vmem>> -> memref<32x128xf32, #tpu.memory_space<vmem>>
      %dma_wait3A_1768 = arith.constant 0 : i32
      %dma_wait3A_1769 = arith.constant 0 : i32
      %dma_wait3A_1770 = tpu.memref_slice %arg4[%dma_wait3A_1768, %dma_wait3A_1769] : memref<32x1000000xf32, #tpu.memory_space<hbm>> -> memref<32x128xf32, #tpu.memory_space<hbm>>
      %dma_wait3A_1771 = arith.constant 0 : i32
      %dma_wait3A_1772 = arith.constant 0 : i32
      %dma_wait3A_1773 = tpu.memref_slice %arg10[%dma_wait3A_1762, %dma_wait3A_1763, %dma_wait3A_1771, %dma_wait3A_1772] : memref<3x4x32x128xf32, #tpu.memory_space<vmem>> -> memref<1x1x32x128xf32, #tpu.memory_space<vmem>>
      %dma_wait3A_1774 = tpu.memref_squeeze %dma_wait3A_1773 : memref<1x1x32x128xf32, #tpu.memory_space<vmem>> -> memref<32x128xf32, #tpu.memory_space<vmem>>
      %dma_wait3A_1775 = arith.constant 0 : i32
      %dma_wait3A_1776 = arith.constant 0 : i32
      %dma_wait3A_1777 = tpu.memref_slice %arg4[%dma_wait3A_1775, %dma_wait3A_1776] : memref<32x1000000xf32, #tpu.memory_space<hbm>> -> memref<32x128xf32, #tpu.memory_space<hbm>>
      tpu.wait_dma2 semaphore(%arg15 : memref<!tpu.dma_semaphore, #tpu.memory_space<semaphore_mem>>) src(%dma_wait3A_1777 : memref<32x128xf32, #tpu.memory_space<hbm>>) dst(%dma_wait3A_1774 : memref<32x128xf32, #tpu.memory_space<vmem>>)
      %dma_wait3A_1778 = arith.constant 0 : i32
      %dma_wait3A_1779 = arith.constant 0 : i32
      %dma_wait3A_1780 = arith.constant 0 : i32
      %dma_wait3A_1781 = arith.constant 0 : i32
      %dma_wait3A_1782 = tpu.memref_slice %arg11[%dma_wait3A_1778, %dma_wait3A_1779, %dma_wait3A_1780, %dma_wait3A_1781] : memref<3x4x32x128xf32, #tpu.memory_space<vmem>> -> memref<1x1x32x128xf32, #tpu.memory_space<vmem>>
      %dma_wait3A_1783 = tpu.memref_squeeze %dma_wait3A_1782 : memref<1x1x32x128xf32, #tpu.memory_space<vmem>> -> memref<32x128xf32, #tpu.memory_space<vmem>>
      %dma_wait3A_1784 = arith.constant 0 : i32
      %dma_wait3A_1785 = arith.constant 0 : i32
      %dma_wait3A_1786 = tpu.memref_slice %arg5[%dma_wait3A_1784, %dma_wait3A_1785] : memref<32x1000000xf32, #tpu.memory_space<hbm>> -> memref<32x128xf32, #tpu.memory_space<hbm>>
      %dma_wait3A_1787 = arith.constant 0 : i32
      %dma_wait3A_1788 = arith.constant 0 : i32
      %dma_wait3A_1789 = tpu.memref_slice %arg11[%dma_wait3A_1778, %dma_wait3A_1779, %dma_wait3A_1787, %dma_wait3A_1788] : memref<3x4x32x128xf32, #tpu.memory_space<vmem>> -> memref<1x1x32x128xf32, #tpu.memory_space<vmem>>
      %dma_wait3A_1790 = tpu.memref_squeeze %dma_wait3A_1789 : memref<1x1x32x128xf32, #tpu.memory_space<vmem>> -> memref<32x128xf32, #tpu.memory_space<vmem>>
      %dma_wait3A_1791 = arith.constant 0 : i32
      %dma_wait3A_1792 = arith.constant 0 : i32
      %dma_wait3A_1793 = tpu.memref_slice %arg5[%dma_wait3A_1791, %dma_wait3A_1792] : memref<32x1000000xf32, #tpu.memory_space<hbm>> -> memref<32x128xf32, #tpu.memory_space<hbm>>
      tpu.wait_dma2 semaphore(%arg16 : memref<!tpu.dma_semaphore, #tpu.memory_space<semaphore_mem>>) src(%dma_wait3A_1793 : memref<32x128xf32, #tpu.memory_space<hbm>>) dst(%dma_wait3A_1790 : memref<32x128xf32, #tpu.memory_space<vmem>>)
      %dma_wait3A_1794 = arith.constant 0 : i32
      %dma_wait3A_1795 = arith.constant 0 : i32
      %dma_wait3A_1796 = arith.constant 0 : i32
      %dma_wait3A_1797 = arith.constant 0 : i32
      %dma_wait3A_1798 = tpu.memref_slice %arg10[%dma_wait3A_1794, %dma_wait3A_1795, %dma_wait3A_1796, %dma_wait3A_1797] : memref<3x4x32x128xf32, #tpu.memory_space<vmem>> -> memref<1x1x32x128xf32, #tpu.memory_space<vmem>>
      %dma_wait3A_1799 = tpu.memref_squeeze %dma_wait3A_1798 : memref<1x1x32x128xf32, #tpu.memory_space<vmem>> -> memref<32x128xf32, #tpu.memory_space<vmem>>
      %dma_wait3A_1800 = arith.constant 0 : i32
      %dma_wait3A_1801 = arith.constant 0 : i32
      %dma_wait3A_1802 = tpu.memref_slice %arg4[%dma_wait3A_1800, %dma_wait3A_1801] : memref<32x1000000xf32, #tpu.memory_space<hbm>> -> memref<32x128xf32, #tpu.memory_space<hbm>>
      %dma_wait3A_1803 = arith.constant 0 : i32
      %dma_wait3A_1804 = arith.constant 0 : i32
      %dma_wait3A_1805 = tpu.memref_slice %arg10[%dma_wait3A_1794, %dma_wait3A_1795, %dma_wait3A_1803, %dma_wait3A_1804] : memref<3x4x32x128xf32, #tpu.memory_space<vmem>> -> memref<1x1x32x128xf32, #tpu.memory_space<vmem>>
      %dma_wait3A_1806 = tpu.memref_squeeze %dma_wait3A_1805 : memref<1x1x32x128xf32, #tpu.memory_space<vmem>> -> memref<32x128xf32, #tpu.memory_space<vmem>>
      %dma_wait3A_1807 = arith.constant 0 : i32
      %dma_wait3A_1808 = arith.constant 0 : i32
      %dma_wait3A_1809 = tpu.memref_slice %arg4[%dma_wait3A_1807, %dma_wait3A_1808] : memref<32x1000000xf32, #tpu.memory_space<hbm>> -> memref<32x128xf32, #tpu.memory_space<hbm>>
      tpu.wait_dma2 semaphore(%arg15 : memref<!tpu.dma_semaphore, #tpu.memory_space<semaphore_mem>>) src(%dma_wait3A_1809 : memref<32x128xf32, #tpu.memory_space<hbm>>) dst(%dma_wait3A_1806 : memref<32x128xf32, #tpu.memory_space<vmem>>)
      %dma_wait3A_1810 = arith.constant 0 : i32
      %dma_wait3A_1811 = arith.constant 0 : i32
      %dma_wait3A_1812 = arith.constant 0 : i32
      %dma_wait3A_1813 = arith.constant 0 : i32
      %dma_wait3A_1814 = tpu.memref_slice %arg11[%dma_wait3A_1810, %dma_wait3A_1811, %dma_wait3A_1812, %dma_wait3A_1813] : memref<3x4x32x128xf32, #tpu.memory_space<vmem>> -> memref<1x1x32x128xf32, #tpu.memory_space<vmem>>
      %dma_wait3A_1815 = tpu.memref_squeeze %dma_wait3A_1814 : memref<1x1x32x128xf32, #tpu.memory_space<vmem>> -> memref<32x128xf32, #tpu.memory_space<vmem>>
      %dma_wait3A_1816 = arith.constant 0 : i32
      %dma_wait3A_1817 = arith.constant 0 : i32
      %dma_wait3A_1818 = tpu.memref_slice %arg5[%dma_wait3A_1816, %dma_wait3A_1817] : memref<32x1000000xf32, #tpu.memory_space<hbm>> -> memref<32x128xf32, #tpu.memory_space<hbm>>
      %dma_wait3A_1819 = arith.constant 0 : i32
      %dma_wait3A_1820 = arith.constant 0 : i32
      %dma_wait3A_1821 = tpu.memref_slice %arg11[%dma_wait3A_1810, %dma_wait3A_1811, %dma_wait3A_1819, %dma_wait3A_1820] : memref<3x4x32x128xf32, #tpu.memory_space<vmem>> -> memref<1x1x32x128xf32, #tpu.memory_space<vmem>>
      %dma_wait3A_1822 = tpu.memref_squeeze %dma_wait3A_1821 : memref<1x1x32x128xf32, #tpu.memory_space<vmem>> -> memref<32x128xf32, #tpu.memory_space<vmem>>
      %dma_wait3A_1823 = arith.constant 0 : i32
      %dma_wait3A_1824 = arith.constant 0 : i32
      %dma_wait3A_1825 = tpu.memref_slice %arg5[%dma_wait3A_1823, %dma_wait3A_1824] : memref<32x1000000xf32, #tpu.memory_space<hbm>> -> memref<32x128xf32, #tpu.memory_space<hbm>>
      tpu.wait_dma2 semaphore(%arg16 : memref<!tpu.dma_semaphore, #tpu.memory_space<semaphore_mem>>) src(%dma_wait3A_1825 : memref<32x128xf32, #tpu.memory_space<hbm>>) dst(%dma_wait3A_1822 : memref<32x128xf32, #tpu.memory_space<vmem>>)
      %add3A_1826 = arith.constant 3 : i32
      %add3A_1827 = arith.addi %mul3A_881, %add3A_1826 : i32
      %shift_right_arithmetic3A_1828 = arith.constant 1 : i32
      %shift_right_arithmetic3A_1829 = arith.shrsi %add3A_1827, %shift_right_arithmetic3A_1828 : i32
      %mul3A_1830 = arith.constant 8 : i32
      %mul3A_1831 = arith.muli %shift_right_arithmetic3A_1829, %mul3A_1830 : i32
      %multiple_of3A_1832 = tpu.assume_multiple %mul3A_1831, 8 : i32
      %get3A_1833 = arith.index_cast %multiple_of3A_1832 : i32 to index
      %get3A_1834 = tpu.vector_load %arg8[%get3A_1833] {strides = array<i32>} : memref<528xi32, #tpu.memory_space<vmem>>, vector<16xi32>,
      %get3A_1835 = arith.index_cast %multiple_of3A_1832 : i32 to index
      %get3A_1836 = tpu.vector_load %arg9[%get3A_1835] {strides = array<i32>} : memref<528xi32, #tpu.memory_space<vmem>>, vector<16xi32>,
      %broadcast_in_dim3A_1837 = arith.constant 0 : i32
      %broadcast_in_dim3A_1838 = vector.broadcast %broadcast_in_dim3A_1837 : i32 to vector<16xi32>
      %slice3A_1839 = vector.extract_strided_slice %get3A_1834 {offsets = [4], sizes = [1], strides = [1]} : vector<16xi32> to vector<1xi32>
      %squeeze3A_1840 = vector.extract %slice3A_1839[0] : i32 from vector<1xi32>
      %and3A_1841 = arith.constant 127 : i32
      %and3A_1842 = arith.andi %squeeze3A_1840, %and3A_1841 : i32
      %broadcast_in_dim3A_1843 = vector.broadcast %and3A_1842 : i32 to vector<16xi32>
      %slice3A_1844 = vector.extract_strided_slice %get3A_1836 {offsets = [4], sizes = [1], strides = [1]} : vector<16xi32> to vector<1xi32>
      %squeeze3A_1845 = vector.extract %slice3A_1844[0] : i32 from vector<1xi32>
      %and3A_1846 = arith.constant 127 : i32
      %and3A_1847 = arith.andi %squeeze3A_1845, %and3A_1846 : i32
      %broadcast_in_dim3A_1848 = vector.broadcast %and3A_1847 : i32 to vector<16xi32>
      %broadcast_in_dim3A_1849 = arith.constant 0 : i32
      %broadcast_in_dim3A_1850 = vector.broadcast %broadcast_in_dim3A_1849 : i32 to vector<16xi32>
      %gather3A_1851 = tpu.vector_load_idx %arg10[%broadcast_in_dim3A_1838, %broadcast_in_dim3A_1850, %iota3A, %broadcast_in_dim3A_1843] : memref<3x4x32x128xf32, #tpu.memory_space<vmem>>[vector<16xi32>, vector<16xi32>, vector<16xi32>, vector<16xi32>], vector<16xf32>,
      %add3A_1852 = arith.constant 16 : i32
      %add3A_1853 = vector.broadcast %add3A_1852 : i32 to vector<16xi32>
      %add3A_1854 = arith.addi %iota3A, %add3A_1853 : vector<16xi32>
      %gather3A_1855 = tpu.vector_load_idx %arg10[%broadcast_in_dim3A_1838, %broadcast_in_dim3A_1850, %add3A_1854, %broadcast_in_dim3A_1843] : memref<3x4x32x128xf32, #tpu.memory_space<vmem>>[vector<16xi32>, vector<16xi32>, vector<16xi32>, vector<16xi32>], vector<16xf32>,
      %gather3A_1856 = tpu.vector_load_idx %arg11[%broadcast_in_dim3A_1838, %broadcast_in_dim3A_1850, %iota3A, %broadcast_in_dim3A_1848] : memref<3x4x32x128xf32, #tpu.memory_space<vmem>>[vector<16xi32>, vector<16xi32>, vector<16xi32>, vector<16xi32>], vector<16xf32>,
      %add3A_1857 = arith.constant 16 : i32
      %add3A_1858 = vector.broadcast %add3A_1857 : i32 to vector<16xi32>
      %add3A_1859 = arith.addi %iota3A, %add3A_1858 : vector<16xi32>
      %gather3A_1860 = tpu.vector_load_idx %arg11[%broadcast_in_dim3A_1838, %broadcast_in_dim3A_1850, %add3A_1859, %broadcast_in_dim3A_1848] : memref<3x4x32x128xf32, #tpu.memory_space<vmem>>[vector<16xi32>, vector<16xi32>, vector<16xi32>, vector<16xi32>], vector<16xf32>,
      %mul3A_1861 = arith.mulf %gather3A_1851, %gather3A_1856 : vector<16xf32>
      %mul3A_1862 = arith.mulf %mul3A_1861, %get3A_3 : vector<16xf32>
      %mul3A_1863 = arith.mulf %gather3A_1855, %gather3A_1860 : vector<16xf32>
      %mul3A_1864 = arith.mulf %mul3A_1863, %get3A_5 : vector<16xf32>
      %add3A_1865 = arith.addf %mul3A_1862, %mul3A_1864 : vector<16xf32>
      %swap3A_1866 = arith.index_cast %add3A_1827 : i32 to index
      %swap3A_1867 = arith.constant 0 : index
      %swap3A_1868 = tpu.vector_load %arg13[%swap3A_1866, %swap3A_1867] {strides = array<i32>} : memref<128x64xf32, #tpu.memory_space<vmem>>, vector<16xf32>,
      tpu.vector_store %arg13[%swap3A_1866, %swap3A_1867], %add3A_1865 {strides = array<i32>} : memref<128x64xf32, #tpu.memory_space<vmem>>, vector<16xf32>,
      %slice3A_1869 = vector.extract_strided_slice %get3A_1834 {offsets = [5], sizes = [1], strides = [1]} : vector<16xi32> to vector<1xi32>
      %squeeze3A_1870 = vector.extract %slice3A_1869[0] : i32 from vector<1xi32>
      %and3A_1871 = arith.constant 127 : i32
      %and3A_1872 = arith.andi %squeeze3A_1870, %and3A_1871 : i32
      %broadcast_in_dim3A_1873 = vector.broadcast %and3A_1872 : i32 to vector<16xi32>
      %slice3A_1874 = vector.extract_strided_slice %get3A_1836 {offsets = [5], sizes = [1], strides = [1]} : vector<16xi32> to vector<1xi32>
      %squeeze3A_1875 = vector.extract %slice3A_1874[0] : i32 from vector<1xi32>
      %and3A_1876 = arith.constant 127 : i32
      %and3A_1877 = arith.andi %squeeze3A_1875, %and3A_1876 : i32
      %broadcast_in_dim3A_1878 = vector.broadcast %and3A_1877 : i32 to vector<16xi32>
      %broadcast_in_dim3A_1879 = arith.constant 1 : i32
      %broadcast_in_dim3A_1880 = vector.broadcast %broadcast_in_dim3A_1879 : i32 to vector<16xi32>
      %gather3A_1881 = tpu.vector_load_idx %arg10[%broadcast_in_dim3A_1838, %broadcast_in_dim3A_1880, %iota3A, %broadcast_in_dim3A_1873] : memref<3x4x32x128xf32, #tpu.memory_space<vmem>>[vector<16xi32>, vector<16xi32>, vector<16xi32>, vector<16xi32>], vector<16xf32>,
      %add3A_1882 = arith.constant 16 : i32
      %add3A_1883 = vector.broadcast %add3A_1882 : i32 to vector<16xi32>
      %add3A_1884 = arith.addi %iota3A, %add3A_1883 : vector<16xi32>
      %gather3A_1885 = tpu.vector_load_idx %arg10[%broadcast_in_dim3A_1838, %broadcast_in_dim3A_1880, %add3A_1884, %broadcast_in_dim3A_1873] : memref<3x4x32x128xf32, #tpu.memory_space<vmem>>[vector<16xi32>, vector<16xi32>, vector<16xi32>, vector<16xi32>], vector<16xf32>,
      %gather3A_1886 = tpu.vector_load_idx %arg11[%broadcast_in_dim3A_1838, %broadcast_in_dim3A_1880, %iota3A, %broadcast_in_dim3A_1878] : memref<3x4x32x128xf32, #tpu.memory_space<vmem>>[vector<16xi32>, vector<16xi32>, vector<16xi32>, vector<16xi32>], vector<16xf32>,
      %add3A_1887 = arith.constant 16 : i32
      %add3A_1888 = vector.broadcast %add3A_1887 : i32 to vector<16xi32>
      %add3A_1889 = arith.addi %iota3A, %add3A_1888 : vector<16xi32>
      %gather3A_1890 = tpu.vector_load_idx %arg11[%broadcast_in_dim3A_1838, %broadcast_in_dim3A_1880, %add3A_1889, %broadcast_in_dim3A_1878] : memref<3x4x32x128xf32, #tpu.memory_space<vmem>>[vector<16xi32>, vector<16xi32>, vector<16xi32>, vector<16xi32>], vector<16xf32>,
      %mul3A_1891 = arith.mulf %gather3A_1881, %gather3A_1886 : vector<16xf32>
      %mul3A_1892 = arith.mulf %mul3A_1891, %get3A_3 : vector<16xf32>
      %mul3A_1893 = arith.mulf %gather3A_1885, %gather3A_1890 : vector<16xf32>
      %mul3A_1894 = arith.mulf %mul3A_1893, %get3A_5 : vector<16xf32>
      %add3A_1895 = arith.addf %mul3A_1892, %mul3A_1894 : vector<16xf32>
      %swap3A_1896 = arith.index_cast %add3A_1827 : i32 to index
      %swap3A_1897 = arith.constant 16 : index
      %swap3A_1898 = tpu.vector_load %arg13[%swap3A_1896, %swap3A_1897] {strides = array<i32>} : memref<128x64xf32, #tpu.memory_space<vmem>>, vector<16xf32>,
      tpu.vector_store %arg13[%swap3A_1896, %swap3A_1897], %add3A_1895 {strides = array<i32>} : memref<128x64xf32, #tpu.memory_space<vmem>>, vector<16xf32>,
      %slice3A_1899 = vector.extract_strided_slice %get3A_1834 {offsets = [6], sizes = [1], strides = [1]} : vector<16xi32> to vector<1xi32>
      %squeeze3A_1900 = vector.extract %slice3A_1899[0] : i32 from vector<1xi32>
      %and3A_1901 = arith.constant 127 : i32
      %and3A_1902 = arith.andi %squeeze3A_1900, %and3A_1901 : i32
      %broadcast_in_dim3A_1903 = vector.broadcast %and3A_1902 : i32 to vector<16xi32>
      %slice3A_1904 = vector.extract_strided_slice %get3A_1836 {offsets = [6], sizes = [1], strides = [1]} : vector<16xi32> to vector<1xi32>
      %squeeze3A_1905 = vector.extract %slice3A_1904[0] : i32 from vector<1xi32>
      %and3A_1906 = arith.constant 127 : i32
      %and3A_1907 = arith.andi %squeeze3A_1905, %and3A_1906 : i32
      %broadcast_in_dim3A_1908 = vector.broadcast %and3A_1907 : i32 to vector<16xi32>
      %broadcast_in_dim3A_1909 = arith.constant 2 : i32
      %broadcast_in_dim3A_1910 = vector.broadcast %broadcast_in_dim3A_1909 : i32 to vector<16xi32>
      %gather3A_1911 = tpu.vector_load_idx %arg10[%broadcast_in_dim3A_1838, %broadcast_in_dim3A_1910, %iota3A, %broadcast_in_dim3A_1903] : memref<3x4x32x128xf32, #tpu.memory_space<vmem>>[vector<16xi32>, vector<16xi32>, vector<16xi32>, vector<16xi32>], vector<16xf32>,
      %add3A_1912 = arith.constant 16 : i32
      %add3A_1913 = vector.broadcast %add3A_1912 : i32 to vector<16xi32>
      %add3A_1914 = arith.addi %iota3A, %add3A_1913 : vector<16xi32>
      %gather3A_1915 = tpu.vector_load_idx %arg10[%broadcast_in_dim3A_1838, %broadcast_in_dim3A_1910, %add3A_1914, %broadcast_in_dim3A_1903] : memref<3x4x32x128xf32, #tpu.memory_space<vmem>>[vector<16xi32>, vector<16xi32>, vector<16xi32>, vector<16xi32>], vector<16xf32>,
      %gather3A_1916 = tpu.vector_load_idx %arg11[%broadcast_in_dim3A_1838, %broadcast_in_dim3A_1910, %iota3A, %broadcast_in_dim3A_1908] : memref<3x4x32x128xf32, #tpu.memory_space<vmem>>[vector<16xi32>, vector<16xi32>, vector<16xi32>, vector<16xi32>], vector<16xf32>,
      %add3A_1917 = arith.constant 16 : i32
      %add3A_1918 = vector.broadcast %add3A_1917 : i32 to vector<16xi32>
      %add3A_1919 = arith.addi %iota3A, %add3A_1918 : vector<16xi32>
      %gather3A_1920 = tpu.vector_load_idx %arg11[%broadcast_in_dim3A_1838, %broadcast_in_dim3A_1910, %add3A_1919, %broadcast_in_dim3A_1908] : memref<3x4x32x128xf32, #tpu.memory_space<vmem>>[vector<16xi32>, vector<16xi32>, vector<16xi32>, vector<16xi32>], vector<16xf32>,
      %mul3A_1921 = arith.mulf %gather3A_1911, %gather3A_1916 : vector<16xf32>
      %mul3A_1922 = arith.mulf %mul3A_1921, %get3A_3 : vector<16xf32>
      %mul3A_1923 = arith.mulf %gather3A_1915, %gather3A_1920 : vector<16xf32>
      %mul3A_1924 = arith.mulf %mul3A_1923, %get3A_5 : vector<16xf32>
      %add3A_1925 = arith.addf %mul3A_1922, %mul3A_1924 : vector<16xf32>
      %swap3A_1926 = arith.index_cast %add3A_1827 : i32 to index
      %swap3A_1927 = arith.constant 32 : index
      %swap3A_1928 = tpu.vector_load %arg13[%swap3A_1926, %swap3A_1927] {strides = array<i32>} : memref<128x64xf32, #tpu.memory_space<vmem>>, vector<16xf32>,
      tpu.vector_store %arg13[%swap3A_1926, %swap3A_1927], %add3A_1925 {strides = array<i32>} : memref<128x64xf32, #tpu.memory_space<vmem>>, vector<16xf32>,
      %slice3A_1929 = vector.extract_strided_slice %get3A_1834 {offsets = [7], sizes = [1], strides = [1]} : vector<16xi32> to vector<1xi32>
      %squeeze3A_1930 = vector.extract %slice3A_1929[0] : i32 from vector<1xi32>
      %and3A_1931 = arith.constant 127 : i32
      %and3A_1932 = arith.andi %squeeze3A_1930, %and3A_1931 : i32
      %broadcast_in_dim3A_1933 = vector.broadcast %and3A_1932 : i32 to vector<16xi32>
      %slice3A_1934 = vector.extract_strided_slice %get3A_1836 {offsets = [7], sizes = [1], strides = [1]} : vector<16xi32> to vector<1xi32>
      %squeeze3A_1935 = vector.extract %slice3A_1934[0] : i32 from vector<1xi32>
      %and3A_1936 = arith.constant 127 : i32
      %and3A_1937 = arith.andi %squeeze3A_1935, %and3A_1936 : i32
      %broadcast_in_dim3A_1938 = vector.broadcast %and3A_1937 : i32 to vector<16xi32>
      %broadcast_in_dim3A_1939 = arith.constant 3 : i32
      %broadcast_in_dim3A_1940 = vector.broadcast %broadcast_in_dim3A_1939 : i32 to vector<16xi32>
      %gather3A_1941 = tpu.vector_load_idx %arg10[%broadcast_in_dim3A_1838, %broadcast_in_dim3A_1940, %iota3A, %broadcast_in_dim3A_1933] : memref<3x4x32x128xf32, #tpu.memory_space<vmem>>[vector<16xi32>, vector<16xi32>, vector<16xi32>, vector<16xi32>], vector<16xf32>,
      %add3A_1942 = arith.constant 16 : i32
      %add3A_1943 = vector.broadcast %add3A_1942 : i32 to vector<16xi32>
      %add3A_1944 = arith.addi %iota3A, %add3A_1943 : vector<16xi32>
      %gather3A_1945 = tpu.vector_load_idx %arg10[%broadcast_in_dim3A_1838, %broadcast_in_dim3A_1940, %add3A_1944, %broadcast_in_dim3A_1933] : memref<3x4x32x128xf32, #tpu.memory_space<vmem>>[vector<16xi32>, vector<16xi32>, vector<16xi32>, vector<16xi32>], vector<16xf32>,
      %gather3A_1946 = tpu.vector_load_idx %arg11[%broadcast_in_dim3A_1838, %broadcast_in_dim3A_1940, %iota3A, %broadcast_in_dim3A_1938] : memref<3x4x32x128xf32, #tpu.memory_space<vmem>>[vector<16xi32>, vector<16xi32>, vector<16xi32>, vector<16xi32>], vector<16xf32>,
      %add3A_1947 = arith.constant 16 : i32
      %add3A_1948 = vector.broadcast %add3A_1947 : i32 to vector<16xi32>
      %add3A_1949 = arith.addi %iota3A, %add3A_1948 : vector<16xi32>
      %gather3A_1950 = tpu.vector_load_idx %arg11[%broadcast_in_dim3A_1838, %broadcast_in_dim3A_1940, %add3A_1949, %broadcast_in_dim3A_1938] : memref<3x4x32x128xf32, #tpu.memory_space<vmem>>[vector<16xi32>, vector<16xi32>, vector<16xi32>, vector<16xi32>], vector<16xf32>,
      %mul3A_1951 = arith.mulf %gather3A_1941, %gather3A_1946 : vector<16xf32>
      %mul3A_1952 = arith.mulf %mul3A_1951, %get3A_3 : vector<16xf32>
      %mul3A_1953 = arith.mulf %gather3A_1945, %gather3A_1950 : vector<16xf32>
      %mul3A_1954 = arith.mulf %mul3A_1953, %get3A_5 : vector<16xf32>
      %add3A_1955 = arith.addf %mul3A_1952, %mul3A_1954 : vector<16xf32>
      %swap3A_1956 = arith.index_cast %add3A_1827 : i32 to index
      %swap3A_1957 = arith.constant 48 : index
      %swap3A_1958 = tpu.vector_load %arg13[%swap3A_1956, %swap3A_1957] {strides = array<i32>} : memref<128x64xf32, #tpu.memory_space<vmem>>, vector<16xf32>,
      tpu.vector_store %arg13[%swap3A_1956, %swap3A_1957], %add3A_1955 {strides = array<i32>} : memref<128x64xf32, #tpu.memory_space<vmem>>, vector<16xf32>,
      %add3A_1959 = arith.constant 4 : i32
      %add3A_1960 = arith.addi %mul3A_881, %add3A_1959 : i32
      %add3A_1961 = arith.constant 2 : i32
      %add3A_1962 = arith.addi %add3A_1960, %add3A_1961 : i32
      %lt3A_1963 = arith.constant 128 : i32
      %lt3A_1964 = arith.cmpi slt, %add3A_1962, %lt3A_1963 : i32
      %convert_element_type3A_1965 = arith.extui %lt3A_1964 : i1 to i32
      %cond3A_1966 = arith.constant 0 : i32
      %cond3A_1967 = arith.cmpi ne, %convert_element_type3A_1965, %cond3A_1966 : i32
      scf.if %cond3A_1967 {
        %shift_right_arithmetic3A_2499 = arith.constant 1 : i32
        %shift_right_arithmetic3A_2500 = arith.shrsi %add3A_1962, %shift_right_arithmetic3A_2499 : i32
        %mul3A_2501 = arith.constant 8 : i32
        %mul3A_2502 = arith.muli %shift_right_arithmetic3A_2500, %mul3A_2501 : i32
        %multiple_of3A_2503 = tpu.assume_multiple %mul3A_2502, 8 : i32
        %get3A_2504 = arith.index_cast %multiple_of3A_2503 : i32 to index
        %get3A_2505 = tpu.vector_load %arg8[%get3A_2504] {strides = array<i32>} : memref<528xi32, #tpu.memory_space<vmem>>, vector<16xi32>,
        %get3A_2506 = arith.index_cast %multiple_of3A_2503 : i32 to index
        %get3A_2507 = tpu.vector_load %arg9[%get3A_2506] {strides = array<i32>} : memref<528xi32, #tpu.memory_space<vmem>>, vector<16xi32>,
        %slice3A_2508 = vector.extract_strided_slice %get3A_2505 {offsets = [0], sizes = [1], strides = [1]} : vector<16xi32> to vector<1xi32>
        %squeeze3A_2509 = vector.extract %slice3A_2508[0] : i32 from vector<1xi32>
        %shift_right_arithmetic3A_2510 = arith.constant 7 : i32
        %shift_right_arithmetic3A_2511 = arith.shrsi %squeeze3A_2509, %shift_right_arithmetic3A_2510 : i32
        %mul3A_2512 = arith.constant 128 : i32
        %mul3A_2513 = arith.muli %shift_right_arithmetic3A_2511, %mul3A_2512 : i32
        %multiple_of3A_2514 = tpu.assume_multiple %mul3A_2513, 128 : i32
        %dma_start3A_2515 = arith.constant 0 : i32
        %dma_start3A_2516 = arith.constant 0 : i32
        %dma_start3A_2517 = arith.constant 0 : i32
        %dma_start3A_2518 = arith.constant 0 : i32
        %dma_start3A_2519 = tpu.memref_slice %arg10[%dma_start3A_2515, %dma_start3A_2516, %dma_start3A_2517, %dma_start3A_2518] : memref<3x4x32x128xf32, #tpu.memory_space<vmem>> -> memref<1x1x32x128xf32, #tpu.memory_space<vmem>>
        %dma_start3A_2520 = tpu.memref_squeeze %dma_start3A_2519 : memref<1x1x32x128xf32, #tpu.memory_space<vmem>> -> memref<32x128xf32, #tpu.memory_space<vmem>>
        %dma_start3A_2521 = arith.constant 0 : i32
        %dma_start3A_2522 = tpu.memref_slice %arg4[%dma_start3A_2521, %multiple_of3A_2514] : memref<32x1000000xf32, #tpu.memory_space<hbm>> -> memref<32x128xf32, #tpu.memory_space<hbm>>
        %dma_start3A_2523 = arith.constant 0 : i32
        %dma_start3A_2524 = arith.constant 0 : i32
        %dma_start3A_2525 = tpu.memref_slice %arg10[%dma_start3A_2515, %dma_start3A_2516, %dma_start3A_2523, %dma_start3A_2524] : memref<3x4x32x128xf32, #tpu.memory_space<vmem>> -> memref<1x1x32x128xf32, #tpu.memory_space<vmem>>
        %dma_start3A_2526 = tpu.memref_squeeze %dma_start3A_2525 : memref<1x1x32x128xf32, #tpu.memory_space<vmem>> -> memref<32x128xf32, #tpu.memory_space<vmem>>
        %dma_start3A_2527 = arith.constant 0 : i32
        %dma_start3A_2528 = tpu.memref_slice %arg4[%dma_start3A_2527, %multiple_of3A_2514] : memref<32x1000000xf32, #tpu.memory_space<hbm>> -> memref<32x128xf32, #tpu.memory_space<hbm>>
        tpu.enqueue_dma source(%dma_start3A_2528 : memref<32x128xf32, #tpu.memory_space<hbm>>) target(%dma_start3A_2526 : memref<32x128xf32, #tpu.memory_space<vmem>>) target_semaphore(%arg15 : memref<!tpu.dma_semaphore, #tpu.memory_space<semaphore_mem>>)
        %slice3A_2529 = vector.extract_strided_slice %get3A_2507 {offsets = [0], sizes = [1], strides = [1]} : vector<16xi32> to vector<1xi32>
        %squeeze3A_2530 = vector.extract %slice3A_2529[0] : i32 from vector<1xi32>
        %shift_right_arithmetic3A_2531 = arith.constant 7 : i32
        %shift_right_arithmetic3A_2532 = arith.shrsi %squeeze3A_2530, %shift_right_arithmetic3A_2531 : i32
        %mul3A_2533 = arith.constant 128 : i32
        %mul3A_2534 = arith.muli %shift_right_arithmetic3A_2532, %mul3A_2533 : i32
        %multiple_of3A_2535 = tpu.assume_multiple %mul3A_2534, 128 : i32
        %dma_start3A_2536 = arith.constant 0 : i32
        %dma_start3A_2537 = arith.constant 0 : i32
        %dma_start3A_2538 = arith.constant 0 : i32
        %dma_start3A_2539 = arith.constant 0 : i32
        %dma_start3A_2540 = tpu.memref_slice %arg11[%dma_start3A_2536, %dma_start3A_2537, %dma_start3A_2538, %dma_start3A_2539] : memref<3x4x32x128xf32, #tpu.memory_space<vmem>> -> memref<1x1x32x128xf32, #tpu.memory_space<vmem>>
        %dma_start3A_2541 = tpu.memref_squeeze %dma_start3A_2540 : memref<1x1x32x128xf32, #tpu.memory_space<vmem>> -> memref<32x128xf32, #tpu.memory_space<vmem>>
        %dma_start3A_2542 = arith.constant 0 : i32
        %dma_start3A_2543 = tpu.memref_slice %arg5[%dma_start3A_2542, %multiple_of3A_2535] : memref<32x1000000xf32, #tpu.memory_space<hbm>> -> memref<32x128xf32, #tpu.memory_space<hbm>>
        %dma_start3A_2544 = arith.constant 0 : i32
        %dma_start3A_2545 = arith.constant 0 : i32
        %dma_start3A_2546 = tpu.memref_slice %arg11[%dma_start3A_2536, %dma_start3A_2537, %dma_start3A_2544, %dma_start3A_2545] : memref<3x4x32x128xf32, #tpu.memory_space<vmem>> -> memref<1x1x32x128xf32, #tpu.memory_space<vmem>>
        %dma_start3A_2547 = tpu.memref_squeeze %dma_start3A_2546 : memref<1x1x32x128xf32, #tpu.memory_space<vmem>> -> memref<32x128xf32, #tpu.memory_space<vmem>>
        %dma_start3A_2548 = arith.constant 0 : i32
        %dma_start3A_2549 = tpu.memref_slice %arg5[%dma_start3A_2548, %multiple_of3A_2535] : memref<32x1000000xf32, #tpu.memory_space<hbm>> -> memref<32x128xf32, #tpu.memory_space<hbm>>
        tpu.enqueue_dma source(%dma_start3A_2549 : memref<32x128xf32, #tpu.memory_space<hbm>>) target(%dma_start3A_2547 : memref<32x128xf32, #tpu.memory_space<vmem>>) target_semaphore(%arg16 : memref<!tpu.dma_semaphore, #tpu.memory_space<semaphore_mem>>)
        %slice3A_2550 = vector.extract_strided_slice %get3A_2505 {offsets = [1], sizes = [1], strides = [1]} : vector<16xi32> to vector<1xi32>
        %squeeze3A_2551 = vector.extract %slice3A_2550[0] : i32 from vector<1xi32>
        %shift_right_arithmetic3A_2552 = arith.constant 7 : i32
        %shift_right_arithmetic3A_2553 = arith.shrsi %squeeze3A_2551, %shift_right_arithmetic3A_2552 : i32
        %mul3A_2554 = arith.constant 128 : i32
        %mul3A_2555 = arith.muli %shift_right_arithmetic3A_2553, %mul3A_2554 : i32
        %multiple_of3A_2556 = tpu.assume_multiple %mul3A_2555, 128 : i32
        %dma_start3A_2557 = arith.constant 0 : i32
        %dma_start3A_2558 = arith.constant 1 : i32
        %dma_start3A_2559 = arith.constant 0 : i32
        %dma_start3A_2560 = arith.constant 0 : i32
        %dma_start3A_2561 = tpu.memref_slice %arg10[%dma_start3A_2557, %dma_start3A_2558, %dma_start3A_2559, %dma_start3A_2560] : memref<3x4x32x128xf32, #tpu.memory_space<vmem>> -> memref<1x1x32x128xf32, #tpu.memory_space<vmem>>
        %dma_start3A_2562 = tpu.memref_squeeze %dma_start3A_2561 : memref<1x1x32x128xf32, #tpu.memory_space<vmem>> -> memref<32x128xf32, #tpu.memory_space<vmem>>
        %dma_start3A_2563 = arith.constant 0 : i32
        %dma_start3A_2564 = tpu.memref_slice %arg4[%dma_start3A_2563, %multiple_of3A_2556] : memref<32x1000000xf32, #tpu.memory_space<hbm>> -> memref<32x128xf32, #tpu.memory_space<hbm>>
        %dma_start3A_2565 = arith.constant 0 : i32
        %dma_start3A_2566 = arith.constant 0 : i32
        %dma_start3A_2567 = tpu.memref_slice %arg10[%dma_start3A_2557, %dma_start3A_2558, %dma_start3A_2565, %dma_start3A_2566] : memref<3x4x32x128xf32, #tpu.memory_space<vmem>> -> memref<1x1x32x128xf32, #tpu.memory_space<vmem>>
        %dma_start3A_2568 = tpu.memref_squeeze %dma_start3A_2567 : memref<1x1x32x128xf32, #tpu.memory_space<vmem>> -> memref<32x128xf32, #tpu.memory_space<vmem>>
        %dma_start3A_2569 = arith.constant 0 : i32
        %dma_start3A_2570 = tpu.memref_slice %arg4[%dma_start3A_2569, %multiple_of3A_2556] : memref<32x1000000xf32, #tpu.memory_space<hbm>> -> memref<32x128xf32, #tpu.memory_space<hbm>>
        tpu.enqueue_dma source(%dma_start3A_2570 : memref<32x128xf32, #tpu.memory_space<hbm>>) target(%dma_start3A_2568 : memref<32x128xf32, #tpu.memory_space<vmem>>) target_semaphore(%arg15 : memref<!tpu.dma_semaphore, #tpu.memory_space<semaphore_mem>>)
        %slice3A_2571 = vector.extract_strided_slice %get3A_2507 {offsets = [1], sizes = [1], strides = [1]} : vector<16xi32> to vector<1xi32>
        %squeeze3A_2572 = vector.extract %slice3A_2571[0] : i32 from vector<1xi32>
        %shift_right_arithmetic3A_2573 = arith.constant 7 : i32
        %shift_right_arithmetic3A_2574 = arith.shrsi %squeeze3A_2572, %shift_right_arithmetic3A_2573 : i32
        %mul3A_2575 = arith.constant 128 : i32
        %mul3A_2576 = arith.muli %shift_right_arithmetic3A_2574, %mul3A_2575 : i32
        %multiple_of3A_2577 = tpu.assume_multiple %mul3A_2576, 128 : i32
        %dma_start3A_2578 = arith.constant 0 : i32
        %dma_start3A_2579 = arith.constant 1 : i32
        %dma_start3A_2580 = arith.constant 0 : i32
        %dma_start3A_2581 = arith.constant 0 : i32
        %dma_start3A_2582 = tpu.memref_slice %arg11[%dma_start3A_2578, %dma_start3A_2579, %dma_start3A_2580, %dma_start3A_2581] : memref<3x4x32x128xf32, #tpu.memory_space<vmem>> -> memref<1x1x32x128xf32, #tpu.memory_space<vmem>>
        %dma_start3A_2583 = tpu.memref_squeeze %dma_start3A_2582 : memref<1x1x32x128xf32, #tpu.memory_space<vmem>> -> memref<32x128xf32, #tpu.memory_space<vmem>>
        %dma_start3A_2584 = arith.constant 0 : i32
        %dma_start3A_2585 = tpu.memref_slice %arg5[%dma_start3A_2584, %multiple_of3A_2577] : memref<32x1000000xf32, #tpu.memory_space<hbm>> -> memref<32x128xf32, #tpu.memory_space<hbm>>
        %dma_start3A_2586 = arith.constant 0 : i32
        %dma_start3A_2587 = arith.constant 0 : i32
        %dma_start3A_2588 = tpu.memref_slice %arg11[%dma_start3A_2578, %dma_start3A_2579, %dma_start3A_2586, %dma_start3A_2587] : memref<3x4x32x128xf32, #tpu.memory_space<vmem>> -> memref<1x1x32x128xf32, #tpu.memory_space<vmem>>
        %dma_start3A_2589 = tpu.memref_squeeze %dma_start3A_2588 : memref<1x1x32x128xf32, #tpu.memory_space<vmem>> -> memref<32x128xf32, #tpu.memory_space<vmem>>
        %dma_start3A_2590 = arith.constant 0 : i32
        %dma_start3A_2591 = tpu.memref_slice %arg5[%dma_start3A_2590, %multiple_of3A_2577] : memref<32x1000000xf32, #tpu.memory_space<hbm>> -> memref<32x128xf32, #tpu.memory_space<hbm>>
        tpu.enqueue_dma source(%dma_start3A_2591 : memref<32x128xf32, #tpu.memory_space<hbm>>) target(%dma_start3A_2589 : memref<32x128xf32, #tpu.memory_space<vmem>>) target_semaphore(%arg16 : memref<!tpu.dma_semaphore, #tpu.memory_space<semaphore_mem>>)
        %slice3A_2592 = vector.extract_strided_slice %get3A_2505 {offsets = [2], sizes = [1], strides = [1]} : vector<16xi32> to vector<1xi32>
        %squeeze3A_2593 = vector.extract %slice3A_2592[0] : i32 from vector<1xi32>
        %shift_right_arithmetic3A_2594 = arith.constant 7 : i32
        %shift_right_arithmetic3A_2595 = arith.shrsi %squeeze3A_2593, %shift_right_arithmetic3A_2594 : i32
        %mul3A_2596 = arith.constant 128 : i32
        %mul3A_2597 = arith.muli %shift_right_arithmetic3A_2595, %mul3A_2596 : i32
        %multiple_of3A_2598 = tpu.assume_multiple %mul3A_2597, 128 : i32
        %dma_start3A_2599 = arith.constant 0 : i32
        %dma_start3A_2600 = arith.constant 2 : i32
        %dma_start3A_2601 = arith.constant 0 : i32
        %dma_start3A_2602 = arith.constant 0 : i32
        %dma_start3A_2603 = tpu.memref_slice %arg10[%dma_start3A_2599, %dma_start3A_2600, %dma_start3A_2601, %dma_start3A_2602] : memref<3x4x32x128xf32, #tpu.memory_space<vmem>> -> memref<1x1x32x128xf32, #tpu.memory_space<vmem>>
        %dma_start3A_2604 = tpu.memref_squeeze %dma_start3A_2603 : memref<1x1x32x128xf32, #tpu.memory_space<vmem>> -> memref<32x128xf32, #tpu.memory_space<vmem>>
        %dma_start3A_2605 = arith.constant 0 : i32
        %dma_start3A_2606 = tpu.memref_slice %arg4[%dma_start3A_2605, %multiple_of3A_2598] : memref<32x1000000xf32, #tpu.memory_space<hbm>> -> memref<32x128xf32, #tpu.memory_space<hbm>>
        %dma_start3A_2607 = arith.constant 0 : i32
        %dma_start3A_2608 = arith.constant 0 : i32
        %dma_start3A_2609 = tpu.memref_slice %arg10[%dma_start3A_2599, %dma_start3A_2600, %dma_start3A_2607, %dma_start3A_2608] : memref<3x4x32x128xf32, #tpu.memory_space<vmem>> -> memref<1x1x32x128xf32, #tpu.memory_space<vmem>>
        %dma_start3A_2610 = tpu.memref_squeeze %dma_start3A_2609 : memref<1x1x32x128xf32, #tpu.memory_space<vmem>> -> memref<32x128xf32, #tpu.memory_space<vmem>>
        %dma_start3A_2611 = arith.constant 0 : i32
        %dma_start3A_2612 = tpu.memref_slice %arg4[%dma_start3A_2611, %multiple_of3A_2598] : memref<32x1000000xf32, #tpu.memory_space<hbm>> -> memref<32x128xf32, #tpu.memory_space<hbm>>
        tpu.enqueue_dma source(%dma_start3A_2612 : memref<32x128xf32, #tpu.memory_space<hbm>>) target(%dma_start3A_2610 : memref<32x128xf32, #tpu.memory_space<vmem>>) target_semaphore(%arg15 : memref<!tpu.dma_semaphore, #tpu.memory_space<semaphore_mem>>)
        %slice3A_2613 = vector.extract_strided_slice %get3A_2507 {offsets = [2], sizes = [1], strides = [1]} : vector<16xi32> to vector<1xi32>
        %squeeze3A_2614 = vector.extract %slice3A_2613[0] : i32 from vector<1xi32>
        %shift_right_arithmetic3A_2615 = arith.constant 7 : i32
        %shift_right_arithmetic3A_2616 = arith.shrsi %squeeze3A_2614, %shift_right_arithmetic3A_2615 : i32
        %mul3A_2617 = arith.constant 128 : i32
        %mul3A_2618 = arith.muli %shift_right_arithmetic3A_2616, %mul3A_2617 : i32
        %multiple_of3A_2619 = tpu.assume_multiple %mul3A_2618, 128 : i32
        %dma_start3A_2620 = arith.constant 0 : i32
        %dma_start3A_2621 = arith.constant 2 : i32
        %dma_start3A_2622 = arith.constant 0 : i32
        %dma_start3A_2623 = arith.constant 0 : i32
        %dma_start3A_2624 = tpu.memref_slice %arg11[%dma_start3A_2620, %dma_start3A_2621, %dma_start3A_2622, %dma_start3A_2623] : memref<3x4x32x128xf32, #tpu.memory_space<vmem>> -> memref<1x1x32x128xf32, #tpu.memory_space<vmem>>
        %dma_start3A_2625 = tpu.memref_squeeze %dma_start3A_2624 : memref<1x1x32x128xf32, #tpu.memory_space<vmem>> -> memref<32x128xf32, #tpu.memory_space<vmem>>
        %dma_start3A_2626 = arith.constant 0 : i32
        %dma_start3A_2627 = tpu.memref_slice %arg5[%dma_start3A_2626, %multiple_of3A_2619] : memref<32x1000000xf32, #tpu.memory_space<hbm>> -> memref<32x128xf32, #tpu.memory_space<hbm>>
        %dma_start3A_2628 = arith.constant 0 : i32
        %dma_start3A_2629 = arith.constant 0 : i32
        %dma_start3A_2630 = tpu.memref_slice %arg11[%dma_start3A_2620, %dma_start3A_2621, %dma_start3A_2628, %dma_start3A_2629] : memref<3x4x32x128xf32, #tpu.memory_space<vmem>> -> memref<1x1x32x128xf32, #tpu.memory_space<vmem>>
        %dma_start3A_2631 = tpu.memref_squeeze %dma_start3A_2630 : memref<1x1x32x128xf32, #tpu.memory_space<vmem>> -> memref<32x128xf32, #tpu.memory_space<vmem>>
        %dma_start3A_2632 = arith.constant 0 : i32
        %dma_start3A_2633 = tpu.memref_slice %arg5[%dma_start3A_2632, %multiple_of3A_2619] : memref<32x1000000xf32, #tpu.memory_space<hbm>> -> memref<32x128xf32, #tpu.memory_space<hbm>>
        tpu.enqueue_dma source(%dma_start3A_2633 : memref<32x128xf32, #tpu.memory_space<hbm>>) target(%dma_start3A_2631 : memref<32x128xf32, #tpu.memory_space<vmem>>) target_semaphore(%arg16 : memref<!tpu.dma_semaphore, #tpu.memory_space<semaphore_mem>>)
        %slice3A_2634 = vector.extract_strided_slice %get3A_2505 {offsets = [3], sizes = [1], strides = [1]} : vector<16xi32> to vector<1xi32>
        %squeeze3A_2635 = vector.extract %slice3A_2634[0] : i32 from vector<1xi32>
        %shift_right_arithmetic3A_2636 = arith.constant 7 : i32
        %shift_right_arithmetic3A_2637 = arith.shrsi %squeeze3A_2635, %shift_right_arithmetic3A_2636 : i32
        %mul3A_2638 = arith.constant 128 : i32
        %mul3A_2639 = arith.muli %shift_right_arithmetic3A_2637, %mul3A_2638 : i32
        %multiple_of3A_2640 = tpu.assume_multiple %mul3A_2639, 128 : i32
        %dma_start3A_2641 = arith.constant 0 : i32
        %dma_start3A_2642 = arith.constant 3 : i32
        %dma_start3A_2643 = arith.constant 0 : i32
        %dma_start3A_2644 = arith.constant 0 : i32
        %dma_start3A_2645 = tpu.memref_slice %arg10[%dma_start3A_2641, %dma_start3A_2642, %dma_start3A_2643, %dma_start3A_2644] : memref<3x4x32x128xf32, #tpu.memory_space<vmem>> -> memref<1x1x32x128xf32, #tpu.memory_space<vmem>>
        %dma_start3A_2646 = tpu.memref_squeeze %dma_start3A_2645 : memref<1x1x32x128xf32, #tpu.memory_space<vmem>> -> memref<32x128xf32, #tpu.memory_space<vmem>>
        %dma_start3A_2647 = arith.constant 0 : i32
        %dma_start3A_2648 = tpu.memref_slice %arg4[%dma_start3A_2647, %multiple_of3A_2640] : memref<32x1000000xf32, #tpu.memory_space<hbm>> -> memref<32x128xf32, #tpu.memory_space<hbm>>
        %dma_start3A_2649 = arith.constant 0 : i32
        %dma_start3A_2650 = arith.constant 0 : i32
        %dma_start3A_2651 = tpu.memref_slice %arg10[%dma_start3A_2641, %dma_start3A_2642, %dma_start3A_2649, %dma_start3A_2650] : memref<3x4x32x128xf32, #tpu.memory_space<vmem>> -> memref<1x1x32x128xf32, #tpu.memory_space<vmem>>
        %dma_start3A_2652 = tpu.memref_squeeze %dma_start3A_2651 : memref<1x1x32x128xf32, #tpu.memory_space<vmem>> -> memref<32x128xf32, #tpu.memory_space<vmem>>
        %dma_start3A_2653 = arith.constant 0 : i32
        %dma_start3A_2654 = tpu.memref_slice %arg4[%dma_start3A_2653, %multiple_of3A_2640] : memref<32x1000000xf32, #tpu.memory_space<hbm>> -> memref<32x128xf32, #tpu.memory_space<hbm>>
        tpu.enqueue_dma source(%dma_start3A_2654 : memref<32x128xf32, #tpu.memory_space<hbm>>) target(%dma_start3A_2652 : memref<32x128xf32, #tpu.memory_space<vmem>>) target_semaphore(%arg15 : memref<!tpu.dma_semaphore, #tpu.memory_space<semaphore_mem>>)
        %slice3A_2655 = vector.extract_strided_slice %get3A_2507 {offsets = [3], sizes = [1], strides = [1]} : vector<16xi32> to vector<1xi32>
        %squeeze3A_2656 = vector.extract %slice3A_2655[0] : i32 from vector<1xi32>
        %shift_right_arithmetic3A_2657 = arith.constant 7 : i32
        %shift_right_arithmetic3A_2658 = arith.shrsi %squeeze3A_2656, %shift_right_arithmetic3A_2657 : i32
        %mul3A_2659 = arith.constant 128 : i32
        %mul3A_2660 = arith.muli %shift_right_arithmetic3A_2658, %mul3A_2659 : i32
        %multiple_of3A_2661 = tpu.assume_multiple %mul3A_2660, 128 : i32
        %dma_start3A_2662 = arith.constant 0 : i32
        %dma_start3A_2663 = arith.constant 3 : i32
        %dma_start3A_2664 = arith.constant 0 : i32
        %dma_start3A_2665 = arith.constant 0 : i32
        %dma_start3A_2666 = tpu.memref_slice %arg11[%dma_start3A_2662, %dma_start3A_2663, %dma_start3A_2664, %dma_start3A_2665] : memref<3x4x32x128xf32, #tpu.memory_space<vmem>> -> memref<1x1x32x128xf32, #tpu.memory_space<vmem>>
        %dma_start3A_2667 = tpu.memref_squeeze %dma_start3A_2666 : memref<1x1x32x128xf32, #tpu.memory_space<vmem>> -> memref<32x128xf32, #tpu.memory_space<vmem>>
        %dma_start3A_2668 = arith.constant 0 : i32
        %dma_start3A_2669 = tpu.memref_slice %arg5[%dma_start3A_2668, %multiple_of3A_2661] : memref<32x1000000xf32, #tpu.memory_space<hbm>> -> memref<32x128xf32, #tpu.memory_space<hbm>>
        %dma_start3A_2670 = arith.constant 0 : i32
        %dma_start3A_2671 = arith.constant 0 : i32
        %dma_start3A_2672 = tpu.memref_slice %arg11[%dma_start3A_2662, %dma_start3A_2663, %dma_start3A_2670, %dma_start3A_2671] : memref<3x4x32x128xf32, #tpu.memory_space<vmem>> -> memref<1x1x32x128xf32, #tpu.memory_space<vmem>>
        %dma_start3A_2673 = tpu.memref_squeeze %dma_start3A_2672 : memref<1x1x32x128xf32, #tpu.memory_space<vmem>> -> memref<32x128xf32, #tpu.memory_space<vmem>>
        %dma_start3A_2674 = arith.constant 0 : i32
        %dma_start3A_2675 = tpu.memref_slice %arg5[%dma_start3A_2674, %multiple_of3A_2661] : memref<32x1000000xf32, #tpu.memory_space<hbm>> -> memref<32x128xf32, #tpu.memory_space<hbm>>
        tpu.enqueue_dma source(%dma_start3A_2675 : memref<32x128xf32, #tpu.memory_space<hbm>>) target(%dma_start3A_2673 : memref<32x128xf32, #tpu.memory_space<vmem>>) target_semaphore(%arg16 : memref<!tpu.dma_semaphore, #tpu.memory_space<semaphore_mem>>)
      } else {
      }
      %dma_wait3A_1968 = arith.constant 0 : i32
      %dma_wait3A_1969 = arith.constant 0 : i32
      %dma_wait3A_1970 = arith.constant 0 : i32
      %dma_wait3A_1971 = arith.constant 0 : i32
      %dma_wait3A_1972 = tpu.memref_slice %arg10[%dma_wait3A_1968, %dma_wait3A_1969, %dma_wait3A_1970, %dma_wait3A_1971] : memref<3x4x32x128xf32, #tpu.memory_space<vmem>> -> memref<1x1x32x128xf32, #tpu.memory_space<vmem>>
      %dma_wait3A_1973 = tpu.memref_squeeze %dma_wait3A_1972 : memref<1x1x32x128xf32, #tpu.memory_space<vmem>> -> memref<32x128xf32, #tpu.memory_space<vmem>>
      %dma_wait3A_1974 = arith.constant 0 : i32
      %dma_wait3A_1975 = arith.constant 0 : i32
      %dma_wait3A_1976 = tpu.memref_slice %arg4[%dma_wait3A_1974, %dma_wait3A_1975] : memref<32x1000000xf32, #tpu.memory_space<hbm>> -> memref<32x128xf32, #tpu.memory_space<hbm>>
      %dma_wait3A_1977 = arith.constant 0 : i32
      %dma_wait3A_1978 = arith.constant 0 : i32
      %dma_wait3A_1979 = tpu.memref_slice %arg10[%dma_wait3A_1968, %dma_wait3A_1969, %dma_wait3A_1977, %dma_wait3A_1978] : memref<3x4x32x128xf32, #tpu.memory_space<vmem>> -> memref<1x1x32x128xf32, #tpu.memory_space<vmem>>
      %dma_wait3A_1980 = tpu.memref_squeeze %dma_wait3A_1979 : memref<1x1x32x128xf32, #tpu.memory_space<vmem>> -> memref<32x128xf32, #tpu.memory_space<vmem>>
      %dma_wait3A_1981 = arith.constant 0 : i32
      %dma_wait3A_1982 = arith.constant 0 : i32
      %dma_wait3A_1983 = tpu.memref_slice %arg4[%dma_wait3A_1981, %dma_wait3A_1982] : memref<32x1000000xf32, #tpu.memory_space<hbm>> -> memref<32x128xf32, #tpu.memory_space<hbm>>
      tpu.wait_dma2 semaphore(%arg15 : memref<!tpu.dma_semaphore, #tpu.memory_space<semaphore_mem>>) src(%dma_wait3A_1983 : memref<32x128xf32, #tpu.memory_space<hbm>>) dst(%dma_wait3A_1980 : memref<32x128xf32, #tpu.memory_space<vmem>>)
      %dma_wait3A_1984 = arith.constant 0 : i32
      %dma_wait3A_1985 = arith.constant 0 : i32
      %dma_wait3A_1986 = arith.constant 0 : i32
      %dma_wait3A_1987 = arith.constant 0 : i32
      %dma_wait3A_1988 = tpu.memref_slice %arg11[%dma_wait3A_1984, %dma_wait3A_1985, %dma_wait3A_1986, %dma_wait3A_1987] : memref<3x4x32x128xf32, #tpu.memory_space<vmem>> -> memref<1x1x32x128xf32, #tpu.memory_space<vmem>>
      %dma_wait3A_1989 = tpu.memref_squeeze %dma_wait3A_1988 : memref<1x1x32x128xf32, #tpu.memory_space<vmem>> -> memref<32x128xf32, #tpu.memory_space<vmem>>
      %dma_wait3A_1990 = arith.constant 0 : i32
      %dma_wait3A_1991 = arith.constant 0 : i32
      %dma_wait3A_1992 = tpu.memref_slice %arg5[%dma_wait3A_1990, %dma_wait3A_1991] : memref<32x1000000xf32, #tpu.memory_space<hbm>> -> memref<32x128xf32, #tpu.memory_space<hbm>>
      %dma_wait3A_1993 = arith.constant 0 : i32
      %dma_wait3A_1994 = arith.constant 0 : i32
      %dma_wait3A_1995 = tpu.memref_slice %arg11[%dma_wait3A_1984, %dma_wait3A_1985, %dma_wait3A_1993, %dma_wait3A_1994] : memref<3x4x32x128xf32, #tpu.memory_space<vmem>> -> memref<1x1x32x128xf32, #tpu.memory_space<vmem>>
      %dma_wait3A_1996 = tpu.memref_squeeze %dma_wait3A_1995 : memref<1x1x32x128xf32, #tpu.memory_space<vmem>> -> memref<32x128xf32, #tpu.memory_space<vmem>>
      %dma_wait3A_1997 = arith.constant 0 : i32
      %dma_wait3A_1998 = arith.constant 0 : i32
      %dma_wait3A_1999 = tpu.memref_slice %arg5[%dma_wait3A_1997, %dma_wait3A_1998] : memref<32x1000000xf32, #tpu.memory_space<hbm>> -> memref<32x128xf32, #tpu.memory_space<hbm>>
      tpu.wait_dma2 semaphore(%arg16 : memref<!tpu.dma_semaphore, #tpu.memory_space<semaphore_mem>>) src(%dma_wait3A_1999 : memref<32x128xf32, #tpu.memory_space<hbm>>) dst(%dma_wait3A_1996 : memref<32x128xf32, #tpu.memory_space<vmem>>)
      %dma_wait3A_2000 = arith.constant 0 : i32
      %dma_wait3A_2001 = arith.constant 0 : i32
      %dma_wait3A_2002 = arith.constant 0 : i32
      %dma_wait3A_2003 = arith.constant 0 : i32
      %dma_wait3A_2004 = tpu.memref_slice %arg10[%dma_wait3A_2000, %dma_wait3A_2001, %dma_wait3A_2002, %dma_wait3A_2003] : memref<3x4x32x128xf32, #tpu.memory_space<vmem>> -> memref<1x1x32x128xf32, #tpu.memory_space<vmem>>
      %dma_wait3A_2005 = tpu.memref_squeeze %dma_wait3A_2004 : memref<1x1x32x128xf32, #tpu.memory_space<vmem>> -> memref<32x128xf32, #tpu.memory_space<vmem>>
      %dma_wait3A_2006 = arith.constant 0 : i32
      %dma_wait3A_2007 = arith.constant 0 : i32
      %dma_wait3A_2008 = tpu.memref_slice %arg4[%dma_wait3A_2006, %dma_wait3A_2007] : memref<32x1000000xf32, #tpu.memory_space<hbm>> -> memref<32x128xf32, #tpu.memory_space<hbm>>
      %dma_wait3A_2009 = arith.constant 0 : i32
      %dma_wait3A_2010 = arith.constant 0 : i32
      %dma_wait3A_2011 = tpu.memref_slice %arg10[%dma_wait3A_2000, %dma_wait3A_2001, %dma_wait3A_2009, %dma_wait3A_2010] : memref<3x4x32x128xf32, #tpu.memory_space<vmem>> -> memref<1x1x32x128xf32, #tpu.memory_space<vmem>>
      %dma_wait3A_2012 = tpu.memref_squeeze %dma_wait3A_2011 : memref<1x1x32x128xf32, #tpu.memory_space<vmem>> -> memref<32x128xf32, #tpu.memory_space<vmem>>
      %dma_wait3A_2013 = arith.constant 0 : i32
      %dma_wait3A_2014 = arith.constant 0 : i32
      %dma_wait3A_2015 = tpu.memref_slice %arg4[%dma_wait3A_2013, %dma_wait3A_2014] : memref<32x1000000xf32, #tpu.memory_space<hbm>> -> memref<32x128xf32, #tpu.memory_space<hbm>>
      tpu.wait_dma2 semaphore(%arg15 : memref<!tpu.dma_semaphore, #tpu.memory_space<semaphore_mem>>) src(%dma_wait3A_2015 : memref<32x128xf32, #tpu.memory_space<hbm>>) dst(%dma_wait3A_2012 : memref<32x128xf32, #tpu.memory_space<vmem>>)
      %dma_wait3A_2016 = arith.constant 0 : i32
      %dma_wait3A_2017 = arith.constant 0 : i32
      %dma_wait3A_2018 = arith.constant 0 : i32
      %dma_wait3A_2019 = arith.constant 0 : i32
      %dma_wait3A_2020 = tpu.memref_slice %arg11[%dma_wait3A_2016, %dma_wait3A_2017, %dma_wait3A_2018, %dma_wait3A_2019] : memref<3x4x32x128xf32, #tpu.memory_space<vmem>> -> memref<1x1x32x128xf32, #tpu.memory_space<vmem>>
      %dma_wait3A_2021 = tpu.memref_squeeze %dma_wait3A_2020 : memref<1x1x32x128xf32, #tpu.memory_space<vmem>> -> memref<32x128xf32, #tpu.memory_space<vmem>>
      %dma_wait3A_2022 = arith.constant 0 : i32
      %dma_wait3A_2023 = arith.constant 0 : i32
      %dma_wait3A_2024 = tpu.memref_slice %arg5[%dma_wait3A_2022, %dma_wait3A_2023] : memref<32x1000000xf32, #tpu.memory_space<hbm>> -> memref<32x128xf32, #tpu.memory_space<hbm>>
      %dma_wait3A_2025 = arith.constant 0 : i32
      %dma_wait3A_2026 = arith.constant 0 : i32
      %dma_wait3A_2027 = tpu.memref_slice %arg11[%dma_wait3A_2016, %dma_wait3A_2017, %dma_wait3A_2025, %dma_wait3A_2026] : memref<3x4x32x128xf32, #tpu.memory_space<vmem>> -> memref<1x1x32x128xf32, #tpu.memory_space<vmem>>
      %dma_wait3A_2028 = tpu.memref_squeeze %dma_wait3A_2027 : memref<1x1x32x128xf32, #tpu.memory_space<vmem>> -> memref<32x128xf32, #tpu.memory_space<vmem>>
      %dma_wait3A_2029 = arith.constant 0 : i32
      %dma_wait3A_2030 = arith.constant 0 : i32
      %dma_wait3A_2031 = tpu.memref_slice %arg5[%dma_wait3A_2029, %dma_wait3A_2030] : memref<32x1000000xf32, #tpu.memory_space<hbm>> -> memref<32x128xf32, #tpu.memory_space<hbm>>
      tpu.wait_dma2 semaphore(%arg16 : memref<!tpu.dma_semaphore, #tpu.memory_space<semaphore_mem>>) src(%dma_wait3A_2031 : memref<32x128xf32, #tpu.memory_space<hbm>>) dst(%dma_wait3A_2028 : memref<32x128xf32, #tpu.memory_space<vmem>>)
      %dma_wait3A_2032 = arith.constant 0 : i32
      %dma_wait3A_2033 = arith.constant 0 : i32
      %dma_wait3A_2034 = arith.constant 0 : i32
      %dma_wait3A_2035 = arith.constant 0 : i32
      %dma_wait3A_2036 = tpu.memref_slice %arg10[%dma_wait3A_2032, %dma_wait3A_2033, %dma_wait3A_2034, %dma_wait3A_2035] : memref<3x4x32x128xf32, #tpu.memory_space<vmem>> -> memref<1x1x32x128xf32, #tpu.memory_space<vmem>>
      %dma_wait3A_2037 = tpu.memref_squeeze %dma_wait3A_2036 : memref<1x1x32x128xf32, #tpu.memory_space<vmem>> -> memref<32x128xf32, #tpu.memory_space<vmem>>
      %dma_wait3A_2038 = arith.constant 0 : i32
      %dma_wait3A_2039 = arith.constant 0 : i32
      %dma_wait3A_2040 = tpu.memref_slice %arg4[%dma_wait3A_2038, %dma_wait3A_2039] : memref<32x1000000xf32, #tpu.memory_space<hbm>> -> memref<32x128xf32, #tpu.memory_space<hbm>>
      %dma_wait3A_2041 = arith.constant 0 : i32
      %dma_wait3A_2042 = arith.constant 0 : i32
      %dma_wait3A_2043 = tpu.memref_slice %arg10[%dma_wait3A_2032, %dma_wait3A_2033, %dma_wait3A_2041, %dma_wait3A_2042] : memref<3x4x32x128xf32, #tpu.memory_space<vmem>> -> memref<1x1x32x128xf32, #tpu.memory_space<vmem>>
      %dma_wait3A_2044 = tpu.memref_squeeze %dma_wait3A_2043 : memref<1x1x32x128xf32, #tpu.memory_space<vmem>> -> memref<32x128xf32, #tpu.memory_space<vmem>>
      %dma_wait3A_2045 = arith.constant 0 : i32
      %dma_wait3A_2046 = arith.constant 0 : i32
      %dma_wait3A_2047 = tpu.memref_slice %arg4[%dma_wait3A_2045, %dma_wait3A_2046] : memref<32x1000000xf32, #tpu.memory_space<hbm>> -> memref<32x128xf32, #tpu.memory_space<hbm>>
      tpu.wait_dma2 semaphore(%arg15 : memref<!tpu.dma_semaphore, #tpu.memory_space<semaphore_mem>>) src(%dma_wait3A_2047 : memref<32x128xf32, #tpu.memory_space<hbm>>) dst(%dma_wait3A_2044 : memref<32x128xf32, #tpu.memory_space<vmem>>)
      %dma_wait3A_2048 = arith.constant 0 : i32
      %dma_wait3A_2049 = arith.constant 0 : i32
      %dma_wait3A_2050 = arith.constant 0 : i32
      %dma_wait3A_2051 = arith.constant 0 : i32
      %dma_wait3A_2052 = tpu.memref_slice %arg11[%dma_wait3A_2048, %dma_wait3A_2049, %dma_wait3A_2050, %dma_wait3A_2051] : memref<3x4x32x128xf32, #tpu.memory_space<vmem>> -> memref<1x1x32x128xf32, #tpu.memory_space<vmem>>
      %dma_wait3A_2053 = tpu.memref_squeeze %dma_wait3A_2052 : memref<1x1x32x128xf32, #tpu.memory_space<vmem>> -> memref<32x128xf32, #tpu.memory_space<vmem>>
      %dma_wait3A_2054 = arith.constant 0 : i32
      %dma_wait3A_2055 = arith.constant 0 : i32
      %dma_wait3A_2056 = tpu.memref_slice %arg5[%dma_wait3A_2054, %dma_wait3A_2055] : memref<32x1000000xf32, #tpu.memory_space<hbm>> -> memref<32x128xf32, #tpu.memory_space<hbm>>
      %dma_wait3A_2057 = arith.constant 0 : i32
      %dma_wait3A_2058 = arith.constant 0 : i32
      %dma_wait3A_2059 = tpu.memref_slice %arg11[%dma_wait3A_2048, %dma_wait3A_2049, %dma_wait3A_2057, %dma_wait3A_2058] : memref<3x4x32x128xf32, #tpu.memory_space<vmem>> -> memref<1x1x32x128xf32, #tpu.memory_space<vmem>>
      %dma_wait3A_2060 = tpu.memref_squeeze %dma_wait3A_2059 : memref<1x1x32x128xf32, #tpu.memory_space<vmem>> -> memref<32x128xf32, #tpu.memory_space<vmem>>
      %dma_wait3A_2061 = arith.constant 0 : i32
      %dma_wait3A_2062 = arith.constant 0 : i32
      %dma_wait3A_2063 = tpu.memref_slice %arg5[%dma_wait3A_2061, %dma_wait3A_2062] : memref<32x1000000xf32, #tpu.memory_space<hbm>> -> memref<32x128xf32, #tpu.memory_space<hbm>>
      tpu.wait_dma2 semaphore(%arg16 : memref<!tpu.dma_semaphore, #tpu.memory_space<semaphore_mem>>) src(%dma_wait3A_2063 : memref<32x128xf32, #tpu.memory_space<hbm>>) dst(%dma_wait3A_2060 : memref<32x128xf32, #tpu.memory_space<vmem>>)
      %dma_wait3A_2064 = arith.constant 0 : i32
      %dma_wait3A_2065 = arith.constant 0 : i32
      %dma_wait3A_2066 = arith.constant 0 : i32
      %dma_wait3A_2067 = arith.constant 0 : i32
      %dma_wait3A_2068 = tpu.memref_slice %arg10[%dma_wait3A_2064, %dma_wait3A_2065, %dma_wait3A_2066, %dma_wait3A_2067] : memref<3x4x32x128xf32, #tpu.memory_space<vmem>> -> memref<1x1x32x128xf32, #tpu.memory_space<vmem>>
      %dma_wait3A_2069 = tpu.memref_squeeze %dma_wait3A_2068 : memref<1x1x32x128xf32, #tpu.memory_space<vmem>> -> memref<32x128xf32, #tpu.memory_space<vmem>>
      %dma_wait3A_2070 = arith.constant 0 : i32
      %dma_wait3A_2071 = arith.constant 0 : i32
      %dma_wait3A_2072 = tpu.memref_slice %arg4[%dma_wait3A_2070, %dma_wait3A_2071] : memref<32x1000000xf32, #tpu.memory_space<hbm>> -> memref<32x128xf32, #tpu.memory_space<hbm>>
      %dma_wait3A_2073 = arith.constant 0 : i32
      %dma_wait3A_2074 = arith.constant 0 : i32
      %dma_wait3A_2075 = tpu.memref_slice %arg10[%dma_wait3A_2064, %dma_wait3A_2065, %dma_wait3A_2073, %dma_wait3A_2074] : memref<3x4x32x128xf32, #tpu.memory_space<vmem>> -> memref<1x1x32x128xf32, #tpu.memory_space<vmem>>
      %dma_wait3A_2076 = tpu.memref_squeeze %dma_wait3A_2075 : memref<1x1x32x128xf32, #tpu.memory_space<vmem>> -> memref<32x128xf32, #tpu.memory_space<vmem>>
      %dma_wait3A_2077 = arith.constant 0 : i32
      %dma_wait3A_2078 = arith.constant 0 : i32
      %dma_wait3A_2079 = tpu.memref_slice %arg4[%dma_wait3A_2077, %dma_wait3A_2078] : memref<32x1000000xf32, #tpu.memory_space<hbm>> -> memref<32x128xf32, #tpu.memory_space<hbm>>
      tpu.wait_dma2 semaphore(%arg15 : memref<!tpu.dma_semaphore, #tpu.memory_space<semaphore_mem>>) src(%dma_wait3A_2079 : memref<32x128xf32, #tpu.memory_space<hbm>>) dst(%dma_wait3A_2076 : memref<32x128xf32, #tpu.memory_space<vmem>>)
      %dma_wait3A_2080 = arith.constant 0 : i32
      %dma_wait3A_2081 = arith.constant 0 : i32
      %dma_wait3A_2082 = arith.constant 0 : i32
      %dma_wait3A_2083 = arith.constant 0 : i32
      %dma_wait3A_2084 = tpu.memref_slice %arg11[%dma_wait3A_2080, %dma_wait3A_2081, %dma_wait3A_2082, %dma_wait3A_2083] : memref<3x4x32x128xf32, #tpu.memory_space<vmem>> -> memref<1x1x32x128xf32, #tpu.memory_space<vmem>>
      %dma_wait3A_2085 = tpu.memref_squeeze %dma_wait3A_2084 : memref<1x1x32x128xf32, #tpu.memory_space<vmem>> -> memref<32x128xf32, #tpu.memory_space<vmem>>
      %dma_wait3A_2086 = arith.constant 0 : i32
      %dma_wait3A_2087 = arith.constant 0 : i32
      %dma_wait3A_2088 = tpu.memref_slice %arg5[%dma_wait3A_2086, %dma_wait3A_2087] : memref<32x1000000xf32, #tpu.memory_space<hbm>> -> memref<32x128xf32, #tpu.memory_space<hbm>>
      %dma_wait3A_2089 = arith.constant 0 : i32
      %dma_wait3A_2090 = arith.constant 0 : i32
      %dma_wait3A_2091 = tpu.memref_slice %arg11[%dma_wait3A_2080, %dma_wait3A_2081, %dma_wait3A_2089, %dma_wait3A_2090] : memref<3x4x32x128xf32, #tpu.memory_space<vmem>> -> memref<1x1x32x128xf32, #tpu.memory_space<vmem>>
      %dma_wait3A_2092 = tpu.memref_squeeze %dma_wait3A_2091 : memref<1x1x32x128xf32, #tpu.memory_space<vmem>> -> memref<32x128xf32, #tpu.memory_space<vmem>>
      %dma_wait3A_2093 = arith.constant 0 : i32
      %dma_wait3A_2094 = arith.constant 0 : i32
      %dma_wait3A_2095 = tpu.memref_slice %arg5[%dma_wait3A_2093, %dma_wait3A_2094] : memref<32x1000000xf32, #tpu.memory_space<hbm>> -> memref<32x128xf32, #tpu.memory_space<hbm>>
      tpu.wait_dma2 semaphore(%arg16 : memref<!tpu.dma_semaphore, #tpu.memory_space<semaphore_mem>>) src(%dma_wait3A_2095 : memref<32x128xf32, #tpu.memory_space<hbm>>) dst(%dma_wait3A_2092 : memref<32x128xf32, #tpu.memory_space<vmem>>)
      %add3A_2096 = arith.constant 4 : i32
      %add3A_2097 = arith.addi %mul3A_881, %add3A_2096 : i32
      %shift_right_arithmetic3A_2098 = arith.constant 1 : i32
      %shift_right_arithmetic3A_2099 = arith.shrsi %add3A_2097, %shift_right_arithmetic3A_2098 : i32
      %mul3A_2100 = arith.constant 8 : i32
      %mul3A_2101 = arith.muli %shift_right_arithmetic3A_2099, %mul3A_2100 : i32
      %multiple_of3A_2102 = tpu.assume_multiple %mul3A_2101, 8 : i32
      %get3A_2103 = arith.index_cast %multiple_of3A_2102 : i32 to index
      %get3A_2104 = tpu.vector_load %arg8[%get3A_2103] {strides = array<i32>} : memref<528xi32, #tpu.memory_space<vmem>>, vector<16xi32>,
      %get3A_2105 = arith.index_cast %multiple_of3A_2102 : i32 to index
      %get3A_2106 = tpu.vector_load %arg9[%get3A_2105] {strides = array<i32>} : memref<528xi32, #tpu.memory_space<vmem>>, vector<16xi32>,
      %broadcast_in_dim3A_2107 = arith.constant 1 : i32
      %broadcast_in_dim3A_2108 = vector.broadcast %broadcast_in_dim3A_2107 : i32 to vector<16xi32>
      %slice3A_2109 = vector.extract_strided_slice %get3A_2104 {offsets = [0], sizes = [1], strides = [1]} : vector<16xi32> to vector<1xi32>
      %squeeze3A_2110 = vector.extract %slice3A_2109[0] : i32 from vector<1xi32>
      %and3A_2111 = arith.constant 127 : i32
      %and3A_2112 = arith.andi %squeeze3A_2110, %and3A_2111 : i32
      %broadcast_in_dim3A_2113 = vector.broadcast %and3A_2112 : i32 to vector<16xi32>
      %slice3A_2114 = vector.extract_strided_slice %get3A_2106 {offsets = [0], sizes = [1], strides = [1]} : vector<16xi32> to vector<1xi32>
      %squeeze3A_2115 = vector.extract %slice3A_2114[0] : i32 from vector<1xi32>
      %and3A_2116 = arith.constant 127 : i32
      %and3A_2117 = arith.andi %squeeze3A_2115, %and3A_2116 : i32
      %broadcast_in_dim3A_2118 = vector.broadcast %and3A_2117 : i32 to vector<16xi32>
      %broadcast_in_dim3A_2119 = arith.constant 0 : i32
      %broadcast_in_dim3A_2120 = vector.broadcast %broadcast_in_dim3A_2119 : i32 to vector<16xi32>
      %gather3A_2121 = tpu.vector_load_idx %arg10[%broadcast_in_dim3A_2108, %broadcast_in_dim3A_2120, %iota3A, %broadcast_in_dim3A_2113] : memref<3x4x32x128xf32, #tpu.memory_space<vmem>>[vector<16xi32>, vector<16xi32>, vector<16xi32>, vector<16xi32>], vector<16xf32>,
      %add3A_2122 = arith.constant 16 : i32
      %add3A_2123 = vector.broadcast %add3A_2122 : i32 to vector<16xi32>
      %add3A_2124 = arith.addi %iota3A, %add3A_2123 : vector<16xi32>
      %gather3A_2125 = tpu.vector_load_idx %arg10[%broadcast_in_dim3A_2108, %broadcast_in_dim3A_2120, %add3A_2124, %broadcast_in_dim3A_2113] : memref<3x4x32x128xf32, #tpu.memory_space<vmem>>[vector<16xi32>, vector<16xi32>, vector<16xi32>, vector<16xi32>], vector<16xf32>,
      %gather3A_2126 = tpu.vector_load_idx %arg11[%broadcast_in_dim3A_2108, %broadcast_in_dim3A_2120, %iota3A, %broadcast_in_dim3A_2118] : memref<3x4x32x128xf32, #tpu.memory_space<vmem>>[vector<16xi32>, vector<16xi32>, vector<16xi32>, vector<16xi32>], vector<16xf32>,
      %add3A_2127 = arith.constant 16 : i32
      %add3A_2128 = vector.broadcast %add3A_2127 : i32 to vector<16xi32>
      %add3A_2129 = arith.addi %iota3A, %add3A_2128 : vector<16xi32>
      %gather3A_2130 = tpu.vector_load_idx %arg11[%broadcast_in_dim3A_2108, %broadcast_in_dim3A_2120, %add3A_2129, %broadcast_in_dim3A_2118] : memref<3x4x32x128xf32, #tpu.memory_space<vmem>>[vector<16xi32>, vector<16xi32>, vector<16xi32>, vector<16xi32>], vector<16xf32>,
      %mul3A_2131 = arith.mulf %gather3A_2121, %gather3A_2126 : vector<16xf32>
      %mul3A_2132 = arith.mulf %mul3A_2131, %get3A_3 : vector<16xf32>
      %mul3A_2133 = arith.mulf %gather3A_2125, %gather3A_2130 : vector<16xf32>
      %mul3A_2134 = arith.mulf %mul3A_2133, %get3A_5 : vector<16xf32>
      %add3A_2135 = arith.addf %mul3A_2132, %mul3A_2134 : vector<16xf32>
      %swap3A_2136 = arith.index_cast %add3A_2097 : i32 to index
      %swap3A_2137 = arith.constant 0 : index
      %swap3A_2138 = tpu.vector_load %arg13[%swap3A_2136, %swap3A_2137] {strides = array<i32>} : memref<128x64xf32, #tpu.memory_space<vmem>>, vector<16xf32>,
      tpu.vector_store %arg13[%swap3A_2136, %swap3A_2137], %add3A_2135 {strides = array<i32>} : memref<128x64xf32, #tpu.memory_space<vmem>>, vector<16xf32>,
      %slice3A_2139 = vector.extract_strided_slice %get3A_2104 {offsets = [1], sizes = [1], strides = [1]} : vector<16xi32> to vector<1xi32>
      %squeeze3A_2140 = vector.extract %slice3A_2139[0] : i32 from vector<1xi32>
      %and3A_2141 = arith.constant 127 : i32
      %and3A_2142 = arith.andi %squeeze3A_2140, %and3A_2141 : i32
      %broadcast_in_dim3A_2143 = vector.broadcast %and3A_2142 : i32 to vector<16xi32>
      %slice3A_2144 = vector.extract_strided_slice %get3A_2106 {offsets = [1], sizes = [1], strides = [1]} : vector<16xi32> to vector<1xi32>
      %squeeze3A_2145 = vector.extract %slice3A_2144[0] : i32 from vector<1xi32>
      %and3A_2146 = arith.constant 127 : i32
      %and3A_2147 = arith.andi %squeeze3A_2145, %and3A_2146 : i32
      %broadcast_in_dim3A_2148 = vector.broadcast %and3A_2147 : i32 to vector<16xi32>
      %broadcast_in_dim3A_2149 = arith.constant 1 : i32
      %broadcast_in_dim3A_2150 = vector.broadcast %broadcast_in_dim3A_2149 : i32 to vector<16xi32>
      %gather3A_2151 = tpu.vector_load_idx %arg10[%broadcast_in_dim3A_2108, %broadcast_in_dim3A_2150, %iota3A, %broadcast_in_dim3A_2143] : memref<3x4x32x128xf32, #tpu.memory_space<vmem>>[vector<16xi32>, vector<16xi32>, vector<16xi32>, vector<16xi32>], vector<16xf32>,
      %add3A_2152 = arith.constant 16 : i32
      %add3A_2153 = vector.broadcast %add3A_2152 : i32 to vector<16xi32>
      %add3A_2154 = arith.addi %iota3A, %add3A_2153 : vector<16xi32>
      %gather3A_2155 = tpu.vector_load_idx %arg10[%broadcast_in_dim3A_2108, %broadcast_in_dim3A_2150, %add3A_2154, %broadcast_in_dim3A_2143] : memref<3x4x32x128xf32, #tpu.memory_space<vmem>>[vector<16xi32>, vector<16xi32>, vector<16xi32>, vector<16xi32>], vector<16xf32>,
      %gather3A_2156 = tpu.vector_load_idx %arg11[%broadcast_in_dim3A_2108, %broadcast_in_dim3A_2150, %iota3A, %broadcast_in_dim3A_2148] : memref<3x4x32x128xf32, #tpu.memory_space<vmem>>[vector<16xi32>, vector<16xi32>, vector<16xi32>, vector<16xi32>], vector<16xf32>,
      %add3A_2157 = arith.constant 16 : i32
      %add3A_2158 = vector.broadcast %add3A_2157 : i32 to vector<16xi32>
      %add3A_2159 = arith.addi %iota3A, %add3A_2158 : vector<16xi32>
      %gather3A_2160 = tpu.vector_load_idx %arg11[%broadcast_in_dim3A_2108, %broadcast_in_dim3A_2150, %add3A_2159, %broadcast_in_dim3A_2148] : memref<3x4x32x128xf32, #tpu.memory_space<vmem>>[vector<16xi32>, vector<16xi32>, vector<16xi32>, vector<16xi32>], vector<16xf32>,
      %mul3A_2161 = arith.mulf %gather3A_2151, %gather3A_2156 : vector<16xf32>
      %mul3A_2162 = arith.mulf %mul3A_2161, %get3A_3 : vector<16xf32>
      %mul3A_2163 = arith.mulf %gather3A_2155, %gather3A_2160 : vector<16xf32>
      %mul3A_2164 = arith.mulf %mul3A_2163, %get3A_5 : vector<16xf32>
      %add3A_2165 = arith.addf %mul3A_2162, %mul3A_2164 : vector<16xf32>
      %swap3A_2166 = arith.index_cast %add3A_2097 : i32 to index
      %swap3A_2167 = arith.constant 16 : index
      %swap3A_2168 = tpu.vector_load %arg13[%swap3A_2166, %swap3A_2167] {strides = array<i32>} : memref<128x64xf32, #tpu.memory_space<vmem>>, vector<16xf32>,
      tpu.vector_store %arg13[%swap3A_2166, %swap3A_2167], %add3A_2165 {strides = array<i32>} : memref<128x64xf32, #tpu.memory_space<vmem>>, vector<16xf32>,
      %slice3A_2169 = vector.extract_strided_slice %get3A_2104 {offsets = [2], sizes = [1], strides = [1]} : vector<16xi32> to vector<1xi32>
      %squeeze3A_2170 = vector.extract %slice3A_2169[0] : i32 from vector<1xi32>
      %and3A_2171 = arith.constant 127 : i32
      %and3A_2172 = arith.andi %squeeze3A_2170, %and3A_2171 : i32
      %broadcast_in_dim3A_2173 = vector.broadcast %and3A_2172 : i32 to vector<16xi32>
      %slice3A_2174 = vector.extract_strided_slice %get3A_2106 {offsets = [2], sizes = [1], strides = [1]} : vector<16xi32> to vector<1xi32>
      %squeeze3A_2175 = vector.extract %slice3A_2174[0] : i32 from vector<1xi32>
      %and3A_2176 = arith.constant 127 : i32
      %and3A_2177 = arith.andi %squeeze3A_2175, %and3A_2176 : i32
      %broadcast_in_dim3A_2178 = vector.broadcast %and3A_2177 : i32 to vector<16xi32>
      %broadcast_in_dim3A_2179 = arith.constant 2 : i32
      %broadcast_in_dim3A_2180 = vector.broadcast %broadcast_in_dim3A_2179 : i32 to vector<16xi32>
      %gather3A_2181 = tpu.vector_load_idx %arg10[%broadcast_in_dim3A_2108, %broadcast_in_dim3A_2180, %iota3A, %broadcast_in_dim3A_2173] : memref<3x4x32x128xf32, #tpu.memory_space<vmem>>[vector<16xi32>, vector<16xi32>, vector<16xi32>, vector<16xi32>], vector<16xf32>,
      %add3A_2182 = arith.constant 16 : i32
      %add3A_2183 = vector.broadcast %add3A_2182 : i32 to vector<16xi32>
      %add3A_2184 = arith.addi %iota3A, %add3A_2183 : vector<16xi32>
      %gather3A_2185 = tpu.vector_load_idx %arg10[%broadcast_in_dim3A_2108, %broadcast_in_dim3A_2180, %add3A_2184, %broadcast_in_dim3A_2173] : memref<3x4x32x128xf32, #tpu.memory_space<vmem>>[vector<16xi32>, vector<16xi32>, vector<16xi32>, vector<16xi32>], vector<16xf32>,
      %gather3A_2186 = tpu.vector_load_idx %arg11[%broadcast_in_dim3A_2108, %broadcast_in_dim3A_2180, %iota3A, %broadcast_in_dim3A_2178] : memref<3x4x32x128xf32, #tpu.memory_space<vmem>>[vector<16xi32>, vector<16xi32>, vector<16xi32>, vector<16xi32>], vector<16xf32>,
      %add3A_2187 = arith.constant 16 : i32
      %add3A_2188 = vector.broadcast %add3A_2187 : i32 to vector<16xi32>
      %add3A_2189 = arith.addi %iota3A, %add3A_2188 : vector<16xi32>
      %gather3A_2190 = tpu.vector_load_idx %arg11[%broadcast_in_dim3A_2108, %broadcast_in_dim3A_2180, %add3A_2189, %broadcast_in_dim3A_2178] : memref<3x4x32x128xf32, #tpu.memory_space<vmem>>[vector<16xi32>, vector<16xi32>, vector<16xi32>, vector<16xi32>], vector<16xf32>,
      %mul3A_2191 = arith.mulf %gather3A_2181, %gather3A_2186 : vector<16xf32>
      %mul3A_2192 = arith.mulf %mul3A_2191, %get3A_3 : vector<16xf32>
      %mul3A_2193 = arith.mulf %gather3A_2185, %gather3A_2190 : vector<16xf32>
      %mul3A_2194 = arith.mulf %mul3A_2193, %get3A_5 : vector<16xf32>
      %add3A_2195 = arith.addf %mul3A_2192, %mul3A_2194 : vector<16xf32>
      %swap3A_2196 = arith.index_cast %add3A_2097 : i32 to index
      %swap3A_2197 = arith.constant 32 : index
      %swap3A_2198 = tpu.vector_load %arg13[%swap3A_2196, %swap3A_2197] {strides = array<i32>} : memref<128x64xf32, #tpu.memory_space<vmem>>, vector<16xf32>,
      tpu.vector_store %arg13[%swap3A_2196, %swap3A_2197], %add3A_2195 {strides = array<i32>} : memref<128x64xf32, #tpu.memory_space<vmem>>, vector<16xf32>,
      %slice3A_2199 = vector.extract_strided_slice %get3A_2104 {offsets = [3], sizes = [1], strides = [1]} : vector<16xi32> to vector<1xi32>
      %squeeze3A_2200 = vector.extract %slice3A_2199[0] : i32 from vector<1xi32>
      %and3A_2201 = arith.constant 127 : i32
      %and3A_2202 = arith.andi %squeeze3A_2200, %and3A_2201 : i32
      %broadcast_in_dim3A_2203 = vector.broadcast %and3A_2202 : i32 to vector<16xi32>
      %slice3A_2204 = vector.extract_strided_slice %get3A_2106 {offsets = [3], sizes = [1], strides = [1]} : vector<16xi32> to vector<1xi32>
      %squeeze3A_2205 = vector.extract %slice3A_2204[0] : i32 from vector<1xi32>
      %and3A_2206 = arith.constant 127 : i32
      %and3A_2207 = arith.andi %squeeze3A_2205, %and3A_2206 : i32
      %broadcast_in_dim3A_2208 = vector.broadcast %and3A_2207 : i32 to vector<16xi32>
      %broadcast_in_dim3A_2209 = arith.constant 3 : i32
      %broadcast_in_dim3A_2210 = vector.broadcast %broadcast_in_dim3A_2209 : i32 to vector<16xi32>
      %gather3A_2211 = tpu.vector_load_idx %arg10[%broadcast_in_dim3A_2108, %broadcast_in_dim3A_2210, %iota3A, %broadcast_in_dim3A_2203] : memref<3x4x32x128xf32, #tpu.memory_space<vmem>>[vector<16xi32>, vector<16xi32>, vector<16xi32>, vector<16xi32>], vector<16xf32>,
      %add3A_2212 = arith.constant 16 : i32
      %add3A_2213 = vector.broadcast %add3A_2212 : i32 to vector<16xi32>
      %add3A_2214 = arith.addi %iota3A, %add3A_2213 : vector<16xi32>
      %gather3A_2215 = tpu.vector_load_idx %arg10[%broadcast_in_dim3A_2108, %broadcast_in_dim3A_2210, %add3A_2214, %broadcast_in_dim3A_2203] : memref<3x4x32x128xf32, #tpu.memory_space<vmem>>[vector<16xi32>, vector<16xi32>, vector<16xi32>, vector<16xi32>], vector<16xf32>,
      %gather3A_2216 = tpu.vector_load_idx %arg11[%broadcast_in_dim3A_2108, %broadcast_in_dim3A_2210, %iota3A, %broadcast_in_dim3A_2208] : memref<3x4x32x128xf32, #tpu.memory_space<vmem>>[vector<16xi32>, vector<16xi32>, vector<16xi32>, vector<16xi32>], vector<16xf32>,
      %add3A_2217 = arith.constant 16 : i32
      %add3A_2218 = vector.broadcast %add3A_2217 : i32 to vector<16xi32>
      %add3A_2219 = arith.addi %iota3A, %add3A_2218 : vector<16xi32>
      %gather3A_2220 = tpu.vector_load_idx %arg11[%broadcast_in_dim3A_2108, %broadcast_in_dim3A_2210, %add3A_2219, %broadcast_in_dim3A_2208] : memref<3x4x32x128xf32, #tpu.memory_space<vmem>>[vector<16xi32>, vector<16xi32>, vector<16xi32>, vector<16xi32>], vector<16xf32>,
      %mul3A_2221 = arith.mulf %gather3A_2211, %gather3A_2216 : vector<16xf32>
      %mul3A_2222 = arith.mulf %mul3A_2221, %get3A_3 : vector<16xf32>
      %mul3A_2223 = arith.mulf %gather3A_2215, %gather3A_2220 : vector<16xf32>
      %mul3A_2224 = arith.mulf %mul3A_2223, %get3A_5 : vector<16xf32>
      %add3A_2225 = arith.addf %mul3A_2222, %mul3A_2224 : vector<16xf32>
      %swap3A_2226 = arith.index_cast %add3A_2097 : i32 to index
      %swap3A_2227 = arith.constant 48 : index
      %swap3A_2228 = tpu.vector_load %arg13[%swap3A_2226, %swap3A_2227] {strides = array<i32>} : memref<128x64xf32, #tpu.memory_space<vmem>>, vector<16xf32>,
      tpu.vector_store %arg13[%swap3A_2226, %swap3A_2227], %add3A_2225 {strides = array<i32>} : memref<128x64xf32, #tpu.memory_space<vmem>>, vector<16xf32>,
      %add3A_2229 = arith.constant 5 : i32
      %add3A_2230 = arith.addi %mul3A_881, %add3A_2229 : i32
      %add3A_2231 = arith.constant 2 : i32
      %add3A_2232 = arith.addi %add3A_2230, %add3A_2231 : i32
      %lt3A_2233 = arith.constant 128 : i32
      %lt3A_2234 = arith.cmpi slt, %add3A_2232, %lt3A_2233 : i32
      %convert_element_type3A_2235 = arith.extui %lt3A_2234 : i1 to i32
      %cond3A_2236 = arith.constant 0 : i32
      %cond3A_2237 = arith.cmpi ne, %convert_element_type3A_2235, %cond3A_2236 : i32
      scf.if %cond3A_2237 {
        %shift_right_arithmetic3A_2499 = arith.constant 1 : i32
        %shift_right_arithmetic3A_2500 = arith.shrsi %add3A_2232, %shift_right_arithmetic3A_2499 : i32
        %mul3A_2501 = arith.constant 8 : i32
        %mul3A_2502 = arith.muli %shift_right_arithmetic3A_2500, %mul3A_2501 : i32
        %multiple_of3A_2503 = tpu.assume_multiple %mul3A_2502, 8 : i32
        %get3A_2504 = arith.index_cast %multiple_of3A_2503 : i32 to index
        %get3A_2505 = tpu.vector_load %arg8[%get3A_2504] {strides = array<i32>} : memref<528xi32, #tpu.memory_space<vmem>>, vector<16xi32>,
        %get3A_2506 = arith.index_cast %multiple_of3A_2503 : i32 to index
        %get3A_2507 = tpu.vector_load %arg9[%get3A_2506] {strides = array<i32>} : memref<528xi32, #tpu.memory_space<vmem>>, vector<16xi32>,
        %slice3A_2508 = vector.extract_strided_slice %get3A_2505 {offsets = [4], sizes = [1], strides = [1]} : vector<16xi32> to vector<1xi32>
        %squeeze3A_2509 = vector.extract %slice3A_2508[0] : i32 from vector<1xi32>
        %shift_right_arithmetic3A_2510 = arith.constant 7 : i32
        %shift_right_arithmetic3A_2511 = arith.shrsi %squeeze3A_2509, %shift_right_arithmetic3A_2510 : i32
        %mul3A_2512 = arith.constant 128 : i32
        %mul3A_2513 = arith.muli %shift_right_arithmetic3A_2511, %mul3A_2512 : i32
        %multiple_of3A_2514 = tpu.assume_multiple %mul3A_2513, 128 : i32
        %dma_start3A_2515 = arith.constant 1 : i32
        %dma_start3A_2516 = arith.constant 0 : i32
        %dma_start3A_2517 = arith.constant 0 : i32
        %dma_start3A_2518 = arith.constant 0 : i32
        %dma_start3A_2519 = tpu.memref_slice %arg10[%dma_start3A_2515, %dma_start3A_2516, %dma_start3A_2517, %dma_start3A_2518] : memref<3x4x32x128xf32, #tpu.memory_space<vmem>> -> memref<1x1x32x128xf32, #tpu.memory_space<vmem>>
        %dma_start3A_2520 = tpu.memref_squeeze %dma_start3A_2519 : memref<1x1x32x128xf32, #tpu.memory_space<vmem>> -> memref<32x128xf32, #tpu.memory_space<vmem>>
        %dma_start3A_2521 = arith.constant 0 : i32
        %dma_start3A_2522 = tpu.memref_slice %arg4[%dma_start3A_2521, %multiple_of3A_2514] : memref<32x1000000xf32, #tpu.memory_space<hbm>> -> memref<32x128xf32, #tpu.memory_space<hbm>>
        %dma_start3A_2523 = arith.constant 0 : i32
        %dma_start3A_2524 = arith.constant 0 : i32
        %dma_start3A_2525 = tpu.memref_slice %arg10[%dma_start3A_2515, %dma_start3A_2516, %dma_start3A_2523, %dma_start3A_2524] : memref<3x4x32x128xf32, #tpu.memory_space<vmem>> -> memref<1x1x32x128xf32, #tpu.memory_space<vmem>>
        %dma_start3A_2526 = tpu.memref_squeeze %dma_start3A_2525 : memref<1x1x32x128xf32, #tpu.memory_space<vmem>> -> memref<32x128xf32, #tpu.memory_space<vmem>>
        %dma_start3A_2527 = arith.constant 0 : i32
        %dma_start3A_2528 = tpu.memref_slice %arg4[%dma_start3A_2527, %multiple_of3A_2514] : memref<32x1000000xf32, #tpu.memory_space<hbm>> -> memref<32x128xf32, #tpu.memory_space<hbm>>
        tpu.enqueue_dma source(%dma_start3A_2528 : memref<32x128xf32, #tpu.memory_space<hbm>>) target(%dma_start3A_2526 : memref<32x128xf32, #tpu.memory_space<vmem>>) target_semaphore(%arg15 : memref<!tpu.dma_semaphore, #tpu.memory_space<semaphore_mem>>)
        %slice3A_2529 = vector.extract_strided_slice %get3A_2507 {offsets = [4], sizes = [1], strides = [1]} : vector<16xi32> to vector<1xi32>
        %squeeze3A_2530 = vector.extract %slice3A_2529[0] : i32 from vector<1xi32>
        %shift_right_arithmetic3A_2531 = arith.constant 7 : i32
        %shift_right_arithmetic3A_2532 = arith.shrsi %squeeze3A_2530, %shift_right_arithmetic3A_2531 : i32
        %mul3A_2533 = arith.constant 128 : i32
        %mul3A_2534 = arith.muli %shift_right_arithmetic3A_2532, %mul3A_2533 : i32
        %multiple_of3A_2535 = tpu.assume_multiple %mul3A_2534, 128 : i32
        %dma_start3A_2536 = arith.constant 1 : i32
        %dma_start3A_2537 = arith.constant 0 : i32
        %dma_start3A_2538 = arith.constant 0 : i32
        %dma_start3A_2539 = arith.constant 0 : i32
        %dma_start3A_2540 = tpu.memref_slice %arg11[%dma_start3A_2536, %dma_start3A_2537, %dma_start3A_2538, %dma_start3A_2539] : memref<3x4x32x128xf32, #tpu.memory_space<vmem>> -> memref<1x1x32x128xf32, #tpu.memory_space<vmem>>
        %dma_start3A_2541 = tpu.memref_squeeze %dma_start3A_2540 : memref<1x1x32x128xf32, #tpu.memory_space<vmem>> -> memref<32x128xf32, #tpu.memory_space<vmem>>
        %dma_start3A_2542 = arith.constant 0 : i32
        %dma_start3A_2543 = tpu.memref_slice %arg5[%dma_start3A_2542, %multiple_of3A_2535] : memref<32x1000000xf32, #tpu.memory_space<hbm>> -> memref<32x128xf32, #tpu.memory_space<hbm>>
        %dma_start3A_2544 = arith.constant 0 : i32
        %dma_start3A_2545 = arith.constant 0 : i32
        %dma_start3A_2546 = tpu.memref_slice %arg11[%dma_start3A_2536, %dma_start3A_2537, %dma_start3A_2544, %dma_start3A_2545] : memref<3x4x32x128xf32, #tpu.memory_space<vmem>> -> memref<1x1x32x128xf32, #tpu.memory_space<vmem>>
        %dma_start3A_2547 = tpu.memref_squeeze %dma_start3A_2546 : memref<1x1x32x128xf32, #tpu.memory_space<vmem>> -> memref<32x128xf32, #tpu.memory_space<vmem>>
        %dma_start3A_2548 = arith.constant 0 : i32
        %dma_start3A_2549 = tpu.memref_slice %arg5[%dma_start3A_2548, %multiple_of3A_2535] : memref<32x1000000xf32, #tpu.memory_space<hbm>> -> memref<32x128xf32, #tpu.memory_space<hbm>>
        tpu.enqueue_dma source(%dma_start3A_2549 : memref<32x128xf32, #tpu.memory_space<hbm>>) target(%dma_start3A_2547 : memref<32x128xf32, #tpu.memory_space<vmem>>) target_semaphore(%arg16 : memref<!tpu.dma_semaphore, #tpu.memory_space<semaphore_mem>>)
        %slice3A_2550 = vector.extract_strided_slice %get3A_2505 {offsets = [5], sizes = [1], strides = [1]} : vector<16xi32> to vector<1xi32>
        %squeeze3A_2551 = vector.extract %slice3A_2550[0] : i32 from vector<1xi32>
        %shift_right_arithmetic3A_2552 = arith.constant 7 : i32
        %shift_right_arithmetic3A_2553 = arith.shrsi %squeeze3A_2551, %shift_right_arithmetic3A_2552 : i32
        %mul3A_2554 = arith.constant 128 : i32
        %mul3A_2555 = arith.muli %shift_right_arithmetic3A_2553, %mul3A_2554 : i32
        %multiple_of3A_2556 = tpu.assume_multiple %mul3A_2555, 128 : i32
        %dma_start3A_2557 = arith.constant 1 : i32
        %dma_start3A_2558 = arith.constant 1 : i32
        %dma_start3A_2559 = arith.constant 0 : i32
        %dma_start3A_2560 = arith.constant 0 : i32
        %dma_start3A_2561 = tpu.memref_slice %arg10[%dma_start3A_2557, %dma_start3A_2558, %dma_start3A_2559, %dma_start3A_2560] : memref<3x4x32x128xf32, #tpu.memory_space<vmem>> -> memref<1x1x32x128xf32, #tpu.memory_space<vmem>>
        %dma_start3A_2562 = tpu.memref_squeeze %dma_start3A_2561 : memref<1x1x32x128xf32, #tpu.memory_space<vmem>> -> memref<32x128xf32, #tpu.memory_space<vmem>>
        %dma_start3A_2563 = arith.constant 0 : i32
        %dma_start3A_2564 = tpu.memref_slice %arg4[%dma_start3A_2563, %multiple_of3A_2556] : memref<32x1000000xf32, #tpu.memory_space<hbm>> -> memref<32x128xf32, #tpu.memory_space<hbm>>
        %dma_start3A_2565 = arith.constant 0 : i32
        %dma_start3A_2566 = arith.constant 0 : i32
        %dma_start3A_2567 = tpu.memref_slice %arg10[%dma_start3A_2557, %dma_start3A_2558, %dma_start3A_2565, %dma_start3A_2566] : memref<3x4x32x128xf32, #tpu.memory_space<vmem>> -> memref<1x1x32x128xf32, #tpu.memory_space<vmem>>
        %dma_start3A_2568 = tpu.memref_squeeze %dma_start3A_2567 : memref<1x1x32x128xf32, #tpu.memory_space<vmem>> -> memref<32x128xf32, #tpu.memory_space<vmem>>
        %dma_start3A_2569 = arith.constant 0 : i32
        %dma_start3A_2570 = tpu.memref_slice %arg4[%dma_start3A_2569, %multiple_of3A_2556] : memref<32x1000000xf32, #tpu.memory_space<hbm>> -> memref<32x128xf32, #tpu.memory_space<hbm>>
        tpu.enqueue_dma source(%dma_start3A_2570 : memref<32x128xf32, #tpu.memory_space<hbm>>) target(%dma_start3A_2568 : memref<32x128xf32, #tpu.memory_space<vmem>>) target_semaphore(%arg15 : memref<!tpu.dma_semaphore, #tpu.memory_space<semaphore_mem>>)
        %slice3A_2571 = vector.extract_strided_slice %get3A_2507 {offsets = [5], sizes = [1], strides = [1]} : vector<16xi32> to vector<1xi32>
        %squeeze3A_2572 = vector.extract %slice3A_2571[0] : i32 from vector<1xi32>
        %shift_right_arithmetic3A_2573 = arith.constant 7 : i32
        %shift_right_arithmetic3A_2574 = arith.shrsi %squeeze3A_2572, %shift_right_arithmetic3A_2573 : i32
        %mul3A_2575 = arith.constant 128 : i32
        %mul3A_2576 = arith.muli %shift_right_arithmetic3A_2574, %mul3A_2575 : i32
        %multiple_of3A_2577 = tpu.assume_multiple %mul3A_2576, 128 : i32
        %dma_start3A_2578 = arith.constant 1 : i32
        %dma_start3A_2579 = arith.constant 1 : i32
        %dma_start3A_2580 = arith.constant 0 : i32
        %dma_start3A_2581 = arith.constant 0 : i32
        %dma_start3A_2582 = tpu.memref_slice %arg11[%dma_start3A_2578, %dma_start3A_2579, %dma_start3A_2580, %dma_start3A_2581] : memref<3x4x32x128xf32, #tpu.memory_space<vmem>> -> memref<1x1x32x128xf32, #tpu.memory_space<vmem>>
        %dma_start3A_2583 = tpu.memref_squeeze %dma_start3A_2582 : memref<1x1x32x128xf32, #tpu.memory_space<vmem>> -> memref<32x128xf32, #tpu.memory_space<vmem>>
        %dma_start3A_2584 = arith.constant 0 : i32
        %dma_start3A_2585 = tpu.memref_slice %arg5[%dma_start3A_2584, %multiple_of3A_2577] : memref<32x1000000xf32, #tpu.memory_space<hbm>> -> memref<32x128xf32, #tpu.memory_space<hbm>>
        %dma_start3A_2586 = arith.constant 0 : i32
        %dma_start3A_2587 = arith.constant 0 : i32
        %dma_start3A_2588 = tpu.memref_slice %arg11[%dma_start3A_2578, %dma_start3A_2579, %dma_start3A_2586, %dma_start3A_2587] : memref<3x4x32x128xf32, #tpu.memory_space<vmem>> -> memref<1x1x32x128xf32, #tpu.memory_space<vmem>>
        %dma_start3A_2589 = tpu.memref_squeeze %dma_start3A_2588 : memref<1x1x32x128xf32, #tpu.memory_space<vmem>> -> memref<32x128xf32, #tpu.memory_space<vmem>>
        %dma_start3A_2590 = arith.constant 0 : i32
        %dma_start3A_2591 = tpu.memref_slice %arg5[%dma_start3A_2590, %multiple_of3A_2577] : memref<32x1000000xf32, #tpu.memory_space<hbm>> -> memref<32x128xf32, #tpu.memory_space<hbm>>
        tpu.enqueue_dma source(%dma_start3A_2591 : memref<32x128xf32, #tpu.memory_space<hbm>>) target(%dma_start3A_2589 : memref<32x128xf32, #tpu.memory_space<vmem>>) target_semaphore(%arg16 : memref<!tpu.dma_semaphore, #tpu.memory_space<semaphore_mem>>)
        %slice3A_2592 = vector.extract_strided_slice %get3A_2505 {offsets = [6], sizes = [1], strides = [1]} : vector<16xi32> to vector<1xi32>
        %squeeze3A_2593 = vector.extract %slice3A_2592[0] : i32 from vector<1xi32>
        %shift_right_arithmetic3A_2594 = arith.constant 7 : i32
        %shift_right_arithmetic3A_2595 = arith.shrsi %squeeze3A_2593, %shift_right_arithmetic3A_2594 : i32
        %mul3A_2596 = arith.constant 128 : i32
        %mul3A_2597 = arith.muli %shift_right_arithmetic3A_2595, %mul3A_2596 : i32
        %multiple_of3A_2598 = tpu.assume_multiple %mul3A_2597, 128 : i32
        %dma_start3A_2599 = arith.constant 1 : i32
        %dma_start3A_2600 = arith.constant 2 : i32
        %dma_start3A_2601 = arith.constant 0 : i32
        %dma_start3A_2602 = arith.constant 0 : i32
        %dma_start3A_2603 = tpu.memref_slice %arg10[%dma_start3A_2599, %dma_start3A_2600, %dma_start3A_2601, %dma_start3A_2602] : memref<3x4x32x128xf32, #tpu.memory_space<vmem>> -> memref<1x1x32x128xf32, #tpu.memory_space<vmem>>
        %dma_start3A_2604 = tpu.memref_squeeze %dma_start3A_2603 : memref<1x1x32x128xf32, #tpu.memory_space<vmem>> -> memref<32x128xf32, #tpu.memory_space<vmem>>
        %dma_start3A_2605 = arith.constant 0 : i32
        %dma_start3A_2606 = tpu.memref_slice %arg4[%dma_start3A_2605, %multiple_of3A_2598] : memref<32x1000000xf32, #tpu.memory_space<hbm>> -> memref<32x128xf32, #tpu.memory_space<hbm>>
        %dma_start3A_2607 = arith.constant 0 : i32
        %dma_start3A_2608 = arith.constant 0 : i32
        %dma_start3A_2609 = tpu.memref_slice %arg10[%dma_start3A_2599, %dma_start3A_2600, %dma_start3A_2607, %dma_start3A_2608] : memref<3x4x32x128xf32, #tpu.memory_space<vmem>> -> memref<1x1x32x128xf32, #tpu.memory_space<vmem>>
        %dma_start3A_2610 = tpu.memref_squeeze %dma_start3A_2609 : memref<1x1x32x128xf32, #tpu.memory_space<vmem>> -> memref<32x128xf32, #tpu.memory_space<vmem>>
        %dma_start3A_2611 = arith.constant 0 : i32
        %dma_start3A_2612 = tpu.memref_slice %arg4[%dma_start3A_2611, %multiple_of3A_2598] : memref<32x1000000xf32, #tpu.memory_space<hbm>> -> memref<32x128xf32, #tpu.memory_space<hbm>>
        tpu.enqueue_dma source(%dma_start3A_2612 : memref<32x128xf32, #tpu.memory_space<hbm>>) target(%dma_start3A_2610 : memref<32x128xf32, #tpu.memory_space<vmem>>) target_semaphore(%arg15 : memref<!tpu.dma_semaphore, #tpu.memory_space<semaphore_mem>>)
        %slice3A_2613 = vector.extract_strided_slice %get3A_2507 {offsets = [6], sizes = [1], strides = [1]} : vector<16xi32> to vector<1xi32>
        %squeeze3A_2614 = vector.extract %slice3A_2613[0] : i32 from vector<1xi32>
        %shift_right_arithmetic3A_2615 = arith.constant 7 : i32
        %shift_right_arithmetic3A_2616 = arith.shrsi %squeeze3A_2614, %shift_right_arithmetic3A_2615 : i32
        %mul3A_2617 = arith.constant 128 : i32
        %mul3A_2618 = arith.muli %shift_right_arithmetic3A_2616, %mul3A_2617 : i32
        %multiple_of3A_2619 = tpu.assume_multiple %mul3A_2618, 128 : i32
        %dma_start3A_2620 = arith.constant 1 : i32
        %dma_start3A_2621 = arith.constant 2 : i32
        %dma_start3A_2622 = arith.constant 0 : i32
        %dma_start3A_2623 = arith.constant 0 : i32
        %dma_start3A_2624 = tpu.memref_slice %arg11[%dma_start3A_2620, %dma_start3A_2621, %dma_start3A_2622, %dma_start3A_2623] : memref<3x4x32x128xf32, #tpu.memory_space<vmem>> -> memref<1x1x32x128xf32, #tpu.memory_space<vmem>>
        %dma_start3A_2625 = tpu.memref_squeeze %dma_start3A_2624 : memref<1x1x32x128xf32, #tpu.memory_space<vmem>> -> memref<32x128xf32, #tpu.memory_space<vmem>>
        %dma_start3A_2626 = arith.constant 0 : i32
        %dma_start3A_2627 = tpu.memref_slice %arg5[%dma_start3A_2626, %multiple_of3A_2619] : memref<32x1000000xf32, #tpu.memory_space<hbm>> -> memref<32x128xf32, #tpu.memory_space<hbm>>
        %dma_start3A_2628 = arith.constant 0 : i32
        %dma_start3A_2629 = arith.constant 0 : i32
        %dma_start3A_2630 = tpu.memref_slice %arg11[%dma_start3A_2620, %dma_start3A_2621, %dma_start3A_2628, %dma_start3A_2629] : memref<3x4x32x128xf32, #tpu.memory_space<vmem>> -> memref<1x1x32x128xf32, #tpu.memory_space<vmem>>
        %dma_start3A_2631 = tpu.memref_squeeze %dma_start3A_2630 : memref<1x1x32x128xf32, #tpu.memory_space<vmem>> -> memref<32x128xf32, #tpu.memory_space<vmem>>
        %dma_start3A_2632 = arith.constant 0 : i32
        %dma_start3A_2633 = tpu.memref_slice %arg5[%dma_start3A_2632, %multiple_of3A_2619] : memref<32x1000000xf32, #tpu.memory_space<hbm>> -> memref<32x128xf32, #tpu.memory_space<hbm>>
        tpu.enqueue_dma source(%dma_start3A_2633 : memref<32x128xf32, #tpu.memory_space<hbm>>) target(%dma_start3A_2631 : memref<32x128xf32, #tpu.memory_space<vmem>>) target_semaphore(%arg16 : memref<!tpu.dma_semaphore, #tpu.memory_space<semaphore_mem>>)
        %slice3A_2634 = vector.extract_strided_slice %get3A_2505 {offsets = [7], sizes = [1], strides = [1]} : vector<16xi32> to vector<1xi32>
        %squeeze3A_2635 = vector.extract %slice3A_2634[0] : i32 from vector<1xi32>
        %shift_right_arithmetic3A_2636 = arith.constant 7 : i32
        %shift_right_arithmetic3A_2637 = arith.shrsi %squeeze3A_2635, %shift_right_arithmetic3A_2636 : i32
        %mul3A_2638 = arith.constant 128 : i32
        %mul3A_2639 = arith.muli %shift_right_arithmetic3A_2637, %mul3A_2638 : i32
        %multiple_of3A_2640 = tpu.assume_multiple %mul3A_2639, 128 : i32
        %dma_start3A_2641 = arith.constant 1 : i32
        %dma_start3A_2642 = arith.constant 3 : i32
        %dma_start3A_2643 = arith.constant 0 : i32
        %dma_start3A_2644 = arith.constant 0 : i32
        %dma_start3A_2645 = tpu.memref_slice %arg10[%dma_start3A_2641, %dma_start3A_2642, %dma_start3A_2643, %dma_start3A_2644] : memref<3x4x32x128xf32, #tpu.memory_space<vmem>> -> memref<1x1x32x128xf32, #tpu.memory_space<vmem>>
        %dma_start3A_2646 = tpu.memref_squeeze %dma_start3A_2645 : memref<1x1x32x128xf32, #tpu.memory_space<vmem>> -> memref<32x128xf32, #tpu.memory_space<vmem>>
        %dma_start3A_2647 = arith.constant 0 : i32
        %dma_start3A_2648 = tpu.memref_slice %arg4[%dma_start3A_2647, %multiple_of3A_2640] : memref<32x1000000xf32, #tpu.memory_space<hbm>> -> memref<32x128xf32, #tpu.memory_space<hbm>>
        %dma_start3A_2649 = arith.constant 0 : i32
        %dma_start3A_2650 = arith.constant 0 : i32
        %dma_start3A_2651 = tpu.memref_slice %arg10[%dma_start3A_2641, %dma_start3A_2642, %dma_start3A_2649, %dma_start3A_2650] : memref<3x4x32x128xf32, #tpu.memory_space<vmem>> -> memref<1x1x32x128xf32, #tpu.memory_space<vmem>>
        %dma_start3A_2652 = tpu.memref_squeeze %dma_start3A_2651 : memref<1x1x32x128xf32, #tpu.memory_space<vmem>> -> memref<32x128xf32, #tpu.memory_space<vmem>>
        %dma_start3A_2653 = arith.constant 0 : i32
        %dma_start3A_2654 = tpu.memref_slice %arg4[%dma_start3A_2653, %multiple_of3A_2640] : memref<32x1000000xf32, #tpu.memory_space<hbm>> -> memref<32x128xf32, #tpu.memory_space<hbm>>
        tpu.enqueue_dma source(%dma_start3A_2654 : memref<32x128xf32, #tpu.memory_space<hbm>>) target(%dma_start3A_2652 : memref<32x128xf32, #tpu.memory_space<vmem>>) target_semaphore(%arg15 : memref<!tpu.dma_semaphore, #tpu.memory_space<semaphore_mem>>)
        %slice3A_2655 = vector.extract_strided_slice %get3A_2507 {offsets = [7], sizes = [1], strides = [1]} : vector<16xi32> to vector<1xi32>
        %squeeze3A_2656 = vector.extract %slice3A_2655[0] : i32 from vector<1xi32>
        %shift_right_arithmetic3A_2657 = arith.constant 7 : i32
        %shift_right_arithmetic3A_2658 = arith.shrsi %squeeze3A_2656, %shift_right_arithmetic3A_2657 : i32
        %mul3A_2659 = arith.constant 128 : i32
        %mul3A_2660 = arith.muli %shift_right_arithmetic3A_2658, %mul3A_2659 : i32
        %multiple_of3A_2661 = tpu.assume_multiple %mul3A_2660, 128 : i32
        %dma_start3A_2662 = arith.constant 1 : i32
        %dma_start3A_2663 = arith.constant 3 : i32
        %dma_start3A_2664 = arith.constant 0 : i32
        %dma_start3A_2665 = arith.constant 0 : i32
        %dma_start3A_2666 = tpu.memref_slice %arg11[%dma_start3A_2662, %dma_start3A_2663, %dma_start3A_2664, %dma_start3A_2665] : memref<3x4x32x128xf32, #tpu.memory_space<vmem>> -> memref<1x1x32x128xf32, #tpu.memory_space<vmem>>
        %dma_start3A_2667 = tpu.memref_squeeze %dma_start3A_2666 : memref<1x1x32x128xf32, #tpu.memory_space<vmem>> -> memref<32x128xf32, #tpu.memory_space<vmem>>
        %dma_start3A_2668 = arith.constant 0 : i32
        %dma_start3A_2669 = tpu.memref_slice %arg5[%dma_start3A_2668, %multiple_of3A_2661] : memref<32x1000000xf32, #tpu.memory_space<hbm>> -> memref<32x128xf32, #tpu.memory_space<hbm>>
        %dma_start3A_2670 = arith.constant 0 : i32
        %dma_start3A_2671 = arith.constant 0 : i32
        %dma_start3A_2672 = tpu.memref_slice %arg11[%dma_start3A_2662, %dma_start3A_2663, %dma_start3A_2670, %dma_start3A_2671] : memref<3x4x32x128xf32, #tpu.memory_space<vmem>> -> memref<1x1x32x128xf32, #tpu.memory_space<vmem>>
        %dma_start3A_2673 = tpu.memref_squeeze %dma_start3A_2672 : memref<1x1x32x128xf32, #tpu.memory_space<vmem>> -> memref<32x128xf32, #tpu.memory_space<vmem>>
        %dma_start3A_2674 = arith.constant 0 : i32
        %dma_start3A_2675 = tpu.memref_slice %arg5[%dma_start3A_2674, %multiple_of3A_2661] : memref<32x1000000xf32, #tpu.memory_space<hbm>> -> memref<32x128xf32, #tpu.memory_space<hbm>>
        tpu.enqueue_dma source(%dma_start3A_2675 : memref<32x128xf32, #tpu.memory_space<hbm>>) target(%dma_start3A_2673 : memref<32x128xf32, #tpu.memory_space<vmem>>) target_semaphore(%arg16 : memref<!tpu.dma_semaphore, #tpu.memory_space<semaphore_mem>>)
      } else {
      }
      %dma_wait3A_2238 = arith.constant 0 : i32
      %dma_wait3A_2239 = arith.constant 0 : i32
      %dma_wait3A_2240 = arith.constant 0 : i32
      %dma_wait3A_2241 = arith.constant 0 : i32
      %dma_wait3A_2242 = tpu.memref_slice %arg10[%dma_wait3A_2238, %dma_wait3A_2239, %dma_wait3A_2240, %dma_wait3A_2241] : memref<3x4x32x128xf32, #tpu.memory_space<vmem>> -> memref<1x1x32x128xf32, #tpu.memory_space<vmem>>
      %dma_wait3A_2243 = tpu.memref_squeeze %dma_wait3A_2242 : memref<1x1x32x128xf32, #tpu.memory_space<vmem>> -> memref<32x128xf32, #tpu.memory_space<vmem>>
      %dma_wait3A_2244 = arith.constant 0 : i32
      %dma_wait3A_2245 = arith.constant 0 : i32
      %dma_wait3A_2246 = tpu.memref_slice %arg4[%dma_wait3A_2244, %dma_wait3A_2245] : memref<32x1000000xf32, #tpu.memory_space<hbm>> -> memref<32x128xf32, #tpu.memory_space<hbm>>
      %dma_wait3A_2247 = arith.constant 0 : i32
      %dma_wait3A_2248 = arith.constant 0 : i32
      %dma_wait3A_2249 = tpu.memref_slice %arg10[%dma_wait3A_2238, %dma_wait3A_2239, %dma_wait3A_2247, %dma_wait3A_2248] : memref<3x4x32x128xf32, #tpu.memory_space<vmem>> -> memref<1x1x32x128xf32, #tpu.memory_space<vmem>>
      %dma_wait3A_2250 = tpu.memref_squeeze %dma_wait3A_2249 : memref<1x1x32x128xf32, #tpu.memory_space<vmem>> -> memref<32x128xf32, #tpu.memory_space<vmem>>
      %dma_wait3A_2251 = arith.constant 0 : i32
      %dma_wait3A_2252 = arith.constant 0 : i32
      %dma_wait3A_2253 = tpu.memref_slice %arg4[%dma_wait3A_2251, %dma_wait3A_2252] : memref<32x1000000xf32, #tpu.memory_space<hbm>> -> memref<32x128xf32, #tpu.memory_space<hbm>>
      tpu.wait_dma2 semaphore(%arg15 : memref<!tpu.dma_semaphore, #tpu.memory_space<semaphore_mem>>) src(%dma_wait3A_2253 : memref<32x128xf32, #tpu.memory_space<hbm>>) dst(%dma_wait3A_2250 : memref<32x128xf32, #tpu.memory_space<vmem>>)
      %dma_wait3A_2254 = arith.constant 0 : i32
      %dma_wait3A_2255 = arith.constant 0 : i32
      %dma_wait3A_2256 = arith.constant 0 : i32
      %dma_wait3A_2257 = arith.constant 0 : i32
      %dma_wait3A_2258 = tpu.memref_slice %arg11[%dma_wait3A_2254, %dma_wait3A_2255, %dma_wait3A_2256, %dma_wait3A_2257] : memref<3x4x32x128xf32, #tpu.memory_space<vmem>> -> memref<1x1x32x128xf32, #tpu.memory_space<vmem>>
      %dma_wait3A_2259 = tpu.memref_squeeze %dma_wait3A_2258 : memref<1x1x32x128xf32, #tpu.memory_space<vmem>> -> memref<32x128xf32, #tpu.memory_space<vmem>>
      %dma_wait3A_2260 = arith.constant 0 : i32
      %dma_wait3A_2261 = arith.constant 0 : i32
      %dma_wait3A_2262 = tpu.memref_slice %arg5[%dma_wait3A_2260, %dma_wait3A_2261] : memref<32x1000000xf32, #tpu.memory_space<hbm>> -> memref<32x128xf32, #tpu.memory_space<hbm>>
      %dma_wait3A_2263 = arith.constant 0 : i32
      %dma_wait3A_2264 = arith.constant 0 : i32
      %dma_wait3A_2265 = tpu.memref_slice %arg11[%dma_wait3A_2254, %dma_wait3A_2255, %dma_wait3A_2263, %dma_wait3A_2264] : memref<3x4x32x128xf32, #tpu.memory_space<vmem>> -> memref<1x1x32x128xf32, #tpu.memory_space<vmem>>
      %dma_wait3A_2266 = tpu.memref_squeeze %dma_wait3A_2265 : memref<1x1x32x128xf32, #tpu.memory_space<vmem>> -> memref<32x128xf32, #tpu.memory_space<vmem>>
      %dma_wait3A_2267 = arith.constant 0 : i32
      %dma_wait3A_2268 = arith.constant 0 : i32
      %dma_wait3A_2269 = tpu.memref_slice %arg5[%dma_wait3A_2267, %dma_wait3A_2268] : memref<32x1000000xf32, #tpu.memory_space<hbm>> -> memref<32x128xf32, #tpu.memory_space<hbm>>
      tpu.wait_dma2 semaphore(%arg16 : memref<!tpu.dma_semaphore, #tpu.memory_space<semaphore_mem>>) src(%dma_wait3A_2269 : memref<32x128xf32, #tpu.memory_space<hbm>>) dst(%dma_wait3A_2266 : memref<32x128xf32, #tpu.memory_space<vmem>>)
      %dma_wait3A_2270 = arith.constant 0 : i32
      %dma_wait3A_2271 = arith.constant 0 : i32
      %dma_wait3A_2272 = arith.constant 0 : i32
      %dma_wait3A_2273 = arith.constant 0 : i32
      %dma_wait3A_2274 = tpu.memref_slice %arg10[%dma_wait3A_2270, %dma_wait3A_2271, %dma_wait3A_2272, %dma_wait3A_2273] : memref<3x4x32x128xf32, #tpu.memory_space<vmem>> -> memref<1x1x32x128xf32, #tpu.memory_space<vmem>>
      %dma_wait3A_2275 = tpu.memref_squeeze %dma_wait3A_2274 : memref<1x1x32x128xf32, #tpu.memory_space<vmem>> -> memref<32x128xf32, #tpu.memory_space<vmem>>
      %dma_wait3A_2276 = arith.constant 0 : i32
      %dma_wait3A_2277 = arith.constant 0 : i32
      %dma_wait3A_2278 = tpu.memref_slice %arg4[%dma_wait3A_2276, %dma_wait3A_2277] : memref<32x1000000xf32, #tpu.memory_space<hbm>> -> memref<32x128xf32, #tpu.memory_space<hbm>>
      %dma_wait3A_2279 = arith.constant 0 : i32
      %dma_wait3A_2280 = arith.constant 0 : i32
      %dma_wait3A_2281 = tpu.memref_slice %arg10[%dma_wait3A_2270, %dma_wait3A_2271, %dma_wait3A_2279, %dma_wait3A_2280] : memref<3x4x32x128xf32, #tpu.memory_space<vmem>> -> memref<1x1x32x128xf32, #tpu.memory_space<vmem>>
      %dma_wait3A_2282 = tpu.memref_squeeze %dma_wait3A_2281 : memref<1x1x32x128xf32, #tpu.memory_space<vmem>> -> memref<32x128xf32, #tpu.memory_space<vmem>>
      %dma_wait3A_2283 = arith.constant 0 : i32
      %dma_wait3A_2284 = arith.constant 0 : i32
      %dma_wait3A_2285 = tpu.memref_slice %arg4[%dma_wait3A_2283, %dma_wait3A_2284] : memref<32x1000000xf32, #tpu.memory_space<hbm>> -> memref<32x128xf32, #tpu.memory_space<hbm>>
      tpu.wait_dma2 semaphore(%arg15 : memref<!tpu.dma_semaphore, #tpu.memory_space<semaphore_mem>>) src(%dma_wait3A_2285 : memref<32x128xf32, #tpu.memory_space<hbm>>) dst(%dma_wait3A_2282 : memref<32x128xf32, #tpu.memory_space<vmem>>)
      %dma_wait3A_2286 = arith.constant 0 : i32
      %dma_wait3A_2287 = arith.constant 0 : i32
      %dma_wait3A_2288 = arith.constant 0 : i32
      %dma_wait3A_2289 = arith.constant 0 : i32
      %dma_wait3A_2290 = tpu.memref_slice %arg11[%dma_wait3A_2286, %dma_wait3A_2287, %dma_wait3A_2288, %dma_wait3A_2289] : memref<3x4x32x128xf32, #tpu.memory_space<vmem>> -> memref<1x1x32x128xf32, #tpu.memory_space<vmem>>
      %dma_wait3A_2291 = tpu.memref_squeeze %dma_wait3A_2290 : memref<1x1x32x128xf32, #tpu.memory_space<vmem>> -> memref<32x128xf32, #tpu.memory_space<vmem>>
      %dma_wait3A_2292 = arith.constant 0 : i32
      %dma_wait3A_2293 = arith.constant 0 : i32
      %dma_wait3A_2294 = tpu.memref_slice %arg5[%dma_wait3A_2292, %dma_wait3A_2293] : memref<32x1000000xf32, #tpu.memory_space<hbm>> -> memref<32x128xf32, #tpu.memory_space<hbm>>
      %dma_wait3A_2295 = arith.constant 0 : i32
      %dma_wait3A_2296 = arith.constant 0 : i32
      %dma_wait3A_2297 = tpu.memref_slice %arg11[%dma_wait3A_2286, %dma_wait3A_2287, %dma_wait3A_2295, %dma_wait3A_2296] : memref<3x4x32x128xf32, #tpu.memory_space<vmem>> -> memref<1x1x32x128xf32, #tpu.memory_space<vmem>>
      %dma_wait3A_2298 = tpu.memref_squeeze %dma_wait3A_2297 : memref<1x1x32x128xf32, #tpu.memory_space<vmem>> -> memref<32x128xf32, #tpu.memory_space<vmem>>
      %dma_wait3A_2299 = arith.constant 0 : i32
      %dma_wait3A_2300 = arith.constant 0 : i32
      %dma_wait3A_2301 = tpu.memref_slice %arg5[%dma_wait3A_2299, %dma_wait3A_2300] : memref<32x1000000xf32, #tpu.memory_space<hbm>> -> memref<32x128xf32, #tpu.memory_space<hbm>>
      tpu.wait_dma2 semaphore(%arg16 : memref<!tpu.dma_semaphore, #tpu.memory_space<semaphore_mem>>) src(%dma_wait3A_2301 : memref<32x128xf32, #tpu.memory_space<hbm>>) dst(%dma_wait3A_2298 : memref<32x128xf32, #tpu.memory_space<vmem>>)
      %dma_wait3A_2302 = arith.constant 0 : i32
      %dma_wait3A_2303 = arith.constant 0 : i32
      %dma_wait3A_2304 = arith.constant 0 : i32
      %dma_wait3A_2305 = arith.constant 0 : i32
      %dma_wait3A_2306 = tpu.memref_slice %arg10[%dma_wait3A_2302, %dma_wait3A_2303, %dma_wait3A_2304, %dma_wait3A_2305] : memref<3x4x32x128xf32, #tpu.memory_space<vmem>> -> memref<1x1x32x128xf32, #tpu.memory_space<vmem>>
      %dma_wait3A_2307 = tpu.memref_squeeze %dma_wait3A_2306 : memref<1x1x32x128xf32, #tpu.memory_space<vmem>> -> memref<32x128xf32, #tpu.memory_space<vmem>>
      %dma_wait3A_2308 = arith.constant 0 : i32
      %dma_wait3A_2309 = arith.constant 0 : i32
      %dma_wait3A_2310 = tpu.memref_slice %arg4[%dma_wait3A_2308, %dma_wait3A_2309] : memref<32x1000000xf32, #tpu.memory_space<hbm>> -> memref<32x128xf32, #tpu.memory_space<hbm>>
      %dma_wait3A_2311 = arith.constant 0 : i32
      %dma_wait3A_2312 = arith.constant 0 : i32
      %dma_wait3A_2313 = tpu.memref_slice %arg10[%dma_wait3A_2302, %dma_wait3A_2303, %dma_wait3A_2311, %dma_wait3A_2312] : memref<3x4x32x128xf32, #tpu.memory_space<vmem>> -> memref<1x1x32x128xf32, #tpu.memory_space<vmem>>
      %dma_wait3A_2314 = tpu.memref_squeeze %dma_wait3A_2313 : memref<1x1x32x128xf32, #tpu.memory_space<vmem>> -> memref<32x128xf32, #tpu.memory_space<vmem>>
      %dma_wait3A_2315 = arith.constant 0 : i32
      %dma_wait3A_2316 = arith.constant 0 : i32
      %dma_wait3A_2317 = tpu.memref_slice %arg4[%dma_wait3A_2315, %dma_wait3A_2316] : memref<32x1000000xf32, #tpu.memory_space<hbm>> -> memref<32x128xf32, #tpu.memory_space<hbm>>
      tpu.wait_dma2 semaphore(%arg15 : memref<!tpu.dma_semaphore, #tpu.memory_space<semaphore_mem>>) src(%dma_wait3A_2317 : memref<32x128xf32, #tpu.memory_space<hbm>>) dst(%dma_wait3A_2314 : memref<32x128xf32, #tpu.memory_space<vmem>>)
      %dma_wait3A_2318 = arith.constant 0 : i32
      %dma_wait3A_2319 = arith.constant 0 : i32
      %dma_wait3A_2320 = arith.constant 0 : i32
      %dma_wait3A_2321 = arith.constant 0 : i32
      %dma_wait3A_2322 = tpu.memref_slice %arg11[%dma_wait3A_2318, %dma_wait3A_2319, %dma_wait3A_2320, %dma_wait3A_2321] : memref<3x4x32x128xf32, #tpu.memory_space<vmem>> -> memref<1x1x32x128xf32, #tpu.memory_space<vmem>>
      %dma_wait3A_2323 = tpu.memref_squeeze %dma_wait3A_2322 : memref<1x1x32x128xf32, #tpu.memory_space<vmem>> -> memref<32x128xf32, #tpu.memory_space<vmem>>
      %dma_wait3A_2324 = arith.constant 0 : i32
      %dma_wait3A_2325 = arith.constant 0 : i32
      %dma_wait3A_2326 = tpu.memref_slice %arg5[%dma_wait3A_2324, %dma_wait3A_2325] : memref<32x1000000xf32, #tpu.memory_space<hbm>> -> memref<32x128xf32, #tpu.memory_space<hbm>>
      %dma_wait3A_2327 = arith.constant 0 : i32
      %dma_wait3A_2328 = arith.constant 0 : i32
      %dma_wait3A_2329 = tpu.memref_slice %arg11[%dma_wait3A_2318, %dma_wait3A_2319, %dma_wait3A_2327, %dma_wait3A_2328] : memref<3x4x32x128xf32, #tpu.memory_space<vmem>> -> memref<1x1x32x128xf32, #tpu.memory_space<vmem>>
      %dma_wait3A_2330 = tpu.memref_squeeze %dma_wait3A_2329 : memref<1x1x32x128xf32, #tpu.memory_space<vmem>> -> memref<32x128xf32, #tpu.memory_space<vmem>>
      %dma_wait3A_2331 = arith.constant 0 : i32
      %dma_wait3A_2332 = arith.constant 0 : i32
      %dma_wait3A_2333 = tpu.memref_slice %arg5[%dma_wait3A_2331, %dma_wait3A_2332] : memref<32x1000000xf32, #tpu.memory_space<hbm>> -> memref<32x128xf32, #tpu.memory_space<hbm>>
      tpu.wait_dma2 semaphore(%arg16 : memref<!tpu.dma_semaphore, #tpu.memory_space<semaphore_mem>>) src(%dma_wait3A_2333 : memref<32x128xf32, #tpu.memory_space<hbm>>) dst(%dma_wait3A_2330 : memref<32x128xf32, #tpu.memory_space<vmem>>)
      %dma_wait3A_2334 = arith.constant 0 : i32
      %dma_wait3A_2335 = arith.constant 0 : i32
      %dma_wait3A_2336 = arith.constant 0 : i32
      %dma_wait3A_2337 = arith.constant 0 : i32
      %dma_wait3A_2338 = tpu.memref_slice %arg10[%dma_wait3A_2334, %dma_wait3A_2335, %dma_wait3A_2336, %dma_wait3A_2337] : memref<3x4x32x128xf32, #tpu.memory_space<vmem>> -> memref<1x1x32x128xf32, #tpu.memory_space<vmem>>
      %dma_wait3A_2339 = tpu.memref_squeeze %dma_wait3A_2338 : memref<1x1x32x128xf32, #tpu.memory_space<vmem>> -> memref<32x128xf32, #tpu.memory_space<vmem>>
      %dma_wait3A_2340 = arith.constant 0 : i32
      %dma_wait3A_2341 = arith.constant 0 : i32
      %dma_wait3A_2342 = tpu.memref_slice %arg4[%dma_wait3A_2340, %dma_wait3A_2341] : memref<32x1000000xf32, #tpu.memory_space<hbm>> -> memref<32x128xf32, #tpu.memory_space<hbm>>
      %dma_wait3A_2343 = arith.constant 0 : i32
      %dma_wait3A_2344 = arith.constant 0 : i32
      %dma_wait3A_2345 = tpu.memref_slice %arg10[%dma_wait3A_2334, %dma_wait3A_2335, %dma_wait3A_2343, %dma_wait3A_2344] : memref<3x4x32x128xf32, #tpu.memory_space<vmem>> -> memref<1x1x32x128xf32, #tpu.memory_space<vmem>>
      %dma_wait3A_2346 = tpu.memref_squeeze %dma_wait3A_2345 : memref<1x1x32x128xf32, #tpu.memory_space<vmem>> -> memref<32x128xf32, #tpu.memory_space<vmem>>
      %dma_wait3A_2347 = arith.constant 0 : i32
      %dma_wait3A_2348 = arith.constant 0 : i32
      %dma_wait3A_2349 = tpu.memref_slice %arg4[%dma_wait3A_2347, %dma_wait3A_2348] : memref<32x1000000xf32, #tpu.memory_space<hbm>> -> memref<32x128xf32, #tpu.memory_space<hbm>>
      tpu.wait_dma2 semaphore(%arg15 : memref<!tpu.dma_semaphore, #tpu.memory_space<semaphore_mem>>) src(%dma_wait3A_2349 : memref<32x128xf32, #tpu.memory_space<hbm>>) dst(%dma_wait3A_2346 : memref<32x128xf32, #tpu.memory_space<vmem>>)
      %dma_wait3A_2350 = arith.constant 0 : i32
      %dma_wait3A_2351 = arith.constant 0 : i32
      %dma_wait3A_2352 = arith.constant 0 : i32
      %dma_wait3A_2353 = arith.constant 0 : i32
      %dma_wait3A_2354 = tpu.memref_slice %arg11[%dma_wait3A_2350, %dma_wait3A_2351, %dma_wait3A_2352, %dma_wait3A_2353] : memref<3x4x32x128xf32, #tpu.memory_space<vmem>> -> memref<1x1x32x128xf32, #tpu.memory_space<vmem>>
      %dma_wait3A_2355 = tpu.memref_squeeze %dma_wait3A_2354 : memref<1x1x32x128xf32, #tpu.memory_space<vmem>> -> memref<32x128xf32, #tpu.memory_space<vmem>>
      %dma_wait3A_2356 = arith.constant 0 : i32
      %dma_wait3A_2357 = arith.constant 0 : i32
      %dma_wait3A_2358 = tpu.memref_slice %arg5[%dma_wait3A_2356, %dma_wait3A_2357] : memref<32x1000000xf32, #tpu.memory_space<hbm>> -> memref<32x128xf32, #tpu.memory_space<hbm>>
      %dma_wait3A_2359 = arith.constant 0 : i32
      %dma_wait3A_2360 = arith.constant 0 : i32
      %dma_wait3A_2361 = tpu.memref_slice %arg11[%dma_wait3A_2350, %dma_wait3A_2351, %dma_wait3A_2359, %dma_wait3A_2360] : memref<3x4x32x128xf32, #tpu.memory_space<vmem>> -> memref<1x1x32x128xf32, #tpu.memory_space<vmem>>
      %dma_wait3A_2362 = tpu.memref_squeeze %dma_wait3A_2361 : memref<1x1x32x128xf32, #tpu.memory_space<vmem>> -> memref<32x128xf32, #tpu.memory_space<vmem>>
      %dma_wait3A_2363 = arith.constant 0 : i32
      %dma_wait3A_2364 = arith.constant 0 : i32
      %dma_wait3A_2365 = tpu.memref_slice %arg5[%dma_wait3A_2363, %dma_wait3A_2364] : memref<32x1000000xf32, #tpu.memory_space<hbm>> -> memref<32x128xf32, #tpu.memory_space<hbm>>
      tpu.wait_dma2 semaphore(%arg16 : memref<!tpu.dma_semaphore, #tpu.memory_space<semaphore_mem>>) src(%dma_wait3A_2365 : memref<32x128xf32, #tpu.memory_space<hbm>>) dst(%dma_wait3A_2362 : memref<32x128xf32, #tpu.memory_space<vmem>>)
      %add3A_2366 = arith.constant 5 : i32
      %add3A_2367 = arith.addi %mul3A_881, %add3A_2366 : i32
      %shift_right_arithmetic3A_2368 = arith.constant 1 : i32
      %shift_right_arithmetic3A_2369 = arith.shrsi %add3A_2367, %shift_right_arithmetic3A_2368 : i32
      %mul3A_2370 = arith.constant 8 : i32
      %mul3A_2371 = arith.muli %shift_right_arithmetic3A_2369, %mul3A_2370 : i32
      %multiple_of3A_2372 = tpu.assume_multiple %mul3A_2371, 8 : i32
      %get3A_2373 = arith.index_cast %multiple_of3A_2372 : i32 to index
      %get3A_2374 = tpu.vector_load %arg8[%get3A_2373] {strides = array<i32>} : memref<528xi32, #tpu.memory_space<vmem>>, vector<16xi32>,
      %get3A_2375 = arith.index_cast %multiple_of3A_2372 : i32 to index
      %get3A_2376 = tpu.vector_load %arg9[%get3A_2375] {strides = array<i32>} : memref<528xi32, #tpu.memory_space<vmem>>, vector<16xi32>,
      %broadcast_in_dim3A_2377 = arith.constant 2 : i32
      %broadcast_in_dim3A_2378 = vector.broadcast %broadcast_in_dim3A_2377 : i32 to vector<16xi32>
      %slice3A_2379 = vector.extract_strided_slice %get3A_2374 {offsets = [4], sizes = [1], strides = [1]} : vector<16xi32> to vector<1xi32>
      %squeeze3A_2380 = vector.extract %slice3A_2379[0] : i32 from vector<1xi32>
      %and3A_2381 = arith.constant 127 : i32
      %and3A_2382 = arith.andi %squeeze3A_2380, %and3A_2381 : i32
      %broadcast_in_dim3A_2383 = vector.broadcast %and3A_2382 : i32 to vector<16xi32>
      %slice3A_2384 = vector.extract_strided_slice %get3A_2376 {offsets = [4], sizes = [1], strides = [1]} : vector<16xi32> to vector<1xi32>
      %squeeze3A_2385 = vector.extract %slice3A_2384[0] : i32 from vector<1xi32>
      %and3A_2386 = arith.constant 127 : i32
      %and3A_2387 = arith.andi %squeeze3A_2385, %and3A_2386 : i32
      %broadcast_in_dim3A_2388 = vector.broadcast %and3A_2387 : i32 to vector<16xi32>
      %broadcast_in_dim3A_2389 = arith.constant 0 : i32
      %broadcast_in_dim3A_2390 = vector.broadcast %broadcast_in_dim3A_2389 : i32 to vector<16xi32>
      %gather3A_2391 = tpu.vector_load_idx %arg10[%broadcast_in_dim3A_2378, %broadcast_in_dim3A_2390, %iota3A, %broadcast_in_dim3A_2383] : memref<3x4x32x128xf32, #tpu.memory_space<vmem>>[vector<16xi32>, vector<16xi32>, vector<16xi32>, vector<16xi32>], vector<16xf32>,
      %add3A_2392 = arith.constant 16 : i32
      %add3A_2393 = vector.broadcast %add3A_2392 : i32 to vector<16xi32>
      %add3A_2394 = arith.addi %iota3A, %add3A_2393 : vector<16xi32>
      %gather3A_2395 = tpu.vector_load_idx %arg10[%broadcast_in_dim3A_2378, %broadcast_in_dim3A_2390, %add3A_2394, %broadcast_in_dim3A_2383] : memref<3x4x32x128xf32, #tpu.memory_space<vmem>>[vector<16xi32>, vector<16xi32>, vector<16xi32>, vector<16xi32>], vector<16xf32>,
      %gather3A_2396 = tpu.vector_load_idx %arg11[%broadcast_in_dim3A_2378, %broadcast_in_dim3A_2390, %iota3A, %broadcast_in_dim3A_2388] : memref<3x4x32x128xf32, #tpu.memory_space<vmem>>[vector<16xi32>, vector<16xi32>, vector<16xi32>, vector<16xi32>], vector<16xf32>,
      %add3A_2397 = arith.constant 16 : i32
      %add3A_2398 = vector.broadcast %add3A_2397 : i32 to vector<16xi32>
      %add3A_2399 = arith.addi %iota3A, %add3A_2398 : vector<16xi32>
      %gather3A_2400 = tpu.vector_load_idx %arg11[%broadcast_in_dim3A_2378, %broadcast_in_dim3A_2390, %add3A_2399, %broadcast_in_dim3A_2388] : memref<3x4x32x128xf32, #tpu.memory_space<vmem>>[vector<16xi32>, vector<16xi32>, vector<16xi32>, vector<16xi32>], vector<16xf32>,
      %mul3A_2401 = arith.mulf %gather3A_2391, %gather3A_2396 : vector<16xf32>
      %mul3A_2402 = arith.mulf %mul3A_2401, %get3A_3 : vector<16xf32>
      %mul3A_2403 = arith.mulf %gather3A_2395, %gather3A_2400 : vector<16xf32>
      %mul3A_2404 = arith.mulf %mul3A_2403, %get3A_5 : vector<16xf32>
      %add3A_2405 = arith.addf %mul3A_2402, %mul3A_2404 : vector<16xf32>
      %swap3A_2406 = arith.index_cast %add3A_2367 : i32 to index
      %swap3A_2407 = arith.constant 0 : index
      %swap3A_2408 = tpu.vector_load %arg13[%swap3A_2406, %swap3A_2407] {strides = array<i32>} : memref<128x64xf32, #tpu.memory_space<vmem>>, vector<16xf32>,
      tpu.vector_store %arg13[%swap3A_2406, %swap3A_2407], %add3A_2405 {strides = array<i32>} : memref<128x64xf32, #tpu.memory_space<vmem>>, vector<16xf32>,
      %slice3A_2409 = vector.extract_strided_slice %get3A_2374 {offsets = [5], sizes = [1], strides = [1]} : vector<16xi32> to vector<1xi32>
      %squeeze3A_2410 = vector.extract %slice3A_2409[0] : i32 from vector<1xi32>
      %and3A_2411 = arith.constant 127 : i32
      %and3A_2412 = arith.andi %squeeze3A_2410, %and3A_2411 : i32
      %broadcast_in_dim3A_2413 = vector.broadcast %and3A_2412 : i32 to vector<16xi32>
      %slice3A_2414 = vector.extract_strided_slice %get3A_2376 {offsets = [5], sizes = [1], strides = [1]} : vector<16xi32> to vector<1xi32>
      %squeeze3A_2415 = vector.extract %slice3A_2414[0] : i32 from vector<1xi32>
      %and3A_2416 = arith.constant 127 : i32
      %and3A_2417 = arith.andi %squeeze3A_2415, %and3A_2416 : i32
      %broadcast_in_dim3A_2418 = vector.broadcast %and3A_2417 : i32 to vector<16xi32>
      %broadcast_in_dim3A_2419 = arith.constant 1 : i32
      %broadcast_in_dim3A_2420 = vector.broadcast %broadcast_in_dim3A_2419 : i32 to vector<16xi32>
      %gather3A_2421 = tpu.vector_load_idx %arg10[%broadcast_in_dim3A_2378, %broadcast_in_dim3A_2420, %iota3A, %broadcast_in_dim3A_2413] : memref<3x4x32x128xf32, #tpu.memory_space<vmem>>[vector<16xi32>, vector<16xi32>, vector<16xi32>, vector<16xi32>], vector<16xf32>,
      %add3A_2422 = arith.constant 16 : i32
      %add3A_2423 = vector.broadcast %add3A_2422 : i32 to vector<16xi32>
      %add3A_2424 = arith.addi %iota3A, %add3A_2423 : vector<16xi32>
      %gather3A_2425 = tpu.vector_load_idx %arg10[%broadcast_in_dim3A_2378, %broadcast_in_dim3A_2420, %add3A_2424, %broadcast_in_dim3A_2413] : memref<3x4x32x128xf32, #tpu.memory_space<vmem>>[vector<16xi32>, vector<16xi32>, vector<16xi32>, vector<16xi32>], vector<16xf32>,
      %gather3A_2426 = tpu.vector_load_idx %arg11[%broadcast_in_dim3A_2378, %broadcast_in_dim3A_2420, %iota3A, %broadcast_in_dim3A_2418] : memref<3x4x32x128xf32, #tpu.memory_space<vmem>>[vector<16xi32>, vector<16xi32>, vector<16xi32>, vector<16xi32>], vector<16xf32>,
      %add3A_2427 = arith.constant 16 : i32
      %add3A_2428 = vector.broadcast %add3A_2427 : i32 to vector<16xi32>
      %add3A_2429 = arith.addi %iota3A, %add3A_2428 : vector<16xi32>
      %gather3A_2430 = tpu.vector_load_idx %arg11[%broadcast_in_dim3A_2378, %broadcast_in_dim3A_2420, %add3A_2429, %broadcast_in_dim3A_2418] : memref<3x4x32x128xf32, #tpu.memory_space<vmem>>[vector<16xi32>, vector<16xi32>, vector<16xi32>, vector<16xi32>], vector<16xf32>,
      %mul3A_2431 = arith.mulf %gather3A_2421, %gather3A_2426 : vector<16xf32>
      %mul3A_2432 = arith.mulf %mul3A_2431, %get3A_3 : vector<16xf32>
      %mul3A_2433 = arith.mulf %gather3A_2425, %gather3A_2430 : vector<16xf32>
      %mul3A_2434 = arith.mulf %mul3A_2433, %get3A_5 : vector<16xf32>
      %add3A_2435 = arith.addf %mul3A_2432, %mul3A_2434 : vector<16xf32>
      %swap3A_2436 = arith.index_cast %add3A_2367 : i32 to index
      %swap3A_2437 = arith.constant 16 : index
      %swap3A_2438 = tpu.vector_load %arg13[%swap3A_2436, %swap3A_2437] {strides = array<i32>} : memref<128x64xf32, #tpu.memory_space<vmem>>, vector<16xf32>,
      tpu.vector_store %arg13[%swap3A_2436, %swap3A_2437], %add3A_2435 {strides = array<i32>} : memref<128x64xf32, #tpu.memory_space<vmem>>, vector<16xf32>,
      %slice3A_2439 = vector.extract_strided_slice %get3A_2374 {offsets = [6], sizes = [1], strides = [1]} : vector<16xi32> to vector<1xi32>
      %squeeze3A_2440 = vector.extract %slice3A_2439[0] : i32 from vector<1xi32>
      %and3A_2441 = arith.constant 127 : i32
      %and3A_2442 = arith.andi %squeeze3A_2440, %and3A_2441 : i32
      %broadcast_in_dim3A_2443 = vector.broadcast %and3A_2442 : i32 to vector<16xi32>
      %slice3A_2444 = vector.extract_strided_slice %get3A_2376 {offsets = [6], sizes = [1], strides = [1]} : vector<16xi32> to vector<1xi32>
      %squeeze3A_2445 = vector.extract %slice3A_2444[0] : i32 from vector<1xi32>
      %and3A_2446 = arith.constant 127 : i32
      %and3A_2447 = arith.andi %squeeze3A_2445, %and3A_2446 : i32
      %broadcast_in_dim3A_2448 = vector.broadcast %and3A_2447 : i32 to vector<16xi32>
      %broadcast_in_dim3A_2449 = arith.constant 2 : i32
      %broadcast_in_dim3A_2450 = vector.broadcast %broadcast_in_dim3A_2449 : i32 to vector<16xi32>
      %gather3A_2451 = tpu.vector_load_idx %arg10[%broadcast_in_dim3A_2378, %broadcast_in_dim3A_2450, %iota3A, %broadcast_in_dim3A_2443] : memref<3x4x32x128xf32, #tpu.memory_space<vmem>>[vector<16xi32>, vector<16xi32>, vector<16xi32>, vector<16xi32>], vector<16xf32>,
      %add3A_2452 = arith.constant 16 : i32
      %add3A_2453 = vector.broadcast %add3A_2452 : i32 to vector<16xi32>
      %add3A_2454 = arith.addi %iota3A, %add3A_2453 : vector<16xi32>
      %gather3A_2455 = tpu.vector_load_idx %arg10[%broadcast_in_dim3A_2378, %broadcast_in_dim3A_2450, %add3A_2454, %broadcast_in_dim3A_2443] : memref<3x4x32x128xf32, #tpu.memory_space<vmem>>[vector<16xi32>, vector<16xi32>, vector<16xi32>, vector<16xi32>], vector<16xf32>,
      %gather3A_2456 = tpu.vector_load_idx %arg11[%broadcast_in_dim3A_2378, %broadcast_in_dim3A_2450, %iota3A, %broadcast_in_dim3A_2448] : memref<3x4x32x128xf32, #tpu.memory_space<vmem>>[vector<16xi32>, vector<16xi32>, vector<16xi32>, vector<16xi32>], vector<16xf32>,
      %add3A_2457 = arith.constant 16 : i32
      %add3A_2458 = vector.broadcast %add3A_2457 : i32 to vector<16xi32>
      %add3A_2459 = arith.addi %iota3A, %add3A_2458 : vector<16xi32>
      %gather3A_2460 = tpu.vector_load_idx %arg11[%broadcast_in_dim3A_2378, %broadcast_in_dim3A_2450, %add3A_2459, %broadcast_in_dim3A_2448] : memref<3x4x32x128xf32, #tpu.memory_space<vmem>>[vector<16xi32>, vector<16xi32>, vector<16xi32>, vector<16xi32>], vector<16xf32>,
      %mul3A_2461 = arith.mulf %gather3A_2451, %gather3A_2456 : vector<16xf32>
      %mul3A_2462 = arith.mulf %mul3A_2461, %get3A_3 : vector<16xf32>
      %mul3A_2463 = arith.mulf %gather3A_2455, %gather3A_2460 : vector<16xf32>
      %mul3A_2464 = arith.mulf %mul3A_2463, %get3A_5 : vector<16xf32>
      %add3A_2465 = arith.addf %mul3A_2462, %mul3A_2464 : vector<16xf32>
      %swap3A_2466 = arith.index_cast %add3A_2367 : i32 to index
      %swap3A_2467 = arith.constant 32 : index
      %swap3A_2468 = tpu.vector_load %arg13[%swap3A_2466, %swap3A_2467] {strides = array<i32>} : memref<128x64xf32, #tpu.memory_space<vmem>>, vector<16xf32>,
      tpu.vector_store %arg13[%swap3A_2466, %swap3A_2467], %add3A_2465 {strides = array<i32>} : memref<128x64xf32, #tpu.memory_space<vmem>>, vector<16xf32>,
      %slice3A_2469 = vector.extract_strided_slice %get3A_2374 {offsets = [7], sizes = [1], strides = [1]} : vector<16xi32> to vector<1xi32>
      %squeeze3A_2470 = vector.extract %slice3A_2469[0] : i32 from vector<1xi32>
      %and3A_2471 = arith.constant 127 : i32
      %and3A_2472 = arith.andi %squeeze3A_2470, %and3A_2471 : i32
      %broadcast_in_dim3A_2473 = vector.broadcast %and3A_2472 : i32 to vector<16xi32>
      %slice3A_2474 = vector.extract_strided_slice %get3A_2376 {offsets = [7], sizes = [1], strides = [1]} : vector<16xi32> to vector<1xi32>
      %squeeze3A_2475 = vector.extract %slice3A_2474[0] : i32 from vector<1xi32>
      %and3A_2476 = arith.constant 127 : i32
      %and3A_2477 = arith.andi %squeeze3A_2475, %and3A_2476 : i32
      %broadcast_in_dim3A_2478 = vector.broadcast %and3A_2477 : i32 to vector<16xi32>
      %broadcast_in_dim3A_2479 = arith.constant 3 : i32
      %broadcast_in_dim3A_2480 = vector.broadcast %broadcast_in_dim3A_2479 : i32 to vector<16xi32>
      %gather3A_2481 = tpu.vector_load_idx %arg10[%broadcast_in_dim3A_2378, %broadcast_in_dim3A_2480, %iota3A, %broadcast_in_dim3A_2473] : memref<3x4x32x128xf32, #tpu.memory_space<vmem>>[vector<16xi32>, vector<16xi32>, vector<16xi32>, vector<16xi32>], vector<16xf32>,
      %add3A_2482 = arith.constant 16 : i32
      %add3A_2483 = vector.broadcast %add3A_2482 : i32 to vector<16xi32>
      %add3A_2484 = arith.addi %iota3A, %add3A_2483 : vector<16xi32>
      %gather3A_2485 = tpu.vector_load_idx %arg10[%broadcast_in_dim3A_2378, %broadcast_in_dim3A_2480, %add3A_2484, %broadcast_in_dim3A_2473] : memref<3x4x32x128xf32, #tpu.memory_space<vmem>>[vector<16xi32>, vector<16xi32>, vector<16xi32>, vector<16xi32>], vector<16xf32>,
      %gather3A_2486 = tpu.vector_load_idx %arg11[%broadcast_in_dim3A_2378, %broadcast_in_dim3A_2480, %iota3A, %broadcast_in_dim3A_2478] : memref<3x4x32x128xf32, #tpu.memory_space<vmem>>[vector<16xi32>, vector<16xi32>, vector<16xi32>, vector<16xi32>], vector<16xf32>,
      %add3A_2487 = arith.constant 16 : i32
      %add3A_2488 = vector.broadcast %add3A_2487 : i32 to vector<16xi32>
      %add3A_2489 = arith.addi %iota3A, %add3A_2488 : vector<16xi32>
      %gather3A_2490 = tpu.vector_load_idx %arg11[%broadcast_in_dim3A_2378, %broadcast_in_dim3A_2480, %add3A_2489, %broadcast_in_dim3A_2478] : memref<3x4x32x128xf32, #tpu.memory_space<vmem>>[vector<16xi32>, vector<16xi32>, vector<16xi32>, vector<16xi32>], vector<16xf32>,
      %mul3A_2491 = arith.mulf %gather3A_2481, %gather3A_2486 : vector<16xf32>
      %mul3A_2492 = arith.mulf %mul3A_2491, %get3A_3 : vector<16xf32>
      %mul3A_2493 = arith.mulf %gather3A_2485, %gather3A_2490 : vector<16xf32>
      %mul3A_2494 = arith.mulf %mul3A_2493, %get3A_5 : vector<16xf32>
      %add3A_2495 = arith.addf %mul3A_2492, %mul3A_2494 : vector<16xf32>
      %swap3A_2496 = arith.index_cast %add3A_2367 : i32 to index
      %swap3A_2497 = arith.constant 48 : index
      %swap3A_2498 = tpu.vector_load %arg13[%swap3A_2496, %swap3A_2497] {strides = array<i32>} : memref<128x64xf32, #tpu.memory_space<vmem>>, vector<16xf32>,
      tpu.vector_store %arg13[%swap3A_2496, %swap3A_2497], %add3A_2495 {strides = array<i32>} : memref<128x64xf32, #tpu.memory_space<vmem>>, vector<16xf32>,
    }
    %scan3A_357 = arith.constant 21 : i32
    %dma_wait3A = arith.constant 0 : i32
    %dma_wait3A_358 = arith.constant 0 : i32
    %dma_wait3A_359 = arith.constant 0 : i32
    %dma_wait3A_360 = arith.constant 0 : i32
    %dma_wait3A_361 = tpu.memref_slice %arg10[%dma_wait3A, %dma_wait3A_358, %dma_wait3A_359, %dma_wait3A_360] : memref<3x4x32x128xf32, #tpu.memory_space<vmem>> -> memref<1x1x32x128xf32, #tpu.memory_space<vmem>>
    %dma_wait3A_362 = tpu.memref_squeeze %dma_wait3A_361 : memref<1x1x32x128xf32, #tpu.memory_space<vmem>> -> memref<32x128xf32, #tpu.memory_space<vmem>>
    %dma_wait3A_363 = arith.constant 0 : i32
    %dma_wait3A_364 = arith.constant 0 : i32
    %dma_wait3A_365 = tpu.memref_slice %arg4[%dma_wait3A_363, %dma_wait3A_364] : memref<32x1000000xf32, #tpu.memory_space<hbm>> -> memref<32x128xf32, #tpu.memory_space<hbm>>
    %dma_wait3A_366 = arith.constant 0 : i32
    %dma_wait3A_367 = arith.constant 0 : i32
    %dma_wait3A_368 = tpu.memref_slice %arg10[%dma_wait3A, %dma_wait3A_358, %dma_wait3A_366, %dma_wait3A_367] : memref<3x4x32x128xf32, #tpu.memory_space<vmem>> -> memref<1x1x32x128xf32, #tpu.memory_space<vmem>>
    %dma_wait3A_369 = tpu.memref_squeeze %dma_wait3A_368 : memref<1x1x32x128xf32, #tpu.memory_space<vmem>> -> memref<32x128xf32, #tpu.memory_space<vmem>>
    %dma_wait3A_370 = arith.constant 0 : i32
    %dma_wait3A_371 = arith.constant 0 : i32
    %dma_wait3A_372 = tpu.memref_slice %arg4[%dma_wait3A_370, %dma_wait3A_371] : memref<32x1000000xf32, #tpu.memory_space<hbm>> -> memref<32x128xf32, #tpu.memory_space<hbm>>
    tpu.wait_dma2 semaphore(%arg15 : memref<!tpu.dma_semaphore, #tpu.memory_space<semaphore_mem>>) src(%dma_wait3A_372 : memref<32x128xf32, #tpu.memory_space<hbm>>) dst(%dma_wait3A_369 : memref<32x128xf32, #tpu.memory_space<vmem>>)
    %dma_wait3A_373 = arith.constant 0 : i32
    %dma_wait3A_374 = arith.constant 0 : i32
    %dma_wait3A_375 = arith.constant 0 : i32
    %dma_wait3A_376 = arith.constant 0 : i32
    %dma_wait3A_377 = tpu.memref_slice %arg11[%dma_wait3A_373, %dma_wait3A_374, %dma_wait3A_375, %dma_wait3A_376] : memref<3x4x32x128xf32, #tpu.memory_space<vmem>> -> memref<1x1x32x128xf32, #tpu.memory_space<vmem>>
    %dma_wait3A_378 = tpu.memref_squeeze %dma_wait3A_377 : memref<1x1x32x128xf32, #tpu.memory_space<vmem>> -> memref<32x128xf32, #tpu.memory_space<vmem>>
    %dma_wait3A_379 = arith.constant 0 : i32
    %dma_wait3A_380 = arith.constant 0 : i32
    %dma_wait3A_381 = tpu.memref_slice %arg5[%dma_wait3A_379, %dma_wait3A_380] : memref<32x1000000xf32, #tpu.memory_space<hbm>> -> memref<32x128xf32, #tpu.memory_space<hbm>>
    %dma_wait3A_382 = arith.constant 0 : i32
    %dma_wait3A_383 = arith.constant 0 : i32
    %dma_wait3A_384 = tpu.memref_slice %arg11[%dma_wait3A_373, %dma_wait3A_374, %dma_wait3A_382, %dma_wait3A_383] : memref<3x4x32x128xf32, #tpu.memory_space<vmem>> -> memref<1x1x32x128xf32, #tpu.memory_space<vmem>>
    %dma_wait3A_385 = tpu.memref_squeeze %dma_wait3A_384 : memref<1x1x32x128xf32, #tpu.memory_space<vmem>> -> memref<32x128xf32, #tpu.memory_space<vmem>>
    %dma_wait3A_386 = arith.constant 0 : i32
    %dma_wait3A_387 = arith.constant 0 : i32
    %dma_wait3A_388 = tpu.memref_slice %arg5[%dma_wait3A_386, %dma_wait3A_387] : memref<32x1000000xf32, #tpu.memory_space<hbm>> -> memref<32x128xf32, #tpu.memory_space<hbm>>
    tpu.wait_dma2 semaphore(%arg16 : memref<!tpu.dma_semaphore, #tpu.memory_space<semaphore_mem>>) src(%dma_wait3A_388 : memref<32x128xf32, #tpu.memory_space<hbm>>) dst(%dma_wait3A_385 : memref<32x128xf32, #tpu.memory_space<vmem>>)
    %dma_wait3A_389 = arith.constant 0 : i32
    %dma_wait3A_390 = arith.constant 0 : i32
    %dma_wait3A_391 = arith.constant 0 : i32
    %dma_wait3A_392 = arith.constant 0 : i32
    %dma_wait3A_393 = tpu.memref_slice %arg10[%dma_wait3A_389, %dma_wait3A_390, %dma_wait3A_391, %dma_wait3A_392] : memref<3x4x32x128xf32, #tpu.memory_space<vmem>> -> memref<1x1x32x128xf32, #tpu.memory_space<vmem>>
    %dma_wait3A_394 = tpu.memref_squeeze %dma_wait3A_393 : memref<1x1x32x128xf32, #tpu.memory_space<vmem>> -> memref<32x128xf32, #tpu.memory_space<vmem>>
    %dma_wait3A_395 = arith.constant 0 : i32
    %dma_wait3A_396 = arith.constant 0 : i32
    %dma_wait3A_397 = tpu.memref_slice %arg4[%dma_wait3A_395, %dma_wait3A_396] : memref<32x1000000xf32, #tpu.memory_space<hbm>> -> memref<32x128xf32, #tpu.memory_space<hbm>>
    %dma_wait3A_398 = arith.constant 0 : i32
    %dma_wait3A_399 = arith.constant 0 : i32
    %dma_wait3A_400 = tpu.memref_slice %arg10[%dma_wait3A_389, %dma_wait3A_390, %dma_wait3A_398, %dma_wait3A_399] : memref<3x4x32x128xf32, #tpu.memory_space<vmem>> -> memref<1x1x32x128xf32, #tpu.memory_space<vmem>>
    %dma_wait3A_401 = tpu.memref_squeeze %dma_wait3A_400 : memref<1x1x32x128xf32, #tpu.memory_space<vmem>> -> memref<32x128xf32, #tpu.memory_space<vmem>>
    %dma_wait3A_402 = arith.constant 0 : i32
    %dma_wait3A_403 = arith.constant 0 : i32
    %dma_wait3A_404 = tpu.memref_slice %arg4[%dma_wait3A_402, %dma_wait3A_403] : memref<32x1000000xf32, #tpu.memory_space<hbm>> -> memref<32x128xf32, #tpu.memory_space<hbm>>
    tpu.wait_dma2 semaphore(%arg15 : memref<!tpu.dma_semaphore, #tpu.memory_space<semaphore_mem>>) src(%dma_wait3A_404 : memref<32x128xf32, #tpu.memory_space<hbm>>) dst(%dma_wait3A_401 : memref<32x128xf32, #tpu.memory_space<vmem>>)
    %dma_wait3A_405 = arith.constant 0 : i32
    %dma_wait3A_406 = arith.constant 0 : i32
    %dma_wait3A_407 = arith.constant 0 : i32
    %dma_wait3A_408 = arith.constant 0 : i32
    %dma_wait3A_409 = tpu.memref_slice %arg11[%dma_wait3A_405, %dma_wait3A_406, %dma_wait3A_407, %dma_wait3A_408] : memref<3x4x32x128xf32, #tpu.memory_space<vmem>> -> memref<1x1x32x128xf32, #tpu.memory_space<vmem>>
    %dma_wait3A_410 = tpu.memref_squeeze %dma_wait3A_409 : memref<1x1x32x128xf32, #tpu.memory_space<vmem>> -> memref<32x128xf32, #tpu.memory_space<vmem>>
    %dma_wait3A_411 = arith.constant 0 : i32
    %dma_wait3A_412 = arith.constant 0 : i32
    %dma_wait3A_413 = tpu.memref_slice %arg5[%dma_wait3A_411, %dma_wait3A_412] : memref<32x1000000xf32, #tpu.memory_space<hbm>> -> memref<32x128xf32, #tpu.memory_space<hbm>>
    %dma_wait3A_414 = arith.constant 0 : i32
    %dma_wait3A_415 = arith.constant 0 : i32
    %dma_wait3A_416 = tpu.memref_slice %arg11[%dma_wait3A_405, %dma_wait3A_406, %dma_wait3A_414, %dma_wait3A_415] : memref<3x4x32x128xf32, #tpu.memory_space<vmem>> -> memref<1x1x32x128xf32, #tpu.memory_space<vmem>>
    %dma_wait3A_417 = tpu.memref_squeeze %dma_wait3A_416 : memref<1x1x32x128xf32, #tpu.memory_space<vmem>> -> memref<32x128xf32, #tpu.memory_space<vmem>>
    %dma_wait3A_418 = arith.constant 0 : i32
    %dma_wait3A_419 = arith.constant 0 : i32
    %dma_wait3A_420 = tpu.memref_slice %arg5[%dma_wait3A_418, %dma_wait3A_419] : memref<32x1000000xf32, #tpu.memory_space<hbm>> -> memref<32x128xf32, #tpu.memory_space<hbm>>
    tpu.wait_dma2 semaphore(%arg16 : memref<!tpu.dma_semaphore, #tpu.memory_space<semaphore_mem>>) src(%dma_wait3A_420 : memref<32x128xf32, #tpu.memory_space<hbm>>) dst(%dma_wait3A_417 : memref<32x128xf32, #tpu.memory_space<vmem>>)
    %dma_wait3A_421 = arith.constant 0 : i32
    %dma_wait3A_422 = arith.constant 0 : i32
    %dma_wait3A_423 = arith.constant 0 : i32
    %dma_wait3A_424 = arith.constant 0 : i32
    %dma_wait3A_425 = tpu.memref_slice %arg10[%dma_wait3A_421, %dma_wait3A_422, %dma_wait3A_423, %dma_wait3A_424] : memref<3x4x32x128xf32, #tpu.memory_space<vmem>> -> memref<1x1x32x128xf32, #tpu.memory_space<vmem>>
    %dma_wait3A_426 = tpu.memref_squeeze %dma_wait3A_425 : memref<1x1x32x128xf32, #tpu.memory_space<vmem>> -> memref<32x128xf32, #tpu.memory_space<vmem>>
    %dma_wait3A_427 = arith.constant 0 : i32
    %dma_wait3A_428 = arith.constant 0 : i32
    %dma_wait3A_429 = tpu.memref_slice %arg4[%dma_wait3A_427, %dma_wait3A_428] : memref<32x1000000xf32, #tpu.memory_space<hbm>> -> memref<32x128xf32, #tpu.memory_space<hbm>>
    %dma_wait3A_430 = arith.constant 0 : i32
    %dma_wait3A_431 = arith.constant 0 : i32
    %dma_wait3A_432 = tpu.memref_slice %arg10[%dma_wait3A_421, %dma_wait3A_422, %dma_wait3A_430, %dma_wait3A_431] : memref<3x4x32x128xf32, #tpu.memory_space<vmem>> -> memref<1x1x32x128xf32, #tpu.memory_space<vmem>>
    %dma_wait3A_433 = tpu.memref_squeeze %dma_wait3A_432 : memref<1x1x32x128xf32, #tpu.memory_space<vmem>> -> memref<32x128xf32, #tpu.memory_space<vmem>>
    %dma_wait3A_434 = arith.constant 0 : i32
    %dma_wait3A_435 = arith.constant 0 : i32
    %dma_wait3A_436 = tpu.memref_slice %arg4[%dma_wait3A_434, %dma_wait3A_435] : memref<32x1000000xf32, #tpu.memory_space<hbm>> -> memref<32x128xf32, #tpu.memory_space<hbm>>
    tpu.wait_dma2 semaphore(%arg15 : memref<!tpu.dma_semaphore, #tpu.memory_space<semaphore_mem>>) src(%dma_wait3A_436 : memref<32x128xf32, #tpu.memory_space<hbm>>) dst(%dma_wait3A_433 : memref<32x128xf32, #tpu.memory_space<vmem>>)
    %dma_wait3A_437 = arith.constant 0 : i32
    %dma_wait3A_438 = arith.constant 0 : i32
    %dma_wait3A_439 = arith.constant 0 : i32
    %dma_wait3A_440 = arith.constant 0 : i32
    %dma_wait3A_441 = tpu.memref_slice %arg11[%dma_wait3A_437, %dma_wait3A_438, %dma_wait3A_439, %dma_wait3A_440] : memref<3x4x32x128xf32, #tpu.memory_space<vmem>> -> memref<1x1x32x128xf32, #tpu.memory_space<vmem>>
    %dma_wait3A_442 = tpu.memref_squeeze %dma_wait3A_441 : memref<1x1x32x128xf32, #tpu.memory_space<vmem>> -> memref<32x128xf32, #tpu.memory_space<vmem>>
    %dma_wait3A_443 = arith.constant 0 : i32
    %dma_wait3A_444 = arith.constant 0 : i32
    %dma_wait3A_445 = tpu.memref_slice %arg5[%dma_wait3A_443, %dma_wait3A_444] : memref<32x1000000xf32, #tpu.memory_space<hbm>> -> memref<32x128xf32, #tpu.memory_space<hbm>>
    %dma_wait3A_446 = arith.constant 0 : i32
    %dma_wait3A_447 = arith.constant 0 : i32
    %dma_wait3A_448 = tpu.memref_slice %arg11[%dma_wait3A_437, %dma_wait3A_438, %dma_wait3A_446, %dma_wait3A_447] : memref<3x4x32x128xf32, #tpu.memory_space<vmem>> -> memref<1x1x32x128xf32, #tpu.memory_space<vmem>>
    %dma_wait3A_449 = tpu.memref_squeeze %dma_wait3A_448 : memref<1x1x32x128xf32, #tpu.memory_space<vmem>> -> memref<32x128xf32, #tpu.memory_space<vmem>>
    %dma_wait3A_450 = arith.constant 0 : i32
    %dma_wait3A_451 = arith.constant 0 : i32
    %dma_wait3A_452 = tpu.memref_slice %arg5[%dma_wait3A_450, %dma_wait3A_451] : memref<32x1000000xf32, #tpu.memory_space<hbm>> -> memref<32x128xf32, #tpu.memory_space<hbm>>
    tpu.wait_dma2 semaphore(%arg16 : memref<!tpu.dma_semaphore, #tpu.memory_space<semaphore_mem>>) src(%dma_wait3A_452 : memref<32x128xf32, #tpu.memory_space<hbm>>) dst(%dma_wait3A_449 : memref<32x128xf32, #tpu.memory_space<vmem>>)
    %dma_wait3A_453 = arith.constant 0 : i32
    %dma_wait3A_454 = arith.constant 0 : i32
    %dma_wait3A_455 = arith.constant 0 : i32
    %dma_wait3A_456 = arith.constant 0 : i32
    %dma_wait3A_457 = tpu.memref_slice %arg10[%dma_wait3A_453, %dma_wait3A_454, %dma_wait3A_455, %dma_wait3A_456] : memref<3x4x32x128xf32, #tpu.memory_space<vmem>> -> memref<1x1x32x128xf32, #tpu.memory_space<vmem>>
    %dma_wait3A_458 = tpu.memref_squeeze %dma_wait3A_457 : memref<1x1x32x128xf32, #tpu.memory_space<vmem>> -> memref<32x128xf32, #tpu.memory_space<vmem>>
    %dma_wait3A_459 = arith.constant 0 : i32
    %dma_wait3A_460 = arith.constant 0 : i32
    %dma_wait3A_461 = tpu.memref_slice %arg4[%dma_wait3A_459, %dma_wait3A_460] : memref<32x1000000xf32, #tpu.memory_space<hbm>> -> memref<32x128xf32, #tpu.memory_space<hbm>>
    %dma_wait3A_462 = arith.constant 0 : i32
    %dma_wait3A_463 = arith.constant 0 : i32
    %dma_wait3A_464 = tpu.memref_slice %arg10[%dma_wait3A_453, %dma_wait3A_454, %dma_wait3A_462, %dma_wait3A_463] : memref<3x4x32x128xf32, #tpu.memory_space<vmem>> -> memref<1x1x32x128xf32, #tpu.memory_space<vmem>>
    %dma_wait3A_465 = tpu.memref_squeeze %dma_wait3A_464 : memref<1x1x32x128xf32, #tpu.memory_space<vmem>> -> memref<32x128xf32, #tpu.memory_space<vmem>>
    %dma_wait3A_466 = arith.constant 0 : i32
    %dma_wait3A_467 = arith.constant 0 : i32
    %dma_wait3A_468 = tpu.memref_slice %arg4[%dma_wait3A_466, %dma_wait3A_467] : memref<32x1000000xf32, #tpu.memory_space<hbm>> -> memref<32x128xf32, #tpu.memory_space<hbm>>
    tpu.wait_dma2 semaphore(%arg15 : memref<!tpu.dma_semaphore, #tpu.memory_space<semaphore_mem>>) src(%dma_wait3A_468 : memref<32x128xf32, #tpu.memory_space<hbm>>) dst(%dma_wait3A_465 : memref<32x128xf32, #tpu.memory_space<vmem>>)
    %dma_wait3A_469 = arith.constant 0 : i32
    %dma_wait3A_470 = arith.constant 0 : i32
    %dma_wait3A_471 = arith.constant 0 : i32
    %dma_wait3A_472 = arith.constant 0 : i32
    %dma_wait3A_473 = tpu.memref_slice %arg11[%dma_wait3A_469, %dma_wait3A_470, %dma_wait3A_471, %dma_wait3A_472] : memref<3x4x32x128xf32, #tpu.memory_space<vmem>> -> memref<1x1x32x128xf32, #tpu.memory_space<vmem>>
    %dma_wait3A_474 = tpu.memref_squeeze %dma_wait3A_473 : memref<1x1x32x128xf32, #tpu.memory_space<vmem>> -> memref<32x128xf32, #tpu.memory_space<vmem>>
    %dma_wait3A_475 = arith.constant 0 : i32
    %dma_wait3A_476 = arith.constant 0 : i32
    %dma_wait3A_477 = tpu.memref_slice %arg5[%dma_wait3A_475, %dma_wait3A_476] : memref<32x1000000xf32, #tpu.memory_space<hbm>> -> memref<32x128xf32, #tpu.memory_space<hbm>>
    %dma_wait3A_478 = arith.constant 0 : i32
    %dma_wait3A_479 = arith.constant 0 : i32
    %dma_wait3A_480 = tpu.memref_slice %arg11[%dma_wait3A_469, %dma_wait3A_470, %dma_wait3A_478, %dma_wait3A_479] : memref<3x4x32x128xf32, #tpu.memory_space<vmem>> -> memref<1x1x32x128xf32, #tpu.memory_space<vmem>>
    %dma_wait3A_481 = tpu.memref_squeeze %dma_wait3A_480 : memref<1x1x32x128xf32, #tpu.memory_space<vmem>> -> memref<32x128xf32, #tpu.memory_space<vmem>>
    %dma_wait3A_482 = arith.constant 0 : i32
    %dma_wait3A_483 = arith.constant 0 : i32
    %dma_wait3A_484 = tpu.memref_slice %arg5[%dma_wait3A_482, %dma_wait3A_483] : memref<32x1000000xf32, #tpu.memory_space<hbm>> -> memref<32x128xf32, #tpu.memory_space<hbm>>
    tpu.wait_dma2 semaphore(%arg16 : memref<!tpu.dma_semaphore, #tpu.memory_space<semaphore_mem>>) src(%dma_wait3A_484 : memref<32x128xf32, #tpu.memory_space<hbm>>) dst(%dma_wait3A_481 : memref<32x128xf32, #tpu.memory_space<vmem>>)
    %multiple_of3A_485 = arith.constant 504 : i32
    %multiple_of3A_486 = tpu.assume_multiple %multiple_of3A_485, 8 : i32
    %get3A_487 = arith.index_cast %multiple_of3A_486 : i32 to index
    %get3A_488 = tpu.vector_load %arg8[%get3A_487] {strides = array<i32>} : memref<528xi32, #tpu.memory_space<vmem>>, vector<16xi32>,
    %get3A_489 = arith.index_cast %multiple_of3A_486 : i32 to index
    %get3A_490 = tpu.vector_load %arg9[%get3A_489] {strides = array<i32>} : memref<528xi32, #tpu.memory_space<vmem>>, vector<16xi32>,
    %broadcast_in_dim3A = arith.constant 0 : i32
    %broadcast_in_dim3A_491 = vector.broadcast %broadcast_in_dim3A : i32 to vector<16xi32>
    %slice3A_492 = vector.extract_strided_slice %get3A_488 {offsets = [0], sizes = [1], strides = [1]} : vector<16xi32> to vector<1xi32>
    %squeeze3A_493 = vector.extract %slice3A_492[0] : i32 from vector<1xi32>
    %and3A = arith.constant 127 : i32
    %and3A_494 = arith.andi %squeeze3A_493, %and3A : i32
    %broadcast_in_dim3A_495 = vector.broadcast %and3A_494 : i32 to vector<16xi32>
    %slice3A_496 = vector.extract_strided_slice %get3A_490 {offsets = [0], sizes = [1], strides = [1]} : vector<16xi32> to vector<1xi32>
    %squeeze3A_497 = vector.extract %slice3A_496[0] : i32 from vector<1xi32>
    %and3A_498 = arith.constant 127 : i32
    %and3A_499 = arith.andi %squeeze3A_497, %and3A_498 : i32
    %broadcast_in_dim3A_500 = vector.broadcast %and3A_499 : i32 to vector<16xi32>
    %broadcast_in_dim3A_501 = arith.constant 0 : i32
    %broadcast_in_dim3A_502 = vector.broadcast %broadcast_in_dim3A_501 : i32 to vector<16xi32>
    %gather3A = tpu.vector_load_idx %arg10[%broadcast_in_dim3A_491, %broadcast_in_dim3A_502, %iota3A, %broadcast_in_dim3A_495] : memref<3x4x32x128xf32, #tpu.memory_space<vmem>>[vector<16xi32>, vector<16xi32>, vector<16xi32>, vector<16xi32>], vector<16xf32>,
    %add3A_503 = arith.constant 16 : i32
    %add3A_504 = vector.broadcast %add3A_503 : i32 to vector<16xi32>
    %add3A_505 = arith.addi %iota3A, %add3A_504 : vector<16xi32>
    %gather3A_506 = tpu.vector_load_idx %arg10[%broadcast_in_dim3A_491, %broadcast_in_dim3A_502, %add3A_505, %broadcast_in_dim3A_495] : memref<3x4x32x128xf32, #tpu.memory_space<vmem>>[vector<16xi32>, vector<16xi32>, vector<16xi32>, vector<16xi32>], vector<16xf32>,
    %gather3A_507 = tpu.vector_load_idx %arg11[%broadcast_in_dim3A_491, %broadcast_in_dim3A_502, %iota3A, %broadcast_in_dim3A_500] : memref<3x4x32x128xf32, #tpu.memory_space<vmem>>[vector<16xi32>, vector<16xi32>, vector<16xi32>, vector<16xi32>], vector<16xf32>,
    %add3A_508 = arith.constant 16 : i32
    %add3A_509 = vector.broadcast %add3A_508 : i32 to vector<16xi32>
    %add3A_510 = arith.addi %iota3A, %add3A_509 : vector<16xi32>
    %gather3A_511 = tpu.vector_load_idx %arg11[%broadcast_in_dim3A_491, %broadcast_in_dim3A_502, %add3A_510, %broadcast_in_dim3A_500] : memref<3x4x32x128xf32, #tpu.memory_space<vmem>>[vector<16xi32>, vector<16xi32>, vector<16xi32>, vector<16xi32>], vector<16xf32>,
    %mul3A_512 = arith.mulf %gather3A, %gather3A_507 : vector<16xf32>
    %mul3A_513 = arith.mulf %mul3A_512, %get3A_3 : vector<16xf32>
    %mul3A_514 = arith.mulf %gather3A_506, %gather3A_511 : vector<16xf32>
    %mul3A_515 = arith.mulf %mul3A_514, %get3A_5 : vector<16xf32>
    %add3A_516 = arith.addf %mul3A_513, %mul3A_515 : vector<16xf32>
    %swap3A = arith.constant 126 : i32
    %swap3A_517 = arith.index_cast %swap3A : i32 to index
    %swap3A_518 = arith.constant 0 : index
    %swap3A_519 = tpu.vector_load %arg13[%swap3A_517, %swap3A_518] {strides = array<i32>} : memref<128x64xf32, #tpu.memory_space<vmem>>, vector<16xf32>,
    tpu.vector_store %arg13[%swap3A_517, %swap3A_518], %add3A_516 {strides = array<i32>} : memref<128x64xf32, #tpu.memory_space<vmem>>, vector<16xf32>,
    %slice3A_520 = vector.extract_strided_slice %get3A_488 {offsets = [1], sizes = [1], strides = [1]} : vector<16xi32> to vector<1xi32>
    %squeeze3A_521 = vector.extract %slice3A_520[0] : i32 from vector<1xi32>
    %and3A_522 = arith.constant 127 : i32
    %and3A_523 = arith.andi %squeeze3A_521, %and3A_522 : i32
    %broadcast_in_dim3A_524 = vector.broadcast %and3A_523 : i32 to vector<16xi32>
    %slice3A_525 = vector.extract_strided_slice %get3A_490 {offsets = [1], sizes = [1], strides = [1]} : vector<16xi32> to vector<1xi32>
    %squeeze3A_526 = vector.extract %slice3A_525[0] : i32 from vector<1xi32>
    %and3A_527 = arith.constant 127 : i32
    %and3A_528 = arith.andi %squeeze3A_526, %and3A_527 : i32
    %broadcast_in_dim3A_529 = vector.broadcast %and3A_528 : i32 to vector<16xi32>
    %broadcast_in_dim3A_530 = arith.constant 1 : i32
    %broadcast_in_dim3A_531 = vector.broadcast %broadcast_in_dim3A_530 : i32 to vector<16xi32>
    %gather3A_532 = tpu.vector_load_idx %arg10[%broadcast_in_dim3A_491, %broadcast_in_dim3A_531, %iota3A, %broadcast_in_dim3A_524] : memref<3x4x32x128xf32, #tpu.memory_space<vmem>>[vector<16xi32>, vector<16xi32>, vector<16xi32>, vector<16xi32>], vector<16xf32>,
    %add3A_533 = arith.constant 16 : i32
    %add3A_534 = vector.broadcast %add3A_533 : i32 to vector<16xi32>
    %add3A_535 = arith.addi %iota3A, %add3A_534 : vector<16xi32>
    %gather3A_536 = tpu.vector_load_idx %arg10[%broadcast_in_dim3A_491, %broadcast_in_dim3A_531, %add3A_535, %broadcast_in_dim3A_524] : memref<3x4x32x128xf32, #tpu.memory_space<vmem>>[vector<16xi32>, vector<16xi32>, vector<16xi32>, vector<16xi32>], vector<16xf32>,
    %gather3A_537 = tpu.vector_load_idx %arg11[%broadcast_in_dim3A_491, %broadcast_in_dim3A_531, %iota3A, %broadcast_in_dim3A_529] : memref<3x4x32x128xf32, #tpu.memory_space<vmem>>[vector<16xi32>, vector<16xi32>, vector<16xi32>, vector<16xi32>], vector<16xf32>,
    %add3A_538 = arith.constant 16 : i32
    %add3A_539 = vector.broadcast %add3A_538 : i32 to vector<16xi32>
    %add3A_540 = arith.addi %iota3A, %add3A_539 : vector<16xi32>
    %gather3A_541 = tpu.vector_load_idx %arg11[%broadcast_in_dim3A_491, %broadcast_in_dim3A_531, %add3A_540, %broadcast_in_dim3A_529] : memref<3x4x32x128xf32, #tpu.memory_space<vmem>>[vector<16xi32>, vector<16xi32>, vector<16xi32>, vector<16xi32>], vector<16xf32>,
    %mul3A_542 = arith.mulf %gather3A_532, %gather3A_537 : vector<16xf32>
    %mul3A_543 = arith.mulf %mul3A_542, %get3A_3 : vector<16xf32>
    %mul3A_544 = arith.mulf %gather3A_536, %gather3A_541 : vector<16xf32>
    %mul3A_545 = arith.mulf %mul3A_544, %get3A_5 : vector<16xf32>
    %add3A_546 = arith.addf %mul3A_543, %mul3A_545 : vector<16xf32>
    %swap3A_547 = arith.constant 126 : i32
    %swap3A_548 = arith.index_cast %swap3A_547 : i32 to index
    %swap3A_549 = arith.constant 16 : index
    %swap3A_550 = tpu.vector_load %arg13[%swap3A_548, %swap3A_549] {strides = array<i32>} : memref<128x64xf32, #tpu.memory_space<vmem>>, vector<16xf32>,
    tpu.vector_store %arg13[%swap3A_548, %swap3A_549], %add3A_546 {strides = array<i32>} : memref<128x64xf32, #tpu.memory_space<vmem>>, vector<16xf32>,
    %slice3A_551 = vector.extract_strided_slice %get3A_488 {offsets = [2], sizes = [1], strides = [1]} : vector<16xi32> to vector<1xi32>
    %squeeze3A_552 = vector.extract %slice3A_551[0] : i32 from vector<1xi32>
    %and3A_553 = arith.constant 127 : i32
    %and3A_554 = arith.andi %squeeze3A_552, %and3A_553 : i32
    %broadcast_in_dim3A_555 = vector.broadcast %and3A_554 : i32 to vector<16xi32>
    %slice3A_556 = vector.extract_strided_slice %get3A_490 {offsets = [2], sizes = [1], strides = [1]} : vector<16xi32> to vector<1xi32>
    %squeeze3A_557 = vector.extract %slice3A_556[0] : i32 from vector<1xi32>
    %and3A_558 = arith.constant 127 : i32
    %and3A_559 = arith.andi %squeeze3A_557, %and3A_558 : i32
    %broadcast_in_dim3A_560 = vector.broadcast %and3A_559 : i32 to vector<16xi32>
    %broadcast_in_dim3A_561 = arith.constant 2 : i32
    %broadcast_in_dim3A_562 = vector.broadcast %broadcast_in_dim3A_561 : i32 to vector<16xi32>
    %gather3A_563 = tpu.vector_load_idx %arg10[%broadcast_in_dim3A_491, %broadcast_in_dim3A_562, %iota3A, %broadcast_in_dim3A_555] : memref<3x4x32x128xf32, #tpu.memory_space<vmem>>[vector<16xi32>, vector<16xi32>, vector<16xi32>, vector<16xi32>], vector<16xf32>,
    %add3A_564 = arith.constant 16 : i32
    %add3A_565 = vector.broadcast %add3A_564 : i32 to vector<16xi32>
    %add3A_566 = arith.addi %iota3A, %add3A_565 : vector<16xi32>
    %gather3A_567 = tpu.vector_load_idx %arg10[%broadcast_in_dim3A_491, %broadcast_in_dim3A_562, %add3A_566, %broadcast_in_dim3A_555] : memref<3x4x32x128xf32, #tpu.memory_space<vmem>>[vector<16xi32>, vector<16xi32>, vector<16xi32>, vector<16xi32>], vector<16xf32>,
    %gather3A_568 = tpu.vector_load_idx %arg11[%broadcast_in_dim3A_491, %broadcast_in_dim3A_562, %iota3A, %broadcast_in_dim3A_560] : memref<3x4x32x128xf32, #tpu.memory_space<vmem>>[vector<16xi32>, vector<16xi32>, vector<16xi32>, vector<16xi32>], vector<16xf32>,
    %add3A_569 = arith.constant 16 : i32
    %add3A_570 = vector.broadcast %add3A_569 : i32 to vector<16xi32>
    %add3A_571 = arith.addi %iota3A, %add3A_570 : vector<16xi32>
    %gather3A_572 = tpu.vector_load_idx %arg11[%broadcast_in_dim3A_491, %broadcast_in_dim3A_562, %add3A_571, %broadcast_in_dim3A_560] : memref<3x4x32x128xf32, #tpu.memory_space<vmem>>[vector<16xi32>, vector<16xi32>, vector<16xi32>, vector<16xi32>], vector<16xf32>,
    %mul3A_573 = arith.mulf %gather3A_563, %gather3A_568 : vector<16xf32>
    %mul3A_574 = arith.mulf %mul3A_573, %get3A_3 : vector<16xf32>
    %mul3A_575 = arith.mulf %gather3A_567, %gather3A_572 : vector<16xf32>
    %mul3A_576 = arith.mulf %mul3A_575, %get3A_5 : vector<16xf32>
    %add3A_577 = arith.addf %mul3A_574, %mul3A_576 : vector<16xf32>
    %swap3A_578 = arith.constant 126 : i32
    %swap3A_579 = arith.index_cast %swap3A_578 : i32 to index
    %swap3A_580 = arith.constant 32 : index
    %swap3A_581 = tpu.vector_load %arg13[%swap3A_579, %swap3A_580] {strides = array<i32>} : memref<128x64xf32, #tpu.memory_space<vmem>>, vector<16xf32>,
    tpu.vector_store %arg13[%swap3A_579, %swap3A_580], %add3A_577 {strides = array<i32>} : memref<128x64xf32, #tpu.memory_space<vmem>>, vector<16xf32>,
    %slice3A_582 = vector.extract_strided_slice %get3A_488 {offsets = [3], sizes = [1], strides = [1]} : vector<16xi32> to vector<1xi32>
    %squeeze3A_583 = vector.extract %slice3A_582[0] : i32 from vector<1xi32>
    %and3A_584 = arith.constant 127 : i32
    %and3A_585 = arith.andi %squeeze3A_583, %and3A_584 : i32
    %broadcast_in_dim3A_586 = vector.broadcast %and3A_585 : i32 to vector<16xi32>
    %slice3A_587 = vector.extract_strided_slice %get3A_490 {offsets = [3], sizes = [1], strides = [1]} : vector<16xi32> to vector<1xi32>
    %squeeze3A_588 = vector.extract %slice3A_587[0] : i32 from vector<1xi32>
    %and3A_589 = arith.constant 127 : i32
    %and3A_590 = arith.andi %squeeze3A_588, %and3A_589 : i32
    %broadcast_in_dim3A_591 = vector.broadcast %and3A_590 : i32 to vector<16xi32>
    %broadcast_in_dim3A_592 = arith.constant 3 : i32
    %broadcast_in_dim3A_593 = vector.broadcast %broadcast_in_dim3A_592 : i32 to vector<16xi32>
    %gather3A_594 = tpu.vector_load_idx %arg10[%broadcast_in_dim3A_491, %broadcast_in_dim3A_593, %iota3A, %broadcast_in_dim3A_586] : memref<3x4x32x128xf32, #tpu.memory_space<vmem>>[vector<16xi32>, vector<16xi32>, vector<16xi32>, vector<16xi32>], vector<16xf32>,
    %add3A_595 = arith.constant 16 : i32
    %add3A_596 = vector.broadcast %add3A_595 : i32 to vector<16xi32>
    %add3A_597 = arith.addi %iota3A, %add3A_596 : vector<16xi32>
    %gather3A_598 = tpu.vector_load_idx %arg10[%broadcast_in_dim3A_491, %broadcast_in_dim3A_593, %add3A_597, %broadcast_in_dim3A_586] : memref<3x4x32x128xf32, #tpu.memory_space<vmem>>[vector<16xi32>, vector<16xi32>, vector<16xi32>, vector<16xi32>], vector<16xf32>,
    %gather3A_599 = tpu.vector_load_idx %arg11[%broadcast_in_dim3A_491, %broadcast_in_dim3A_593, %iota3A, %broadcast_in_dim3A_591] : memref<3x4x32x128xf32, #tpu.memory_space<vmem>>[vector<16xi32>, vector<16xi32>, vector<16xi32>, vector<16xi32>], vector<16xf32>,
    %add3A_600 = arith.constant 16 : i32
    %add3A_601 = vector.broadcast %add3A_600 : i32 to vector<16xi32>
    %add3A_602 = arith.addi %iota3A, %add3A_601 : vector<16xi32>
    %gather3A_603 = tpu.vector_load_idx %arg11[%broadcast_in_dim3A_491, %broadcast_in_dim3A_593, %add3A_602, %broadcast_in_dim3A_591] : memref<3x4x32x128xf32, #tpu.memory_space<vmem>>[vector<16xi32>, vector<16xi32>, vector<16xi32>, vector<16xi32>], vector<16xf32>,
    %mul3A_604 = arith.mulf %gather3A_594, %gather3A_599 : vector<16xf32>
    %mul3A_605 = arith.mulf %mul3A_604, %get3A_3 : vector<16xf32>
    %mul3A_606 = arith.mulf %gather3A_598, %gather3A_603 : vector<16xf32>
    %mul3A_607 = arith.mulf %mul3A_606, %get3A_5 : vector<16xf32>
    %add3A_608 = arith.addf %mul3A_605, %mul3A_607 : vector<16xf32>
    %swap3A_609 = arith.constant 126 : i32
    %swap3A_610 = arith.index_cast %swap3A_609 : i32 to index
    %swap3A_611 = arith.constant 48 : index
    %swap3A_612 = tpu.vector_load %arg13[%swap3A_610, %swap3A_611] {strides = array<i32>} : memref<128x64xf32, #tpu.memory_space<vmem>>, vector<16xf32>,
    tpu.vector_store %arg13[%swap3A_610, %swap3A_611], %add3A_608 {strides = array<i32>} : memref<128x64xf32, #tpu.memory_space<vmem>>, vector<16xf32>,
    %dma_wait3A_613 = arith.constant 0 : i32
    %dma_wait3A_614 = arith.constant 0 : i32
    %dma_wait3A_615 = arith.constant 0 : i32
    %dma_wait3A_616 = arith.constant 0 : i32
    %dma_wait3A_617 = tpu.memref_slice %arg10[%dma_wait3A_613, %dma_wait3A_614, %dma_wait3A_615, %dma_wait3A_616] : memref<3x4x32x128xf32, #tpu.memory_space<vmem>> -> memref<1x1x32x128xf32, #tpu.memory_space<vmem>>
    %dma_wait3A_618 = tpu.memref_squeeze %dma_wait3A_617 : memref<1x1x32x128xf32, #tpu.memory_space<vmem>> -> memref<32x128xf32, #tpu.memory_space<vmem>>
    %dma_wait3A_619 = arith.constant 0 : i32
    %dma_wait3A_620 = arith.constant 0 : i32
    %dma_wait3A_621 = tpu.memref_slice %arg4[%dma_wait3A_619, %dma_wait3A_620] : memref<32x1000000xf32, #tpu.memory_space<hbm>> -> memref<32x128xf32, #tpu.memory_space<hbm>>
    %dma_wait3A_622 = arith.constant 0 : i32
    %dma_wait3A_623 = arith.constant 0 : i32
    %dma_wait3A_624 = tpu.memref_slice %arg10[%dma_wait3A_613, %dma_wait3A_614, %dma_wait3A_622, %dma_wait3A_623] : memref<3x4x32x128xf32, #tpu.memory_space<vmem>> -> memref<1x1x32x128xf32, #tpu.memory_space<vmem>>
    %dma_wait3A_625 = tpu.memref_squeeze %dma_wait3A_624 : memref<1x1x32x128xf32, #tpu.memory_space<vmem>> -> memref<32x128xf32, #tpu.memory_space<vmem>>
    %dma_wait3A_626 = arith.constant 0 : i32
    %dma_wait3A_627 = arith.constant 0 : i32
    %dma_wait3A_628 = tpu.memref_slice %arg4[%dma_wait3A_626, %dma_wait3A_627] : memref<32x1000000xf32, #tpu.memory_space<hbm>> -> memref<32x128xf32, #tpu.memory_space<hbm>>
    tpu.wait_dma2 semaphore(%arg15 : memref<!tpu.dma_semaphore, #tpu.memory_space<semaphore_mem>>) src(%dma_wait3A_628 : memref<32x128xf32, #tpu.memory_space<hbm>>) dst(%dma_wait3A_625 : memref<32x128xf32, #tpu.memory_space<vmem>>)
    %dma_wait3A_629 = arith.constant 0 : i32
    %dma_wait3A_630 = arith.constant 0 : i32
    %dma_wait3A_631 = arith.constant 0 : i32
    %dma_wait3A_632 = arith.constant 0 : i32
    %dma_wait3A_633 = tpu.memref_slice %arg11[%dma_wait3A_629, %dma_wait3A_630, %dma_wait3A_631, %dma_wait3A_632] : memref<3x4x32x128xf32, #tpu.memory_space<vmem>> -> memref<1x1x32x128xf32, #tpu.memory_space<vmem>>
    %dma_wait3A_634 = tpu.memref_squeeze %dma_wait3A_633 : memref<1x1x32x128xf32, #tpu.memory_space<vmem>> -> memref<32x128xf32, #tpu.memory_space<vmem>>
    %dma_wait3A_635 = arith.constant 0 : i32
    %dma_wait3A_636 = arith.constant 0 : i32
    %dma_wait3A_637 = tpu.memref_slice %arg5[%dma_wait3A_635, %dma_wait3A_636] : memref<32x1000000xf32, #tpu.memory_space<hbm>> -> memref<32x128xf32, #tpu.memory_space<hbm>>
    %dma_wait3A_638 = arith.constant 0 : i32
    %dma_wait3A_639 = arith.constant 0 : i32
    %dma_wait3A_640 = tpu.memref_slice %arg11[%dma_wait3A_629, %dma_wait3A_630, %dma_wait3A_638, %dma_wait3A_639] : memref<3x4x32x128xf32, #tpu.memory_space<vmem>> -> memref<1x1x32x128xf32, #tpu.memory_space<vmem>>
    %dma_wait3A_641 = tpu.memref_squeeze %dma_wait3A_640 : memref<1x1x32x128xf32, #tpu.memory_space<vmem>> -> memref<32x128xf32, #tpu.memory_space<vmem>>
    %dma_wait3A_642 = arith.constant 0 : i32
    %dma_wait3A_643 = arith.constant 0 : i32
    %dma_wait3A_644 = tpu.memref_slice %arg5[%dma_wait3A_642, %dma_wait3A_643] : memref<32x1000000xf32, #tpu.memory_space<hbm>> -> memref<32x128xf32, #tpu.memory_space<hbm>>
    tpu.wait_dma2 semaphore(%arg16 : memref<!tpu.dma_semaphore, #tpu.memory_space<semaphore_mem>>) src(%dma_wait3A_644 : memref<32x128xf32, #tpu.memory_space<hbm>>) dst(%dma_wait3A_641 : memref<32x128xf32, #tpu.memory_space<vmem>>)
    %dma_wait3A_645 = arith.constant 0 : i32
    %dma_wait3A_646 = arith.constant 0 : i32
    %dma_wait3A_647 = arith.constant 0 : i32
    %dma_wait3A_648 = arith.constant 0 : i32
    %dma_wait3A_649 = tpu.memref_slice %arg10[%dma_wait3A_645, %dma_wait3A_646, %dma_wait3A_647, %dma_wait3A_648] : memref<3x4x32x128xf32, #tpu.memory_space<vmem>> -> memref<1x1x32x128xf32, #tpu.memory_space<vmem>>
    %dma_wait3A_650 = tpu.memref_squeeze %dma_wait3A_649 : memref<1x1x32x128xf32, #tpu.memory_space<vmem>> -> memref<32x128xf32, #tpu.memory_space<vmem>>
    %dma_wait3A_651 = arith.constant 0 : i32
    %dma_wait3A_652 = arith.constant 0 : i32
    %dma_wait3A_653 = tpu.memref_slice %arg4[%dma_wait3A_651, %dma_wait3A_652] : memref<32x1000000xf32, #tpu.memory_space<hbm>> -> memref<32x128xf32, #tpu.memory_space<hbm>>
    %dma_wait3A_654 = arith.constant 0 : i32
    %dma_wait3A_655 = arith.constant 0 : i32
    %dma_wait3A_656 = tpu.memref_slice %arg10[%dma_wait3A_645, %dma_wait3A_646, %dma_wait3A_654, %dma_wait3A_655] : memref<3x4x32x128xf32, #tpu.memory_space<vmem>> -> memref<1x1x32x128xf32, #tpu.memory_space<vmem>>
    %dma_wait3A_657 = tpu.memref_squeeze %dma_wait3A_656 : memref<1x1x32x128xf32, #tpu.memory_space<vmem>> -> memref<32x128xf32, #tpu.memory_space<vmem>>
    %dma_wait3A_658 = arith.constant 0 : i32
    %dma_wait3A_659 = arith.constant 0 : i32
    %dma_wait3A_660 = tpu.memref_slice %arg4[%dma_wait3A_658, %dma_wait3A_659] : memref<32x1000000xf32, #tpu.memory_space<hbm>> -> memref<32x128xf32, #tpu.memory_space<hbm>>
    tpu.wait_dma2 semaphore(%arg15 : memref<!tpu.dma_semaphore, #tpu.memory_space<semaphore_mem>>) src(%dma_wait3A_660 : memref<32x128xf32, #tpu.memory_space<hbm>>) dst(%dma_wait3A_657 : memref<32x128xf32, #tpu.memory_space<vmem>>)
    %dma_wait3A_661 = arith.constant 0 : i32
    %dma_wait3A_662 = arith.constant 0 : i32
    %dma_wait3A_663 = arith.constant 0 : i32
    %dma_wait3A_664 = arith.constant 0 : i32
    %dma_wait3A_665 = tpu.memref_slice %arg11[%dma_wait3A_661, %dma_wait3A_662, %dma_wait3A_663, %dma_wait3A_664] : memref<3x4x32x128xf32, #tpu.memory_space<vmem>> -> memref<1x1x32x128xf32, #tpu.memory_space<vmem>>
    %dma_wait3A_666 = tpu.memref_squeeze %dma_wait3A_665 : memref<1x1x32x128xf32, #tpu.memory_space<vmem>> -> memref<32x128xf32, #tpu.memory_space<vmem>>
    %dma_wait3A_667 = arith.constant 0 : i32
    %dma_wait3A_668 = arith.constant 0 : i32
    %dma_wait3A_669 = tpu.memref_slice %arg5[%dma_wait3A_667, %dma_wait3A_668] : memref<32x1000000xf32, #tpu.memory_space<hbm>> -> memref<32x128xf32, #tpu.memory_space<hbm>>
    %dma_wait3A_670 = arith.constant 0 : i32
    %dma_wait3A_671 = arith.constant 0 : i32
    %dma_wait3A_672 = tpu.memref_slice %arg11[%dma_wait3A_661, %dma_wait3A_662, %dma_wait3A_670, %dma_wait3A_671] : memref<3x4x32x128xf32, #tpu.memory_space<vmem>> -> memref<1x1x32x128xf32, #tpu.memory_space<vmem>>
    %dma_wait3A_673 = tpu.memref_squeeze %dma_wait3A_672 : memref<1x1x32x128xf32, #tpu.memory_space<vmem>> -> memref<32x128xf32, #tpu.memory_space<vmem>>
    %dma_wait3A_674 = arith.constant 0 : i32
    %dma_wait3A_675 = arith.constant 0 : i32
    %dma_wait3A_676 = tpu.memref_slice %arg5[%dma_wait3A_674, %dma_wait3A_675] : memref<32x1000000xf32, #tpu.memory_space<hbm>> -> memref<32x128xf32, #tpu.memory_space<hbm>>
    tpu.wait_dma2 semaphore(%arg16 : memref<!tpu.dma_semaphore, #tpu.memory_space<semaphore_mem>>) src(%dma_wait3A_676 : memref<32x128xf32, #tpu.memory_space<hbm>>) dst(%dma_wait3A_673 : memref<32x128xf32, #tpu.memory_space<vmem>>)
    %dma_wait3A_677 = arith.constant 0 : i32
    %dma_wait3A_678 = arith.constant 0 : i32
    %dma_wait3A_679 = arith.constant 0 : i32
    %dma_wait3A_680 = arith.constant 0 : i32
    %dma_wait3A_681 = tpu.memref_slice %arg10[%dma_wait3A_677, %dma_wait3A_678, %dma_wait3A_679, %dma_wait3A_680] : memref<3x4x32x128xf32, #tpu.memory_space<vmem>> -> memref<1x1x32x128xf32, #tpu.memory_space<vmem>>
    %dma_wait3A_682 = tpu.memref_squeeze %dma_wait3A_681 : memref<1x1x32x128xf32, #tpu.memory_space<vmem>> -> memref<32x128xf32, #tpu.memory_space<vmem>>
    %dma_wait3A_683 = arith.constant 0 : i32
    %dma_wait3A_684 = arith.constant 0 : i32
    %dma_wait3A_685 = tpu.memref_slice %arg4[%dma_wait3A_683, %dma_wait3A_684] : memref<32x1000000xf32, #tpu.memory_space<hbm>> -> memref<32x128xf32, #tpu.memory_space<hbm>>
    %dma_wait3A_686 = arith.constant 0 : i32
    %dma_wait3A_687 = arith.constant 0 : i32
    %dma_wait3A_688 = tpu.memref_slice %arg10[%dma_wait3A_677, %dma_wait3A_678, %dma_wait3A_686, %dma_wait3A_687] : memref<3x4x32x128xf32, #tpu.memory_space<vmem>> -> memref<1x1x32x128xf32, #tpu.memory_space<vmem>>
    %dma_wait3A_689 = tpu.memref_squeeze %dma_wait3A_688 : memref<1x1x32x128xf32, #tpu.memory_space<vmem>> -> memref<32x128xf32, #tpu.memory_space<vmem>>
    %dma_wait3A_690 = arith.constant 0 : i32
    %dma_wait3A_691 = arith.constant 0 : i32
    %dma_wait3A_692 = tpu.memref_slice %arg4[%dma_wait3A_690, %dma_wait3A_691] : memref<32x1000000xf32, #tpu.memory_space<hbm>> -> memref<32x128xf32, #tpu.memory_space<hbm>>
    tpu.wait_dma2 semaphore(%arg15 : memref<!tpu.dma_semaphore, #tpu.memory_space<semaphore_mem>>) src(%dma_wait3A_692 : memref<32x128xf32, #tpu.memory_space<hbm>>) dst(%dma_wait3A_689 : memref<32x128xf32, #tpu.memory_space<vmem>>)
    %dma_wait3A_693 = arith.constant 0 : i32
    %dma_wait3A_694 = arith.constant 0 : i32
    %dma_wait3A_695 = arith.constant 0 : i32
    %dma_wait3A_696 = arith.constant 0 : i32
    %dma_wait3A_697 = tpu.memref_slice %arg11[%dma_wait3A_693, %dma_wait3A_694, %dma_wait3A_695, %dma_wait3A_696] : memref<3x4x32x128xf32, #tpu.memory_space<vmem>> -> memref<1x1x32x128xf32, #tpu.memory_space<vmem>>
    %dma_wait3A_698 = tpu.memref_squeeze %dma_wait3A_697 : memref<1x1x32x128xf32, #tpu.memory_space<vmem>> -> memref<32x128xf32, #tpu.memory_space<vmem>>
    %dma_wait3A_699 = arith.constant 0 : i32
    %dma_wait3A_700 = arith.constant 0 : i32
    %dma_wait3A_701 = tpu.memref_slice %arg5[%dma_wait3A_699, %dma_wait3A_700] : memref<32x1000000xf32, #tpu.memory_space<hbm>> -> memref<32x128xf32, #tpu.memory_space<hbm>>
    %dma_wait3A_702 = arith.constant 0 : i32
    %dma_wait3A_703 = arith.constant 0 : i32
    %dma_wait3A_704 = tpu.memref_slice %arg11[%dma_wait3A_693, %dma_wait3A_694, %dma_wait3A_702, %dma_wait3A_703] : memref<3x4x32x128xf32, #tpu.memory_space<vmem>> -> memref<1x1x32x128xf32, #tpu.memory_space<vmem>>
    %dma_wait3A_705 = tpu.memref_squeeze %dma_wait3A_704 : memref<1x1x32x128xf32, #tpu.memory_space<vmem>> -> memref<32x128xf32, #tpu.memory_space<vmem>>
    %dma_wait3A_706 = arith.constant 0 : i32
    %dma_wait3A_707 = arith.constant 0 : i32
    %dma_wait3A_708 = tpu.memref_slice %arg5[%dma_wait3A_706, %dma_wait3A_707] : memref<32x1000000xf32, #tpu.memory_space<hbm>> -> memref<32x128xf32, #tpu.memory_space<hbm>>
    tpu.wait_dma2 semaphore(%arg16 : memref<!tpu.dma_semaphore, #tpu.memory_space<semaphore_mem>>) src(%dma_wait3A_708 : memref<32x128xf32, #tpu.memory_space<hbm>>) dst(%dma_wait3A_705 : memref<32x128xf32, #tpu.memory_space<vmem>>)
    %dma_wait3A_709 = arith.constant 0 : i32
    %dma_wait3A_710 = arith.constant 0 : i32
    %dma_wait3A_711 = arith.constant 0 : i32
    %dma_wait3A_712 = arith.constant 0 : i32
    %dma_wait3A_713 = tpu.memref_slice %arg10[%dma_wait3A_709, %dma_wait3A_710, %dma_wait3A_711, %dma_wait3A_712] : memref<3x4x32x128xf32, #tpu.memory_space<vmem>> -> memref<1x1x32x128xf32, #tpu.memory_space<vmem>>
    %dma_wait3A_714 = tpu.memref_squeeze %dma_wait3A_713 : memref<1x1x32x128xf32, #tpu.memory_space<vmem>> -> memref<32x128xf32, #tpu.memory_space<vmem>>
    %dma_wait3A_715 = arith.constant 0 : i32
    %dma_wait3A_716 = arith.constant 0 : i32
    %dma_wait3A_717 = tpu.memref_slice %arg4[%dma_wait3A_715, %dma_wait3A_716] : memref<32x1000000xf32, #tpu.memory_space<hbm>> -> memref<32x128xf32, #tpu.memory_space<hbm>>
    %dma_wait3A_718 = arith.constant 0 : i32
    %dma_wait3A_719 = arith.constant 0 : i32
    %dma_wait3A_720 = tpu.memref_slice %arg10[%dma_wait3A_709, %dma_wait3A_710, %dma_wait3A_718, %dma_wait3A_719] : memref<3x4x32x128xf32, #tpu.memory_space<vmem>> -> memref<1x1x32x128xf32, #tpu.memory_space<vmem>>
    %dma_wait3A_721 = tpu.memref_squeeze %dma_wait3A_720 : memref<1x1x32x128xf32, #tpu.memory_space<vmem>> -> memref<32x128xf32, #tpu.memory_space<vmem>>
    %dma_wait3A_722 = arith.constant 0 : i32
    %dma_wait3A_723 = arith.constant 0 : i32
    %dma_wait3A_724 = tpu.memref_slice %arg4[%dma_wait3A_722, %dma_wait3A_723] : memref<32x1000000xf32, #tpu.memory_space<hbm>> -> memref<32x128xf32, #tpu.memory_space<hbm>>
    tpu.wait_dma2 semaphore(%arg15 : memref<!tpu.dma_semaphore, #tpu.memory_space<semaphore_mem>>) src(%dma_wait3A_724 : memref<32x128xf32, #tpu.memory_space<hbm>>) dst(%dma_wait3A_721 : memref<32x128xf32, #tpu.memory_space<vmem>>)
    %dma_wait3A_725 = arith.constant 0 : i32
    %dma_wait3A_726 = arith.constant 0 : i32
    %dma_wait3A_727 = arith.constant 0 : i32
    %dma_wait3A_728 = arith.constant 0 : i32
    %dma_wait3A_729 = tpu.memref_slice %arg11[%dma_wait3A_725, %dma_wait3A_726, %dma_wait3A_727, %dma_wait3A_728] : memref<3x4x32x128xf32, #tpu.memory_space<vmem>> -> memref<1x1x32x128xf32, #tpu.memory_space<vmem>>
    %dma_wait3A_730 = tpu.memref_squeeze %dma_wait3A_729 : memref<1x1x32x128xf32, #tpu.memory_space<vmem>> -> memref<32x128xf32, #tpu.memory_space<vmem>>
    %dma_wait3A_731 = arith.constant 0 : i32
    %dma_wait3A_732 = arith.constant 0 : i32
    %dma_wait3A_733 = tpu.memref_slice %arg5[%dma_wait3A_731, %dma_wait3A_732] : memref<32x1000000xf32, #tpu.memory_space<hbm>> -> memref<32x128xf32, #tpu.memory_space<hbm>>
    %dma_wait3A_734 = arith.constant 0 : i32
    %dma_wait3A_735 = arith.constant 0 : i32
    %dma_wait3A_736 = tpu.memref_slice %arg11[%dma_wait3A_725, %dma_wait3A_726, %dma_wait3A_734, %dma_wait3A_735] : memref<3x4x32x128xf32, #tpu.memory_space<vmem>> -> memref<1x1x32x128xf32, #tpu.memory_space<vmem>>
    %dma_wait3A_737 = tpu.memref_squeeze %dma_wait3A_736 : memref<1x1x32x128xf32, #tpu.memory_space<vmem>> -> memref<32x128xf32, #tpu.memory_space<vmem>>
    %dma_wait3A_738 = arith.constant 0 : i32
    %dma_wait3A_739 = arith.constant 0 : i32
    %dma_wait3A_740 = tpu.memref_slice %arg5[%dma_wait3A_738, %dma_wait3A_739] : memref<32x1000000xf32, #tpu.memory_space<hbm>> -> memref<32x128xf32, #tpu.memory_space<hbm>>
    tpu.wait_dma2 semaphore(%arg16 : memref<!tpu.dma_semaphore, #tpu.memory_space<semaphore_mem>>) src(%dma_wait3A_740 : memref<32x128xf32, #tpu.memory_space<hbm>>) dst(%dma_wait3A_737 : memref<32x128xf32, #tpu.memory_space<vmem>>)
    %multiple_of3A_741 = arith.constant 504 : i32
    %multiple_of3A_742 = tpu.assume_multiple %multiple_of3A_741, 8 : i32
    %get3A_743 = arith.index_cast %multiple_of3A_742 : i32 to index
    %get3A_744 = tpu.vector_load %arg8[%get3A_743] {strides = array<i32>} : memref<528xi32, #tpu.memory_space<vmem>>, vector<16xi32>,
    %get3A_745 = arith.index_cast %multiple_of3A_742 : i32 to index
    %get3A_746 = tpu.vector_load %arg9[%get3A_745] {strides = array<i32>} : memref<528xi32, #tpu.memory_space<vmem>>, vector<16xi32>,
    %broadcast_in_dim3A_747 = arith.constant 1 : i32
    %broadcast_in_dim3A_748 = vector.broadcast %broadcast_in_dim3A_747 : i32 to vector<16xi32>
    %slice3A_749 = vector.extract_strided_slice %get3A_744 {offsets = [4], sizes = [1], strides = [1]} : vector<16xi32> to vector<1xi32>
    %squeeze3A_750 = vector.extract %slice3A_749[0] : i32 from vector<1xi32>
    %and3A_751 = arith.constant 127 : i32
    %and3A_752 = arith.andi %squeeze3A_750, %and3A_751 : i32
    %broadcast_in_dim3A_753 = vector.broadcast %and3A_752 : i32 to vector<16xi32>
    %slice3A_754 = vector.extract_strided_slice %get3A_746 {offsets = [4], sizes = [1], strides = [1]} : vector<16xi32> to vector<1xi32>
    %squeeze3A_755 = vector.extract %slice3A_754[0] : i32 from vector<1xi32>
    %and3A_756 = arith.constant 127 : i32
    %and3A_757 = arith.andi %squeeze3A_755, %and3A_756 : i32
    %broadcast_in_dim3A_758 = vector.broadcast %and3A_757 : i32 to vector<16xi32>
    %broadcast_in_dim3A_759 = arith.constant 0 : i32
    %broadcast_in_dim3A_760 = vector.broadcast %broadcast_in_dim3A_759 : i32 to vector<16xi32>
    %gather3A_761 = tpu.vector_load_idx %arg10[%broadcast_in_dim3A_748, %broadcast_in_dim3A_760, %iota3A, %broadcast_in_dim3A_753] : memref<3x4x32x128xf32, #tpu.memory_space<vmem>>[vector<16xi32>, vector<16xi32>, vector<16xi32>, vector<16xi32>], vector<16xf32>,
    %add3A_762 = arith.constant 16 : i32
    %add3A_763 = vector.broadcast %add3A_762 : i32 to vector<16xi32>
    %add3A_764 = arith.addi %iota3A, %add3A_763 : vector<16xi32>
    %gather3A_765 = tpu.vector_load_idx %arg10[%broadcast_in_dim3A_748, %broadcast_in_dim3A_760, %add3A_764, %broadcast_in_dim3A_753] : memref<3x4x32x128xf32, #tpu.memory_space<vmem>>[vector<16xi32>, vector<16xi32>, vector<16xi32>, vector<16xi32>], vector<16xf32>,
    %gather3A_766 = tpu.vector_load_idx %arg11[%broadcast_in_dim3A_748, %broadcast_in_dim3A_760, %iota3A, %broadcast_in_dim3A_758] : memref<3x4x32x128xf32, #tpu.memory_space<vmem>>[vector<16xi32>, vector<16xi32>, vector<16xi32>, vector<16xi32>], vector<16xf32>,
    %add3A_767 = arith.constant 16 : i32
    %add3A_768 = vector.broadcast %add3A_767 : i32 to vector<16xi32>
    %add3A_769 = arith.addi %iota3A, %add3A_768 : vector<16xi32>
    %gather3A_770 = tpu.vector_load_idx %arg11[%broadcast_in_dim3A_748, %broadcast_in_dim3A_760, %add3A_769, %broadcast_in_dim3A_758] : memref<3x4x32x128xf32, #tpu.memory_space<vmem>>[vector<16xi32>, vector<16xi32>, vector<16xi32>, vector<16xi32>], vector<16xf32>,
    %mul3A_771 = arith.mulf %gather3A_761, %gather3A_766 : vector<16xf32>
    %mul3A_772 = arith.mulf %mul3A_771, %get3A_3 : vector<16xf32>
    %mul3A_773 = arith.mulf %gather3A_765, %gather3A_770 : vector<16xf32>
    %mul3A_774 = arith.mulf %mul3A_773, %get3A_5 : vector<16xf32>
    %add3A_775 = arith.addf %mul3A_772, %mul3A_774 : vector<16xf32>
    %swap3A_776 = arith.constant 127 : i32
    %swap3A_777 = arith.index_cast %swap3A_776 : i32 to index
    %swap3A_778 = arith.constant 0 : index
    %swap3A_779 = tpu.vector_load %arg13[%swap3A_777, %swap3A_778] {strides = array<i32>} : memref<128x64xf32, #tpu.memory_space<vmem>>, vector<16xf32>,
    tpu.vector_store %arg13[%swap3A_777, %swap3A_778], %add3A_775 {strides = array<i32>} : memref<128x64xf32, #tpu.memory_space<vmem>>, vector<16xf32>,
    %slice3A_780 = vector.extract_strided_slice %get3A_744 {offsets = [5], sizes = [1], strides = [1]} : vector<16xi32> to vector<1xi32>
    %squeeze3A_781 = vector.extract %slice3A_780[0] : i32 from vector<1xi32>
    %and3A_782 = arith.constant 127 : i32
    %and3A_783 = arith.andi %squeeze3A_781, %and3A_782 : i32
    %broadcast_in_dim3A_784 = vector.broadcast %and3A_783 : i32 to vector<16xi32>
    %slice3A_785 = vector.extract_strided_slice %get3A_746 {offsets = [5], sizes = [1], strides = [1]} : vector<16xi32> to vector<1xi32>
    %squeeze3A_786 = vector.extract %slice3A_785[0] : i32 from vector<1xi32>
    %and3A_787 = arith.constant 127 : i32
    %and3A_788 = arith.andi %squeeze3A_786, %and3A_787 : i32
    %broadcast_in_dim3A_789 = vector.broadcast %and3A_788 : i32 to vector<16xi32>
    %broadcast_in_dim3A_790 = arith.constant 1 : i32
    %broadcast_in_dim3A_791 = vector.broadcast %broadcast_in_dim3A_790 : i32 to vector<16xi32>
    %gather3A_792 = tpu.vector_load_idx %arg10[%broadcast_in_dim3A_748, %broadcast_in_dim3A_791, %iota3A, %broadcast_in_dim3A_784] : memref<3x4x32x128xf32, #tpu.memory_space<vmem>>[vector<16xi32>, vector<16xi32>, vector<16xi32>, vector<16xi32>], vector<16xf32>,
    %add3A_793 = arith.constant 16 : i32
    %add3A_794 = vector.broadcast %add3A_793 : i32 to vector<16xi32>
    %add3A_795 = arith.addi %iota3A, %add3A_794 : vector<16xi32>
    %gather3A_796 = tpu.vector_load_idx %arg10[%broadcast_in_dim3A_748, %broadcast_in_dim3A_791, %add3A_795, %broadcast_in_dim3A_784] : memref<3x4x32x128xf32, #tpu.memory_space<vmem>>[vector<16xi32>, vector<16xi32>, vector<16xi32>, vector<16xi32>], vector<16xf32>,
    %gather3A_797 = tpu.vector_load_idx %arg11[%broadcast_in_dim3A_748, %broadcast_in_dim3A_791, %iota3A, %broadcast_in_dim3A_789] : memref<3x4x32x128xf32, #tpu.memory_space<vmem>>[vector<16xi32>, vector<16xi32>, vector<16xi32>, vector<16xi32>], vector<16xf32>,
    %add3A_798 = arith.constant 16 : i32
    %add3A_799 = vector.broadcast %add3A_798 : i32 to vector<16xi32>
    %add3A_800 = arith.addi %iota3A, %add3A_799 : vector<16xi32>
    %gather3A_801 = tpu.vector_load_idx %arg11[%broadcast_in_dim3A_748, %broadcast_in_dim3A_791, %add3A_800, %broadcast_in_dim3A_789] : memref<3x4x32x128xf32, #tpu.memory_space<vmem>>[vector<16xi32>, vector<16xi32>, vector<16xi32>, vector<16xi32>], vector<16xf32>,
    %mul3A_802 = arith.mulf %gather3A_792, %gather3A_797 : vector<16xf32>
    %mul3A_803 = arith.mulf %mul3A_802, %get3A_3 : vector<16xf32>
    %mul3A_804 = arith.mulf %gather3A_796, %gather3A_801 : vector<16xf32>
    %mul3A_805 = arith.mulf %mul3A_804, %get3A_5 : vector<16xf32>
    %add3A_806 = arith.addf %mul3A_803, %mul3A_805 : vector<16xf32>
    %swap3A_807 = arith.constant 127 : i32
    %swap3A_808 = arith.index_cast %swap3A_807 : i32 to index
    %swap3A_809 = arith.constant 16 : index
    %swap3A_810 = tpu.vector_load %arg13[%swap3A_808, %swap3A_809] {strides = array<i32>} : memref<128x64xf32, #tpu.memory_space<vmem>>, vector<16xf32>,
    tpu.vector_store %arg13[%swap3A_808, %swap3A_809], %add3A_806 {strides = array<i32>} : memref<128x64xf32, #tpu.memory_space<vmem>>, vector<16xf32>,
    %slice3A_811 = vector.extract_strided_slice %get3A_744 {offsets = [6], sizes = [1], strides = [1]} : vector<16xi32> to vector<1xi32>
    %squeeze3A_812 = vector.extract %slice3A_811[0] : i32 from vector<1xi32>
    %and3A_813 = arith.constant 127 : i32
    %and3A_814 = arith.andi %squeeze3A_812, %and3A_813 : i32
    %broadcast_in_dim3A_815 = vector.broadcast %and3A_814 : i32 to vector<16xi32>
    %slice3A_816 = vector.extract_strided_slice %get3A_746 {offsets = [6], sizes = [1], strides = [1]} : vector<16xi32> to vector<1xi32>
    %squeeze3A_817 = vector.extract %slice3A_816[0] : i32 from vector<1xi32>
    %and3A_818 = arith.constant 127 : i32
    %and3A_819 = arith.andi %squeeze3A_817, %and3A_818 : i32
    %broadcast_in_dim3A_820 = vector.broadcast %and3A_819 : i32 to vector<16xi32>
    %broadcast_in_dim3A_821 = arith.constant 2 : i32
    %broadcast_in_dim3A_822 = vector.broadcast %broadcast_in_dim3A_821 : i32 to vector<16xi32>
    %gather3A_823 = tpu.vector_load_idx %arg10[%broadcast_in_dim3A_748, %broadcast_in_dim3A_822, %iota3A, %broadcast_in_dim3A_815] : memref<3x4x32x128xf32, #tpu.memory_space<vmem>>[vector<16xi32>, vector<16xi32>, vector<16xi32>, vector<16xi32>], vector<16xf32>,
    %add3A_824 = arith.constant 16 : i32
    %add3A_825 = vector.broadcast %add3A_824 : i32 to vector<16xi32>
    %add3A_826 = arith.addi %iota3A, %add3A_825 : vector<16xi32>
    %gather3A_827 = tpu.vector_load_idx %arg10[%broadcast_in_dim3A_748, %broadcast_in_dim3A_822, %add3A_826, %broadcast_in_dim3A_815] : memref<3x4x32x128xf32, #tpu.memory_space<vmem>>[vector<16xi32>, vector<16xi32>, vector<16xi32>, vector<16xi32>], vector<16xf32>,
    %gather3A_828 = tpu.vector_load_idx %arg11[%broadcast_in_dim3A_748, %broadcast_in_dim3A_822, %iota3A, %broadcast_in_dim3A_820] : memref<3x4x32x128xf32, #tpu.memory_space<vmem>>[vector<16xi32>, vector<16xi32>, vector<16xi32>, vector<16xi32>], vector<16xf32>,
    %add3A_829 = arith.constant 16 : i32
    %add3A_830 = vector.broadcast %add3A_829 : i32 to vector<16xi32>
    %add3A_831 = arith.addi %iota3A, %add3A_830 : vector<16xi32>
    %gather3A_832 = tpu.vector_load_idx %arg11[%broadcast_in_dim3A_748, %broadcast_in_dim3A_822, %add3A_831, %broadcast_in_dim3A_820] : memref<3x4x32x128xf32, #tpu.memory_space<vmem>>[vector<16xi32>, vector<16xi32>, vector<16xi32>, vector<16xi32>], vector<16xf32>,
    %mul3A_833 = arith.mulf %gather3A_823, %gather3A_828 : vector<16xf32>
    %mul3A_834 = arith.mulf %mul3A_833, %get3A_3 : vector<16xf32>
    %mul3A_835 = arith.mulf %gather3A_827, %gather3A_832 : vector<16xf32>
    %mul3A_836 = arith.mulf %mul3A_835, %get3A_5 : vector<16xf32>
    %add3A_837 = arith.addf %mul3A_834, %mul3A_836 : vector<16xf32>
    %swap3A_838 = arith.constant 127 : i32
    %swap3A_839 = arith.index_cast %swap3A_838 : i32 to index
    %swap3A_840 = arith.constant 32 : index
    %swap3A_841 = tpu.vector_load %arg13[%swap3A_839, %swap3A_840] {strides = array<i32>} : memref<128x64xf32, #tpu.memory_space<vmem>>, vector<16xf32>,
    tpu.vector_store %arg13[%swap3A_839, %swap3A_840], %add3A_837 {strides = array<i32>} : memref<128x64xf32, #tpu.memory_space<vmem>>, vector<16xf32>,
    %slice3A_842 = vector.extract_strided_slice %get3A_744 {offsets = [7], sizes = [1], strides = [1]} : vector<16xi32> to vector<1xi32>
    %squeeze3A_843 = vector.extract %slice3A_842[0] : i32 from vector<1xi32>
    %and3A_844 = arith.constant 127 : i32
    %and3A_845 = arith.andi %squeeze3A_843, %and3A_844 : i32
    %broadcast_in_dim3A_846 = vector.broadcast %and3A_845 : i32 to vector<16xi32>
    %slice3A_847 = vector.extract_strided_slice %get3A_746 {offsets = [7], sizes = [1], strides = [1]} : vector<16xi32> to vector<1xi32>
    %squeeze3A_848 = vector.extract %slice3A_847[0] : i32 from vector<1xi32>
    %and3A_849 = arith.constant 127 : i32
    %and3A_850 = arith.andi %squeeze3A_848, %and3A_849 : i32
    %broadcast_in_dim3A_851 = vector.broadcast %and3A_850 : i32 to vector<16xi32>
    %broadcast_in_dim3A_852 = arith.constant 3 : i32
    %broadcast_in_dim3A_853 = vector.broadcast %broadcast_in_dim3A_852 : i32 to vector<16xi32>
    %gather3A_854 = tpu.vector_load_idx %arg10[%broadcast_in_dim3A_748, %broadcast_in_dim3A_853, %iota3A, %broadcast_in_dim3A_846] : memref<3x4x32x128xf32, #tpu.memory_space<vmem>>[vector<16xi32>, vector<16xi32>, vector<16xi32>, vector<16xi32>], vector<16xf32>,
    %add3A_855 = arith.constant 16 : i32
    %add3A_856 = vector.broadcast %add3A_855 : i32 to vector<16xi32>
    %add3A_857 = arith.addi %iota3A, %add3A_856 : vector<16xi32>
    %gather3A_858 = tpu.vector_load_idx %arg10[%broadcast_in_dim3A_748, %broadcast_in_dim3A_853, %add3A_857, %broadcast_in_dim3A_846] : memref<3x4x32x128xf32, #tpu.memory_space<vmem>>[vector<16xi32>, vector<16xi32>, vector<16xi32>, vector<16xi32>], vector<16xf32>,
    %gather3A_859 = tpu.vector_load_idx %arg11[%broadcast_in_dim3A_748, %broadcast_in_dim3A_853, %iota3A, %broadcast_in_dim3A_851] : memref<3x4x32x128xf32, #tpu.memory_space<vmem>>[vector<16xi32>, vector<16xi32>, vector<16xi32>, vector<16xi32>], vector<16xf32>,
    %add3A_860 = arith.constant 16 : i32
    %add3A_861 = vector.broadcast %add3A_860 : i32 to vector<16xi32>
    %add3A_862 = arith.addi %iota3A, %add3A_861 : vector<16xi32>
    %gather3A_863 = tpu.vector_load_idx %arg11[%broadcast_in_dim3A_748, %broadcast_in_dim3A_853, %add3A_862, %broadcast_in_dim3A_851] : memref<3x4x32x128xf32, #tpu.memory_space<vmem>>[vector<16xi32>, vector<16xi32>, vector<16xi32>, vector<16xi32>], vector<16xf32>,
    %mul3A_864 = arith.mulf %gather3A_854, %gather3A_859 : vector<16xf32>
    %mul3A_865 = arith.mulf %mul3A_864, %get3A_3 : vector<16xf32>
    %mul3A_866 = arith.mulf %gather3A_858, %gather3A_863 : vector<16xf32>
    %mul3A_867 = arith.mulf %mul3A_866, %get3A_5 : vector<16xf32>
    %add3A_868 = arith.addf %mul3A_865, %mul3A_867 : vector<16xf32>
    %swap3A_869 = arith.constant 127 : i32
    %swap3A_870 = arith.index_cast %swap3A_869 : i32 to index
    %swap3A_871 = arith.constant 48 : index
    %swap3A_872 = tpu.vector_load %arg13[%swap3A_870, %swap3A_871] {strides = array<i32>} : memref<128x64xf32, #tpu.memory_space<vmem>>, vector<16xf32>,
    tpu.vector_store %arg13[%swap3A_870, %swap3A_871], %add3A_868 {strides = array<i32>} : memref<128x64xf32, #tpu.memory_space<vmem>>, vector<16xf32>,
    %scan3A_873 = arith.constant 0 : i32
    %scan3A_874 = arith.constant 0 : i32
    %scan3A_875 = arith.constant 32 : i32
    %scan3A_876 = arith.addi %scan3A_874, %scan3A_875 : i32
    %scan3A_877 = arith.constant 1 : i32
    scf.for %scan3A_879 = %scan3A_874 to %scan3A_876 step %scan3A_877  : i32 {
      %mul3A_880 = arith.constant 16 : i32
      %mul3A_881 = arith.muli %scan3A_879, %mul3A_880 : i32
      %add3A_882 = vector.broadcast %mul3A_881 : i32 to vector<16xi32>
      %add3A_883 = arith.addi %add3A_882, %iota3A : vector<16xi32>
      %shift_right_arithmetic3A_884 = arith.constant 2 : i32
      %shift_right_arithmetic3A_885 = vector.broadcast %shift_right_arithmetic3A_884 : i32 to vector<16xi32>
      %shift_right_arithmetic3A_886 = arith.shrsi %add3A_883, %shift_right_arithmetic3A_885 : vector<16xi32>
      %and3A_887 = arith.constant 3 : i32
      %and3A_888 = vector.broadcast %and3A_887 : i32 to vector<16xi32>
      %and3A_889 = arith.andi %add3A_883, %and3A_888 : vector<16xi32>
      %mul3A_890 = arith.constant 16 : i32
      %mul3A_891 = vector.broadcast %mul3A_890 : i32 to vector<16xi32>
      %mul3A_892 = arith.muli %and3A_889, %mul3A_891 : vector<16xi32>
      %broadcast_in_dim3A_893 = vector.broadcast %squeeze3A : f32 to vector<16xf32>
      %add3A_894 = arith.constant 0 : i32
      %add3A_895 = vector.broadcast %add3A_894 : i32 to vector<16xi32>
      %add3A_896 = arith.addi %mul3A_892, %add3A_895 : vector<16xi32>
      %gather3A_897 = tpu.vector_load_idx %arg13[%shift_right_arithmetic3A_886, %add3A_896] : memref<128x64xf32, #tpu.memory_space<vmem>>[vector<16xi32>, vector<16xi32>], vector<16xf32>,
      %add3A_898 = arith.addf %broadcast_in_dim3A_893, %gather3A_897 : vector<16xf32>
      %add3A_899 = arith.constant 1 : i32
      %add3A_900 = vector.broadcast %add3A_899 : i32 to vector<16xi32>
      %add3A_901 = arith.addi %mul3A_892, %add3A_900 : vector<16xi32>
      %gather3A_902 = tpu.vector_load_idx %arg13[%shift_right_arithmetic3A_886, %add3A_901] : memref<128x64xf32, #tpu.memory_space<vmem>>[vector<16xi32>, vector<16xi32>], vector<16xf32>,
      %add3A_903 = arith.addf %add3A_898, %gather3A_902 : vector<16xf32>
      %add3A_904 = arith.constant 2 : i32
      %add3A_905 = vector.broadcast %add3A_904 : i32 to vector<16xi32>
      %add3A_906 = arith.addi %mul3A_892, %add3A_905 : vector<16xi32>
      %gather3A_907 = tpu.vector_load_idx %arg13[%shift_right_arithmetic3A_886, %add3A_906] : memref<128x64xf32, #tpu.memory_space<vmem>>[vector<16xi32>, vector<16xi32>], vector<16xf32>,
      %add3A_908 = arith.addf %add3A_903, %gather3A_907 : vector<16xf32>
      %add3A_909 = arith.constant 3 : i32
      %add3A_910 = vector.broadcast %add3A_909 : i32 to vector<16xi32>
      %add3A_911 = arith.addi %mul3A_892, %add3A_910 : vector<16xi32>
      %gather3A_912 = tpu.vector_load_idx %arg13[%shift_right_arithmetic3A_886, %add3A_911] : memref<128x64xf32, #tpu.memory_space<vmem>>[vector<16xi32>, vector<16xi32>], vector<16xf32>,
      %add3A_913 = arith.addf %add3A_908, %gather3A_912 : vector<16xf32>
      %add3A_914 = arith.constant 4 : i32
      %add3A_915 = vector.broadcast %add3A_914 : i32 to vector<16xi32>
      %add3A_916 = arith.addi %mul3A_892, %add3A_915 : vector<16xi32>
      %gather3A_917 = tpu.vector_load_idx %arg13[%shift_right_arithmetic3A_886, %add3A_916] : memref<128x64xf32, #tpu.memory_space<vmem>>[vector<16xi32>, vector<16xi32>], vector<16xf32>,
      %add3A_918 = arith.addf %add3A_913, %gather3A_917 : vector<16xf32>
      %add3A_919 = arith.constant 5 : i32
      %add3A_920 = vector.broadcast %add3A_919 : i32 to vector<16xi32>
      %add3A_921 = arith.addi %mul3A_892, %add3A_920 : vector<16xi32>
      %gather3A_922 = tpu.vector_load_idx %arg13[%shift_right_arithmetic3A_886, %add3A_921] : memref<128x64xf32, #tpu.memory_space<vmem>>[vector<16xi32>, vector<16xi32>], vector<16xf32>,
      %add3A_923 = arith.addf %add3A_918, %gather3A_922 : vector<16xf32>
      %add3A_924 = arith.constant 6 : i32
      %add3A_925 = vector.broadcast %add3A_924 : i32 to vector<16xi32>
      %add3A_926 = arith.addi %mul3A_892, %add3A_925 : vector<16xi32>
      %gather3A_927 = tpu.vector_load_idx %arg13[%shift_right_arithmetic3A_886, %add3A_926] : memref<128x64xf32, #tpu.memory_space<vmem>>[vector<16xi32>, vector<16xi32>], vector<16xf32>,
      %add3A_928 = arith.addf %add3A_923, %gather3A_927 : vector<16xf32>
      %add3A_929 = arith.constant 7 : i32
      %add3A_930 = vector.broadcast %add3A_929 : i32 to vector<16xi32>
      %add3A_931 = arith.addi %mul3A_892, %add3A_930 : vector<16xi32>
      %gather3A_932 = tpu.vector_load_idx %arg13[%shift_right_arithmetic3A_886, %add3A_931] : memref<128x64xf32, #tpu.memory_space<vmem>>[vector<16xi32>, vector<16xi32>], vector<16xf32>,
      %add3A_933 = arith.addf %add3A_928, %gather3A_932 : vector<16xf32>
      %add3A_934 = arith.constant 8 : i32
      %add3A_935 = vector.broadcast %add3A_934 : i32 to vector<16xi32>
      %add3A_936 = arith.addi %mul3A_892, %add3A_935 : vector<16xi32>
      %gather3A_937 = tpu.vector_load_idx %arg13[%shift_right_arithmetic3A_886, %add3A_936] : memref<128x64xf32, #tpu.memory_space<vmem>>[vector<16xi32>, vector<16xi32>], vector<16xf32>,
      %add3A_938 = arith.addf %add3A_933, %gather3A_937 : vector<16xf32>
      %add3A_939 = arith.constant 9 : i32
      %add3A_940 = vector.broadcast %add3A_939 : i32 to vector<16xi32>
      %add3A_941 = arith.addi %mul3A_892, %add3A_940 : vector<16xi32>
      %gather3A_942 = tpu.vector_load_idx %arg13[%shift_right_arithmetic3A_886, %add3A_941] : memref<128x64xf32, #tpu.memory_space<vmem>>[vector<16xi32>, vector<16xi32>], vector<16xf32>,
      %add3A_943 = arith.addf %add3A_938, %gather3A_942 : vector<16xf32>
      %add3A_944 = arith.constant 10 : i32
      %add3A_945 = vector.broadcast %add3A_944 : i32 to vector<16xi32>
      %add3A_946 = arith.addi %mul3A_892, %add3A_945 : vector<16xi32>
      %gather3A_947 = tpu.vector_load_idx %arg13[%shift_right_arithmetic3A_886, %add3A_946] : memref<128x64xf32, #tpu.memory_space<vmem>>[vector<16xi32>, vector<16xi32>], vector<16xf32>,
      %add3A_948 = arith.addf %add3A_943, %gather3A_947 : vector<16xf32>
      %add3A_949 = arith.constant 11 : i32
      %add3A_950 = vector.broadcast %add3A_949 : i32 to vector<16xi32>
      %add3A_951 = arith.addi %mul3A_892, %add3A_950 : vector<16xi32>
      %gather3A_952 = tpu.vector_load_idx %arg13[%shift_right_arithmetic3A_886, %add3A_951] : memref<128x64xf32, #tpu.memory_space<vmem>>[vector<16xi32>, vector<16xi32>], vector<16xf32>,
      %add3A_953 = arith.addf %add3A_948, %gather3A_952 : vector<16xf32>
      %add3A_954 = arith.constant 12 : i32
      %add3A_955 = vector.broadcast %add3A_954 : i32 to vector<16xi32>
      %add3A_956 = arith.addi %mul3A_892, %add3A_955 : vector<16xi32>
      %gather3A_957 = tpu.vector_load_idx %arg13[%shift_right_arithmetic3A_886, %add3A_956] : memref<128x64xf32, #tpu.memory_space<vmem>>[vector<16xi32>, vector<16xi32>], vector<16xf32>,
      %add3A_958 = arith.addf %add3A_953, %gather3A_957 : vector<16xf32>
      %add3A_959 = arith.constant 13 : i32
      %add3A_960 = vector.broadcast %add3A_959 : i32 to vector<16xi32>
      %add3A_961 = arith.addi %mul3A_892, %add3A_960 : vector<16xi32>
      %gather3A_962 = tpu.vector_load_idx %arg13[%shift_right_arithmetic3A_886, %add3A_961] : memref<128x64xf32, #tpu.memory_space<vmem>>[vector<16xi32>, vector<16xi32>], vector<16xf32>,
      %add3A_963 = arith.addf %add3A_958, %gather3A_962 : vector<16xf32>
      %add3A_964 = arith.constant 14 : i32
      %add3A_965 = vector.broadcast %add3A_964 : i32 to vector<16xi32>
      %add3A_966 = arith.addi %mul3A_892, %add3A_965 : vector<16xi32>
      %gather3A_967 = tpu.vector_load_idx %arg13[%shift_right_arithmetic3A_886, %add3A_966] : memref<128x64xf32, #tpu.memory_space<vmem>>[vector<16xi32>, vector<16xi32>], vector<16xf32>,
      %add3A_968 = arith.addf %add3A_963, %gather3A_967 : vector<16xf32>
      %add3A_969 = arith.constant 15 : i32
      %add3A_970 = vector.broadcast %add3A_969 : i32 to vector<16xi32>
      %add3A_971 = arith.addi %mul3A_892, %add3A_970 : vector<16xi32>
      %gather3A_972 = tpu.vector_load_idx %arg13[%shift_right_arithmetic3A_886, %add3A_971] : memref<128x64xf32, #tpu.memory_space<vmem>>[vector<16xi32>, vector<16xi32>], vector<16xf32>,
      %add3A_973 = arith.addf %add3A_968, %gather3A_972 : vector<16xf32>
      %neg3A = arith.constant 0.000000e+00 : f32
      %neg3A_974 = vector.broadcast %neg3A : f32 to vector<16xf32>
      %neg3A_975 = arith.subf %neg3A_974, %add3A_973 : vector<16xf32>
      %exp3A = math.exp %neg3A_975 : vector<16xf32>
      %add3A_976 = arith.constant 1.000000e+00 : f32
      %add3A_977 = vector.broadcast %add3A_976 : f32 to vector<16xf32>
      %add3A_978 = arith.addf %add3A_977, %exp3A : vector<16xf32>
      %div3A = arith.constant 1.000000e+00 : f32
      %div3A_979 = vector.broadcast %div3A : f32 to vector<16xf32>
      %div3A_980 = arith.divf %div3A_979, %add3A_978 : vector<16xf32>
      %mul3A_981 = arith.constant 16 : i32
      %mul3A_982 = arith.muli %scan3A_879, %mul3A_981 : i32
      %multiple_of3A_983 = tpu.assume_multiple %mul3A_982, 8 : i32
      %swap3A_984 = arith.index_cast %multiple_of3A_983 : i32 to index
      %swap3A_985 = tpu.vector_load %arg14[%swap3A_984] {strides = array<i32>} : memref<512xf32, #tpu.memory_space<vmem>>, vector<16xf32>,
      tpu.vector_store %arg14[%swap3A_984], %div3A_980 {strides = array<i32>} : memref<512xf32, #tpu.memory_space<vmem>>, vector<16xf32>,
    }
    %scan3A_878 = arith.constant 32 : i32
    "tpu.region"() ({
      %run_scoped3A = tpu.sem_alloc : memref<!tpu.dma_semaphore, #tpu.memory_space<semaphore_mem>>
      %dma_start3A_879 = arith.constant 0 : i32
      %dma_start3A_880 = tpu.memref_slice %arg7[%add3A, %dma_start3A_879] : memref<32x512xf32, #tpu.memory_space<hbm>> -> memref<1x512xf32, #tpu.memory_space<hbm>>
      %dma_start3A_881 = tpu.memref_squeeze %dma_start3A_880 : memref<1x512xf32, #tpu.memory_space<hbm>> -> memref<512xf32, #tpu.memory_space<hbm>>
      %dma_start3A_882 = arith.constant 0 : i32
      %dma_start3A_883 = tpu.memref_slice %arg7[%add3A, %dma_start3A_882] : memref<32x512xf32, #tpu.memory_space<hbm>> -> memref<1x512xf32, #tpu.memory_space<hbm>>
      %dma_start3A_884 = tpu.memref_squeeze %dma_start3A_883 : memref<1x512xf32, #tpu.memory_space<hbm>> -> memref<512xf32, #tpu.memory_space<hbm>>
      tpu.enqueue_dma source(%arg14 : memref<512xf32, #tpu.memory_space<vmem>>) target(%dma_start3A_884 : memref<512xf32, #tpu.memory_space<hbm>>) target_semaphore(%run_scoped3A : memref<!tpu.dma_semaphore, #tpu.memory_space<semaphore_mem>>)
      %dma_wait3A_885 = arith.constant 0 : i32
      %dma_wait3A_886 = tpu.memref_slice %arg7[%add3A, %dma_wait3A_885] : memref<32x512xf32, #tpu.memory_space<hbm>> -> memref<1x512xf32, #tpu.memory_space<hbm>>
      %dma_wait3A_887 = tpu.memref_squeeze %dma_wait3A_886 : memref<1x512xf32, #tpu.memory_space<hbm>> -> memref<512xf32, #tpu.memory_space<hbm>>
      %dma_wait3A_888 = arith.constant 0 : i32
      %dma_wait3A_889 = tpu.memref_slice %arg7[%add3A, %dma_wait3A_888] : memref<32x512xf32, #tpu.memory_space<hbm>> -> memref<1x512xf32, #tpu.memory_space<hbm>>
      %dma_wait3A_890 = tpu.memref_squeeze %dma_wait3A_889 : memref<1x512xf32, #tpu.memory_space<hbm>> -> memref<512xf32, #tpu.memory_space<hbm>>
      tpu.wait_dma2 semaphore(%run_scoped3A : memref<!tpu.dma_semaphore, #tpu.memory_space<semaphore_mem>>) src(%arg14 : memref<512xf32, #tpu.memory_space<vmem>>) dst(%dma_wait3A_890 : memref<512xf32, #tpu.memory_space<hbm>>)
      tpu.yield
    }) : () -> ()
    return
  }
}

</mosaic_0001>

<sc_bundles>
// kernel: _gmf.3.cloned.1.call-start
scs
__scs_entry_jumppad:
0x0: {  	(pc) =	sbr.rel $0x88, $3  }
0x1: {  	(tag) =	ssettag $0x0;
	lr =	simm.s32 $0x1  }
0x2: {  	[smem:$0x3F9C] =	sst lr;
	_ =	strace $0xD0000000  }
0x3: {  	_ = 	snop  }
0x4: {  	_ = 	snop  }
0x5: {  	_ = 	snop  }
0x6: {  	_ = 	snop  }
0x7: {  	_ = 	snop  }
__scs_overlays_trampoline_lowered:
0x8: {  	[smem:$0x3FAB] =	sst s0  }
0x9: {  	[smem:$0x3FAC] =	sst s1  }
0xa: {  	[smem:$0x3FAD] =	sst s2  }
0xb: {  	[smem:$0x3FAE] =	sst s3  }
0xc: {  	[smem:$0x3FAF] =	sst s4  }
0xd: {  	[smem:$0x3FB0] =	sst s5  }
0xe: {  	[smem:$0x3FB1] =	sst s6  }
0xf: {  	[smem:$0x3FB2] =	sst s7  }
0x10: {  	[smem:$0x3FB3] =	sst s8  }
0x11: {  	[smem:$0x3FB4] =	sst s9;
	s0 =	simm.s32 @!p0 $0x0  }
0x12: {  	s1 =	sld [smem:$0x3F9A];
	s0 =	simm.s32 @p0 $0x1  }
0x13: {  	[smem:$0x3FB5] =	sst s0;
	s0 =	simm.s32 @!p1 $0x0  }
0x14: {  	s2 =	sld [smem:$0x3F99];
	s0 =	simm.s32 @p1 $0x1  }
0x15: {  	[smem:$0x3FB6] =	sst s0;
	s0 =	simm.s32 @!p2 $0x0  }
0x16: {  	s3 =	sld [smem:$0x3FDB];
	s0 =	simm.s32 @p2 $0x1  }
0x17: {  	s4 =	simm.s32 $0x1BF5;
	[smem:$0x3FB8] =	sst s0  }
0x18: {  	s0 =	sld [smem:$0x3F9B];
	_ =	swait.ge [sflag:s4], $0x0  }
0x19: {  	s7 =	sld [smem:$0x3F9C]  }
0x1a: {  	s8 =	sadd.s32 $0xFFFFE003, lr  }
0x1b: {  	s9 =	sadd.s32 $0xFFFFFEF7, lr;
	s5 =	simm.s32 $0xFFFFFFFF;
	p2 =	slt.u32 s8, $0xFFFFF086  }
0x1c: {  	p1 =	slt.u32 s9, $0xF7A;
	s5 =	simm.s32 @!p2 $0x0  }
0x1d: {  	s5 =	simm.s32 @p1 $0x1;
	p0 =	seq.s32 s7, s2  }
0x1e: {  	s7 =	smul.u32 @!p0 $0xF7A, s2;
	p2 =	seq.s32 @!p0 s5, $0x0  }
0x1f: {  	s9 =	smul.u32 $0xF7A, s1;
	s8 =	simm.s32 @!p0 $0x1BF5;
	p2 =	por !p2, p0  }
0x20: {  	[sflag:s8] =	ssyncset.s32 @!p0 $0xFFFFF086;
	s6 =	sadd.s32 @!p0 s3, s7;
	s7 =	simm.s32 @!p0 $0x108  }
0x21: {  	s3 =	sadd.s32 s3, s9;
	s6 =	sadd.s32 @!p0 $0x88, s6;
	s7 =	simm.s32 @p2 $0x1082  }
0x22: {  	[simem:s7], [sflag:s8] =	dma.local @!p0 [hbm:s6], $0xF7A  }
0x23: {  	s9 =	sor.u32 $0xD0000000, s2;
	s6 =	simm.s32 $0x108;
	_ =	swait.ge @!p0 [sflag:s8], $0x0  }
0x24: {  	s3 =	sadd.s32 $0x88, s3;
	s6 =	simm.s32 @!p1 $0x1082;
	[sflag:s4] =	ssyncset.s32 $0xFFFFF086  }
0x25: {  	[simem:s6], [sflag:s4] =	dma.local [hbm:s3], $0xF7A  }
0x26: {  	[smem:$0x3F9C] =	sst s1;
	(tag) =	ssettag s2;
	_ =	strace s9  }
0x27: {  	s1 =	sld [smem:$0x3FAC]  }
0x28: {  	s2 =	sld [smem:$0x3FAD]  }
0x29: {  	s4 =	sld [smem:$0x3FAF]  }
0x2a: {  	p0 =	seq.s32 s5, $0x0;
	s5 =	sld [smem:$0x3FB0]  }
0x2b: {  	s6 =	sld [smem:$0x3FB1]  }
0x2c: {  	s7 =	sld [smem:$0x3FB2]  }
0x2d: {  	s3 =	simm.s32 $0x108;
	s8 =	sld [smem:$0x3FB3]  }
0x2e: {  	s3 =	simm.s32 @!p0 $0x1082;
	s9 =	sld [smem:$0x3FB4]  }
0x2f: {  	lr =	sadd.s32 s0, s3;
	s0 =	sld [smem:$0x3FAB]  }
0x30: {  	s3 =	sld [smem:$0x3FAE]  }
0x31: {  	[smem:$0x3FB7] =	sst s10  }
0x32: {  	s10 =	sld [smem:$0x3FB5];
	_ =	sdelay $0x3  }
0x33: {  	p0 =	seq.s32 s10, $0x1;
	s10 =	sld [smem:$0x3FB7];
	_ =	sdelay $0x3  }
0x34: {  	[smem:$0x3FB7] =	sst s10  }
0x35: {  	s10 =	sld [smem:$0x3FB6];
	_ =	sdelay $0x3  }
0x36: {  	p1 =	seq.s32 s10, $0x1;
	s10 =	sld [smem:$0x3FB7];
	_ =	sdelay $0x3  }
0x37: {  	[smem:$0x3FB7] =	sst s10  }
0x38: {  	s10 =	sld [smem:$0x3FB8]  }
0x39: {  	_ = 	snop;
	(pc) =	sbr.ind lr, $3  }
0x3a: {  	_ = 	snop  }
0x3b: {  	_ = 	snop  }
0x3c: {  	p2 =	seq.s32 s10, $0x1;
	s10 =	sld [smem:$0x3FB7]  }
0x3d: {  	_ =	shalt  }
0x3e: {  	_ =	shalt  }
0x3f: {  	_ =	shalt  }
0x40: {  	_ =	shalt  }
0x41: {  	_ =	shalt  }
0x42: {  	_ =	shalt  }
0x43: {  	_ =	shalt  }
0x44: {  	_ =	shalt  }
0x45: {  	_ =	shalt  }
0x46: {  	_ =	shalt  }
0x47: {  	_ =	shalt  }
0x48: {  	_ =	shalt  }
0x49: {  	_ =	shalt  }
0x4a: {  	_ =	shalt  }
0x4b: {  	_ =	shalt  }
0x4c: {  	_ =	shalt  }
0x4d: {  	_ =	shalt  }
0x4e: {  	_ =	shalt  }
0x4f: {  	_ =	shalt  }
0x50: {  	_ =	shalt  }
0x51: {  	_ =	shalt  }
0x52: {  	_ =	shalt  }
0x53: {  	_ =	shalt  }
0x54: {  	_ =	shalt  }
0x55: {  	_ =	shalt  }
0x56: {  	_ =	shalt  }
0x57: {  	_ =	shalt  }
0x58: {  	_ =	shalt  }
0x59: {  	_ =	shalt  }
0x5a: {  	_ =	shalt  }
0x5b: {  	_ =	shalt  }
0x5c: {  	_ =	shalt  }
0x5d: {  	_ =	shalt  }
0x5e: {  	_ =	shalt  }
0x5f: {  	_ =	shalt  }
0x60: {  	_ =	shalt  }
0x61: {  	_ =	shalt  }
0x62: {  	_ =	shalt  }
0x63: {  	_ =	shalt  }
0x64: {  	_ =	shalt  }
0x65: {  	_ =	shalt  }
0x66: {  	_ =	shalt  }
0x67: {  	_ =	shalt  }
0x68: {  	_ =	shalt  }
0x69: {  	_ =	shalt  }
0x6a: {  	_ =	shalt  }
0x6b: {  	_ =	shalt  }
0x6c: {  	_ =	shalt  }
0x6d: {  	_ =	shalt  }
0x6e: {  	_ =	shalt  }
0x6f: {  	_ =	shalt  }
0x70: {  	_ =	shalt  }
0x71: {  	_ =	shalt  }
0x72: {  	_ =	shalt  }
0x73: {  	_ =	shalt  }
0x74: {  	_ =	shalt  }
0x75: {  	_ =	shalt  }
0x76: {  	_ =	shalt  }
0x77: {  	_ =	shalt  }
0x78: {  	_ =	shalt  }
0x79: {  	_ =	shalt  }
0x7a: {  	_ =	shalt  }
0x7b: {  	_ =	shalt  }
0x7c: {  	_ =	shalt  }
0x7d: {  	_ =	shalt  }
0x7e: {  	_ =	shalt  }
0x7f: {  	_ =	shalt  }
0x80: {  	_ =	shalt  }
0x81: {  	_ =	shalt  }
0x82: {  	_ =	shalt  }
0x83: {  	_ =	shalt  }
0x84: {  	_ =	shalt  }
0x85: {  	_ =	shalt  }
0x86: {  	_ =	shalt  }
0x87: {  	_ =	shalt  }
.Lfunc_end0:
.L_simem_size_0:
called_computation_lowered:
.L_overlay_start_0:
0x88: {  	s2 =	sld [smem:$0x3FD9]  }
0x89: {  	s3 =	sld [smem:$0x3FFE];
	_ =	sdelay $0x1  }
0x8a: {  	s1 =	srdreg.scid  }
0x8b: {  	s0 =	sand.u32 $0x1, s1  }
0x8c: {  	s18 =	sshll.u32 s0, $0xA;
	s2 =	sadd.s32 s3, s2  }
0x8d: {  	s2 =	sadd.s32 s2, s18  }
0x8e: {  	[smem:$0x3FC3] =	sst s2  }
0x8f: {  	_ = 	snop  }
0x90: {  	s2 =	sld [smem:$0x3FC9]  }
0x91: {  	s19 =	sld [smem:$0x3FC8]  }
0x92: {  	s4 =	sld [smem:$0x3FC7]  }
0x93: {  	s5 =	sld [smem:$0x3FC6]  }
0x94: {  	s6 =	sld [smem:$0x3FC5]  }
0x95: {  	s7 =	sld [smem:$0x3FD0];
	(tm) =	ssettm $0x1  }
0x96: {  	s8 =	sld [smem:$0x3FFB];
	_ =	sdelay $0x3  }
0x97: {  	_ =	strace s8  }
0x98: {  	s8 =	sld [smem:$0x3FFC];
	_ =	sdelay $0x3  }
0x99: {  	_ =	strace s8  }
0x9a: {  	s8 =	sld [smem:$0x3FFD];
	_ =	sdelay $0x3  }
0x9b: {  	_ =	strace s8  }
0x9c: {  	_ =	strace $0x8FFFFFFF  }
0x9d: {  	s20 =	sld [smem:$0x3FDB];
	_ =	sdelay $0x1  }
0x9e: {  	s9 =	simm.s32 $_scs_section_size  }
0x9f: {  	s10 =	simm.s32 $_size__tile_overlayer_lowered;
	s11 =	simm.s32 $_tile_overlayer_lowered  }
0xa0: {  	s23 =	simm.s32 $0x1BFF;
	s22 =	sshll.u32 s11, $0x1;
	s8 =	sadd.s32 s9, s20  }
0xa1: {  	s12 =	simm.s32 $0x0;
	s21 =	sshll.u32 s10, $0x1;
	s10 =	sadd.s32 s22, s8  }
0xa2: {  	[timem:s12], [sflag:s23] =	dma.local [hbm:s10], s21  }
0xa3: {  	_ =	swait.ge [sflag:s23], s21  }
0xa4: {  	s9 =	ssub.s32 $0x0, s21;
	[sflag:s23] =	ssyncset.done $0x0  }
0xa5: {  	[sflag:s23] =	ssyncadd.s32 s9;
	_ =	sdelay $0x1  }
0xa6: {  	s24 =	simm.s32 $0x1B8B  }
0xa7: {  	_ =	swait.ge [sflag:s24], $0x1  }
0xa8: {  	[sflag:s24] =	ssyncset.done $0x0  }
0xa9: {  	s25 =	simm.s32 $0x1B8E;
	[sflag:s24] =	ssyncadd.s32 $0xFFFFFFFF  }
0xaa: {  	s26 =	simm.s32 $execute0_lowered;
	[smem:$0x3FD2] =	sst s25  }
0xab: {  	s9 =	sshll.u32 s26, $0x1;
	_ =	strace $0x80000046;
	[dreg:$0x1] =	wrdreg $0xFFFFFFFF  }
0xac: {  	s28 =	simm.s32 $_size_execute0_lowered;
	s8 =	sadd.s32 s8, s9;
	[dreg:$0x0] =	wrdreg $0x0  }
0xad: {  	s9 =	sshll.u32 s28, $0x1;
	[dreg:$0x2] =	wrdreg s8  }
0xae: {  	[dreg:$0x3] =	wrdreg s9  }
0xaf: {  	[dreg:$0x4] =	wrdreg $0xC0  }
0xb0: {  	_ =	task [dreg:s12], $0x5FFFF  }
0xb1: {  	[dreg:$0x1] =	wrdreg $0xFFFFFFFF  }
0xb2: {  	[dreg:$0x0] =	wrdreg $0x60  }
0xb3: {  	[dreg:$0x2] =	wrdreg s2  }
0xb4: {  	[dreg:$0x3] =	wrdreg s19  }
0xb5: {  	[dreg:$0x4] =	wrdreg s4  }
0xb6: {  	[dreg:$0x5] =	wrdreg s5  }
0xb7: {  	[dreg:$0x6] =	wrdreg s6  }
0xb8: {  	[dreg:$0x7] =	wrdreg s7  }
0xb9: {  	[dreg:$0x8] =	wrdreg $0x9  }
0xba: {  	_ =	task.clear_ibuf [dreg:s12], $0x9FFFF;
	_ =	strace $0x90000046  }
0xbb: {  	s29 =	simm.s32 $0x9;
	_ =	strace $0x80000048  }
0xbc: {  	_ =	swait.ge [sflag:s29], $0x1  }
0xbd: {  	[sflag:s29] =	ssyncadd.s32 $0xFFFFFFFF  }
0xbe: {  	_ =	strace $0x90000048  }
0xbf: {  	_ =	sfence  }
0xc0: {  	s30 =	sld [smem:$0x0];
	_ =	sdelay $0x2  }
0xc1: {  	s31 =	sshll.u32 s1, $0xD;
	s1 =	sshrl.u32 s1, $0x2  }
0xc2: {  	s3 =	sand.u32 $0x4000, s31;
	s1 =	sadd.s32 s1, s30  }
0xc3: {  	s0 =	sor.u32 s3, s0;
	s1 =	sshll.u32 s1, $0x11  }
0xc4: {  	s0 =	sor.u32 s1, s0  }
0xc5: {  	s0 =	sadd.s32 $0x8F2B, s0  }
0xc6: {  	[sflag:s0] =	ssyncadd.remote.s32 $0x1  }
0xc7: {  	_ =	sfence.sel $0xFFFF  }
0xc8: {  	[dreg:$0x0] =	wrdreg $0xFFFFFFFF;
	(pc) =	sbr.abs _section_cstart, $3  }
0xc9: {  	[dreg:$0x1] =	wrdreg $0xFFFFFFFF  }
0xca: {  	_ =	task.clear_ibuf [dreg:s12], $0x2FFFF;
	_ =	strace $0x9FFFFFFF  }
0xcb: {  	(tm) =	ssettm $0x7FFFFFFF  }
tec
execute0_lowered:
.L_overlay_start_1:
0x0: {  	(tag) =	ssettag $0x1  }
0x1: {  	s0 =	rddreg [dreg:$0x0]  }
0x2: {  	s3 =	rddreg [dreg:$0x1]  }
0x3: {  	s1 =	rddreg [dreg:$0x2]  }
0x4: {  	s2 =	rddreg [dreg:$0x3]  }
0x5: {  	s4 =	rddreg [dreg:$0x5];
	s6 =	simm.s32 $0x0  }
0x6: {  	s5 =	srdreg.scid;
	s9 =	stileid.u32;
	s18 =	simm.s32 $0x3  }
0x7: {  	s13 =	simm.s32 $0x400;
	s14 =	simm.s32 $0x7A1400;
	s15 =	simm.s32 $0x500  }
0x8: {  	s16 =	simm.s32 $0xC500;
	s20 =	simm.s32 $0xD500;
	s11 =	simm.s32 $0xF500  }
0x9: {  	s12 =	simm.s32 $0x4500;
	s10 =	simm.s32 $0x18580;
	s17 =	simm.s32 $0x0  }
0xa: {  	s29 =	simm.s32 $0x8500;
	s28 =	simm.s32 $0xD500;
	s30 =	simm.s32 $0xE500  }
0xb: {  	v25 =	vlaneseq.u32;
	s31 =	simm.s32 $0x4500;
	[smem:$0x7FF] =	sst s6;
	s5 =	sand.u32 $0x1, s5  }
0xc: {  	s7 =	sshll.u32 s9, $0x1;
	s22 =	sshll.u32 s9, $0x7;
	v0 =	vmul.u32 $0x80, v25;
	s9 =	simm.s32 $0x1  }
0xd: {  	v22 =	vand.u32 $0x3, v25;
	v25 =	vmul.u32 $0x20, v25;
	_ =	strace $0x80000047;
	s21 =	ssub.s32 $0x2, s5;
	s5 =	sor.u32 s5, s7  }
0xe: {  	s7 =	sand.u32 $0x600, s22;
	s22 =	simm.s32 $0xE500;
	v22 =	vmul.u32 $0x10, v22;
	s8 =	sshrl.u32 s21, $0x1;
	v1 =	vor.u32 $0x800, v0;
	v2 =	vor.u32 $0x1000, v0  }
0xf: {  	s23 =	sshll.u32 s5, $0x4;
	s5 =	sshll.u32 s5, $0x6;
	s4 =	sadd.s32 s4, s7;
	v3 =	vor.u32 $0x1800, v0;
	v4 =	vor.u32 $0x2000, v0;
	v5 =	vor.u32 $0x2800, v0  }
0x10: {  	v6 =	vor.u32 $0x3000, v0;
	v7 =	vor.u32 $0x3800, v0;
	v8 =	vor.u32 $0x4000, v0;
	s7 =	simm.s32 $0x11500;
	s6 =	ssub.s32 s21, s8;
	s8 =	sand.u32 $0x70, s23  }
0x11: {  	v9 =	vor.u32 $0x4800, v0;
	v10 =	vor.u32 $0x5000, v0;
	v11 =	vor.u32 $0x5800, v0;
	s0 =	sadd.s32 s0, s5;
	s24 =	sadd.s32 s3, s5;
	s21 =	simm.s32 $0x2500  }
0x12: {  	v12 =	vor.u32 $0x6000, v0;
	v13 =	vor.u32 $0x6800, v0;
	v14 =	vor.u32 $0x7000, v0;
	s3 =	simm.s32 $0x3500;
	s23 =	simm.s32 $0x10500;
	[dreg:$0x7] =	wrdreg s0  }
0x13: {  	v15 =	vor.u32 $0x7800, v0;
	v16 =	vor.u32 $0x8000, v0;
	v17 =	vor.u32 $0x8800, v0;
	s5 =	simm.s32 $0x2;
	[dreg:$0x8] =	wrdreg s24;
	s25 =	sadd.s32 s8, s4  }
0x14: {  	v18 =	vor.u32 $0x9000, v0;
	v19 =	vor.u32 $0x9800, v0;
	v20 =	vor.u32 $0xA000, v0;
	s26 =	smax.u32 s6, $0x1;
	s4 =	simm.s32 $0x1500;
	s6 =	simm.s32 $0x5500  }
0x15: {  	v21 =	vor.u32 $0xA800, v0;
	v23 =	vor.u32 $0xB000, v0;
	v24 =	vor.u32 $0xB800, v0;
	s8 =	simm.s32 $0x6500;
	s24 =	simm.s32 $0x12500;
	[dreg:$0x9] =	wrdreg s25  }
0x16: {  	v26 =	vor.u32 $0x1, v22;
	v27 =	vor.u32 $0x2, v22;
	v28 =	vor.u32 $0x3, v22;
	[dreg:$0xa] =	wrdreg s26;
	s25 =	simm.s32 $0x7500;
	s26 =	simm.s32 $0x13500  }
.LBB2_1:
0x17: {  	[dreg:$0xb] =	wrdreg s17  }
0x18: {  	s17 =	simm.s32 $0x0;
	s0 =	rddreg [dreg:$0x7]  }
0x19: {  	[tilespmem:s17], [sflag:$0x3] =	stream.linear.gather [hbm4b:s0+s17], $0x200, $0x38;
	[tilespmem:$0x1C780] =	vst v63  }
0x1a: {  	_ =	swait.ge [sflag:s18], $0x200  }
0x1b: {  	[sflag:s18] =	ssyncset.done $0x0  }
0x1c: {  	s19 =	simm.s32 $0x280;
	s0 =	rddreg [dreg:$0x8];
	[sflag:s18] =	ssyncadd.s32 $0xFFFFFE00  }
0x1d: {  	[tilespmem:s19], [sflag:$0x3] =	stream.linear.gather [hbm4b:s0+s17], $0x200, $0x38;
	[tilespmem:$0x1C780] =	vst v63  }
0x1e: {  	_ =	swait.ge [sflag:s18], $0x200  }
0x1f: {  	[sflag:s18] =	ssyncset.done $0x0  }
0x20: {  	[sflag:s18] =	ssyncadd.s32 $0xFFFFFE00  }
0x21: {  	s19 =	simm.s32 $0x18500;
	s0 =	rddreg [dreg:$0x4]  }
0x22: {  	[tilespmem:s19], [sflag:$0x3] =	stream.linear.gather [hbm4b:s0+s17], $0x80, $0x38;
	[tilespmem:$0x1C780] =	vst v63  }
0x23: {  	_ =	swait.ge [sflag:s18], $0x80  }
0x24: {  	[sflag:s18] =	ssyncset.done $0x0  }
0x25: {  	[sflag:s18] =	ssyncadd.s32 $0xFFFFFF80  }
0x26: {  	v32 =	vld [tilespmem:$0x0];
	_ =	sdelay $0x3  }
0x27: {  	v33 =	vld [tilespmem:$0x280]  }
0x28: {  	(v2sf) =	vpush v32, $0x0;
	_ =	sdelay $0x3  }
0x29: {  	(v2sf) =	vpush v33, $0x0;
	_ =	sdelay $0x2  }
0x2a: {  	(v2sf) =	vpush v32, $0x1;
	_ =	sdelay $0x2  }
0x2b: {  	(v2sf) =	vpush v33, $0x1;
	_ =	sdelay $0x4  }
0x2c: {  	s19 =	spop (v2sf);
	(v2sf) =	vpush v32, $0x2;
	_ =	sdelay $0x2  }
0x2d: {  	v30 =	vld [tilespmem:$0x18500];
	s17 =	sand.u32 $0xFFFFF80, s19  }
0x2e: {  	v31 =	vld [tilespmem:$0x18510];
	s0 =	spop (v2sf);
	(v2sf) =	vpush v33, $0x2;
	s17 =	sadd.s32 s1, s17  }
0x2f: {  	v29 =	vld [tilespmem:$0x18520];
	[tilespmem:s15], [sflag:$0x1] =	stream.strided.gather [hbm4b:s17+s13], $0x1000, s14, s13, $0x38  }
0x30: {  	s17 =	sand.u32 $0xFFFFF80, s0  }
0x31: {  	s18 =	spop (v2sf);
	s17 =	sadd.s32 s2, s17  }
0x32: {  	(v2sf) =	vpush v32, $0x3;
	[tilespmem:s16], [sflag:$0x2] =	stream.strided.gather [hbm4b:s17+s13], $0x1000, s14, s13, $0x38;
	[tilespmem:$0x1C780] =	vst v63  }
0x33: {  	s17 =	sand.u32 $0xFFFFF80, s18  }
0x34: {  	s19 =	spop (v2sf);
	(v2sf) =	vpush v33, $0x3;
	s17 =	sadd.s32 s1, s17  }
0x35: {  	[tilespmem:s4], [sflag:$0x1] =	stream.strided.gather [hbm4b:s17+s13], $0x1000, s14, s13, $0x38;
	[tilespmem:$0x1C780] =	vst v63  }
0x36: {  	s17 =	sand.u32 $0xFFFFF80, s19  }
0x37: {  	s17 =	sadd.s32 s2, s17  }
0x38: {  	[tilespmem:s20], [sflag:$0x2] =	stream.strided.gather [hbm4b:s17+s13], $0x1000, s14, s13, $0x38;
	[tilespmem:$0x1C780] =	vst v63  }
0x39: {  	s20 =	spop (v2sf)  }
0x3a: {  	s17 =	sand.u32 $0xFFFFF80, s20  }
0x3b: {  	s17 =	sadd.s32 s1, s17  }
0x3c: {  	[tilespmem:s21], [sflag:$0x1] =	stream.strided.gather [hbm4b:s17+s13], $0x1000, s14, s13, $0x38;
	[tilespmem:$0x1C780] =	vst v63  }
0x3d: {  	s21 =	spop (v2sf)  }
0x3e: {  	s17 =	sand.u32 $0xFFFFF80, s21  }
0x3f: {  	s17 =	sadd.s32 s2, s17  }
0x40: {  	[tilespmem:s22], [sflag:$0x2] =	stream.strided.gather [hbm4b:s17+s13], $0x1000, s14, s13, $0x38;
	[tilespmem:$0x1C780] =	vst v63  }
0x41: {  	s22 =	spop (v2sf)  }
0x42: {  	s17 =	sand.u32 $0xFFFFF80, s22  }
0x43: {  	s0 =	spop (v2sf);
	s17 =	sadd.s32 s1, s17  }
0x44: {  	[tilespmem:s3], [sflag:$0x1] =	stream.strided.gather [hbm4b:s17+s13], $0x1000, s14, s13, $0x38;
	[tilespmem:$0x1C780] =	vst v63  }
0x45: {  	s17 =	sand.u32 $0xFFFFF80, s0  }
0x46: {  	s17 =	sadd.s32 s2, s17  }
0x47: {  	[tilespmem:s11], [sflag:$0x2] =	stream.strided.gather [hbm4b:s17+s13], $0x1000, s14, s13, $0x38;
	[tilespmem:$0x1C780] =	vst v63  }
0x48: {  	v62 =	vld [tilespmem:$0x0];
	_ =	sdelay $0x1  }
0x49: {  	v63 =	vld [tilespmem:$0x280];
	_ =	sdelay $0x2  }
0x4a: {  	(v2sf) =	vpush v62, $0x4;
	_ =	sdelay $0x1  }
0x4b: {  	(v2sf) =	vpush v63, $0x4;
	_ =	sdelay $0x3  }
0x4c: {  	(v2sf) =	vpush v62, $0x5;
	_ =	sdelay $0x1  }
0x4d: {  	(v2sf) =	vpush v63, $0x5  }
0x4e: {  	(v2sf) =	vpush v62, $0x6;
	_ =	sdelay $0x5  }
0x4f: {  	s3 =	spop (v2sf);
	(v2sf) =	vpush v63, $0x6;
	_ =	sdelay $0x1  }
0x50: {  	s17 =	sand.u32 $0xFFFFF80, s3;
	s4 =	spop (v2sf);
	(v2sf) =	vpush v62, $0x7  }
0x51: {  	s17 =	sadd.s32 s1, s17  }
0x52: {  	[tilespmem:s12], [sflag:$0x1] =	stream.strided.gather [hbm4b:s17+s13], $0x1000, s14, s13, $0x38;
	[tilespmem:$0x1C780] =	vst v63  }
0x53: {  	s17 =	sand.u32 $0xFFFFF80, s4  }
0x54: {  	s11 =	spop (v2sf);
	s17 =	sadd.s32 s2, s17  }
0x55: {  	(v2sf) =	vpush v63, $0x7;
	[tilespmem:s23], [sflag:$0x2] =	stream.strided.gather [hbm4b:s17+s13], $0x1000, s14, s13, $0x38;
	[tilespmem:$0x1C780] =	vst v63  }
0x56: {  	s12 =	spop (v2sf);
	s17 =	sand.u32 $0xFFFFF80, s11  }
0x57: {  	s18 =	sand.u32 $0xFFFFF80, s12;
	s19 =	spop (v2sf);
	s17 =	sadd.s32 s1, s17  }
0x58: {  	[tilespmem:s6], [sflag:$0x1] =	stream.strided.gather [hbm4b:s17+s13], $0x1000, s14, s13, $0x38;
	[tilespmem:$0x1C780] =	vst v63  }
0x59: {  	s20 =	sand.u32 $0xFFFFF80, s19;
	s17 =	sadd.s32 s2, s18  }
0x5a: {  	[tilespmem:s7], [sflag:$0x2] =	stream.strided.gather [hbm4b:s17+s13], $0x1000, s14, s13, $0x38;
	[tilespmem:$0x1C780] =	vst v63  }
0x5b: {  	s17 =	sadd.s32 s1, s20  }
0x5c: {  	[tilespmem:s8], [sflag:$0x1] =	stream.strided.gather [hbm4b:s17+s13], $0x1000, s14, s13, $0x38;
	[tilespmem:$0x1C780] =	vst v63  }
0x5d: {  	s21 =	spop (v2sf)  }
0x5e: {  	s22 =	sand.u32 $0xFFFFF80, s21  }
0x5f: {  	s23 =	spop (v2sf);
	s17 =	sadd.s32 s2, s22  }
0x60: {  	[tilespmem:s24], [sflag:$0x2] =	stream.strided.gather [hbm4b:s17+s13], $0x1000, s14, s13, $0x38;
	[tilespmem:$0x1C780] =	vst v63  }
0x61: {  	s24 =	sand.u32 $0xFFFFF80, s23  }
0x62: {  	s17 =	sadd.s32 s1, s24  }
0x63: {  	[tilespmem:s25], [sflag:$0x1] =	stream.strided.gather [hbm4b:s17+s13], $0x1000, s14, s13, $0x38;
	[tilespmem:$0x1C780] =	vst v63  }
0x64: {  	s25 =	spop (v2sf)  }
0x65: {  	s17 =	sand.u32 $0xFFFFF80, s25  }
0x66: {  	s17 =	sadd.s32 s2, s17  }
0x67: {  	[tilespmem:s26], [sflag:$0x2] =	stream.strided.gather [hbm4b:s17+s13], $0x1000, s14, s13, $0x38;
	[tilespmem:$0x1C780] =	vst v63  }
0x68: {  	s18 =	simm.s32 $0x0;
	s17 =	simm.s32 $0x18700  }
.LBB2_2:
0x69: {  	s19 =	sshra.s32 s18, $0x2  }
0x6a: {  	v32 =	vld [tilespmem:s19+$0x8];
	_ =	sdelay $0x1  }
0x6b: {  	v33 =	vld [tilespmem:s19+$0x288];
	_ =	sdelay $0x2  }
0x6c: {  	(v2sf) =	vpush v32, $0x0;
	_ =	sdelay $0x1  }
0x6d: {  	(v2sf) =	vpush v33, $0x0;
	_ =	sdelay $0x1  }
0x6e: {  	(v2sf) =	vpush v32, $0x1;
	_ =	sdelay $0x2  }
0x6f: {  	(v2sf) =	vpush v33, $0x1;
	_ =	sdelay $0x7  }
0x70: {  	s20 =	spop (v2sf);
	(v2sf) =	vpush v32, $0x2;
	_ =	sdelay $0x1  }
0x71: {  	s25 =	spop (v2sf);
	(v2sf) =	vpush v33, $0x2  }
0x72: {  	s20 =	sand.u32 $0xFFFFF80, s20  }
0x73: {  	s20 =	sadd.s32 s1, s20;
	s26 =	spop (v2sf)  }
0x74: {  	(v2sf) =	vpush v32, $0x3;
	[tilespmem:s29], [sflag:$0x1] =	stream.strided.gather [hbm4b:s20+s13], $0x1000, s14, s13, $0x38;
	[tilespmem:$0x1C780] =	vst v63  }
0x75: {  	s20 =	sand.u32 $0xFFFFF80, s25  }
0x76: {  	s21 =	simm.s32 $0x14500;
	s0 =	spop (v2sf);
	s20 =	sadd.s32 s2, s20  }
0x77: {  	(v2sf) =	vpush v33, $0x3;
	[tilespmem:s21], [sflag:$0x2] =	stream.strided.gather [hbm4b:s20+s13], $0x1000, s14, s13, $0x38;
	[tilespmem:$0x1C780] =	vst v63  }
0x78: {  	s20 =	sand.u32 $0xFFFFF80, s26  }
0x79: {  	s3 =	simm.s32 $0x9500;
	s20 =	sadd.s32 s1, s20  }
0x7a: {  	[tilespmem:s3], [sflag:$0x1] =	stream.strided.gather [hbm4b:s20+s13], $0x1000, s14, s13, $0x38;
	[tilespmem:$0x1C780] =	vst v63  }
0x7b: {  	s20 =	sand.u32 $0xFFFFF80, s0  }
0x7c: {  	s0 =	simm.s32 $0x15500;
	s20 =	sadd.s32 s2, s20  }
0x7d: {  	[tilespmem:s0], [sflag:$0x2] =	stream.strided.gather [hbm4b:s20+s13], $0x1000, s14, s13, $0x38;
	[tilespmem:$0x1C780] =	vst v63  }
0x7e: {  	s4 =	spop (v2sf)  }
0x7f: {  	s20 =	sand.u32 $0xFFFFF80, s4  }
0x80: {  	s6 =	simm.s32 $0xA500;
	s7 =	spop (v2sf);
	s20 =	sadd.s32 s1, s20  }
0x81: {  	[tilespmem:s6], [sflag:$0x1] =	stream.strided.gather [hbm4b:s20+s13], $0x1000, s14, s13, $0x38;
	[tilespmem:$0x1C780] =	vst v63  }
0x82: {  	s20 =	sand.u32 $0xFFFFF80, s7  }
0x83: {  	s8 =	simm.s32 $0x16500;
	s11 =	spop (v2sf);
	s20 =	sadd.s32 s2, s20  }
0x84: {  	[tilespmem:s8], [sflag:$0x2] =	stream.strided.gather [hbm4b:s20+s13], $0x1000, s14, s13, $0x38;
	[tilespmem:$0x1C780] =	vst v63  }
0x85: {  	s20 =	sand.u32 $0xFFFFF80, s11  }
0x86: {  	s12 =	simm.s32 $0xB500;
	s22 =	spop (v2sf);
	s20 =	sadd.s32 s1, s20  }
0x87: {  	[tilespmem:s12], [sflag:$0x1] =	stream.strided.gather [hbm4b:s20+s13], $0x1000, s14, s13, $0x38;
	[tilespmem:$0x1C780] =	vst v63  }
0x88: {  	s20 =	sand.u32 $0xFFFFF80, s22  }
0x89: {  	s23 =	simm.s32 $0x17500;
	s20 =	sadd.s32 s2, s20  }
0x8a: {  	[tilespmem:s23], [sflag:$0x2] =	stream.strided.gather [hbm4b:s20+s13], $0x1000, s14, s13, $0x38;
	[tilespmem:$0x1C780] =	vst v63  }
0x8b: {  	_ =	swait.ge [sflag:s9], $0x1000  }
0x8c: {  	[sflag:s9] =	ssyncset.done $0x0  }
0x8d: {  	[sflag:s9] =	ssyncadd.s32 $0xFFFFF000  }
0x8e: {  	_ =	swait.ge [sflag:s5], $0x1000  }
0x8f: {  	[sflag:s5] =	ssyncset.done $0x0  }
0x90: {  	[sflag:s5] =	ssyncadd.s32 $0xFFFFF000  }
0x91: {  	_ =	swait.ge [sflag:s9], $0x1000  }
0x92: {  	[sflag:s9] =	ssyncset.done $0x0  }
0x93: {  	[sflag:s9] =	ssyncadd.s32 $0xFFFFF000  }
0x94: {  	_ =	swait.ge [sflag:s5], $0x1000  }
0x95: {  	[sflag:s5] =	ssyncset.done $0x0  }
0x96: {  	[sflag:s5] =	ssyncadd.s32 $0xFFFFF000  }
0x97: {  	_ =	swait.ge [sflag:s9], $0x1000  }
0x98: {  	[sflag:s9] =	ssyncset.done $0x0  }
0x99: {  	[sflag:s9] =	ssyncadd.s32 $0xFFFFF000  }
0x9a: {  	_ =	swait.ge [sflag:s5], $0x1000  }
0x9b: {  	[sflag:s5] =	ssyncset.done $0x0  }
0x9c: {  	[sflag:s5] =	ssyncadd.s32 $0xFFFFF000  }
0x9d: {  	_ =	swait.ge [sflag:s9], $0x1000  }
0x9e: {  	[sflag:s9] =	ssyncset.done $0x0  }
0x9f: {  	[sflag:s9] =	ssyncadd.s32 $0xFFFFF000  }
0xa0: {  	_ =	swait.ge [sflag:s5], $0x1000  }
0xa1: {  	[sflag:s5] =	ssyncset.done $0x0  }
0xa2: {  	[sflag:s5] =	ssyncadd.s32 $0xFFFFF000  }
0xa3: {  	v50 =	vld [tilespmem:s19+$0x0];
	_ =	sdelay $0x1  }
0xa4: {  	v51 =	vld [tilespmem:s19+$0x280];
	_ =	sdelay $0x2  }
0xa5: {  	(v2sf) =	vpush v50, $0x0;
	_ =	sdelay $0x1  }
0xa6: {  	(v2sf) =	vpush v51, $0x0;
	_ =	sdelay $0xc  }
0xa7: {  	s24 =	spop (v2sf);
	(v2sf) =	vpush v50, $0x1  }
0xa8: {  	s20 =	sand.u32 $0x7F, s24  }
0xa9: {  	s25 =	spop (v2sf);
	(v2sf) =	vpush v51, $0x1;
	v34 =	vor.u32 s20, v0  }
0xaa: {  	s0 =	sand.u32 $0x7F, s25;
	v35 =	vor.u32 s20, v1  }
0xab: {  	v36 =	vor.u32 s0, v0  }
0xac: {  	v37 =	vor.u32 s0, v1;
	_ =	sdelay $0x1  }
0xad: {  	v34 =	vld.idx.msk [tilespmem:v34+s15+$0x0], $0xffff  }
0xae: {  	v35 =	vld.idx.msk [tilespmem:v35+s15+$0x0], $0xffff  }
0xaf: {  	v36 =	vld.idx.msk [tilespmem:v36+s16+$0x0], $0xffff  }
0xb0: {  	v37 =	vld.idx.msk [tilespmem:v37+s16+$0x0], $0xffff;
	_ =	sdelay $0x3  }
0xb1: {  	v34 =	vmul.f32 v36, v34  }
0xb2: {  	v35 =	vmul.f32 v37, v35;
	s26 =	spop (v2sf);
	(v2sf) =	vpush v50, $0x2  }
0xb3: {  	v34 =	vmul.f32 v34, v30;
	s0 =	sand.u32 $0x7F, s26  }
0xb4: {  	v35 =	vmul.f32 v35, v31;
	s4 =	spop (v2sf);
	(v2sf) =	vpush v51, $0x2;
	v52 =	vor.u32 s0, v2  }
0xb5: {  	s20 =	sand.u32 $0x7F, s4;
	v53 =	vor.u32 s0, v3  }
0xb6: {  	v34 =	vadd.f32 v35, v34;
	v54 =	vor.u32 s20, v2  }
0xb7: {  	v38 =	vor.u32 s20, v3  }
0xb8: {  	[tilespmem:s17+$0xFFFFFE80] =	vst v34  }
0xb9: {  	v34 =	vld.idx.msk [tilespmem:v52+s15+$0x0], $0xffff  }
0xba: {  	v55 =	vld.idx.msk [tilespmem:v53+s15+$0x0], $0xffff  }
0xbb: {  	v35 =	vld.idx.msk [tilespmem:v54+s16+$0x0], $0xffff  }
0xbc: {  	v56 =	vld.idx.msk [tilespmem:v38+s16+$0x0], $0xffff;
	_ =	sdelay $0x3  }
0xbd: {  	v34 =	vmul.f32 v35, v34  }
0xbe: {  	v57 =	vmul.f32 v56, v55;
	s6 =	spop (v2sf);
	(v2sf) =	vpush v50, $0x3  }
0xbf: {  	v58 =	vmul.f32 v34, v30;
	s0 =	sand.u32 $0x7F, s6  }
0xc0: {  	v59 =	vmul.f32 v57, v31;
	s7 =	spop (v2sf);
	(v2sf) =	vpush v51, $0x3;
	v60 =	vor.u32 s0, v4  }
0xc1: {  	s20 =	sand.u32 $0x7F, s7;
	v61 =	vor.u32 s0, v5  }
0xc2: {  	v32 =	vadd.f32 v59, v58;
	v62 =	vor.u32 s20, v4  }
0xc3: {  	v63 =	vor.u32 s20, v5  }
0xc4: {  	[tilespmem:s17+$0xFFFFFE90] =	vst v32  }
0xc5: {  	v32 =	vld.idx.msk [tilespmem:v60+s15+$0x0], $0xffff  }
0xc6: {  	v33 =	vld.idx.msk [tilespmem:v61+s15+$0x0], $0xffff  }
0xc7: {  	v34 =	vld.idx.msk [tilespmem:v62+s16+$0x0], $0xffff  }
0xc8: {  	v39 =	vld.idx.msk [tilespmem:v63+s16+$0x0], $0xffff;
	_ =	sdelay $0x4  }
0xc9: {  	v32 =	vmul.f32 v34, v32;
	v33 =	vmul.f32 v39, v33;
	s8 =	spop (v2sf)  }
0xca: {  	s0 =	sand.u32 $0x7F, s8  }
0xcb: {  	v32 =	vmul.f32 v32, v30;
	v33 =	vmul.f32 v33, v31;
	s11 =	spop (v2sf);
	v40 =	vor.u32 s0, v6  }
0xcc: {  	s20 =	sand.u32 $0x7F, s11;
	v41 =	vor.u32 s0, v7  }
0xcd: {  	v32 =	vadd.f32 v33, v32;
	v42 =	vor.u32 s20, v6  }
0xce: {  	v43 =	vor.u32 s20, v7  }
0xcf: {  	[tilespmem:s17+$0xFFFFFEA0] =	vst v32  }
0xd0: {  	v32 =	vld.idx.msk [tilespmem:v40+s15+$0x0], $0xffff  }
0xd1: {  	v44 =	vld.idx.msk [tilespmem:v41+s15+$0x0], $0xffff  }
0xd2: {  	v33 =	vld.idx.msk [tilespmem:v42+s16+$0x0], $0xffff  }
0xd3: {  	v45 =	vld.idx.msk [tilespmem:v43+s16+$0x0], $0xffff;
	_ =	sdelay $0x4  }
0xd4: {  	v32 =	vmul.f32 v33, v32;
	v46 =	vmul.f32 v45, v44;
	_ =	sdelay $0x1  }
0xd5: {  	v32 =	vmul.f32 v32, v30;
	v33 =	vmul.f32 v46, v31;
	_ =	sdelay $0x1  }
0xd6: {  	v32 =	vadd.f32 v33, v32;
	_ =	sdelay $0x1  }
0xd7: {  	[tilespmem:s17+$0xFFFFFEB0] =	vst v32  }
0xd8: {  	v32 =	vld [tilespmem:s19+$0x8];
	_ =	sdelay $0x1  }
0xd9: {  	v47 =	vld [tilespmem:s19+$0x288];
	_ =	sdelay $0x2  }
0xda: {  	(v2sf) =	vpush v32, $0x4;
	_ =	sdelay $0x1  }
0xdb: {  	(v2sf) =	vpush v47, $0x4;
	_ =	sdelay $0x1  }
0xdc: {  	(v2sf) =	vpush v32, $0x5;
	_ =	sdelay $0x2  }
0xdd: {  	(v2sf) =	vpush v47, $0x5;
	_ =	sdelay $0x7  }
0xde: {  	s12 =	spop (v2sf);
	(v2sf) =	vpush v32, $0x6;
	_ =	sdelay $0x1  }
0xdf: {  	s20 =	spop (v2sf);
	(v2sf) =	vpush v47, $0x6  }
0xe0: {  	s0 =	sand.u32 $0xFFFFF80, s12  }
0xe1: {  	s0 =	sadd.s32 s1, s0;
	s22 =	spop (v2sf)  }
0xe2: {  	(v2sf) =	vpush v32, $0x7;
	[tilespmem:s15], [sflag:$0x1] =	stream.strided.gather [hbm4b:s0+s13], $0x1000, s14, s13, $0x38;
	[tilespmem:$0x1C780] =	vst v63  }
0xe3: {  	s0 =	sand.u32 $0xFFFFF80, s20  }
0xe4: {  	s23 =	spop (v2sf);
	s0 =	sadd.s32 s2, s0  }
0xe5: {  	(v2sf) =	vpush v47, $0x7;
	[tilespmem:s16], [sflag:$0x2] =	stream.strided.gather [hbm4b:s0+s13], $0x1000, s14, s13, $0x38;
	[tilespmem:$0x1C780] =	vst v63  }
0xe6: {  	s0 =	sand.u32 $0xFFFFF80, s22  }
0xe7: {  	s11 =	simm.s32 $0x1500;
	s0 =	sadd.s32 s1, s0  }
0xe8: {  	[tilespmem:s11], [sflag:$0x1] =	stream.strided.gather [hbm4b:s0+s13], $0x1000, s14, s13, $0x38;
	[tilespmem:$0x1C780] =	vst v63  }
0xe9: {  	s0 =	sand.u32 $0xFFFFF80, s23  }
0xea: {  	s0 =	sadd.s32 s2, s0  }
0xeb: {  	[tilespmem:s28], [sflag:$0x2] =	stream.strided.gather [hbm4b:s0+s13], $0x1000, s14, s13, $0x38;
	[tilespmem:$0x1C780] =	vst v63  }
0xec: {  	s24 =	spop (v2sf)  }
0xed: {  	s0 =	sand.u32 $0xFFFFF80, s24  }
0xee: {  	s7 =	simm.s32 $0x2500;
	s25 =	spop (v2sf);
	s0 =	sadd.s32 s1, s0  }
0xef: {  	[tilespmem:s7], [sflag:$0x1] =	stream.strided.gather [hbm4b:s0+s13], $0x1000, s14, s13, $0x38;
	[tilespmem:$0x1C780] =	vst v63  }
0xf0: {  	s0 =	sand.u32 $0xFFFFF80, s25  }
0xf1: {  	s26 =	spop (v2sf);
	s0 =	sadd.s32 s2, s0  }
0xf2: {  	[tilespmem:s30], [sflag:$0x2] =	stream.strided.gather [hbm4b:s0+s13], $0x1000, s14, s13, $0x38;
	[tilespmem:$0x1C780] =	vst v63  }
0xf3: {  	s0 =	sand.u32 $0xFFFFF80, s26  }
0xf4: {  	s12 =	simm.s32 $0x3500;
	s4 =	spop (v2sf);
	s0 =	sadd.s32 s1, s0  }
0xf5: {  	[tilespmem:s12], [sflag:$0x1] =	stream.strided.gather [hbm4b:s0+s13], $0x1000, s14, s13, $0x38;
	[tilespmem:$0x1C780] =	vst v63  }
0xf6: {  	s0 =	sand.u32 $0xFFFFF80, s4  }
0xf7: {  	s25 =	simm.s32 $0xF500;
	s0 =	sadd.s32 s2, s0  }
0xf8: {  	[tilespmem:s25], [sflag:$0x2] =	stream.strided.gather [hbm4b:s0+s13], $0x1000, s14, s13, $0x38;
	[tilespmem:$0x1C780] =	vst v63  }
0xf9: {  	_ =	swait.ge [sflag:s9], $0x1000  }
0xfa: {  	[sflag:s9] =	ssyncset.done $0x0  }
0xfb: {  	[sflag:s9] =	ssyncadd.s32 $0xFFFFF000  }
0xfc: {  	_ =	swait.ge [sflag:s5], $0x1000  }
0xfd: {  	[sflag:s5] =	ssyncset.done $0x0  }
0xfe: {  	[sflag:s5] =	ssyncadd.s32 $0xFFFFF000  }
0xff: {  	_ =	swait.ge [sflag:s9], $0x1000  }
0x100: {  	[sflag:s9] =	ssyncset.done $0x0  }
0x101: {  	[sflag:s9] =	ssyncadd.s32 $0xFFFFF000  }
0x102: {  	_ =	swait.ge [sflag:s5], $0x1000  }
0x103: {  	[sflag:s5] =	ssyncset.done $0x0  }
0x104: {  	[sflag:s5] =	ssyncadd.s32 $0xFFFFF000  }
0x105: {  	_ =	swait.ge [sflag:s9], $0x1000  }
0x106: {  	[sflag:s9] =	ssyncset.done $0x0  }
0x107: {  	[sflag:s9] =	ssyncadd.s32 $0xFFFFF000  }
0x108: {  	_ =	swait.ge [sflag:s5], $0x1000  }
0x109: {  	[sflag:s5] =	ssyncset.done $0x0  }
0x10a: {  	[sflag:s5] =	ssyncadd.s32 $0xFFFFF000  }
0x10b: {  	_ =	swait.ge [sflag:s9], $0x1000  }
0x10c: {  	[sflag:s9] =	ssyncset.done $0x0  }
0x10d: {  	[sflag:s9] =	ssyncadd.s32 $0xFFFFF000  }
0x10e: {  	_ =	swait.ge [sflag:s5], $0x1000  }
0x10f: {  	[sflag:s5] =	ssyncset.done $0x0  }
0x110: {  	[sflag:s5] =	ssyncadd.s32 $0xFFFFF000  }
0x111: {  	v48 =	vld [tilespmem:s19+$0x0];
	_ =	sdelay $0x1  }
0x112: {  	v49 =	vld [tilespmem:s19+$0x280];
	_ =	sdelay $0x2  }
0x113: {  	(v2sf) =	vpush v48, $0x4;
	_ =	sdelay $0x1  }
0x114: {  	(v2sf) =	vpush v49, $0x4;
	_ =	sdelay $0xc  }
0x115: {  	s6 =	spop (v2sf);
	(v2sf) =	vpush v48, $0x5  }
0x116: {  	s0 =	sand.u32 $0x7F, s6  }
0x117: {  	s8 =	spop (v2sf);
	(v2sf) =	vpush v49, $0x5;
	v50 =	vor.u32 s0, v8  }
0x118: {  	s20 =	sand.u32 $0x7F, s8;
	v51 =	vor.u32 s0, v9  }
0x119: {  	v52 =	vor.u32 s20, v8  }
0x11a: {  	v53 =	vor.u32 s20, v9;
	_ =	sdelay $0x1  }
0x11b: {  	v34 =	vld.idx.msk [tilespmem:v50+s15+$0x0], $0xffff  }
0x11c: {  	v35 =	vld.idx.msk [tilespmem:v51+s15+$0x0], $0xffff  }
0x11d: {  	v36 =	vld.idx.msk [tilespmem:v52+s16+$0x0], $0xffff  }
0x11e: {  	v37 =	vld.idx.msk [tilespmem:v53+s16+$0x0], $0xffff;
	_ =	sdelay $0x3  }
0x11f: {  	v34 =	vmul.f32 v36, v34  }
0x120: {  	v35 =	vmul.f32 v37, v35;
	s22 =	spop (v2sf);
	(v2sf) =	vpush v48, $0x6  }
0x121: {  	v34 =	vmul.f32 v34, v30;
	s0 =	sand.u32 $0x7F, s22  }
0x122: {  	v35 =	vmul.f32 v35, v31;
	s23 =	spop (v2sf);
	(v2sf) =	vpush v49, $0x6;
	v54 =	vor.u32 s0, v10  }
0x123: {  	s20 =	sand.u32 $0x7F, s23;
	v55 =	vor.u32 s0, v11  }
0x124: {  	v34 =	vadd.f32 v35, v34;
	v56 =	vor.u32 s20, v10  }
0x125: {  	v57 =	vor.u32 s20, v11  }
0x126: {  	[tilespmem:s17+$0xFFFFFF00] =	vst v34  }
0x127: {  	v34 =	vld.idx.msk [tilespmem:v54+s15+$0x0], $0xffff  }
0x128: {  	v58 =	vld.idx.msk [tilespmem:v55+s15+$0x0], $0xffff  }
0x129: {  	v35 =	vld.idx.msk [tilespmem:v56+s16+$0x0], $0xffff  }
0x12a: {  	v59 =	vld.idx.msk [tilespmem:v57+s16+$0x0], $0xffff;
	_ =	sdelay $0x3  }
0x12b: {  	v34 =	vmul.f32 v35, v34  }
0x12c: {  	v60 =	vmul.f32 v59, v58;
	s24 =	spop (v2sf);
	(v2sf) =	vpush v48, $0x7  }
0x12d: {  	v61 =	vmul.f32 v34, v30;
	s0 =	sand.u32 $0x7F, s24  }
0x12e: {  	v62 =	vmul.f32 v60, v31;
	s26 =	spop (v2sf);
	(v2sf) =	vpush v49, $0x7;
	v63 =	vor.u32 s0, v12  }
0x12f: {  	s20 =	sand.u32 $0x7F, s26;
	v40 =	vor.u32 s0, v13  }
0x130: {  	v32 =	vadd.f32 v62, v61;
	v41 =	vor.u32 s20, v12  }
0x131: {  	v42 =	vor.u32 s20, v13  }
0x132: {  	[tilespmem:s17+$0xFFFFFF10] =	vst v32  }
0x133: {  	v32 =	vld.idx.msk [tilespmem:v63+s15+$0x0], $0xffff  }
0x134: {  	v33 =	vld.idx.msk [tilespmem:v40+s15+$0x0], $0xffff  }
0x135: {  	v34 =	vld.idx.msk [tilespmem:v41+s16+$0x0], $0xffff  }
0x136: {  	v43 =	vld.idx.msk [tilespmem:v42+s16+$0x0], $0xffff;
	_ =	sdelay $0x4  }
0x137: {  	v32 =	vmul.f32 v34, v32;
	v33 =	vmul.f32 v43, v33;
	s4 =	spop (v2sf)  }
0x138: {  	s0 =	sand.u32 $0x7F, s4  }
0x139: {  	v32 =	vmul.f32 v32, v30;
	v33 =	vmul.f32 v33, v31;
	s6 =	spop (v2sf);
	v44 =	vor.u32 s0, v14  }
0x13a: {  	s20 =	sand.u32 $0x7F, s6;
	v45 =	vor.u32 s0, v15  }
0x13b: {  	v32 =	vadd.f32 v33, v32;
	v46 =	vor.u32 s20, v14  }
0x13c: {  	v47 =	vor.u32 s20, v15  }
0x13d: {  	[tilespmem:s17+$0xFFFFFF20] =	vst v32  }
0x13e: {  	v32 =	vld.idx.msk [tilespmem:v44+s15+$0x0], $0xffff  }
0x13f: {  	v48 =	vld.idx.msk [tilespmem:v45+s15+$0x0], $0xffff  }
0x140: {  	v33 =	vld.idx.msk [tilespmem:v46+s16+$0x0], $0xffff  }
0x141: {  	v49 =	vld.idx.msk [tilespmem:v47+s16+$0x0], $0xffff;
	_ =	sdelay $0x4  }
0x142: {  	v32 =	vmul.f32 v33, v32;
	v50 =	vmul.f32 v49, v48;
	_ =	sdelay $0x1  }
0x143: {  	v32 =	vmul.f32 v32, v30;
	v33 =	vmul.f32 v50, v31;
	_ =	sdelay $0x1  }
0x144: {  	v32 =	vadd.f32 v33, v32;
	_ =	sdelay $0x1  }
0x145: {  	[tilespmem:s17+$0xFFFFFF30] =	vst v32  }
0x146: {  	v32 =	vld [tilespmem:s19+$0x10];
	_ =	sdelay $0x1  }
0x147: {  	v51 =	vld [tilespmem:s19+$0x290];
	_ =	sdelay $0x2  }
0x148: {  	(v2sf) =	vpush v32, $0x0;
	_ =	sdelay $0x1  }
0x149: {  	(v2sf) =	vpush v51, $0x0;
	_ =	sdelay $0x1  }
0x14a: {  	(v2sf) =	vpush v32, $0x1;
	_ =	sdelay $0x2  }
0x14b: {  	(v2sf) =	vpush v51, $0x1;
	_ =	sdelay $0x7  }
0x14c: {  	s8 =	spop (v2sf);
	(v2sf) =	vpush v32, $0x2;
	_ =	sdelay $0x1  }
0x14d: {  	s20 =	spop (v2sf);
	(v2sf) =	vpush v51, $0x2  }
0x14e: {  	s0 =	sand.u32 $0xFFFFF80, s8  }
0x14f: {  	s0 =	sadd.s32 s1, s0;
	s22 =	spop (v2sf)  }
0x150: {  	(v2sf) =	vpush v32, $0x3;
	[tilespmem:s31], [sflag:$0x1] =	stream.strided.gather [hbm4b:s0+s13], $0x1000, s14, s13, $0x38;
	[tilespmem:$0x1C780] =	vst v63  }
0x151: {  	s0 =	sand.u32 $0xFFFFF80, s20  }
0x152: {  	s6 =	simm.s32 $0x10500;
	s23 =	spop (v2sf);
	s0 =	sadd.s32 s2, s0  }
0x153: {  	(v2sf) =	vpush v51, $0x3;
	[tilespmem:s6], [sflag:$0x2] =	stream.strided.gather [hbm4b:s0+s13], $0x1000, s14, s13, $0x38;
	[tilespmem:$0x1C780] =	vst v63  }
0x154: {  	s0 =	sand.u32 $0xFFFFF80, s22  }
0x155: {  	s8 =	simm.s32 $0x5500;
	s0 =	sadd.s32 s1, s0  }
0x156: {  	[tilespmem:s8], [sflag:$0x1] =	stream.strided.gather [hbm4b:s0+s13], $0x1000, s14, s13, $0x38;
	[tilespmem:$0x1C780] =	vst v63  }
0x157: {  	s0 =	sand.u32 $0xFFFFF80, s23  }
0x158: {  	s4 =	simm.s32 $0x11500;
	s0 =	sadd.s32 s2, s0  }
0x159: {  	[tilespmem:s4], [sflag:$0x2] =	stream.strided.gather [hbm4b:s0+s13], $0x1000, s14, s13, $0x38;
	[tilespmem:$0x1C780] =	vst v63  }
0x15a: {  	s24 =	spop (v2sf)  }
0x15b: {  	s0 =	sand.u32 $0xFFFFF80, s24  }
0x15c: {  	s23 =	simm.s32 $0x6500;
	s26 =	spop (v2sf);
	s0 =	sadd.s32 s1, s0  }
0x15d: {  	[tilespmem:s23], [sflag:$0x1] =	stream.strided.gather [hbm4b:s0+s13], $0x1000, s14, s13, $0x38;
	[tilespmem:$0x1C780] =	vst v63  }
0x15e: {  	s0 =	sand.u32 $0xFFFFF80, s26  }
0x15f: {  	s20 =	spop (v2sf);
	s26 =	simm.s32 $0x12500;
	s0 =	sadd.s32 s2, s0  }
0x160: {  	[tilespmem:s26], [sflag:$0x2] =	stream.strided.gather [hbm4b:s0+s13], $0x1000, s14, s13, $0x38;
	[tilespmem:$0x1C780] =	vst v63  }
0x161: {  	s0 =	sand.u32 $0xFFFFF80, s20  }
0x162: {  	s24 =	simm.s32 $0x7500;
	s22 =	spop (v2sf);
	s0 =	sadd.s32 s1, s0  }
0x163: {  	[tilespmem:s24], [sflag:$0x1] =	stream.strided.gather [hbm4b:s0+s13], $0x1000, s14, s13, $0x38;
	[tilespmem:$0x1C780] =	vst v63  }
0x164: {  	s0 =	sand.u32 $0xFFFFF80, s22  }
0x165: {  	s22 =	simm.s32 $0x13500;
	s0 =	sadd.s32 s2, s0  }
0x166: {  	[tilespmem:s22], [sflag:$0x2] =	stream.strided.gather [hbm4b:s0+s13], $0x1000, s14, s13, $0x38;
	[tilespmem:$0x1C780] =	vst v63  }
0x167: {  	_ =	swait.ge [sflag:s9], $0x1000  }
0x168: {  	[sflag:s9] =	ssyncset.done $0x0  }
0x169: {  	[sflag:s9] =	ssyncadd.s32 $0xFFFFF000  }
0x16a: {  	_ =	swait.ge [sflag:s5], $0x1000  }
0x16b: {  	[sflag:s5] =	ssyncset.done $0x0  }
0x16c: {  	[sflag:s5] =	ssyncadd.s32 $0xFFFFF000  }
0x16d: {  	_ =	swait.ge [sflag:s9], $0x1000  }
0x16e: {  	[sflag:s9] =	ssyncset.done $0x0  }
0x16f: {  	[sflag:s9] =	ssyncadd.s32 $0xFFFFF000  }
0x170: {  	_ =	swait.ge [sflag:s5], $0x1000  }
0x171: {  	[sflag:s5] =	ssyncset.done $0x0  }
0x172: {  	[sflag:s5] =	ssyncadd.s32 $0xFFFFF000  }
0x173: {  	_ =	swait.ge [sflag:s9], $0x1000  }
0x174: {  	[sflag:s9] =	ssyncset.done $0x0  }
0x175: {  	[sflag:s9] =	ssyncadd.s32 $0xFFFFF000  }
0x176: {  	_ =	swait.ge [sflag:s5], $0x1000  }
0x177: {  	[sflag:s5] =	ssyncset.done $0x0  }
0x178: {  	[sflag:s5] =	ssyncadd.s32 $0xFFFFF000  }
0x179: {  	_ =	swait.ge [sflag:s9], $0x1000  }
0x17a: {  	[sflag:s9] =	ssyncset.done $0x0  }
0x17b: {  	[sflag:s9] =	ssyncadd.s32 $0xFFFFF000  }
0x17c: {  	_ =	swait.ge [sflag:s5], $0x1000  }
0x17d: {  	[sflag:s5] =	ssyncset.done $0x0  }
0x17e: {  	[sflag:s5] =	ssyncadd.s32 $0xFFFFF000  }
0x17f: {  	v52 =	vld [tilespmem:s19+$0x8];
	_ =	sdelay $0x1  }
0x180: {  	v53 =	vld [tilespmem:s19+$0x288];
	_ =	sdelay $0x2  }
0x181: {  	(v2sf) =	vpush v52, $0x0;
	_ =	sdelay $0x1  }
0x182: {  	(v2sf) =	vpush v53, $0x0;
	_ =	sdelay $0xc  }
0x183: {  	s20 =	spop (v2sf);
	(v2sf) =	vpush v52, $0x1  }
0x184: {  	s0 =	sand.u32 $0x7F, s20  }
0x185: {  	s20 =	spop (v2sf);
	(v2sf) =	vpush v53, $0x1;
	v54 =	vor.u32 s0, v16  }
0x186: {  	s20 =	sand.u32 $0x7F, s20;
	v55 =	vor.u32 s0, v17  }
0x187: {  	v56 =	vor.u32 s20, v16  }
0x188: {  	v57 =	vor.u32 s20, v17;
	_ =	sdelay $0x1  }
0x189: {  	v34 =	vld.idx.msk [tilespmem:v54+s15+$0x0], $0xffff  }
0x18a: {  	v35 =	vld.idx.msk [tilespmem:v55+s15+$0x0], $0xffff  }
0x18b: {  	v36 =	vld.idx.msk [tilespmem:v56+s16+$0x0], $0xffff  }
0x18c: {  	v37 =	vld.idx.msk [tilespmem:v57+s16+$0x0], $0xffff;
	_ =	sdelay $0x3  }
0x18d: {  	v34 =	vmul.f32 v36, v34  }
0x18e: {  	v35 =	vmul.f32 v37, v35;
	s20 =	spop (v2sf);
	(v2sf) =	vpush v52, $0x2  }
0x18f: {  	v34 =	vmul.f32 v34, v30;
	s0 =	sand.u32 $0x7F, s20  }
0x190: {  	v35 =	vmul.f32 v35, v31;
	s20 =	spop (v2sf);
	(v2sf) =	vpush v53, $0x2;
	v58 =	vor.u32 s0, v18  }
0x191: {  	s20 =	sand.u32 $0x7F, s20;
	v59 =	vor.u32 s0, v19  }
0x192: {  	v34 =	vadd.f32 v35, v34;
	v60 =	vor.u32 s20, v18  }
0x193: {  	v61 =	vor.u32 s20, v19  }
0x194: {  	[tilespmem:s17+$0xFFFFFF80] =	vst v34  }
0x195: {  	v34 =	vld.idx.msk [tilespmem:v58+s15+$0x0], $0xffff  }
0x196: {  	v62 =	vld.idx.msk [tilespmem:v59+s15+$0x0], $0xffff  }
0x197: {  	v35 =	vld.idx.msk [tilespmem:v60+s16+$0x0], $0xffff  }
0x198: {  	v63 =	vld.idx.msk [tilespmem:v61+s16+$0x0], $0xffff;
	_ =	sdelay $0x3  }
0x199: {  	v34 =	vmul.f32 v35, v34  }
0x19a: {  	v37 =	vmul.f32 v63, v62;
	s20 =	spop (v2sf);
	(v2sf) =	vpush v52, $0x3  }
0x19b: {  	v38 =	vmul.f32 v34, v30;
	s0 =	sand.u32 $0x7F, s20  }
0x19c: {  	v39 =	vmul.f32 v37, v31;
	s20 =	spop (v2sf);
	(v2sf) =	vpush v53, $0x3;
	v40 =	vor.u32 s0, v20  }
0x19d: {  	s20 =	sand.u32 $0x7F, s20;
	v41 =	vor.u32 s0, v21  }
0x19e: {  	v32 =	vadd.f32 v39, v38;
	v42 =	vor.u32 s20, v20  }
0x19f: {  	v43 =	vor.u32 s20, v21  }
0x1a0: {  	[tilespmem:s17+$0xFFFFFF90] =	vst v32  }
0x1a1: {  	v32 =	vld.idx.msk [tilespmem:v40+s15+$0x0], $0xffff  }
0x1a2: {  	v33 =	vld.idx.msk [tilespmem:v41+s15+$0x0], $0xffff  }
0x1a3: {  	v34 =	vld.idx.msk [tilespmem:v42+s16+$0x0], $0xffff  }
0x1a4: {  	v44 =	vld.idx.msk [tilespmem:v43+s16+$0x0], $0xffff;
	_ =	sdelay $0x4  }
0x1a5: {  	v32 =	vmul.f32 v34, v32;
	v33 =	vmul.f32 v44, v33;
	s20 =	spop (v2sf)  }
0x1a6: {  	s0 =	sand.u32 $0x7F, s20  }
0x1a7: {  	v32 =	vmul.f32 v32, v30;
	v33 =	vmul.f32 v33, v31;
	s20 =	spop (v2sf);
	v45 =	vor.u32 s0, v23  }
0x1a8: {  	s20 =	sand.u32 $0x7F, s20;
	v46 =	vor.u32 s0, v24  }
0x1a9: {  	v32 =	vadd.f32 v33, v32;
	v47 =	vor.u32 s20, v23  }
0x1aa: {  	v48 =	vor.u32 s20, v24  }
0x1ab: {  	[tilespmem:s17+$0xFFFFFFA0] =	vst v32  }
0x1ac: {  	v32 =	vld.idx.msk [tilespmem:v45+s15+$0x0], $0xffff  }
0x1ad: {  	v49 =	vld.idx.msk [tilespmem:v46+s15+$0x0], $0xffff  }
0x1ae: {  	v33 =	vld.idx.msk [tilespmem:v47+s16+$0x0], $0xffff  }
0x1af: {  	v50 =	vld.idx.msk [tilespmem:v48+s16+$0x0], $0xffff;
	_ =	sdelay $0x4  }
0x1b0: {  	v32 =	vmul.f32 v33, v32;
	v51 =	vmul.f32 v50, v49;
	_ =	sdelay $0x1  }
0x1b1: {  	v32 =	vmul.f32 v32, v30;
	v33 =	vmul.f32 v51, v31;
	_ =	sdelay $0x1  }
0x1b2: {  	v32 =	vadd.f32 v33, v32;
	_ =	sdelay $0x1  }
0x1b3: {  	[tilespmem:s17+$0xFFFFFFB0] =	vst v32  }
0x1b4: {  	v32 =	vld [tilespmem:s19+$0x10];
	_ =	sdelay $0x1  }
0x1b5: {  	v52 =	vld [tilespmem:s19+$0x290];
	_ =	sdelay $0x2  }
0x1b6: {  	(v2sf) =	vpush v32, $0x4;
	_ =	sdelay $0x1  }
0x1b7: {  	(v2sf) =	vpush v52, $0x4;
	_ =	sdelay $0x4  }
0x1b8: {  	(v2sf) =	vpush v32, $0x5;
	_ =	sdelay $0x1  }
0x1b9: {  	(v2sf) =	vpush v52, $0x5;
	_ =	sdelay $0x5  }
0x1ba: {  	s20 =	spop (v2sf);
	(v2sf) =	vpush v32, $0x6  }
0x1bb: {  	s0 =	sand.u32 $0xFFFFF80, s20  }
0x1bc: {  	s20 =	spop (v2sf);
	(v2sf) =	vpush v52, $0x6;
	s0 =	sadd.s32 s1, s0  }
0x1bd: {  	[tilespmem:s29], [sflag:$0x1] =	stream.strided.gather [hbm4b:s0+s13], $0x1000, s14, s13, $0x38;
	[tilespmem:$0x1C780] =	vst v63  }
0x1be: {  	s0 =	sand.u32 $0xFFFFF80, s20  }
0x1bf: {  	s0 =	sadd.s32 s2, s0  }
0x1c0: {  	[tilespmem:s21], [sflag:$0x2] =	stream.strided.gather [hbm4b:s0+s13], $0x1000, s14, s13, $0x38;
	[tilespmem:$0x1C780] =	vst v63  }
0x1c1: {  	s21 =	spop (v2sf);
	(v2sf) =	vpush v32, $0x7;
	_ =	sdelay $0x1  }
0x1c2: {  	s0 =	sand.u32 $0xFFFFF80, s21;
	s20 =	spop (v2sf);
	(v2sf) =	vpush v52, $0x7  }
0x1c3: {  	s0 =	sadd.s32 s1, s0  }
0x1c4: {  	[tilespmem:s3], [sflag:$0x1] =	stream.strided.gather [hbm4b:s0+s13], $0x1000, s14, s13, $0x38;
	[tilespmem:$0x1C780] =	vst v63  }
0x1c5: {  	s0 =	sand.u32 $0xFFFFF80, s20  }
0x1c6: {  	s21 =	simm.s32 $0x15500;
	s0 =	sadd.s32 s2, s0  }
0x1c7: {  	[tilespmem:s21], [sflag:$0x2] =	stream.strided.gather [hbm4b:s0+s13], $0x1000, s14, s13, $0x38;
	[tilespmem:$0x1C780] =	vst v63  }
0x1c8: {  	s20 =	spop (v2sf)  }
0x1c9: {  	s0 =	sand.u32 $0xFFFFF80, s20  }
0x1ca: {  	s21 =	simm.s32 $0xA500;
	s20 =	spop (v2sf);
	s0 =	sadd.s32 s1, s0  }
0x1cb: {  	[tilespmem:s21], [sflag:$0x1] =	stream.strided.gather [hbm4b:s0+s13], $0x1000, s14, s13, $0x38;
	[tilespmem:$0x1C780] =	vst v63  }
0x1cc: {  	s0 =	sand.u32 $0xFFFFF80, s20  }
0x1cd: {  	s21 =	simm.s32 $0x16500;
	s0 =	sadd.s32 s2, s0  }
0x1ce: {  	[tilespmem:s21], [sflag:$0x2] =	stream.strided.gather [hbm4b:s0+s13], $0x1000, s14, s13, $0x38;
	[tilespmem:$0x1C780] =	vst v63  }
0x1cf: {  	s20 =	spop (v2sf)  }
0x1d0: {  	s0 =	sand.u32 $0xFFFFF80, s20  }
0x1d1: {  	s21 =	simm.s32 $0xB500;
	s3 =	spop (v2sf);
	s0 =	sadd.s32 s1, s0  }
0x1d2: {  	[tilespmem:s21], [sflag:$0x1] =	stream.strided.gather [hbm4b:s0+s13], $0x1000, s14, s13, $0x38;
	[tilespmem:$0x1C780] =	vst v63  }
0x1d3: {  	s0 =	sand.u32 $0xFFFFF80, s3  }
0x1d4: {  	s20 =	simm.s32 $0x17500;
	s0 =	sadd.s32 s2, s0  }
0x1d5: {  	[tilespmem:s20], [sflag:$0x2] =	stream.strided.gather [hbm4b:s0+s13], $0x1000, s14, s13, $0x38;
	[tilespmem:$0x1C780] =	vst v63  }
0x1d6: {  	_ =	swait.ge [sflag:s9], $0x1000  }
0x1d7: {  	[sflag:s9] =	ssyncset.done $0x0  }
0x1d8: {  	[sflag:s9] =	ssyncadd.s32 $0xFFFFF000  }
0x1d9: {  	_ =	swait.ge [sflag:s5], $0x1000  }
0x1da: {  	[sflag:s5] =	ssyncset.done $0x0  }
0x1db: {  	[sflag:s5] =	ssyncadd.s32 $0xFFFFF000  }
0x1dc: {  	_ =	swait.ge [sflag:s9], $0x1000  }
0x1dd: {  	[sflag:s9] =	ssyncset.done $0x0  }
0x1de: {  	[sflag:s9] =	ssyncadd.s32 $0xFFFFF000  }
0x1df: {  	_ =	swait.ge [sflag:s5], $0x1000  }
0x1e0: {  	[sflag:s5] =	ssyncset.done $0x0  }
0x1e1: {  	[sflag:s5] =	ssyncadd.s32 $0xFFFFF000  }
0x1e2: {  	_ =	swait.ge [sflag:s9], $0x1000  }
0x1e3: {  	[sflag:s9] =	ssyncset.done $0x0  }
0x1e4: {  	[sflag:s9] =	ssyncadd.s32 $0xFFFFF000  }
0x1e5: {  	_ =	swait.ge [sflag:s5], $0x1000  }
0x1e6: {  	[sflag:s5] =	ssyncset.done $0x0  }
0x1e7: {  	[sflag:s5] =	ssyncadd.s32 $0xFFFFF000  }
0x1e8: {  	_ =	swait.ge [sflag:s9], $0x1000  }
0x1e9: {  	[sflag:s9] =	ssyncset.done $0x0  }
0x1ea: {  	[sflag:s9] =	ssyncadd.s32 $0xFFFFF000  }
0x1eb: {  	_ =	swait.ge [sflag:s5], $0x1000  }
0x1ec: {  	[sflag:s5] =	ssyncset.done $0x0  }
0x1ed: {  	[sflag:s5] =	ssyncadd.s32 $0xFFFFF000  }
0x1ee: {  	v53 =	vld [tilespmem:s19+$0x8];
	_ =	sdelay $0x1  }
0x1ef: {  	v54 =	vld [tilespmem:s19+$0x288];
	_ =	sdelay $0x2  }
0x1f0: {  	(v2sf) =	vpush v53, $0x4;
	_ =	sdelay $0x1  }
0x1f1: {  	(v2sf) =	vpush v54, $0x4;
	_ =	sdelay $0xc  }
0x1f2: {  	s21 =	spop (v2sf);
	(v2sf) =	vpush v53, $0x5  }
0x1f3: {  	s0 =	sand.u32 $0x7F, s21  }
0x1f4: {  	s3 =	spop (v2sf);
	(v2sf) =	vpush v54, $0x5;
	v55 =	vor.u32 s0, v0  }
0x1f5: {  	s20 =	sand.u32 $0x7F, s3;
	v56 =	vor.u32 s0, v1  }
0x1f6: {  	v57 =	vor.u32 s20, v0  }
0x1f7: {  	v58 =	vor.u32 s20, v1;
	_ =	sdelay $0x1  }
0x1f8: {  	v34 =	vld.idx.msk [tilespmem:v55+s15+$0x0], $0xffff  }
0x1f9: {  	v35 =	vld.idx.msk [tilespmem:v56+s15+$0x0], $0xffff  }
0x1fa: {  	v36 =	vld.idx.msk [tilespmem:v57+s16+$0x0], $0xffff  }
0x1fb: {  	v37 =	vld.idx.msk [tilespmem:v58+s16+$0x0], $0xffff;
	_ =	sdelay $0x3  }
0x1fc: {  	v34 =	vmul.f32 v36, v34  }
0x1fd: {  	v35 =	vmul.f32 v37, v35;
	s21 =	spop (v2sf);
	(v2sf) =	vpush v53, $0x6  }
0x1fe: {  	v34 =	vmul.f32 v34, v30;
	s0 =	sand.u32 $0x7F, s21  }
0x1ff: {  	v35 =	vmul.f32 v35, v31;
	s3 =	spop (v2sf);
	(v2sf) =	vpush v54, $0x6;
	v59 =	vor.u32 s0, v2  }
0x200: {  	s20 =	sand.u32 $0x7F, s3;
	v60 =	vor.u32 s0, v3  }
0x201: {  	v34 =	vadd.f32 v35, v34;
	v61 =	vor.u32 s20, v2  }
0x202: {  	v62 =	vor.u32 s20, v3  }
0x203: {  	[tilespmem:s17+$0x0] =	vst v34  }
0x204: {  	v34 =	vld.idx.msk [tilespmem:v59+s15+$0x0], $0xffff  }
0x205: {  	v63 =	vld.idx.msk [tilespmem:v60+s15+$0x0], $0xffff  }
0x206: {  	v35 =	vld.idx.msk [tilespmem:v61+s16+$0x0], $0xffff  }
0x207: {  	v40 =	vld.idx.msk [tilespmem:v62+s16+$0x0], $0xffff;
	_ =	sdelay $0x3  }
0x208: {  	v34 =	vmul.f32 v35, v34  }
0x209: {  	v41 =	vmul.f32 v40, v63;
	s21 =	spop (v2sf);
	(v2sf) =	vpush v53, $0x7  }
0x20a: {  	v42 =	vmul.f32 v34, v30;
	s0 =	sand.u32 $0x7F, s21  }
0x20b: {  	v43 =	vmul.f32 v41, v31;
	s3 =	spop (v2sf);
	(v2sf) =	vpush v54, $0x7;
	v44 =	vor.u32 s0, v4  }
0x20c: {  	s20 =	sand.u32 $0x7F, s3;
	v45 =	vor.u32 s0, v5  }
0x20d: {  	v32 =	vadd.f32 v43, v42;
	v46 =	vor.u32 s20, v4  }
0x20e: {  	v47 =	vor.u32 s20, v5  }
0x20f: {  	[tilespmem:s17+$0x10] =	vst v32  }
0x210: {  	v32 =	vld.idx.msk [tilespmem:v44+s15+$0x0], $0xffff  }
0x211: {  	v33 =	vld.idx.msk [tilespmem:v45+s15+$0x0], $0xffff  }
0x212: {  	v34 =	vld.idx.msk [tilespmem:v46+s16+$0x0], $0xffff  }
0x213: {  	v48 =	vld.idx.msk [tilespmem:v47+s16+$0x0], $0xffff;
	_ =	sdelay $0x4  }
0x214: {  	v32 =	vmul.f32 v34, v32;
	v33 =	vmul.f32 v48, v33;
	s21 =	spop (v2sf)  }
0x215: {  	s0 =	sand.u32 $0x7F, s21  }
0x216: {  	v32 =	vmul.f32 v32, v30;
	v33 =	vmul.f32 v33, v31;
	s3 =	spop (v2sf);
	v49 =	vor.u32 s0, v6  }
0x217: {  	s20 =	sand.u32 $0x7F, s3;
	v50 =	vor.u32 s0, v7  }
0x218: {  	v32 =	vadd.f32 v33, v32;
	v51 =	vor.u32 s20, v6  }
0x219: {  	v52 =	vor.u32 s20, v7  }
0x21a: {  	[tilespmem:s17+$0x20] =	vst v32  }
0x21b: {  	v32 =	vld.idx.msk [tilespmem:v49+s15+$0x0], $0xffff  }
0x21c: {  	v53 =	vld.idx.msk [tilespmem:v50+s15+$0x0], $0xffff  }
0x21d: {  	v33 =	vld.idx.msk [tilespmem:v51+s16+$0x0], $0xffff  }
0x21e: {  	v54 =	vld.idx.msk [tilespmem:v52+s16+$0x0], $0xffff;
	_ =	sdelay $0x4  }
0x21f: {  	v32 =	vmul.f32 v33, v32;
	v55 =	vmul.f32 v54, v53;
	_ =	sdelay $0x1  }
0x220: {  	v32 =	vmul.f32 v32, v30;
	v33 =	vmul.f32 v55, v31;
	_ =	sdelay $0x1  }
0x221: {  	v32 =	vadd.f32 v33, v32;
	_ =	sdelay $0x1  }
0x222: {  	[tilespmem:s17+$0x30] =	vst v32  }
0x223: {  	v32 =	vld [tilespmem:s19+$0x18];
	_ =	sdelay $0x1  }
0x224: {  	v56 =	vld [tilespmem:s19+$0x298];
	_ =	sdelay $0x2  }
0x225: {  	(v2sf) =	vpush v32, $0x0;
	_ =	sdelay $0x1  }
0x226: {  	(v2sf) =	vpush v56, $0x0;
	_ =	sdelay $0x2  }
0x227: {  	(v2sf) =	vpush v32, $0x1;
	_ =	sdelay $0x4  }
0x228: {  	(v2sf) =	vpush v56, $0x1;
	_ =	sdelay $0x4  }
0x229: {  	s20 =	spop (v2sf);
	(v2sf) =	vpush v32, $0x2  }
0x22a: {  	s0 =	sand.u32 $0xFFFFF80, s20  }
0x22b: {  	s21 =	spop (v2sf);
	(v2sf) =	vpush v56, $0x2;
	s0 =	sadd.s32 s1, s0  }
0x22c: {  	[tilespmem:s15], [sflag:$0x1] =	stream.strided.gather [hbm4b:s0+s13], $0x1000, s14, s13, $0x38;
	[tilespmem:$0x1C780] =	vst v63  }
0x22d: {  	s0 =	sand.u32 $0xFFFFF80, s21  }
0x22e: {  	s3 =	spop (v2sf);
	(v2sf) =	vpush v32, $0x3;
	s0 =	sadd.s32 s2, s0  }
0x22f: {  	[tilespmem:s16], [sflag:$0x2] =	stream.strided.gather [hbm4b:s0+s13], $0x1000, s14, s13, $0x38;
	[tilespmem:$0x1C780] =	vst v63  }
0x230: {  	s0 =	sand.u32 $0xFFFFF80, s3  }
0x231: {  	s0 =	sadd.s32 s1, s0  }
0x232: {  	[tilespmem:s11], [sflag:$0x1] =	stream.strided.gather [hbm4b:s0+s13], $0x1000, s14, s13, $0x38;
	[tilespmem:$0x1C780] =	vst v63  }
0x233: {  	s11 =	spop (v2sf);
	(v2sf) =	vpush v56, $0x3;
	_ =	sdelay $0x1  }
0x234: {  	s0 =	sand.u32 $0xFFFFF80, s11  }
0x235: {  	s0 =	sadd.s32 s2, s0  }
0x236: {  	[tilespmem:s28], [sflag:$0x2] =	stream.strided.gather [hbm4b:s0+s13], $0x1000, s14, s13, $0x38;
	[tilespmem:$0x1C780] =	vst v63  }
0x237: {  	s20 =	spop (v2sf)  }
0x238: {  	s0 =	sand.u32 $0xFFFFF80, s20  }
0x239: {  	s21 =	spop (v2sf);
	s0 =	sadd.s32 s1, s0  }
0x23a: {  	[tilespmem:s7], [sflag:$0x1] =	stream.strided.gather [hbm4b:s0+s13], $0x1000, s14, s13, $0x38;
	[tilespmem:$0x1C780] =	vst v63  }
0x23b: {  	s0 =	sand.u32 $0xFFFFF80, s21  }
0x23c: {  	s3 =	spop (v2sf);
	s0 =	sadd.s32 s2, s0  }
0x23d: {  	[tilespmem:s30], [sflag:$0x2] =	stream.strided.gather [hbm4b:s0+s13], $0x1000, s14, s13, $0x38;
	[tilespmem:$0x1C780] =	vst v63  }
0x23e: {  	s0 =	sand.u32 $0xFFFFF80, s3  }
0x23f: {  	s0 =	sadd.s32 s1, s0  }
0x240: {  	[tilespmem:s12], [sflag:$0x1] =	stream.strided.gather [hbm4b:s0+s13], $0x1000, s14, s13, $0x38;
	[tilespmem:$0x1C780] =	vst v63  }
0x241: {  	s7 =	spop (v2sf)  }
0x242: {  	s0 =	sand.u32 $0xFFFFF80, s7  }
0x243: {  	s0 =	sadd.s32 s2, s0  }
0x244: {  	[tilespmem:s25], [sflag:$0x2] =	stream.strided.gather [hbm4b:s0+s13], $0x1000, s14, s13, $0x38;
	[tilespmem:$0x1C780] =	vst v63  }
0x245: {  	_ =	swait.ge [sflag:s9], $0x1000  }
0x246: {  	[sflag:s9] =	ssyncset.done $0x0  }
0x247: {  	[sflag:s9] =	ssyncadd.s32 $0xFFFFF000  }
0x248: {  	_ =	swait.ge [sflag:s5], $0x1000  }
0x249: {  	[sflag:s5] =	ssyncset.done $0x0  }
0x24a: {  	[sflag:s5] =	ssyncadd.s32 $0xFFFFF000  }
0x24b: {  	_ =	swait.ge [sflag:s9], $0x1000  }
0x24c: {  	[sflag:s9] =	ssyncset.done $0x0  }
0x24d: {  	[sflag:s9] =	ssyncadd.s32 $0xFFFFF000  }
0x24e: {  	_ =	swait.ge [sflag:s5], $0x1000  }
0x24f: {  	[sflag:s5] =	ssyncset.done $0x0  }
0x250: {  	[sflag:s5] =	ssyncadd.s32 $0xFFFFF000  }
0x251: {  	_ =	swait.ge [sflag:s9], $0x1000  }
0x252: {  	[sflag:s9] =	ssyncset.done $0x0  }
0x253: {  	[sflag:s9] =	ssyncadd.s32 $0xFFFFF000  }
0x254: {  	_ =	swait.ge [sflag:s5], $0x1000  }
0x255: {  	[sflag:s5] =	ssyncset.done $0x0  }
0x256: {  	[sflag:s5] =	ssyncadd.s32 $0xFFFFF000  }
0x257: {  	_ =	swait.ge [sflag:s9], $0x1000  }
0x258: {  	[sflag:s9] =	ssyncset.done $0x0  }
0x259: {  	[sflag:s9] =	ssyncadd.s32 $0xFFFFF000  }
0x25a: {  	_ =	swait.ge [sflag:s5], $0x1000  }
0x25b: {  	[sflag:s5] =	ssyncset.done $0x0  }
0x25c: {  	[sflag:s5] =	ssyncadd.s32 $0xFFFFF000  }
0x25d: {  	v57 =	vld [tilespmem:s19+$0x10];
	_ =	sdelay $0x1  }
0x25e: {  	v58 =	vld [tilespmem:s19+$0x290];
	_ =	sdelay $0x2  }
0x25f: {  	(v2sf) =	vpush v57, $0x0;
	_ =	sdelay $0x1  }
0x260: {  	(v2sf) =	vpush v58, $0x0;
	_ =	sdelay $0xc  }
0x261: {  	s11 =	spop (v2sf);
	(v2sf) =	vpush v57, $0x1  }
0x262: {  	s0 =	sand.u32 $0x7F, s11  }
0x263: {  	s12 =	spop (v2sf);
	(v2sf) =	vpush v58, $0x1;
	v59 =	vor.u32 s0, v8  }
0x264: {  	s20 =	sand.u32 $0x7F, s12;
	v60 =	vor.u32 s0, v9  }
0x265: {  	v61 =	vor.u32 s20, v8  }
0x266: {  	v62 =	vor.u32 s20, v9;
	_ =	sdelay $0x1  }
0x267: {  	v34 =	vld.idx.msk [tilespmem:v59+s15+$0x0], $0xffff  }
0x268: {  	v35 =	vld.idx.msk [tilespmem:v60+s15+$0x0], $0xffff  }
0x269: {  	v36 =	vld.idx.msk [tilespmem:v61+s16+$0x0], $0xffff  }
0x26a: {  	v37 =	vld.idx.msk [tilespmem:v62+s16+$0x0], $0xffff;
	_ =	sdelay $0x3  }
0x26b: {  	v34 =	vmul.f32 v36, v34  }
0x26c: {  	v35 =	vmul.f32 v37, v35;
	s20 =	spop (v2sf);
	(v2sf) =	vpush v57, $0x2  }
0x26d: {  	v34 =	vmul.f32 v34, v30;
	s0 =	sand.u32 $0x7F, s20  }
0x26e: {  	v35 =	vmul.f32 v35, v31;
	s21 =	spop (v2sf);
	(v2sf) =	vpush v58, $0x2;
	v63 =	vor.u32 s0, v10  }
0x26f: {  	s20 =	sand.u32 $0x7F, s21;
	v40 =	vor.u32 s0, v11  }
0x270: {  	v34 =	vadd.f32 v35, v34;
	v41 =	vor.u32 s20, v10  }
0x271: {  	v42 =	vor.u32 s20, v11  }
0x272: {  	[tilespmem:s17+$0x80] =	vst v34  }
0x273: {  	v34 =	vld.idx.msk [tilespmem:v63+s15+$0x0], $0xffff  }
0x274: {  	v43 =	vld.idx.msk [tilespmem:v40+s15+$0x0], $0xffff  }
0x275: {  	v35 =	vld.idx.msk [tilespmem:v41+s16+$0x0], $0xffff  }
0x276: {  	v44 =	vld.idx.msk [tilespmem:v42+s16+$0x0], $0xffff;
	_ =	sdelay $0x3  }
0x277: {  	v34 =	vmul.f32 v35, v34  }
0x278: {  	v45 =	vmul.f32 v44, v43;
	s25 =	spop (v2sf);
	(v2sf) =	vpush v57, $0x3  }
0x279: {  	v46 =	vmul.f32 v34, v30;
	s0 =	sand.u32 $0x7F, s25  }
0x27a: {  	v47 =	vmul.f32 v45, v31;
	s3 =	spop (v2sf);
	(v2sf) =	vpush v58, $0x3;
	v48 =	vor.u32 s0, v12  }
0x27b: {  	s20 =	sand.u32 $0x7F, s3;
	v49 =	vor.u32 s0, v13  }
0x27c: {  	v32 =	vadd.f32 v47, v46;
	v50 =	vor.u32 s20, v12  }
0x27d: {  	v51 =	vor.u32 s20, v13  }
0x27e: {  	[tilespmem:s17+$0x90] =	vst v32  }
0x27f: {  	v32 =	vld.idx.msk [tilespmem:v48+s15+$0x0], $0xffff  }
0x280: {  	v33 =	vld.idx.msk [tilespmem:v49+s15+$0x0], $0xffff  }
0x281: {  	v34 =	vld.idx.msk [tilespmem:v50+s16+$0x0], $0xffff  }
0x282: {  	v52 =	vld.idx.msk [tilespmem:v51+s16+$0x0], $0xffff;
	_ =	sdelay $0x4  }
0x283: {  	v32 =	vmul.f32 v34, v32;
	v33 =	vmul.f32 v52, v33;
	s7 =	spop (v2sf)  }
0x284: {  	s0 =	sand.u32 $0x7F, s7  }
0x285: {  	v32 =	vmul.f32 v32, v30;
	v33 =	vmul.f32 v33, v31;
	s11 =	spop (v2sf);
	v53 =	vor.u32 s0, v14  }
0x286: {  	v54 =	vor.u32 s0, v15;
	s12 =	sand.u32 $0x7F, s11  }
0x287: {  	v32 =	vadd.f32 v33, v32;
	v55 =	vor.u32 s12, v14  }
0x288: {  	v56 =	vor.u32 s12, v15  }
0x289: {  	[tilespmem:s17+$0xA0] =	vst v32  }
0x28a: {  	v32 =	vld.idx.msk [tilespmem:v53+s15+$0x0], $0xffff  }
0x28b: {  	v57 =	vld.idx.msk [tilespmem:v54+s15+$0x0], $0xffff  }
0x28c: {  	v33 =	vld.idx.msk [tilespmem:v55+s16+$0x0], $0xffff  }
0x28d: {  	v58 =	vld.idx.msk [tilespmem:v56+s16+$0x0], $0xffff;
	_ =	sdelay $0x4  }
0x28e: {  	v32 =	vmul.f32 v33, v32;
	v59 =	vmul.f32 v58, v57;
	_ =	sdelay $0x1  }
0x28f: {  	v32 =	vmul.f32 v32, v30;
	v33 =	vmul.f32 v59, v31;
	_ =	sdelay $0x1  }
0x290: {  	v32 =	vadd.f32 v33, v32;
	_ =	sdelay $0x1  }
0x291: {  	[tilespmem:s17+$0xB0] =	vst v32  }
0x292: {  	v32 =	vld [tilespmem:s19+$0x18];
	_ =	sdelay $0x1  }
0x293: {  	v60 =	vld [tilespmem:s19+$0x298];
	_ =	sdelay $0x2  }
0x294: {  	(v2sf) =	vpush v32, $0x4;
	_ =	sdelay $0x1  }
0x295: {  	(v2sf) =	vpush v60, $0x4;
	_ =	sdelay $0x1  }
0x296: {  	(v2sf) =	vpush v32, $0x5;
	_ =	sdelay $0x2  }
0x297: {  	(v2sf) =	vpush v60, $0x5;
	_ =	sdelay $0x7  }
0x298: {  	s20 =	spop (v2sf);
	(v2sf) =	vpush v32, $0x6;
	_ =	sdelay $0x1  }
0x299: {  	s21 =	spop (v2sf);
	(v2sf) =	vpush v60, $0x6  }
0x29a: {  	s0 =	sand.u32 $0xFFFFF80, s20  }
0x29b: {  	s0 =	sadd.s32 s1, s0;
	s25 =	spop (v2sf)  }
0x29c: {  	(v2sf) =	vpush v32, $0x7;
	[tilespmem:s31], [sflag:$0x1] =	stream.strided.gather [hbm4b:s0+s13], $0x1000, s14, s13, $0x38;
	[tilespmem:$0x1C780] =	vst v63  }
0x29d: {  	s0 =	sand.u32 $0xFFFFF80, s21  }
0x29e: {  	s3 =	spop (v2sf);
	s0 =	sadd.s32 s2, s0  }
0x29f: {  	(v2sf) =	vpush v60, $0x7;
	[tilespmem:s6], [sflag:$0x2] =	stream.strided.gather [hbm4b:s0+s13], $0x1000, s14, s13, $0x38;
	[tilespmem:$0x1C780] =	vst v63  }
0x2a0: {  	s0 =	sand.u32 $0xFFFFF80, s25  }
0x2a1: {  	s0 =	sadd.s32 s1, s0  }
0x2a2: {  	[tilespmem:s8], [sflag:$0x1] =	stream.strided.gather [hbm4b:s0+s13], $0x1000, s14, s13, $0x38;
	[tilespmem:$0x1C780] =	vst v63  }
0x2a3: {  	s0 =	sand.u32 $0xFFFFF80, s3  }
0x2a4: {  	s0 =	sadd.s32 s2, s0  }
0x2a5: {  	[tilespmem:s4], [sflag:$0x2] =	stream.strided.gather [hbm4b:s0+s13], $0x1000, s14, s13, $0x38;
	[tilespmem:$0x1C780] =	vst v63  }
0x2a6: {  	s4 =	spop (v2sf)  }
0x2a7: {  	s0 =	sand.u32 $0xFFFFF80, s4  }
0x2a8: {  	s6 =	spop (v2sf);
	s0 =	sadd.s32 s1, s0  }
0x2a9: {  	[tilespmem:s23], [sflag:$0x1] =	stream.strided.gather [hbm4b:s0+s13], $0x1000, s14, s13, $0x38;
	[tilespmem:$0x1C780] =	vst v63  }
0x2aa: {  	s0 =	sand.u32 $0xFFFFF80, s6  }
0x2ab: {  	s7 =	spop (v2sf);
	s0 =	sadd.s32 s2, s0  }
0x2ac: {  	[tilespmem:s26], [sflag:$0x2] =	stream.strided.gather [hbm4b:s0+s13], $0x1000, s14, s13, $0x38;
	[tilespmem:$0x1C780] =	vst v63  }
0x2ad: {  	s0 =	sand.u32 $0xFFFFF80, s7  }
0x2ae: {  	s8 =	spop (v2sf);
	s0 =	sadd.s32 s1, s0  }
0x2af: {  	[tilespmem:s24], [sflag:$0x1] =	stream.strided.gather [hbm4b:s0+s13], $0x1000, s14, s13, $0x38;
	[tilespmem:$0x1C780] =	vst v63  }
0x2b0: {  	s0 =	sand.u32 $0xFFFFF80, s8  }
0x2b1: {  	s0 =	sadd.s32 s2, s0  }
0x2b2: {  	[tilespmem:s22], [sflag:$0x2] =	stream.strided.gather [hbm4b:s0+s13], $0x1000, s14, s13, $0x38;
	[tilespmem:$0x1C780] =	vst v63  }
0x2b3: {  	_ =	swait.ge [sflag:s9], $0x1000  }
0x2b4: {  	[sflag:s9] =	ssyncset.done $0x0  }
0x2b5: {  	[sflag:s9] =	ssyncadd.s32 $0xFFFFF000  }
0x2b6: {  	_ =	swait.ge [sflag:s5], $0x1000  }
0x2b7: {  	[sflag:s5] =	ssyncset.done $0x0  }
0x2b8: {  	[sflag:s5] =	ssyncadd.s32 $0xFFFFF000  }
0x2b9: {  	_ =	swait.ge [sflag:s9], $0x1000  }
0x2ba: {  	[sflag:s9] =	ssyncset.done $0x0  }
0x2bb: {  	[sflag:s9] =	ssyncadd.s32 $0xFFFFF000  }
0x2bc: {  	_ =	swait.ge [sflag:s5], $0x1000  }
0x2bd: {  	[sflag:s5] =	ssyncset.done $0x0  }
0x2be: {  	[sflag:s5] =	ssyncadd.s32 $0xFFFFF000  }
0x2bf: {  	_ =	swait.ge [sflag:s9], $0x1000  }
0x2c0: {  	[sflag:s9] =	ssyncset.done $0x0  }
0x2c1: {  	[sflag:s9] =	ssyncadd.s32 $0xFFFFF000  }
0x2c2: {  	_ =	swait.ge [sflag:s5], $0x1000  }
0x2c3: {  	[sflag:s5] =	ssyncset.done $0x0  }
0x2c4: {  	[sflag:s5] =	ssyncadd.s32 $0xFFFFF000  }
0x2c5: {  	_ =	swait.ge [sflag:s9], $0x1000  }
0x2c6: {  	[sflag:s9] =	ssyncset.done $0x0  }
0x2c7: {  	[sflag:s9] =	ssyncadd.s32 $0xFFFFF000  }
0x2c8: {  	_ =	swait.ge [sflag:s5], $0x1000  }
0x2c9: {  	[sflag:s5] =	ssyncset.done $0x0  }
0x2ca: {  	[sflag:s5] =	ssyncadd.s32 $0xFFFFF000  }
0x2cb: {  	v61 =	vld [tilespmem:s19+$0x10];
	_ =	sdelay $0x1  }
0x2cc: {  	v62 =	vld [tilespmem:s19+$0x290];
	_ =	sdelay $0x2  }
0x2cd: {  	(v2sf) =	vpush v61, $0x4;
	_ =	sdelay $0x1  }
0x2ce: {  	(v2sf) =	vpush v62, $0x4;
	_ =	sdelay $0xc  }
0x2cf: {  	s11 =	spop (v2sf);
	(v2sf) =	vpush v61, $0x5  }
0x2d0: {  	s0 =	sand.u32 $0x7F, s11  }
0x2d1: {  	s12 =	spop (v2sf);
	(v2sf) =	vpush v62, $0x5;
	v63 =	vor.u32 s0, v16  }
0x2d2: {  	s19 =	sand.u32 $0x7F, s12;
	v40 =	vor.u32 s0, v17  }
0x2d3: {  	v41 =	vor.u32 s19, v16  }
0x2d4: {  	v42 =	vor.u32 s19, v17;
	_ =	sdelay $0x1  }
0x2d5: {  	v34 =	vld.idx.msk [tilespmem:v63+s15+$0x0], $0xffff  }
0x2d6: {  	v35 =	vld.idx.msk [tilespmem:v40+s15+$0x0], $0xffff  }
0x2d7: {  	v36 =	vld.idx.msk [tilespmem:v41+s16+$0x0], $0xffff  }
0x2d8: {  	v37 =	vld.idx.msk [tilespmem:v42+s16+$0x0], $0xffff;
	_ =	sdelay $0x3  }
0x2d9: {  	v34 =	vmul.f32 v36, v34  }
0x2da: {  	v35 =	vmul.f32 v37, v35;
	s20 =	spop (v2sf);
	(v2sf) =	vpush v61, $0x6  }
0x2db: {  	v34 =	vmul.f32 v34, v30;
	s0 =	sand.u32 $0x7F, s20  }
0x2dc: {  	v35 =	vmul.f32 v35, v31;
	s21 =	spop (v2sf);
	(v2sf) =	vpush v62, $0x6;
	v43 =	vor.u32 s0, v18  }
0x2dd: {  	s19 =	sand.u32 $0x7F, s21;
	v44 =	vor.u32 s0, v19  }
0x2de: {  	v34 =	vadd.f32 v35, v34;
	v45 =	vor.u32 s19, v18  }
0x2df: {  	v46 =	vor.u32 s19, v19  }
0x2e0: {  	[tilespmem:s17+$0x100] =	vst v34  }
0x2e1: {  	v34 =	vld.idx.msk [tilespmem:v43+s15+$0x0], $0xffff  }
0x2e2: {  	v47 =	vld.idx.msk [tilespmem:v44+s15+$0x0], $0xffff  }
0x2e3: {  	v35 =	vld.idx.msk [tilespmem:v45+s16+$0x0], $0xffff  }
0x2e4: {  	v48 =	vld.idx.msk [tilespmem:v46+s16+$0x0], $0xffff;
	_ =	sdelay $0x3  }
0x2e5: {  	v34 =	vmul.f32 v35, v34  }
0x2e6: {  	v49 =	vmul.f32 v48, v47;
	s22 =	spop (v2sf);
	(v2sf) =	vpush v61, $0x7  }
0x2e7: {  	v50 =	vmul.f32 v34, v30;
	s0 =	sand.u32 $0x7F, s22  }
0x2e8: {  	v51 =	vmul.f32 v49, v31;
	s23 =	spop (v2sf);
	(v2sf) =	vpush v62, $0x7;
	v52 =	vor.u32 s0, v20  }
0x2e9: {  	s19 =	sand.u32 $0x7F, s23;
	v53 =	vor.u32 s0, v21  }
0x2ea: {  	v32 =	vadd.f32 v51, v50;
	v54 =	vor.u32 s19, v20  }
0x2eb: {  	v55 =	vor.u32 s19, v21  }
0x2ec: {  	[tilespmem:s17+$0x110] =	vst v32  }
0x2ed: {  	v32 =	vld.idx.msk [tilespmem:v52+s15+$0x0], $0xffff  }
0x2ee: {  	v33 =	vld.idx.msk [tilespmem:v53+s15+$0x0], $0xffff  }
0x2ef: {  	v34 =	vld.idx.msk [tilespmem:v54+s16+$0x0], $0xffff  }
0x2f0: {  	v56 =	vld.idx.msk [tilespmem:v55+s16+$0x0], $0xffff;
	_ =	sdelay $0x4  }
0x2f1: {  	v32 =	vmul.f32 v34, v32;
	v33 =	vmul.f32 v56, v33;
	s24 =	spop (v2sf)  }
0x2f2: {  	s0 =	sand.u32 $0x7F, s24  }
0x2f3: {  	v32 =	vmul.f32 v32, v30;
	v33 =	vmul.f32 v33, v31;
	s25 =	spop (v2sf);
	v57 =	vor.u32 s0, v23  }
0x2f4: {  	v58 =	vor.u32 s0, v24;
	s26 =	sand.u32 $0x7F, s25  }
0x2f5: {  	v32 =	vadd.f32 v33, v32;
	v59 =	vor.u32 s26, v23  }
0x2f6: {  	v60 =	vor.u32 s26, v24  }
0x2f7: {  	[tilespmem:s17+$0x120] =	vst v32  }
0x2f8: {  	v32 =	vld.idx.msk [tilespmem:v57+s15+$0x0], $0xffff  }
0x2f9: {  	v61 =	vld.idx.msk [tilespmem:v58+s15+$0x0], $0xffff  }
0x2fa: {  	v33 =	vld.idx.msk [tilespmem:v59+s16+$0x0], $0xffff  }
0x2fb: {  	v62 =	vld.idx.msk [tilespmem:v60+s16+$0x0], $0xffff;
	_ =	sdelay $0x4  }
0x2fc: {  	v32 =	vmul.f32 v33, v32;
	v63 =	vmul.f32 v62, v61  }
0x2fd: {  	p0 =	sne.s32 s18, $0x780  }
.Ltmp0:
0x2fe: {  	v32 =	vmul.f32 v32, v30;
	v33 =	vmul.f32 v63, v31;
	(pc) =	sbr.rel @p0 .LBB2_2-.Ltmp0, $3  }
0x2ff: {  	_ = 	snop  }
0x300: {  	v32 =	vadd.f32 v33, v32;
	_ =	sdelay $0x1  }
0x301: {  	s18 =	sadd.s32 $0x60, s18;
	[tilespmem:s17+$0x130] =	vst v32;
	s17 =	sadd.s32 $0x300, s17  }
0x302: {  	_ =	swait.ge [sflag:s9], $0x1000  }
0x303: {  	[sflag:s9] =	ssyncset.done $0x0  }
0x304: {  	[sflag:s9] =	ssyncadd.s32 $0xFFFFF000  }
0x305: {  	_ =	swait.ge [sflag:s5], $0x1000  }
0x306: {  	[sflag:s5] =	ssyncset.done $0x0  }
0x307: {  	[sflag:s5] =	ssyncadd.s32 $0xFFFFF000  }
0x308: {  	_ =	swait.ge [sflag:s9], $0x1000  }
0x309: {  	[sflag:s9] =	ssyncset.done $0x0  }
0x30a: {  	[sflag:s9] =	ssyncadd.s32 $0xFFFFF000  }
0x30b: {  	_ =	swait.ge [sflag:s5], $0x1000  }
0x30c: {  	[sflag:s5] =	ssyncset.done $0x0  }
0x30d: {  	[sflag:s5] =	ssyncadd.s32 $0xFFFFF000  }
0x30e: {  	_ =	swait.ge [sflag:s9], $0x1000  }
0x30f: {  	[sflag:s9] =	ssyncset.done $0x0  }
0x310: {  	[sflag:s9] =	ssyncadd.s32 $0xFFFFF000  }
0x311: {  	_ =	swait.ge [sflag:s5], $0x1000  }
0x312: {  	[sflag:s5] =	ssyncset.done $0x0  }
0x313: {  	[sflag:s5] =	ssyncadd.s32 $0xFFFFF000  }
0x314: {  	_ =	swait.ge [sflag:s9], $0x1000  }
0x315: {  	[sflag:s9] =	ssyncset.done $0x0  }
0x316: {  	[sflag:s9] =	ssyncadd.s32 $0xFFFFF000  }
0x317: {  	_ =	swait.ge [sflag:s5], $0x1000  }
0x318: {  	[sflag:s5] =	ssyncset.done $0x0  }
0x319: {  	[sflag:s5] =	ssyncadd.s32 $0xFFFFF000  }
0x31a: {  	v32 =	vld [tilespmem:$0x1F8];
	_ =	sdelay $0x1  }
0x31b: {  	v33 =	vld [tilespmem:$0x478];
	_ =	sdelay $0x2  }
0x31c: {  	(v2sf) =	vpush v32, $0x0;
	_ =	sdelay $0x1  }
0x31d: {  	(v2sf) =	vpush v33, $0x0;
	_ =	sdelay $0xc  }
0x31e: {  	s0 =	spop (v2sf);
	(v2sf) =	vpush v32, $0x1  }
0x31f: {  	s0 =	sand.u32 $0x7F, s0  }
0x320: {  	s17 =	spop (v2sf);
	(v2sf) =	vpush v33, $0x1;
	v34 =	vor.u32 s0, v0  }
0x321: {  	s17 =	sand.u32 $0x7F, s17;
	v35 =	vor.u32 s0, v1  }
0x322: {  	v36 =	vor.u32 s17, v0  }
0x323: {  	v37 =	vor.u32 s17, v1;
	_ =	sdelay $0x1  }
0x324: {  	v34 =	vld.idx.msk [tilespmem:v34+s15+$0x0], $0xffff  }
0x325: {  	v35 =	vld.idx.msk [tilespmem:v35+s15+$0x0], $0xffff  }
0x326: {  	v36 =	vld.idx.msk [tilespmem:v36+s16+$0x0], $0xffff  }
0x327: {  	v37 =	vld.idx.msk [tilespmem:v37+s16+$0x0], $0xffff;
	_ =	sdelay $0x3  }
0x328: {  	v34 =	vmul.f32 v36, v34  }
0x329: {  	v35 =	vmul.f32 v37, v35;
	s26 =	spop (v2sf);
	(v2sf) =	vpush v32, $0x2  }
0x32a: {  	v34 =	vmul.f32 v34, v30;
	s0 =	sand.u32 $0x7F, s26  }
0x32b: {  	v35 =	vmul.f32 v35, v31;
	s3 =	spop (v2sf);
	(v2sf) =	vpush v33, $0x2;
	v50 =	vor.u32 s0, v2  }
0x32c: {  	s17 =	sand.u32 $0x7F, s3;
	v51 =	vor.u32 s0, v3  }
0x32d: {  	v34 =	vadd.f32 v35, v34;
	v52 =	vor.u32 s17, v2  }
0x32e: {  	v38 =	vor.u32 s17, v3  }
0x32f: {  	[tilespmem:$0x1C480] =	vst v34  }
0x330: {  	v34 =	vld.idx.msk [tilespmem:v50+s15+$0x0], $0xffff  }
0x331: {  	v53 =	vld.idx.msk [tilespmem:v51+s15+$0x0], $0xffff  }
0x332: {  	v35 =	vld.idx.msk [tilespmem:v52+s16+$0x0], $0xffff  }
0x333: {  	v54 =	vld.idx.msk [tilespmem:v38+s16+$0x0], $0xffff;
	_ =	sdelay $0x3  }
0x334: {  	v34 =	vmul.f32 v35, v34  }
0x335: {  	v55 =	vmul.f32 v54, v53;
	s4 =	spop (v2sf);
	(v2sf) =	vpush v32, $0x3  }
0x336: {  	v56 =	vmul.f32 v34, v30;
	s0 =	sand.u32 $0x7F, s4  }
0x337: {  	v57 =	vmul.f32 v55, v31;
	s6 =	spop (v2sf);
	(v2sf) =	vpush v33, $0x3;
	v58 =	vor.u32 s0, v4  }
0x338: {  	s17 =	sand.u32 $0x7F, s6;
	v59 =	vor.u32 s0, v5  }
0x339: {  	v32 =	vadd.f32 v57, v56;
	v60 =	vor.u32 s17, v4  }
0x33a: {  	v61 =	vor.u32 s17, v5  }
0x33b: {  	[tilespmem:$0x1C490] =	vst v32  }
0x33c: {  	v32 =	vld.idx.msk [tilespmem:v58+s15+$0x0], $0xffff  }
0x33d: {  	v33 =	vld.idx.msk [tilespmem:v59+s15+$0x0], $0xffff  }
0x33e: {  	v34 =	vld.idx.msk [tilespmem:v60+s16+$0x0], $0xffff  }
0x33f: {  	v62 =	vld.idx.msk [tilespmem:v61+s16+$0x0], $0xffff;
	_ =	sdelay $0x4  }
0x340: {  	v32 =	vmul.f32 v34, v32;
	v33 =	vmul.f32 v62, v33;
	s7 =	spop (v2sf)  }
0x341: {  	s0 =	sand.u32 $0x7F, s7  }
0x342: {  	v32 =	vmul.f32 v32, v30;
	v33 =	vmul.f32 v33, v31;
	s8 =	spop (v2sf);
	v63 =	vor.u32 s0, v6  }
0x343: {  	s17 =	sand.u32 $0x7F, s8;
	v40 =	vor.u32 s0, v7  }
0x344: {  	v32 =	vadd.f32 v33, v32;
	v41 =	vor.u32 s17, v6  }
0x345: {  	v42 =	vor.u32 s17, v7  }
0x346: {  	[tilespmem:$0x1C4A0] =	vst v32  }
0x347: {  	v32 =	vld.idx.msk [tilespmem:v63+s15+$0x0], $0xffff  }
0x348: {  	v43 =	vld.idx.msk [tilespmem:v40+s15+$0x0], $0xffff  }
0x349: {  	v33 =	vld.idx.msk [tilespmem:v41+s16+$0x0], $0xffff  }
0x34a: {  	v44 =	vld.idx.msk [tilespmem:v42+s16+$0x0], $0xffff;
	_ =	sdelay $0x4  }
0x34b: {  	v32 =	vmul.f32 v33, v32;
	v45 =	vmul.f32 v44, v43;
	_ =	sdelay $0x1  }
0x34c: {  	v32 =	vmul.f32 v32, v30;
	v33 =	vmul.f32 v45, v31;
	_ =	sdelay $0x1  }
0x34d: {  	v32 =	vadd.f32 v33, v32;
	_ =	sdelay $0x1  }
0x34e: {  	[tilespmem:$0x1C4B0] =	vst v32  }
0x34f: {  	_ =	swait.ge [sflag:s9], $0x1000  }
0x350: {  	[sflag:s9] =	ssyncset.done $0x0  }
0x351: {  	[sflag:s9] =	ssyncadd.s32 $0xFFFFF000  }
0x352: {  	_ =	swait.ge [sflag:s5], $0x1000  }
0x353: {  	[sflag:s5] =	ssyncset.done $0x0  }
0x354: {  	[sflag:s5] =	ssyncadd.s32 $0xFFFFF000  }
0x355: {  	_ =	swait.ge [sflag:s9], $0x1000  }
0x356: {  	[sflag:s9] =	ssyncset.done $0x0  }
0x357: {  	[sflag:s9] =	ssyncadd.s32 $0xFFFFF000  }
0x358: {  	_ =	swait.ge [sflag:s5], $0x1000  }
0x359: {  	[sflag:s5] =	ssyncset.done $0x0  }
0x35a: {  	[sflag:s5] =	ssyncadd.s32 $0xFFFFF000  }
0x35b: {  	_ =	swait.ge [sflag:s9], $0x1000  }
0x35c: {  	[sflag:s9] =	ssyncset.done $0x0  }
0x35d: {  	[sflag:s9] =	ssyncadd.s32 $0xFFFFF000  }
0x35e: {  	_ =	swait.ge [sflag:s5], $0x1000  }
0x35f: {  	[sflag:s5] =	ssyncset.done $0x0  }
0x360: {  	[sflag:s5] =	ssyncadd.s32 $0xFFFFF000  }
0x361: {  	_ =	swait.ge [sflag:s9], $0x1000  }
0x362: {  	[sflag:s9] =	ssyncset.done $0x0  }
0x363: {  	[sflag:s9] =	ssyncadd.s32 $0xFFFFF000  }
0x364: {  	_ =	swait.ge [sflag:s5], $0x1000  }
0x365: {  	[sflag:s5] =	ssyncset.done $0x0  }
0x366: {  	[sflag:s5] =	ssyncadd.s32 $0xFFFFF000  }
0x367: {  	v46 =	vld [tilespmem:$0x1F8];
	_ =	sdelay $0x1  }
0x368: {  	v47 =	vld [tilespmem:$0x478];
	_ =	sdelay $0x2  }
0x369: {  	(v2sf) =	vpush v46, $0x4;
	_ =	sdelay $0x1  }
0x36a: {  	(v2sf) =	vpush v47, $0x4;
	_ =	sdelay $0xc  }
0x36b: {  	s11 =	spop (v2sf);
	(v2sf) =	vpush v46, $0x5  }
0x36c: {  	s0 =	sand.u32 $0x7F, s11  }
0x36d: {  	s12 =	spop (v2sf);
	(v2sf) =	vpush v47, $0x5;
	v48 =	vor.u32 s0, v8  }
0x36e: {  	s17 =	sand.u32 $0x7F, s12;
	v49 =	vor.u32 s0, v9  }
0x36f: {  	v50 =	vor.u32 s17, v8  }
0x370: {  	v51 =	vor.u32 s17, v9;
	_ =	sdelay $0x1  }
0x371: {  	v34 =	vld.idx.msk [tilespmem:v48+s15+$0x0], $0xffff  }
0x372: {  	v35 =	vld.idx.msk [tilespmem:v49+s15+$0x0], $0xffff  }
0x373: {  	v36 =	vld.idx.msk [tilespmem:v50+s16+$0x0], $0xffff  }
0x374: {  	v37 =	vld.idx.msk [tilespmem:v51+s16+$0x0], $0xffff;
	_ =	sdelay $0x3  }
0x375: {  	v34 =	vmul.f32 v36, v34  }
0x376: {  	v35 =	vmul.f32 v37, v35;
	s18 =	spop (v2sf);
	(v2sf) =	vpush v46, $0x6  }
0x377: {  	v34 =	vmul.f32 v34, v30;
	s0 =	sand.u32 $0x7F, s18  }
0x378: {  	v35 =	vmul.f32 v35, v31;
	s19 =	spop (v2sf);
	(v2sf) =	vpush v47, $0x6;
	v52 =	vor.u32 s0, v10  }
0x379: {  	s17 =	sand.u32 $0x7F, s19;
	v53 =	vor.u32 s0, v11  }
0x37a: {  	v34 =	vadd.f32 v35, v34;
	v54 =	vor.u32 s17, v10  }
0x37b: {  	v55 =	vor.u32 s17, v11  }
0x37c: {  	[tilespmem:$0x1C500] =	vst v34  }
0x37d: {  	v34 =	vld.idx.msk [tilespmem:v52+s15+$0x0], $0xffff  }
0x37e: {  	v56 =	vld.idx.msk [tilespmem:v53+s15+$0x0], $0xffff  }
0x37f: {  	v35 =	vld.idx.msk [tilespmem:v54+s16+$0x0], $0xffff  }
0x380: {  	v57 =	vld.idx.msk [tilespmem:v55+s16+$0x0], $0xffff;
	_ =	sdelay $0x3  }
0x381: {  	v34 =	vmul.f32 v35, v34  }
0x382: {  	v58 =	vmul.f32 v57, v56;
	s20 =	spop (v2sf);
	(v2sf) =	vpush v46, $0x7  }
0x383: {  	v59 =	vmul.f32 v34, v30;
	s0 =	sand.u32 $0x7F, s20  }
0x384: {  	v60 =	vmul.f32 v58, v31;
	s21 =	spop (v2sf);
	(v2sf) =	vpush v47, $0x7;
	v61 =	vor.u32 s0, v12  }
0x385: {  	s17 =	sand.u32 $0x7F, s21;
	v62 =	vor.u32 s0, v13  }
0x386: {  	v32 =	vadd.f32 v60, v59;
	v63 =	vor.u32 s17, v12  }
0x387: {  	v40 =	vor.u32 s17, v13  }
0x388: {  	[tilespmem:$0x1C510] =	vst v32  }
0x389: {  	v32 =	vld.idx.msk [tilespmem:v61+s15+$0x0], $0xffff  }
0x38a: {  	v33 =	vld.idx.msk [tilespmem:v62+s15+$0x0], $0xffff  }
0x38b: {  	v34 =	vld.idx.msk [tilespmem:v63+s16+$0x0], $0xffff  }
0x38c: {  	v41 =	vld.idx.msk [tilespmem:v40+s16+$0x0], $0xffff;
	_ =	sdelay $0x4  }
0x38d: {  	v32 =	vmul.f32 v34, v32;
	v33 =	vmul.f32 v41, v33;
	s22 =	spop (v2sf)  }
0x38e: {  	s0 =	sand.u32 $0x7F, s22  }
0x38f: {  	v32 =	vmul.f32 v32, v30;
	v33 =	vmul.f32 v33, v31;
	s23 =	spop (v2sf);
	v42 =	vor.u32 s0, v14  }
0x390: {  	s17 =	sand.u32 $0x7F, s23;
	v43 =	vor.u32 s0, v15  }
0x391: {  	v32 =	vadd.f32 v33, v32;
	v44 =	vor.u32 s17, v14  }
0x392: {  	v45 =	vor.u32 s17, v15  }
0x393: {  	[tilespmem:$0x1C520] =	vst v32  }
0x394: {  	v32 =	vld.idx.msk [tilespmem:v42+s15+$0x0], $0xffff  }
0x395: {  	v46 =	vld.idx.msk [tilespmem:v43+s15+$0x0], $0xffff  }
0x396: {  	v33 =	vld.idx.msk [tilespmem:v44+s16+$0x0], $0xffff  }
0x397: {  	v47 =	vld.idx.msk [tilespmem:v45+s16+$0x0], $0xffff;
	_ =	sdelay $0x1  }
0x398: {  	s24 =	simm.s32 $0x0  }
0x399: {  	v48 =	vmov s24  }
0x39a: {  	v36 =	vshll.u32 v48, $0x5  }
0x39b: {  	v50 =	vor.u32 v25, v36;
	v32 =	vmul.f32 v33, v32;
	v49 =	vmul.f32 v47, v46  }
0x39c: {  	v42 =	vand.u32 $0x3F80, v50  }
0x39d: {  	v51 =	vor.u32 v22, v42;
	v30 =	vmul.f32 v32, v30;
	v31 =	vmul.f32 v49, v31;
	_ =	sdelay $0x1  }
0x39e: {  	v30 =	vadd.f32 v31, v30;
	v31 =	vor.u32 v26, v42;
	_ =	sdelay $0x1  }
0x39f: {  	v52 =	vor.u32 v27, v42;
	[tilespmem:$0x1C530] =	vst v30  }
0x3a0: {  	v32 =	vld.idx.msk [tilespmem:v51+s10+$0x0], $0xffff  }
0x3a1: {  	v34 =	vor.u32 v28, v42  }
0x3a2: {  	v30 =	vor.u32 $0x4, v22;
	v53 =	vld.idx.msk [tilespmem:v31+s10+$0x0], $0xffff  }
0x3a3: {  	v29 =	vbroadcast v29, $0x0;
	v54 =	vor.u32 v30, v42  }
0x3a4: {  	v55 =	vld.idx.msk [tilespmem:v52+s10+$0x0], $0xffff;
	v31 =	vor.u32 $0x5, v22  }
0x3a5: {  	v56 =	vor.u32 v31, v42;
	v57 =	vadd.f32 v32, v29  }
0x3a6: {  	v39 =	vld.idx.msk [tilespmem:v34+s10+$0x0], $0xffff;
	v32 =	vor.u32 $0x6, v22  }
0x3a7: {  	v40 =	vor.u32 v32, v42;
	v58 =	vadd.f32 v53, v57  }
0x3a8: {  	v33 =	vor.u32 $0x7, v22;
	v36 =	vld.idx.msk [tilespmem:v54+s10+$0x0], $0xffff  }
0x3a9: {  	v41 =	vor.u32 v33, v42;
	v35 =	vadd.f32 v55, v58  }
0x3aa: {  	v34 =	vor.u32 $0x8, v22;
	v59 =	vld.idx.msk [tilespmem:v56+s10+$0x0], $0xffff  }
0x3ab: {  	v60 =	vor.u32 v34, v42;
	v39 =	vadd.f32 v39, v35  }
0x3ac: {  	v40 =	vld.idx.msk [tilespmem:v40+s10+$0x0], $0xffff;
	v35 =	vor.u32 $0x9, v22  }
0x3ad: {  	v43 =	vor.u32 v35, v42;
	v39 =	vadd.f32 v36, v39  }
0x3ae: {  	v41 =	vld.idx.msk [tilespmem:v41+s10+$0x0], $0xffff;
	v36 =	vor.u32 $0xA, v22  }
0x3af: {  	v44 =	vor.u32 v36, v42;
	v39 =	vadd.f32 v59, v39  }
0x3b0: {  	v37 =	vor.u32 $0xB, v22;
	v45 =	vld.idx.msk [tilespmem:v60+s10+$0x0], $0xffff  }
0x3b1: {  	v46 =	vor.u32 v37, v42;
	v39 =	vadd.f32 v40, v39  }
0x3b2: {  	v38 =	vor.u32 $0xC, v22;
	v43 =	vld.idx.msk [tilespmem:v43+s10+$0x0], $0xffff  }
0x3b3: {  	v47 =	vor.u32 v38, v42;
	v40 =	vadd.f32 v41, v39  }
0x3b4: {  	v44 =	vld.idx.msk [tilespmem:v44+s10+$0x0], $0xffff;
	v39 =	vor.u32 $0xD, v22  }
0x3b5: {  	v48 =	vor.u32 v39, v42;
	v41 =	vadd.f32 v45, v40  }
0x3b6: {  	v61 =	vld.idx.msk [tilespmem:v46+s10+$0x0], $0xffff;
	v40 =	vor.u32 $0xE, v22  }
0x3b7: {  	v62 =	vor.u32 v40, v42;
	v43 =	vadd.f32 v43, v41  }
0x3b8: {  	v47 =	vld.idx.msk [tilespmem:v47+s10+$0x0], $0xffff;
	v41 =	vor.u32 $0xF, v22  }
0x3b9: {  	v42 =	vor.u32 v41, v42;
	v43 =	vadd.f32 v44, v43  }
0x3ba: {  	v63 =	vld.idx.msk [tilespmem:v48+s10+$0x0], $0xffff  }
0x3bb: {  	v43 =	vadd.f32 v61, v43  }
0x3bc: {  	v48 =	vld.idx.msk [tilespmem:v62+s10+$0x0], $0xffff  }
0x3bd: {  	v43 =	vadd.f32 v47, v43  }
0x3be: {  	v42 =	vld.idx.msk [tilespmem:v42+s10+$0x0], $0xffff  }
0x3bf: {  	v43 =	vadd.f32 v63, v43;
	_ =	sdelay $0x1  }
0x3c0: {  	v43 =	vadd.f32 v48, v43;
	_ =	sdelay $0x1  }
0x3c1: {  	v42 =	vadd.f32 v42, v43;
	_ =	sdelay $0x1  }
0x3c2: {  	v42 =	vsub.f32 $0.0e+00, v42;
	_ =	sdelay $0x1  }
0x3c3: {  	v42 =	vmul.f32 $1.442695020e+00, v42;
	_ =	sdelay $0x1  }
0x3c4: {  	(erf) = vpow2.f32 v42;
	_ =	sdelay $0x8  }
0x3c5: {  	v42 =	vpop (erf)  }
0x3c6: {  	v42 =	vadd.f32 $1.000000000e+00, v42;
	_ =	sdelay $0x1  }
0x3c7: {  	(erf) = vrcp.f32 v42  }
0x3c8: {  	s25 =	simm.s32 $0x10  }
0x3c9: {  	v49 =	vmov s25  }
0x3ca: {  	v42 =	vshll.u32 v49, $0x5  }
0x3cb: {  	v42 =	vor.u32 v25, v42  }
0x3cc: {  	v42 =	vand.u32 $0x3F80, v42  }
0x3cd: {  	v50 =	vor.u32 v22, v42;
	_ =	sdelay $0x1  }
0x3ce: {  	v51 =	vor.u32 v26, v42  }
0x3cf: {  	s17 =	simm.s32 $0x1C580;
	v52 =	vpop (erf)  }
0x3d0: {  	v53 =	vor.u32 v27, v42;
	[tilespmem:s17+$0x0] =	vst v52  }
0x3d1: {  	v43 =	vld.idx.msk [tilespmem:v50+s10+$0x0], $0xffff  }
0x3d2: {  	v54 =	vor.u32 v28, v42  }
0x3d3: {  	v44 =	vld.idx.msk [tilespmem:v51+s10+$0x0], $0xffff  }
0x3d4: {  	v55 =	vor.u32 v30, v42  }
0x3d5: {  	v46 =	vld.idx.msk [tilespmem:v53+s10+$0x0], $0xffff  }
0x3d6: {  	v56 =	vor.u32 v31, v42;
	v43 =	vadd.f32 v43, v29  }
0x3d7: {  	v45 =	vld.idx.msk [tilespmem:v54+s10+$0x0], $0xffff  }
0x3d8: {  	v49 =	vor.u32 v32, v42;
	v43 =	vadd.f32 v44, v43  }
0x3d9: {  	v57 =	vld.idx.msk [tilespmem:v55+s10+$0x0], $0xffff  }
0x3da: {  	v58 =	vor.u32 v33, v42;
	v43 =	vadd.f32 v46, v43  }
0x3db: {  	v59 =	vld.idx.msk [tilespmem:v56+s10+$0x0], $0xffff  }
0x3dc: {  	v60 =	vor.u32 v34, v42;
	v43 =	vadd.f32 v45, v43  }
0x3dd: {  	v61 =	vld.idx.msk [tilespmem:v49+s10+$0x0], $0xffff  }
0x3de: {  	v62 =	vor.u32 v35, v42;
	v43 =	vadd.f32 v57, v43  }
0x3df: {  	v63 =	vld.idx.msk [tilespmem:v58+s10+$0x0], $0xffff  }
0x3e0: {  	v52 =	vor.u32 v36, v42;
	v43 =	vadd.f32 v59, v43  }
0x3e1: {  	v53 =	vld.idx.msk [tilespmem:v60+s10+$0x0], $0xffff  }
0x3e2: {  	v54 =	vor.u32 v37, v42;
	v43 =	vadd.f32 v61, v43  }
0x3e3: {  	v55 =	vld.idx.msk [tilespmem:v62+s10+$0x0], $0xffff  }
0x3e4: {  	v56 =	vor.u32 v38, v42;
	v43 =	vadd.f32 v63, v43  }
0x3e5: {  	v57 =	vld.idx.msk [tilespmem:v52+s10+$0x0], $0xffff  }
0x3e6: {  	v58 =	vor.u32 v39, v42;
	v43 =	vadd.f32 v53, v43  }
0x3e7: {  	v59 =	vld.idx.msk [tilespmem:v54+s10+$0x0], $0xffff  }
0x3e8: {  	v60 =	vor.u32 v40, v42;
	v43 =	vadd.f32 v55, v43  }
0x3e9: {  	v61 =	vld.idx.msk [tilespmem:v56+s10+$0x0], $0xffff  }
0x3ea: {  	v42 =	vor.u32 v41, v42;
	v43 =	vadd.f32 v57, v43  }
0x3eb: {  	v62 =	vld.idx.msk [tilespmem:v58+s10+$0x0], $0xffff  }
0x3ec: {  	v43 =	vadd.f32 v59, v43  }
0x3ed: {  	v63 =	vld.idx.msk [tilespmem:v60+s10+$0x0], $0xffff  }
0x3ee: {  	v43 =	vadd.f32 v61, v43  }
0x3ef: {  	v42 =	vld.idx.msk [tilespmem:v42+s10+$0x0], $0xffff  }
0x3f0: {  	v43 =	vadd.f32 v62, v43;
	_ =	sdelay $0x1  }
0x3f1: {  	v43 =	vadd.f32 v63, v43;
	_ =	sdelay $0x1  }
0x3f2: {  	v42 =	vadd.f32 v42, v43;
	_ =	sdelay $0x1  }
0x3f3: {  	v42 =	vsub.f32 $0.0e+00, v42;
	_ =	sdelay $0x1  }
0x3f4: {  	v42 =	vmul.f32 $1.442695020e+00, v42;
	_ =	sdelay $0x1  }
0x3f5: {  	(erf) = vpow2.f32 v42;
	_ =	sdelay $0x8  }
0x3f6: {  	v42 =	vpop (erf)  }
0x3f7: {  	v42 =	vadd.f32 $1.000000000e+00, v42;
	_ =	sdelay $0x1  }
0x3f8: {  	(erf) = vrcp.f32 v42  }
0x3f9: {  	s26 =	simm.s32 $0x20  }
0x3fa: {  	s18 =	simm.s32 $0x30;
	v42 =	vmov s26  }
.LBB2_4:
0x3fb: {  	p0 =	sne.s32 s18, $0x1F0;
	v42 =	vshll.u32 v42, $0x5  }
0x3fc: {  	v42 =	vor.u32 v25, v42  }
0x3fd: {  	v42 =	vand.u32 $0x3F80, v42  }
0x3fe: {  	v43 =	vor.u32 v22, v42;
	_ =	sdelay $0x1  }
0x3ff: {  	v44 =	vor.u32 v26, v42  }
0x400: {  	s17 =	sadd.s32 $0x10, s17;
	v45 =	vpop (erf)  }
0x401: {  	v46 =	vor.u32 v27, v42;
	[tilespmem:s17+$0x0] =	vst v45  }
0x402: {  	v43 =	vld.idx.msk [tilespmem:v43+s10+$0x0], $0xffff  }
0x403: {  	v45 =	vor.u32 v28, v42  }
0x404: {  	v44 =	vld.idx.msk [tilespmem:v44+s10+$0x0], $0xffff  }
0x405: {  	v47 =	vor.u32 v30, v42  }
0x406: {  	v46 =	vld.idx.msk [tilespmem:v46+s10+$0x0], $0xffff  }
0x407: {  	v48 =	vor.u32 v31, v42  }
0x408: {  	v43 =	vadd.f32 v43, v29;
	v45 =	vld.idx.msk [tilespmem:v45+s10+$0x0], $0xffff  }
0x409: {  	v49 =	vor.u32 v32, v42  }
0x40a: {  	v43 =	vadd.f32 v44, v43;
	v44 =	vld.idx.msk [tilespmem:v47+s10+$0x0], $0xffff  }
0x40b: {  	v47 =	vor.u32 v33, v42  }
0x40c: {  	v43 =	vadd.f32 v46, v43;
	v46 =	vld.idx.msk [tilespmem:v48+s10+$0x0], $0xffff  }
0x40d: {  	v48 =	vor.u32 v34, v42  }
0x40e: {  	v43 =	vadd.f32 v45, v43;
	v45 =	vld.idx.msk [tilespmem:v49+s10+$0x0], $0xffff  }
0x40f: {  	v49 =	vor.u32 v35, v42  }
0x410: {  	v43 =	vadd.f32 v44, v43;
	v44 =	vld.idx.msk [tilespmem:v47+s10+$0x0], $0xffff  }
0x411: {  	v47 =	vor.u32 v36, v42  }
0x412: {  	v43 =	vadd.f32 v46, v43;
	v46 =	vld.idx.msk [tilespmem:v48+s10+$0x0], $0xffff  }
0x413: {  	v48 =	vor.u32 v37, v42  }
0x414: {  	v43 =	vadd.f32 v45, v43;
	v45 =	vld.idx.msk [tilespmem:v49+s10+$0x0], $0xffff  }
0x415: {  	v49 =	vor.u32 v38, v42  }
0x416: {  	v43 =	vadd.f32 v44, v43;
	v44 =	vld.idx.msk [tilespmem:v47+s10+$0x0], $0xffff  }
0x417: {  	v47 =	vor.u32 v39, v42  }
0x418: {  	v43 =	vadd.f32 v46, v43;
	v46 =	vld.idx.msk [tilespmem:v48+s10+$0x0], $0xffff  }
0x419: {  	v48 =	vor.u32 v40, v42  }
0x41a: {  	v43 =	vadd.f32 v45, v43;
	v45 =	vld.idx.msk [tilespmem:v49+s10+$0x0], $0xffff  }
0x41b: {  	v42 =	vor.u32 v41, v42  }
0x41c: {  	v43 =	vadd.f32 v44, v43;
	v44 =	vld.idx.msk [tilespmem:v47+s10+$0x0], $0xffff;
	_ =	sdelay $0x1  }
0x41d: {  	v43 =	vadd.f32 v46, v43;
	v46 =	vld.idx.msk [tilespmem:v48+s10+$0x0], $0xffff;
	_ =	sdelay $0x1  }
0x41e: {  	v43 =	vadd.f32 v45, v43;
	v42 =	vld.idx.msk [tilespmem:v42+s10+$0x0], $0xffff;
	_ =	sdelay $0x1  }
0x41f: {  	v43 =	vadd.f32 v44, v43;
	_ =	sdelay $0x1  }
0x420: {  	v43 =	vadd.f32 v46, v43;
	_ =	sdelay $0x1  }
0x421: {  	v42 =	vadd.f32 v42, v43;
	_ =	sdelay $0x1  }
0x422: {  	v42 =	vsub.f32 $0.0e+00, v42;
	_ =	sdelay $0x1  }
0x423: {  	v42 =	vmul.f32 $1.442695020e+00, v42;
	_ =	sdelay $0x1  }
0x424: {  	(erf) = vpow2.f32 v42;
	_ =	sdelay $0x8  }
0x425: {  	v42 =	vpop (erf)  }
.Ltmp1:
0x426: {  	v42 =	vadd.f32 $1.000000000e+00, v42;
	(pc) =	sbr.rel @p0 .LBB2_4-.Ltmp1, $3  }
0x427: {  	_ = 	snop  }
0x428: {  	(erf) = vrcp.f32 v42;
	_ =	sdelay $0x1  }
0x429: {  	v42 =	vmov s18;
	s18 =	sadd.s32 $0x10, s18  }
0x42a: {  	v42 =	vshll.u32 v42, $0x5  }
0x42b: {  	v42 =	vor.u32 v25, v42  }
0x42c: {  	v42 =	vand.u32 $0x3F80, v42  }
0x42d: {  	v43 =	vor.u32 v22, v42;
	_ =	sdelay $0x1  }
0x42e: {  	v44 =	vor.u32 v26, v42  }
0x42f: {  	s0 =	sadd.s32 $0x10, s17;
	v45 =	vpop (erf)  }
0x430: {  	v46 =	vor.u32 v27, v42;
	[tilespmem:s0+$0x0] =	vst v45  }
0x431: {  	v43 =	vld.idx.msk [tilespmem:v43+s10+$0x0], $0xffff  }
0x432: {  	v53 =	vor.u32 v28, v42  }
0x433: {  	v44 =	vld.idx.msk [tilespmem:v44+s10+$0x0], $0xffff  }
0x434: {  	v30 =	vor.u32 v30, v42  }
0x435: {  	v46 =	vld.idx.msk [tilespmem:v46+s10+$0x0], $0xffff  }
0x436: {  	v31 =	vor.u32 v31, v42;
	v29 =	vadd.f32 v43, v29  }
0x437: {  	v54 =	vld.idx.msk [tilespmem:v53+s10+$0x0], $0xffff  }
0x438: {  	v32 =	vor.u32 v32, v42;
	v29 =	vadd.f32 v44, v29  }
0x439: {  	v30 =	vld.idx.msk [tilespmem:v30+s10+$0x0], $0xffff  }
0x43a: {  	v33 =	vor.u32 v33, v42;
	v29 =	vadd.f32 v46, v29  }
0x43b: {  	v31 =	vld.idx.msk [tilespmem:v31+s10+$0x0], $0xffff  }
0x43c: {  	v34 =	vor.u32 v34, v42;
	v29 =	vadd.f32 v54, v29  }
0x43d: {  	v32 =	vld.idx.msk [tilespmem:v32+s10+$0x0], $0xffff  }
0x43e: {  	v35 =	vor.u32 v35, v42;
	v29 =	vadd.f32 v30, v29  }
0x43f: {  	v30 =	vld.idx.msk [tilespmem:v33+s10+$0x0], $0xffff  }
0x440: {  	v55 =	vor.u32 v36, v42;
	v29 =	vadd.f32 v31, v29  }
0x441: {  	v31 =	vld.idx.msk [tilespmem:v34+s10+$0x0], $0xffff  }
0x442: {  	v56 =	vor.u32 v37, v42;
	v29 =	vadd.f32 v32, v29  }
0x443: {  	v57 =	vld.idx.msk [tilespmem:v35+s10+$0x0], $0xffff  }
0x444: {  	v58 =	vor.u32 v38, v42;
	v29 =	vadd.f32 v30, v29  }
0x445: {  	v30 =	vld.idx.msk [tilespmem:v55+s10+$0x0], $0xffff  }
0x446: {  	v59 =	vor.u32 v39, v42;
	v29 =	vadd.f32 v31, v29  }
0x447: {  	v31 =	vld.idx.msk [tilespmem:v56+s10+$0x0], $0xffff  }
0x448: {  	v60 =	vor.u32 v40, v42;
	v29 =	vadd.f32 v57, v29  }
0x449: {  	v61 =	vld.idx.msk [tilespmem:v58+s10+$0x0], $0xffff  }
0x44a: {  	v62 =	vor.u32 v41, v42;
	v29 =	vadd.f32 v30, v29  }
0x44b: {  	v30 =	vld.idx.msk [tilespmem:v59+s10+$0x0], $0xffff  }
0x44c: {  	v29 =	vadd.f32 v31, v29  }
0x44d: {  	v31 =	vld.idx.msk [tilespmem:v60+s10+$0x0], $0xffff  }
0x44e: {  	v29 =	vadd.f32 v61, v29  }
0x44f: {  	v63 =	vld.idx.msk [tilespmem:v62+s10+$0x0], $0xffff  }
0x450: {  	v29 =	vadd.f32 v30, v29;
	_ =	sdelay $0x1  }
0x451: {  	v29 =	vadd.f32 v31, v29;
	_ =	sdelay $0x1  }
0x452: {  	v29 =	vadd.f32 v63, v29;
	_ =	sdelay $0x1  }
0x453: {  	v29 =	vsub.f32 $0.0e+00, v29;
	_ =	sdelay $0x1  }
0x454: {  	v29 =	vmul.f32 $1.442695020e+00, v29;
	_ =	sdelay $0x1  }
0x455: {  	(erf) = vpow2.f32 v29;
	_ =	sdelay $0x8  }
0x456: {  	v29 =	vpop (erf)  }
0x457: {  	v29 =	vadd.f32 $1.000000000e+00, v29;
	_ =	sdelay $0x1  }
0x458: {  	(erf) = vrcp.f32 v29;
	_ =	sdelay $0x8  }
0x459: {  	s24 =	rddreg [dreg:$0x9];
	s0 =	sadd.s32 $0x10, s0;
	v29 =	vpop (erf)  }
0x45a: {  	s3 =	simm.s32 $0x80;
	s4 =	simm.s32 $0x1C580;
	s18 =	simm.s32 $0x3;
	[tilespmem:s0+$0x0] =	vst v29  }
0x45b: {  	[hbm4b:s24+s3] =	stream.strided.scatter [tilespmem:s4], [sflag:$0x3], $0x200, s13, s3, $0x38;
	[tilespmem:$0x1C780] =	vst v63  }
0x45c: {  	_ =	swait.ge [sflag:s18], $0x200  }
0x45d: {  	s25 =	rddreg [dreg:$0xb]  }
0x45e: {  	s26 =	rddreg [dreg:$0xa];
	s17 =	sadd.s32 $0x1, s25  }
0x45f: {  	s20 =	simm.s32 $0xD500;
	s21 =	simm.s32 $0x2500;
	p0 =	sne.s32 s17, s26  }
.Ltmp2:
0x460: {  	s22 =	simm.s32 $0xE500;
	s11 =	simm.s32 $0xF500;
	(pc) =	sbr.rel @p0 .LBB2_1-.Ltmp2, $4  }
0x461: {  	s12 =	simm.s32 $0x4500;
	s23 =	simm.s32 $0x10500;
	s6 =	simm.s32 $0x5500  }
0x462: {  	s7 =	simm.s32 $0x11500;
	s8 =	simm.s32 $0x6500;
	s4 =	simm.s32 $0x1500  }
0x463: {  	s3 =	simm.s32 $0x3500;
	s24 =	simm.s32 $0x12500;
	[sflag:s18] =	ssyncset.done $0x0  }
0x464: {  	[sflag:s18] =	ssyncadd.s32 $0xFFFFFE00;
	s25 =	simm.s32 $0x7500;
	s26 =	simm.s32 $0x13500  }
0x465: {  	_ =	sfence.sel $0x180000  }
0x466: {  	[bflag:$0x0] =	sbarrier.arrive $0xFFFF  }
0x467: {  	_ =	strace $0x90000047  }
0x468: {  	s0 =	stileid.u32;
	[bflag:$0x2] =	sbarrier.arrive $0xFFFF  }
0x469: {  	p0 =	sne.s32 s0, $0x0;
	s0 =	rddreg [dreg:$0x6]  }
0x46a: {  	s0 =	sadd.s32 @!p0 $0x100000, s0  }
0x46b: {  	[sflag:s0] =	ssyncadd.tile.s32 @!p0 $0x1;
	_ =	shalt  }
.Lfunc_end2:
_tile_overlayer_lowered:
.L_overlay_start_2:
0x46c: {  	(tag) =	ssettag $0x2  }
0x46d: {  	s0 =	rddreg [dreg:$0x0];
	s2 =	stileid.u32  }
0x46e: {  	s1 =	rddreg [dreg:$0x1];
	p0 =	sne.s32 s2, $0x0  }
0x46f: {  	s3 =	rddreg [dreg:$0x2];
	[bflag:$0x3] =	sbarrier.arrive $0xFFFF;
	s2 =	simm.s32 @!p0 $0x1C03  }
0x470: {  	[timem:s3], [sflag:s2] =	dma.local @!p0 [hbm:s0], s1  }
0x471: {  	s0 =	simm.s32 @!p0 $0x3  }
0x472: {  	_ =	swait.ge @!p0 [sflag:s0], s1  }
0x473: {  	s1 =	ssub.s32 @!p0 $0x0, s1;
	[sflag:s0] =	ssyncset.done @!p0 $0x0  }
0x474: {  	[sflag:s0] =	ssyncadd.s32 @!p0 s1  }
0x475: {  	[bflag:$0x3] =	sbarrier.arrive $0xFFFF  }
0x476: {  	_ =	shalt  }

</sc_bundles>
